<compile_context>
chip_gen: v7x
topology: tpu7x:2x2x1
jax: 0.10.2.dev20260603
libtpu: 0.0.44.dev20260713+nightly
codegen_flags: <defaults>
</compile_context>

<pallas_src>
import dataclasses
import functools

import jax
import jax.numpy as jnp
from jax import lax
from jax.experimental import pallas as pl
from jax.experimental.pallas import tpu as pltpu
from jax.experimental.pallas import tpu_sc as plsc

_B = 1024
_C = 100000
_LAMB = max(5.0, 1500.0 / (1.0 + 0.1 * 1.0))
_SCALE = 1.0 / (1.0 + _LAMB)

_RB = 4000
_NB = _C // _RB
assert _RB % 8 == 0 and _RB * _NB == _C
_RCHUNK = 40
assert _RB % _RCHUNK == 0


def _sc_compiler_params():
    cp = pltpu.CompilerParams()
    if "needs_layout_passes" in pltpu.CompilerParams.__dataclass_fields__:
        cp = dataclasses.replace(cp, needs_layout_passes=False)
    return cp


def _sc_gather(cos_cb, phi_cb, target):
    info = plsc.get_sparse_core_info()
    nc, ns, L = info.num_cores, info.num_subcores, info.num_lanes
    bpw = _B // (nc * ns)

    mesh = plsc.VectorSubcoreMesh(core_axis_name="c", subcore_axis_name="s")

    @functools.partial(
        pl.kernel,
        out_type=(jax.ShapeDtypeStruct((_B,), jnp.float32),
                  jax.ShapeDtypeStruct((_B,), jnp.float32)),
        mesh=mesh,
        scratch_types=[
            pltpu.VMEM((bpw,), jnp.int32),
            pltpu.VMEM((bpw, 8, 128), jnp.float32),
            pltpu.VMEM((bpw, 8, 128), jnp.float32),
            pltpu.VMEM((bpw,), jnp.float32),
            pltpu.VMEM((bpw,), jnp.float32),
            pltpu.SemaphoreType.DMA,
            pltpu.SemaphoreType.DMA,
        ],
        compiler_params=_sc_compiler_params(),
    )
    def k(cos_hbm, phi_hbm, tgt_hbm, cos_out, phi_out,
          tgt_v, cosr_v, phir_v, cval_v, pval_v, sem1, sem2):
        wid = lax.axis_index("s") * nc + lax.axis_index("c")
        base = wid * bpw
        pltpu.sync_copy(tgt_hbm.at[pl.ds(base, bpw)], tgt_v)
        it = lax.iota(jnp.int32, L)
        c0 = pl.multiple_of((base >> 7) << 7, 128)
        copies = []
        for j in range(bpw):
            tv = tgt_v[pl.ds((j // L) * L, L)]
            t_j = jnp.max(jnp.where(it == (j % L), tv, jnp.int32(-1)))
            r0 = pl.multiple_of((t_j >> 3) << 3, 8)
            copies.append(pltpu.async_copy(
                cos_hbm.at[pl.ds(r0, 8), pl.ds(c0, 128)],
                cosr_v.at[j], sem1))
            copies.append(pltpu.async_copy(
                phi_hbm.at[pl.ds(r0, 8), pl.ds(c0, 128)],
                phir_v.at[j], sem2))
        for cp in copies:
            cp.wait()
        lane0 = base - ((base >> 7) << 7)
        for c in range(0, bpw, L):
            lrow = c + it
            tv = tgt_v[pl.ds(c, L)]
            sub = tv & 7
            lane = lane0 + c + it
            cval_v[pl.ds(c, L)] = plsc.load_gather(cosr_v, [lrow, sub, lane])
            pval_v[pl.ds(c, L)] = plsc.load_gather(phir_v, [lrow, sub, lane])
        pltpu.sync_copy(cval_v, cos_out.at[pl.ds(base, bpw)])
        pltpu.sync_copy(pval_v, phi_out.at[pl.ds(base, bpw)])

    return k(cos_cb, phi_cb, target)


def _tc_body(cos_ref, cost_ref, phit_ref, out_ref, s_ref):
    j = pl.program_id(0)

    @pl.when(j == 0)
    def _():
        s_ref[...] = jnp.zeros((1, _B), jnp.float32)

    def step(k, acc):
        xk = cos_ref[pl.ds(k * _RCHUNK, _RCHUNK), :]
        return acc + jnp.exp(xk)

    acc = lax.fori_loop(0, _RB // _RCHUNK, step,
                        jnp.zeros((_RCHUNK, _B), jnp.float32))
    s_ref[...] += jnp.sum(acc, axis=0, keepdims=True)

    @pl.when(j == _NB - 1)
    def _():
        ct = cost_ref[...]
        pt = phit_ref[...]
        v = ct + _SCALE * (pt - ct)
        s = s_ref[...] - jnp.exp(ct) + jnp.exp(v)
        per_item = jnp.log(s) - v
        out_ref[...] = (jnp.sum(per_item) * (1.0 / _B)).reshape(1, 1)


def _tc_lse_loss(cos_cb, cos_t, phi_t):
    return pl.pallas_call(
        _tc_body,
        grid=(_NB,),
        in_specs=[
            pl.BlockSpec((_RB, _B), lambda j: (j, 0)),
            pl.BlockSpec((1, _B), lambda j: (0, 0)),
            pl.BlockSpec((1, _B), lambda j: (0, 0)),
        ],
        out_specs=pl.BlockSpec((1, 1), lambda j: (0, 0)),
        out_shape=jax.ShapeDtypeStruct((1, 1), jnp.float32),
        scratch_shapes=[pltpu.VMEM((1, _B), jnp.float32)],
        compiler_params=pltpu.CompilerParams(
            dimension_semantics=("arbitrary",)),
    )(cos_cb, cos_t, phi_t)


def kernel(cos_theta, phi_theta, target):
    cos_cb = cos_theta.T
    phi_cb = phi_theta.T
    cos_t, phi_t = _sc_gather(cos_cb, phi_cb, target)
    loss = _tc_lse_loss(cos_cb, cos_t.reshape(1, _B), phi_t.reshape(1, _B))
    return loss[0, 0]

# --- scband reference (transcript-rebuilt; emitter-appended) ---
"""Pipeline reference for scband-angular-softmax-with-loss-25185688223799 (READ-ONLY COPY).

The authoritative reference and input builder live on the scoring server;
editing this copy changes nothing except your own understanding.
"""

import jax, jax.numpy as jnp
import numpy as np

B = 1024
C = 100000
GAMMA = 0.0


def setup_inputs(seed: int = 0) -> dict:
    key = jax.random.key(seed)
    k1, k2, k3 = jax.random.split(key, 3)
    cos_theta = jax.random.normal(k1, (B, C), dtype=jnp.float32)
    phi_theta = jax.random.normal(k2, (B, C), dtype=jnp.float32)
    target = jax.random.randint(k3, (B,), 0, C, dtype=jnp.int32)
    return {"cos_theta": cos_theta, "phi_theta": phi_theta, "target": target}


def reference(cos_theta, phi_theta, target):
    # Module state: first call -> iter = 1
    lamb = max(5.0, 1500.0 / (1.0 + 0.1 * 1.0))
    scale = 1.0 / (1.0 + lamb)
    # index = one-hot(target); output[index] -= cos[index]*scale; output[index] += phi[index]*scale
    one_hot = jax.nn.one_hot(target, C, dtype=cos_theta.dtype)
    output = cos_theta + one_hot * (phi_theta - cos_theta) * scale
    logit = jax.nn.log_softmax(output, axis=1)
    logit_t = jnp.take_along_axis(logit, target.reshape(-1, 1), axis=1).reshape(-1)
    # pt uses .data in torch -> detached
    pt = jax.lax.stop_gradient(jnp.exp(logit_t))
    loss = -1.0 * (1.0 - pt) ** GAMMA * logit_t
    return loss.mean()

if __name__ == "__main__":
    import jax
    _d = setup_inputs()
    print(jax.jit(kernel)(*tuple(_d.values())))

</pallas_src>

<mosaic_0001>
#map = affine_map<(d0, d1) -> (0, 0)>
#map1 = affine_map<(d0, d1) -> (0)>
module attributes {stable_mosaic.version = 14 : i64} {
  func.func @k(%arg0: i32, %arg1: i32, %arg2: memref<100000x1024xf32, #tpu.memory_space<hbm>>, %arg3: memref<100000x1024xf32, #tpu.memory_space<hbm>>, %arg4: memref<1024xi32, #tpu.memory_space<hbm>>, %arg5: memref<1024xf32, #tpu.memory_space<hbm>>, %arg6: memref<1024xf32, #tpu.memory_space<hbm>>, %arg7: memref<32xi32, #tpu.memory_space<vmem>>, %arg8: memref<32x8x128xf32, #tpu.memory_space<vmem>>, %arg9: memref<32x8x128xf32, #tpu.memory_space<vmem>>, %arg10: memref<32xf32, #tpu.memory_space<vmem>>, %arg11: memref<32xf32, #tpu.memory_space<vmem>>, %arg12: memref<!tpu.dma_semaphore, #tpu.memory_space<semaphore_mem>>, %arg13: memref<!tpu.dma_semaphore, #tpu.memory_space<semaphore_mem>>) attributes {dimension_semantics = [#tpu.dimension_semantics<core_parallel>, #tpu.dimension_semantics<subcore_parallel>], iteration_bounds = array<i64: 2, 16>, scalar_prefetch = 0 : i64, scratch_operands = 7 : i64, tpu.core_type = #tpu.core_type<sc_vector_subcore>, window_params = [{transform_indices = #map}, {transform_indices = #map}, {transform_indices = #map1}, {transform_indices = #map1}, {transform_indices = #map1}]} {
    %mul3A = arith.constant 2 : i32
    %mul3A_0 = arith.muli %arg1, %mul3A : i32
    %add3A = arith.addi %mul3A_0, %arg0 : i32
    %mul3A_1 = arith.constant 32 : i32
    %mul3A_2 = arith.muli %add3A, %mul3A_1 : i32
    "tpu.region"() ({
      %run_scoped3A = tpu.sem_alloc : memref<!tpu.dma_semaphore, #tpu.memory_space<semaphore_mem>>
      %dma_start3A_2114 = tpu.memref_slice %arg4[%mul3A_2] : memref<1024xi32, #tpu.memory_space<hbm>> -> memref<32xi32, #tpu.memory_space<hbm>>
      %dma_start3A_2115 = tpu.memref_slice %arg4[%mul3A_2] : memref<1024xi32, #tpu.memory_space<hbm>> -> memref<32xi32, #tpu.memory_space<hbm>>
      tpu.enqueue_dma source(%dma_start3A_2115 : memref<32xi32, #tpu.memory_space<hbm>>) target(%arg7 : memref<32xi32, #tpu.memory_space<vmem>>) target_semaphore(%run_scoped3A : memref<!tpu.dma_semaphore, #tpu.memory_space<semaphore_mem>>)
      %dma_wait3A_2116 = tpu.memref_slice %arg4[%mul3A_2] : memref<1024xi32, #tpu.memory_space<hbm>> -> memref<32xi32, #tpu.memory_space<hbm>>
      %dma_wait3A_2117 = tpu.memref_slice %arg4[%mul3A_2] : memref<1024xi32, #tpu.memory_space<hbm>> -> memref<32xi32, #tpu.memory_space<hbm>>
      tpu.wait_dma2 semaphore(%run_scoped3A : memref<!tpu.dma_semaphore, #tpu.memory_space<semaphore_mem>>) src(%dma_wait3A_2117 : memref<32xi32, #tpu.memory_space<hbm>>) dst(%arg7 : memref<32xi32, #tpu.memory_space<vmem>>)
      tpu.yield
    }) : () -> ()
    %iota3A = tpu.iota {dimensions = array<i32: 0>} : vector<16xi32>
    %shift_right_arithmetic3A = arith.constant 7 : i32
    %shift_right_arithmetic3A_3 = arith.shrsi %mul3A_2, %shift_right_arithmetic3A : i32
    %shift_left3A = arith.constant 7 : i32
    %shift_left3A_4 = arith.shli %shift_right_arithmetic3A_3, %shift_left3A : i32
    %multiple_of3A = tpu.assume_multiple %shift_left3A_4, 128 : i32
    %get3A = arith.constant 0 : index
    %get3A_5 = tpu.vector_load %arg7[%get3A] {strides = array<i32>} : memref<32xi32, #tpu.memory_space<vmem>>, vector<16xi32>,
    %eq3A = arith.constant 0 : i32
    %eq3A_6 = vector.broadcast %eq3A : i32 to vector<16xi32>
    %eq3A_7 = arith.cmpi eq, %iota3A, %eq3A_6 : vector<16xi32>
    %jit3A = arith.constant -1 : i32
    %broadcast_in_dim3A = vector.broadcast %jit3A : i32 to vector<16xi32>
    %select_n3A = arith.select %eq3A_7, %get3A_5, %broadcast_in_dim3A : vector<16xi1>, vector<16xi32>
    %reduce_max3A = arith.constant true
    %reduce_max3A_8 = vector.broadcast %reduce_max3A : i1 to vector<16xi1>
    %reduce_max3A_9 = arith.constant -2147483648 : i32
    %reduce_max3A_10 = vector.broadcast %reduce_max3A_9 : i32 to vector<16xi32>
    %reduce_max3A_11 = arith.xori %select_n3A, %reduce_max3A_10 : vector<16xi32>
    %reduce_max3A_12 = tpu.scan <max>, %reduce_max3A_11 masked %reduce_max3A_8 : vector<16xi32>, vector<16xi1> -> vector<16xi32>
    %reduce_max3A_13 = arith.xori %reduce_max3A_12, %reduce_max3A_10 : vector<16xi32>
    %reduce_max3A_14 = vector.extract %reduce_max3A_13[15] : i32 from vector<16xi32>
    %shift_right_arithmetic3A_15 = arith.constant 3 : i32
    %shift_right_arithmetic3A_16 = arith.shrsi %reduce_max3A_14, %shift_right_arithmetic3A_15 : i32
    %shift_left3A_17 = arith.constant 3 : i32
    %shift_left3A_18 = arith.shli %shift_right_arithmetic3A_16, %shift_left3A_17 : i32
    %multiple_of3A_19 = tpu.assume_multiple %shift_left3A_18, 8 : i32
    %dma_start3A = arith.constant 0 : i32
    %dma_start3A_20 = arith.constant 0 : i32
    %dma_start3A_21 = arith.constant 0 : i32
    %dma_start3A_22 = tpu.memref_slice %arg8[%dma_start3A, %dma_start3A_20, %dma_start3A_21] : memref<32x8x128xf32, #tpu.memory_space<vmem>> -> memref<1x8x128xf32, #tpu.memory_space<vmem>>
    %dma_start3A_23 = tpu.memref_squeeze %dma_start3A_22 : memref<1x8x128xf32, #tpu.memory_space<vmem>> -> memref<8x128xf32, #tpu.memory_space<vmem>>
    %dma_start3A_24 = tpu.memref_slice %arg2[%multiple_of3A_19, %multiple_of3A] : memref<100000x1024xf32, #tpu.memory_space<hbm>> -> memref<8x128xf32, #tpu.memory_space<hbm>>
    %dma_start3A_25 = arith.constant 0 : i32
    %dma_start3A_26 = arith.constant 0 : i32
    %dma_start3A_27 = tpu.memref_slice %arg8[%dma_start3A, %dma_start3A_25, %dma_start3A_26] : memref<32x8x128xf32, #tpu.memory_space<vmem>> -> memref<1x8x128xf32, #tpu.memory_space<vmem>>
    %dma_start3A_28 = tpu.memref_squeeze %dma_start3A_27 : memref<1x8x128xf32, #tpu.memory_space<vmem>> -> memref<8x128xf32, #tpu.memory_space<vmem>>
    %dma_start3A_29 = tpu.memref_slice %arg2[%multiple_of3A_19, %multiple_of3A] : memref<100000x1024xf32, #tpu.memory_space<hbm>> -> memref<8x128xf32, #tpu.memory_space<hbm>>
    tpu.enqueue_dma source(%dma_start3A_29 : memref<8x128xf32, #tpu.memory_space<hbm>>) target(%dma_start3A_28 : memref<8x128xf32, #tpu.memory_space<vmem>>) target_semaphore(%arg12 : memref<!tpu.dma_semaphore, #tpu.memory_space<semaphore_mem>>)
    %dma_start3A_30 = arith.constant 0 : i32
    %dma_start3A_31 = arith.constant 0 : i32
    %dma_start3A_32 = arith.constant 0 : i32
    %dma_start3A_33 = tpu.memref_slice %arg9[%dma_start3A_30, %dma_start3A_31, %dma_start3A_32] : memref<32x8x128xf32, #tpu.memory_space<vmem>> -> memref<1x8x128xf32, #tpu.memory_space<vmem>>
    %dma_start3A_34 = tpu.memref_squeeze %dma_start3A_33 : memref<1x8x128xf32, #tpu.memory_space<vmem>> -> memref<8x128xf32, #tpu.memory_space<vmem>>
    %dma_start3A_35 = tpu.memref_slice %arg3[%multiple_of3A_19, %multiple_of3A] : memref<100000x1024xf32, #tpu.memory_space<hbm>> -> memref<8x128xf32, #tpu.memory_space<hbm>>
    %dma_start3A_36 = arith.constant 0 : i32
    %dma_start3A_37 = arith.constant 0 : i32
    %dma_start3A_38 = tpu.memref_slice %arg9[%dma_start3A_30, %dma_start3A_36, %dma_start3A_37] : memref<32x8x128xf32, #tpu.memory_space<vmem>> -> memref<1x8x128xf32, #tpu.memory_space<vmem>>
    %dma_start3A_39 = tpu.memref_squeeze %dma_start3A_38 : memref<1x8x128xf32, #tpu.memory_space<vmem>> -> memref<8x128xf32, #tpu.memory_space<vmem>>
    %dma_start3A_40 = tpu.memref_slice %arg3[%multiple_of3A_19, %multiple_of3A] : memref<100000x1024xf32, #tpu.memory_space<hbm>> -> memref<8x128xf32, #tpu.memory_space<hbm>>
    tpu.enqueue_dma source(%dma_start3A_40 : memref<8x128xf32, #tpu.memory_space<hbm>>) target(%dma_start3A_39 : memref<8x128xf32, #tpu.memory_space<vmem>>) target_semaphore(%arg13 : memref<!tpu.dma_semaphore, #tpu.memory_space<semaphore_mem>>)
    %get3A_41 = arith.constant 0 : index
    %get3A_42 = tpu.vector_load %arg7[%get3A_41] {strides = array<i32>} : memref<32xi32, #tpu.memory_space<vmem>>, vector<16xi32>,
    %eq3A_43 = arith.constant 1 : i32
    %eq3A_44 = vector.broadcast %eq3A_43 : i32 to vector<16xi32>
    %eq3A_45 = arith.cmpi eq, %iota3A, %eq3A_44 : vector<16xi32>
    %jit3A_46 = arith.constant -1 : i32
    %broadcast_in_dim3A_47 = vector.broadcast %jit3A_46 : i32 to vector<16xi32>
    %select_n3A_48 = arith.select %eq3A_45, %get3A_42, %broadcast_in_dim3A_47 : vector<16xi1>, vector<16xi32>
    %reduce_max3A_49 = arith.constant true
    %reduce_max3A_50 = vector.broadcast %reduce_max3A_49 : i1 to vector<16xi1>
    %reduce_max3A_51 = arith.constant -2147483648 : i32
    %reduce_max3A_52 = vector.broadcast %reduce_max3A_51 : i32 to vector<16xi32>
    %reduce_max3A_53 = arith.xori %select_n3A_48, %reduce_max3A_52 : vector<16xi32>
    %reduce_max3A_54 = tpu.scan <max>, %reduce_max3A_53 masked %reduce_max3A_50 : vector<16xi32>, vector<16xi1> -> vector<16xi32>
    %reduce_max3A_55 = arith.xori %reduce_max3A_54, %reduce_max3A_52 : vector<16xi32>
    %reduce_max3A_56 = vector.extract %reduce_max3A_55[15] : i32 from vector<16xi32>
    %shift_right_arithmetic3A_57 = arith.constant 3 : i32
    %shift_right_arithmetic3A_58 = arith.shrsi %reduce_max3A_56, %shift_right_arithmetic3A_57 : i32
    %shift_left3A_59 = arith.constant 3 : i32
    %shift_left3A_60 = arith.shli %shift_right_arithmetic3A_58, %shift_left3A_59 : i32
    %multiple_of3A_61 = tpu.assume_multiple %shift_left3A_60, 8 : i32
    %dma_start3A_62 = arith.constant 1 : i32
    %dma_start3A_63 = arith.constant 0 : i32
    %dma_start3A_64 = arith.constant 0 : i32
    %dma_start3A_65 = tpu.memref_slice %arg8[%dma_start3A_62, %dma_start3A_63, %dma_start3A_64] : memref<32x8x128xf32, #tpu.memory_space<vmem>> -> memref<1x8x128xf32, #tpu.memory_space<vmem>>
    %dma_start3A_66 = tpu.memref_squeeze %dma_start3A_65 : memref<1x8x128xf32, #tpu.memory_space<vmem>> -> memref<8x128xf32, #tpu.memory_space<vmem>>
    %dma_start3A_67 = tpu.memref_slice %arg2[%multiple_of3A_61, %multiple_of3A] : memref<100000x1024xf32, #tpu.memory_space<hbm>> -> memref<8x128xf32, #tpu.memory_space<hbm>>
    %dma_start3A_68 = arith.constant 0 : i32
    %dma_start3A_69 = arith.constant 0 : i32
    %dma_start3A_70 = tpu.memref_slice %arg8[%dma_start3A_62, %dma_start3A_68, %dma_start3A_69] : memref<32x8x128xf32, #tpu.memory_space<vmem>> -> memref<1x8x128xf32, #tpu.memory_space<vmem>>
    %dma_start3A_71 = tpu.memref_squeeze %dma_start3A_70 : memref<1x8x128xf32, #tpu.memory_space<vmem>> -> memref<8x128xf32, #tpu.memory_space<vmem>>
    %dma_start3A_72 = tpu.memref_slice %arg2[%multiple_of3A_61, %multiple_of3A] : memref<100000x1024xf32, #tpu.memory_space<hbm>> -> memref<8x128xf32, #tpu.memory_space<hbm>>
    tpu.enqueue_dma source(%dma_start3A_72 : memref<8x128xf32, #tpu.memory_space<hbm>>) target(%dma_start3A_71 : memref<8x128xf32, #tpu.memory_space<vmem>>) target_semaphore(%arg12 : memref<!tpu.dma_semaphore, #tpu.memory_space<semaphore_mem>>)
    %dma_start3A_73 = arith.constant 1 : i32
    %dma_start3A_74 = arith.constant 0 : i32
    %dma_start3A_75 = arith.constant 0 : i32
    %dma_start3A_76 = tpu.memref_slice %arg9[%dma_start3A_73, %dma_start3A_74, %dma_start3A_75] : memref<32x8x128xf32, #tpu.memory_space<vmem>> -> memref<1x8x128xf32, #tpu.memory_space<vmem>>
    %dma_start3A_77 = tpu.memref_squeeze %dma_start3A_76 : memref<1x8x128xf32, #tpu.memory_space<vmem>> -> memref<8x128xf32, #tpu.memory_space<vmem>>
    %dma_start3A_78 = tpu.memref_slice %arg3[%multiple_of3A_61, %multiple_of3A] : memref<100000x1024xf32, #tpu.memory_space<hbm>> -> memref<8x128xf32, #tpu.memory_space<hbm>>
    %dma_start3A_79 = arith.constant 0 : i32
    %dma_start3A_80 = arith.constant 0 : i32
    %dma_start3A_81 = tpu.memref_slice %arg9[%dma_start3A_73, %dma_start3A_79, %dma_start3A_80] : memref<32x8x128xf32, #tpu.memory_space<vmem>> -> memref<1x8x128xf32, #tpu.memory_space<vmem>>
    %dma_start3A_82 = tpu.memref_squeeze %dma_start3A_81 : memref<1x8x128xf32, #tpu.memory_space<vmem>> -> memref<8x128xf32, #tpu.memory_space<vmem>>
    %dma_start3A_83 = tpu.memref_slice %arg3[%multiple_of3A_61, %multiple_of3A] : memref<100000x1024xf32, #tpu.memory_space<hbm>> -> memref<8x128xf32, #tpu.memory_space<hbm>>
    tpu.enqueue_dma source(%dma_start3A_83 : memref<8x128xf32, #tpu.memory_space<hbm>>) target(%dma_start3A_82 : memref<8x128xf32, #tpu.memory_space<vmem>>) target_semaphore(%arg13 : memref<!tpu.dma_semaphore, #tpu.memory_space<semaphore_mem>>)
    %get3A_84 = arith.constant 0 : index
    %get3A_85 = tpu.vector_load %arg7[%get3A_84] {strides = array<i32>} : memref<32xi32, #tpu.memory_space<vmem>>, vector<16xi32>,
    %eq3A_86 = arith.constant 2 : i32
    %eq3A_87 = vector.broadcast %eq3A_86 : i32 to vector<16xi32>
    %eq3A_88 = arith.cmpi eq, %iota3A, %eq3A_87 : vector<16xi32>
    %jit3A_89 = arith.constant -1 : i32
    %broadcast_in_dim3A_90 = vector.broadcast %jit3A_89 : i32 to vector<16xi32>
    %select_n3A_91 = arith.select %eq3A_88, %get3A_85, %broadcast_in_dim3A_90 : vector<16xi1>, vector<16xi32>
    %reduce_max3A_92 = arith.constant true
    %reduce_max3A_93 = vector.broadcast %reduce_max3A_92 : i1 to vector<16xi1>
    %reduce_max3A_94 = arith.constant -2147483648 : i32
    %reduce_max3A_95 = vector.broadcast %reduce_max3A_94 : i32 to vector<16xi32>
    %reduce_max3A_96 = arith.xori %select_n3A_91, %reduce_max3A_95 : vector<16xi32>
    %reduce_max3A_97 = tpu.scan <max>, %reduce_max3A_96 masked %reduce_max3A_93 : vector<16xi32>, vector<16xi1> -> vector<16xi32>
    %reduce_max3A_98 = arith.xori %reduce_max3A_97, %reduce_max3A_95 : vector<16xi32>
    %reduce_max3A_99 = vector.extract %reduce_max3A_98[15] : i32 from vector<16xi32>
    %shift_right_arithmetic3A_100 = arith.constant 3 : i32
    %shift_right_arithmetic3A_101 = arith.shrsi %reduce_max3A_99, %shift_right_arithmetic3A_100 : i32
    %shift_left3A_102 = arith.constant 3 : i32
    %shift_left3A_103 = arith.shli %shift_right_arithmetic3A_101, %shift_left3A_102 : i32
    %multiple_of3A_104 = tpu.assume_multiple %shift_left3A_103, 8 : i32
    %dma_start3A_105 = arith.constant 2 : i32
    %dma_start3A_106 = arith.constant 0 : i32
    %dma_start3A_107 = arith.constant 0 : i32
    %dma_start3A_108 = tpu.memref_slice %arg8[%dma_start3A_105, %dma_start3A_106, %dma_start3A_107] : memref<32x8x128xf32, #tpu.memory_space<vmem>> -> memref<1x8x128xf32, #tpu.memory_space<vmem>>
    %dma_start3A_109 = tpu.memref_squeeze %dma_start3A_108 : memref<1x8x128xf32, #tpu.memory_space<vmem>> -> memref<8x128xf32, #tpu.memory_space<vmem>>
    %dma_start3A_110 = tpu.memref_slice %arg2[%multiple_of3A_104, %multiple_of3A] : memref<100000x1024xf32, #tpu.memory_space<hbm>> -> memref<8x128xf32, #tpu.memory_space<hbm>>
    %dma_start3A_111 = arith.constant 0 : i32
    %dma_start3A_112 = arith.constant 0 : i32
    %dma_start3A_113 = tpu.memref_slice %arg8[%dma_start3A_105, %dma_start3A_111, %dma_start3A_112] : memref<32x8x128xf32, #tpu.memory_space<vmem>> -> memref<1x8x128xf32, #tpu.memory_space<vmem>>
    %dma_start3A_114 = tpu.memref_squeeze %dma_start3A_113 : memref<1x8x128xf32, #tpu.memory_space<vmem>> -> memref<8x128xf32, #tpu.memory_space<vmem>>
    %dma_start3A_115 = tpu.memref_slice %arg2[%multiple_of3A_104, %multiple_of3A] : memref<100000x1024xf32, #tpu.memory_space<hbm>> -> memref<8x128xf32, #tpu.memory_space<hbm>>
    tpu.enqueue_dma source(%dma_start3A_115 : memref<8x128xf32, #tpu.memory_space<hbm>>) target(%dma_start3A_114 : memref<8x128xf32, #tpu.memory_space<vmem>>) target_semaphore(%arg12 : memref<!tpu.dma_semaphore, #tpu.memory_space<semaphore_mem>>)
    %dma_start3A_116 = arith.constant 2 : i32
    %dma_start3A_117 = arith.constant 0 : i32
    %dma_start3A_118 = arith.constant 0 : i32
    %dma_start3A_119 = tpu.memref_slice %arg9[%dma_start3A_116, %dma_start3A_117, %dma_start3A_118] : memref<32x8x128xf32, #tpu.memory_space<vmem>> -> memref<1x8x128xf32, #tpu.memory_space<vmem>>
    %dma_start3A_120 = tpu.memref_squeeze %dma_start3A_119 : memref<1x8x128xf32, #tpu.memory_space<vmem>> -> memref<8x128xf32, #tpu.memory_space<vmem>>
    %dma_start3A_121 = tpu.memref_slice %arg3[%multiple_of3A_104, %multiple_of3A] : memref<100000x1024xf32, #tpu.memory_space<hbm>> -> memref<8x128xf32, #tpu.memory_space<hbm>>
    %dma_start3A_122 = arith.constant 0 : i32
    %dma_start3A_123 = arith.constant 0 : i32
    %dma_start3A_124 = tpu.memref_slice %arg9[%dma_start3A_116, %dma_start3A_122, %dma_start3A_123] : memref<32x8x128xf32, #tpu.memory_space<vmem>> -> memref<1x8x128xf32, #tpu.memory_space<vmem>>
    %dma_start3A_125 = tpu.memref_squeeze %dma_start3A_124 : memref<1x8x128xf32, #tpu.memory_space<vmem>> -> memref<8x128xf32, #tpu.memory_space<vmem>>
    %dma_start3A_126 = tpu.memref_slice %arg3[%multiple_of3A_104, %multiple_of3A] : memref<100000x1024xf32, #tpu.memory_space<hbm>> -> memref<8x128xf32, #tpu.memory_space<hbm>>
    tpu.enqueue_dma source(%dma_start3A_126 : memref<8x128xf32, #tpu.memory_space<hbm>>) target(%dma_start3A_125 : memref<8x128xf32, #tpu.memory_space<vmem>>) target_semaphore(%arg13 : memref<!tpu.dma_semaphore, #tpu.memory_space<semaphore_mem>>)
    %get3A_127 = arith.constant 0 : index
    %get3A_128 = tpu.vector_load %arg7[%get3A_127] {strides = array<i32>} : memref<32xi32, #tpu.memory_space<vmem>>, vector<16xi32>,
    %eq3A_129 = arith.constant 3 : i32
    %eq3A_130 = vector.broadcast %eq3A_129 : i32 to vector<16xi32>
    %eq3A_131 = arith.cmpi eq, %iota3A, %eq3A_130 : vector<16xi32>
    %jit3A_132 = arith.constant -1 : i32
    %broadcast_in_dim3A_133 = vector.broadcast %jit3A_132 : i32 to vector<16xi32>
    %select_n3A_134 = arith.select %eq3A_131, %get3A_128, %broadcast_in_dim3A_133 : vector<16xi1>, vector<16xi32>
    %reduce_max3A_135 = arith.constant true
    %reduce_max3A_136 = vector.broadcast %reduce_max3A_135 : i1 to vector<16xi1>
    %reduce_max3A_137 = arith.constant -2147483648 : i32
    %reduce_max3A_138 = vector.broadcast %reduce_max3A_137 : i32 to vector<16xi32>
    %reduce_max3A_139 = arith.xori %select_n3A_134, %reduce_max3A_138 : vector<16xi32>
    %reduce_max3A_140 = tpu.scan <max>, %reduce_max3A_139 masked %reduce_max3A_136 : vector<16xi32>, vector<16xi1> -> vector<16xi32>
    %reduce_max3A_141 = arith.xori %reduce_max3A_140, %reduce_max3A_138 : vector<16xi32>
    %reduce_max3A_142 = vector.extract %reduce_max3A_141[15] : i32 from vector<16xi32>
    %shift_right_arithmetic3A_143 = arith.constant 3 : i32
    %shift_right_arithmetic3A_144 = arith.shrsi %reduce_max3A_142, %shift_right_arithmetic3A_143 : i32
    %shift_left3A_145 = arith.constant 3 : i32
    %shift_left3A_146 = arith.shli %shift_right_arithmetic3A_144, %shift_left3A_145 : i32
    %multiple_of3A_147 = tpu.assume_multiple %shift_left3A_146, 8 : i32
    %dma_start3A_148 = arith.constant 3 : i32
    %dma_start3A_149 = arith.constant 0 : i32
    %dma_start3A_150 = arith.constant 0 : i32
    %dma_start3A_151 = tpu.memref_slice %arg8[%dma_start3A_148, %dma_start3A_149, %dma_start3A_150] : memref<32x8x128xf32, #tpu.memory_space<vmem>> -> memref<1x8x128xf32, #tpu.memory_space<vmem>>
    %dma_start3A_152 = tpu.memref_squeeze %dma_start3A_151 : memref<1x8x128xf32, #tpu.memory_space<vmem>> -> memref<8x128xf32, #tpu.memory_space<vmem>>
    %dma_start3A_153 = tpu.memref_slice %arg2[%multiple_of3A_147, %multiple_of3A] : memref<100000x1024xf32, #tpu.memory_space<hbm>> -> memref<8x128xf32, #tpu.memory_space<hbm>>
    %dma_start3A_154 = arith.constant 0 : i32
    %dma_start3A_155 = arith.constant 0 : i32
    %dma_start3A_156 = tpu.memref_slice %arg8[%dma_start3A_148, %dma_start3A_154, %dma_start3A_155] : memref<32x8x128xf32, #tpu.memory_space<vmem>> -> memref<1x8x128xf32, #tpu.memory_space<vmem>>
    %dma_start3A_157 = tpu.memref_squeeze %dma_start3A_156 : memref<1x8x128xf32, #tpu.memory_space<vmem>> -> memref<8x128xf32, #tpu.memory_space<vmem>>
    %dma_start3A_158 = tpu.memref_slice %arg2[%multiple_of3A_147, %multiple_of3A] : memref<100000x1024xf32, #tpu.memory_space<hbm>> -> memref<8x128xf32, #tpu.memory_space<hbm>>
    tpu.enqueue_dma source(%dma_start3A_158 : memref<8x128xf32, #tpu.memory_space<hbm>>) target(%dma_start3A_157 : memref<8x128xf32, #tpu.memory_space<vmem>>) target_semaphore(%arg12 : memref<!tpu.dma_semaphore, #tpu.memory_space<semaphore_mem>>)
    %dma_start3A_159 = arith.constant 3 : i32
    %dma_start3A_160 = arith.constant 0 : i32
    %dma_start3A_161 = arith.constant 0 : i32
    %dma_start3A_162 = tpu.memref_slice %arg9[%dma_start3A_159, %dma_start3A_160, %dma_start3A_161] : memref<32x8x128xf32, #tpu.memory_space<vmem>> -> memref<1x8x128xf32, #tpu.memory_space<vmem>>
    %dma_start3A_163 = tpu.memref_squeeze %dma_start3A_162 : memref<1x8x128xf32, #tpu.memory_space<vmem>> -> memref<8x128xf32, #tpu.memory_space<vmem>>
    %dma_start3A_164 = tpu.memref_slice %arg3[%multiple_of3A_147, %multiple_of3A] : memref<100000x1024xf32, #tpu.memory_space<hbm>> -> memref<8x128xf32, #tpu.memory_space<hbm>>
    %dma_start3A_165 = arith.constant 0 : i32
    %dma_start3A_166 = arith.constant 0 : i32
    %dma_start3A_167 = tpu.memref_slice %arg9[%dma_start3A_159, %dma_start3A_165, %dma_start3A_166] : memref<32x8x128xf32, #tpu.memory_space<vmem>> -> memref<1x8x128xf32, #tpu.memory_space<vmem>>
    %dma_start3A_168 = tpu.memref_squeeze %dma_start3A_167 : memref<1x8x128xf32, #tpu.memory_space<vmem>> -> memref<8x128xf32, #tpu.memory_space<vmem>>
    %dma_start3A_169 = tpu.memref_slice %arg3[%multiple_of3A_147, %multiple_of3A] : memref<100000x1024xf32, #tpu.memory_space<hbm>> -> memref<8x128xf32, #tpu.memory_space<hbm>>
    tpu.enqueue_dma source(%dma_start3A_169 : memref<8x128xf32, #tpu.memory_space<hbm>>) target(%dma_start3A_168 : memref<8x128xf32, #tpu.memory_space<vmem>>) target_semaphore(%arg13 : memref<!tpu.dma_semaphore, #tpu.memory_space<semaphore_mem>>)
    %get3A_170 = arith.constant 0 : index
    %get3A_171 = tpu.vector_load %arg7[%get3A_170] {strides = array<i32>} : memref<32xi32, #tpu.memory_space<vmem>>, vector<16xi32>,
    %eq3A_172 = arith.constant 4 : i32
    %eq3A_173 = vector.broadcast %eq3A_172 : i32 to vector<16xi32>
    %eq3A_174 = arith.cmpi eq, %iota3A, %eq3A_173 : vector<16xi32>
    %jit3A_175 = arith.constant -1 : i32
    %broadcast_in_dim3A_176 = vector.broadcast %jit3A_175 : i32 to vector<16xi32>
    %select_n3A_177 = arith.select %eq3A_174, %get3A_171, %broadcast_in_dim3A_176 : vector<16xi1>, vector<16xi32>
    %reduce_max3A_178 = arith.constant true
    %reduce_max3A_179 = vector.broadcast %reduce_max3A_178 : i1 to vector<16xi1>
    %reduce_max3A_180 = arith.constant -2147483648 : i32
    %reduce_max3A_181 = vector.broadcast %reduce_max3A_180 : i32 to vector<16xi32>
    %reduce_max3A_182 = arith.xori %select_n3A_177, %reduce_max3A_181 : vector<16xi32>
    %reduce_max3A_183 = tpu.scan <max>, %reduce_max3A_182 masked %reduce_max3A_179 : vector<16xi32>, vector<16xi1> -> vector<16xi32>
    %reduce_max3A_184 = arith.xori %reduce_max3A_183, %reduce_max3A_181 : vector<16xi32>
    %reduce_max3A_185 = vector.extract %reduce_max3A_184[15] : i32 from vector<16xi32>
    %shift_right_arithmetic3A_186 = arith.constant 3 : i32
    %shift_right_arithmetic3A_187 = arith.shrsi %reduce_max3A_185, %shift_right_arithmetic3A_186 : i32
    %shift_left3A_188 = arith.constant 3 : i32
    %shift_left3A_189 = arith.shli %shift_right_arithmetic3A_187, %shift_left3A_188 : i32
    %multiple_of3A_190 = tpu.assume_multiple %shift_left3A_189, 8 : i32
    %dma_start3A_191 = arith.constant 4 : i32
    %dma_start3A_192 = arith.constant 0 : i32
    %dma_start3A_193 = arith.constant 0 : i32
    %dma_start3A_194 = tpu.memref_slice %arg8[%dma_start3A_191, %dma_start3A_192, %dma_start3A_193] : memref<32x8x128xf32, #tpu.memory_space<vmem>> -> memref<1x8x128xf32, #tpu.memory_space<vmem>>
    %dma_start3A_195 = tpu.memref_squeeze %dma_start3A_194 : memref<1x8x128xf32, #tpu.memory_space<vmem>> -> memref<8x128xf32, #tpu.memory_space<vmem>>
    %dma_start3A_196 = tpu.memref_slice %arg2[%multiple_of3A_190, %multiple_of3A] : memref<100000x1024xf32, #tpu.memory_space<hbm>> -> memref<8x128xf32, #tpu.memory_space<hbm>>
    %dma_start3A_197 = arith.constant 0 : i32
    %dma_start3A_198 = arith.constant 0 : i32
    %dma_start3A_199 = tpu.memref_slice %arg8[%dma_start3A_191, %dma_start3A_197, %dma_start3A_198] : memref<32x8x128xf32, #tpu.memory_space<vmem>> -> memref<1x8x128xf32, #tpu.memory_space<vmem>>
    %dma_start3A_200 = tpu.memref_squeeze %dma_start3A_199 : memref<1x8x128xf32, #tpu.memory_space<vmem>> -> memref<8x128xf32, #tpu.memory_space<vmem>>
    %dma_start3A_201 = tpu.memref_slice %arg2[%multiple_of3A_190, %multiple_of3A] : memref<100000x1024xf32, #tpu.memory_space<hbm>> -> memref<8x128xf32, #tpu.memory_space<hbm>>
    tpu.enqueue_dma source(%dma_start3A_201 : memref<8x128xf32, #tpu.memory_space<hbm>>) target(%dma_start3A_200 : memref<8x128xf32, #tpu.memory_space<vmem>>) target_semaphore(%arg12 : memref<!tpu.dma_semaphore, #tpu.memory_space<semaphore_mem>>)
    %dma_start3A_202 = arith.constant 4 : i32
    %dma_start3A_203 = arith.constant 0 : i32
    %dma_start3A_204 = arith.constant 0 : i32
    %dma_start3A_205 = tpu.memref_slice %arg9[%dma_start3A_202, %dma_start3A_203, %dma_start3A_204] : memref<32x8x128xf32, #tpu.memory_space<vmem>> -> memref<1x8x128xf32, #tpu.memory_space<vmem>>
    %dma_start3A_206 = tpu.memref_squeeze %dma_start3A_205 : memref<1x8x128xf32, #tpu.memory_space<vmem>> -> memref<8x128xf32, #tpu.memory_space<vmem>>
    %dma_start3A_207 = tpu.memref_slice %arg3[%multiple_of3A_190, %multiple_of3A] : memref<100000x1024xf32, #tpu.memory_space<hbm>> -> memref<8x128xf32, #tpu.memory_space<hbm>>
    %dma_start3A_208 = arith.constant 0 : i32
    %dma_start3A_209 = arith.constant 0 : i32
    %dma_start3A_210 = tpu.memref_slice %arg9[%dma_start3A_202, %dma_start3A_208, %dma_start3A_209] : memref<32x8x128xf32, #tpu.memory_space<vmem>> -> memref<1x8x128xf32, #tpu.memory_space<vmem>>
    %dma_start3A_211 = tpu.memref_squeeze %dma_start3A_210 : memref<1x8x128xf32, #tpu.memory_space<vmem>> -> memref<8x128xf32, #tpu.memory_space<vmem>>
    %dma_start3A_212 = tpu.memref_slice %arg3[%multiple_of3A_190, %multiple_of3A] : memref<100000x1024xf32, #tpu.memory_space<hbm>> -> memref<8x128xf32, #tpu.memory_space<hbm>>
    tpu.enqueue_dma source(%dma_start3A_212 : memref<8x128xf32, #tpu.memory_space<hbm>>) target(%dma_start3A_211 : memref<8x128xf32, #tpu.memory_space<vmem>>) target_semaphore(%arg13 : memref<!tpu.dma_semaphore, #tpu.memory_space<semaphore_mem>>)
    %get3A_213 = arith.constant 0 : index
    %get3A_214 = tpu.vector_load %arg7[%get3A_213] {strides = array<i32>} : memref<32xi32, #tpu.memory_space<vmem>>, vector<16xi32>,
    %eq3A_215 = arith.constant 5 : i32
    %eq3A_216 = vector.broadcast %eq3A_215 : i32 to vector<16xi32>
    %eq3A_217 = arith.cmpi eq, %iota3A, %eq3A_216 : vector<16xi32>
    %jit3A_218 = arith.constant -1 : i32
    %broadcast_in_dim3A_219 = vector.broadcast %jit3A_218 : i32 to vector<16xi32>
    %select_n3A_220 = arith.select %eq3A_217, %get3A_214, %broadcast_in_dim3A_219 : vector<16xi1>, vector<16xi32>
    %reduce_max3A_221 = arith.constant true
    %reduce_max3A_222 = vector.broadcast %reduce_max3A_221 : i1 to vector<16xi1>
    %reduce_max3A_223 = arith.constant -2147483648 : i32
    %reduce_max3A_224 = vector.broadcast %reduce_max3A_223 : i32 to vector<16xi32>
    %reduce_max3A_225 = arith.xori %select_n3A_220, %reduce_max3A_224 : vector<16xi32>
    %reduce_max3A_226 = tpu.scan <max>, %reduce_max3A_225 masked %reduce_max3A_222 : vector<16xi32>, vector<16xi1> -> vector<16xi32>
    %reduce_max3A_227 = arith.xori %reduce_max3A_226, %reduce_max3A_224 : vector<16xi32>
    %reduce_max3A_228 = vector.extract %reduce_max3A_227[15] : i32 from vector<16xi32>
    %shift_right_arithmetic3A_229 = arith.constant 3 : i32
    %shift_right_arithmetic3A_230 = arith.shrsi %reduce_max3A_228, %shift_right_arithmetic3A_229 : i32
    %shift_left3A_231 = arith.constant 3 : i32
    %shift_left3A_232 = arith.shli %shift_right_arithmetic3A_230, %shift_left3A_231 : i32
    %multiple_of3A_233 = tpu.assume_multiple %shift_left3A_232, 8 : i32
    %dma_start3A_234 = arith.constant 5 : i32
    %dma_start3A_235 = arith.constant 0 : i32
    %dma_start3A_236 = arith.constant 0 : i32
    %dma_start3A_237 = tpu.memref_slice %arg8[%dma_start3A_234, %dma_start3A_235, %dma_start3A_236] : memref<32x8x128xf32, #tpu.memory_space<vmem>> -> memref<1x8x128xf32, #tpu.memory_space<vmem>>
    %dma_start3A_238 = tpu.memref_squeeze %dma_start3A_237 : memref<1x8x128xf32, #tpu.memory_space<vmem>> -> memref<8x128xf32, #tpu.memory_space<vmem>>
    %dma_start3A_239 = tpu.memref_slice %arg2[%multiple_of3A_233, %multiple_of3A] : memref<100000x1024xf32, #tpu.memory_space<hbm>> -> memref<8x128xf32, #tpu.memory_space<hbm>>
    %dma_start3A_240 = arith.constant 0 : i32
    %dma_start3A_241 = arith.constant 0 : i32
    %dma_start3A_242 = tpu.memref_slice %arg8[%dma_start3A_234, %dma_start3A_240, %dma_start3A_241] : memref<32x8x128xf32, #tpu.memory_space<vmem>> -> memref<1x8x128xf32, #tpu.memory_space<vmem>>
    %dma_start3A_243 = tpu.memref_squeeze %dma_start3A_242 : memref<1x8x128xf32, #tpu.memory_space<vmem>> -> memref<8x128xf32, #tpu.memory_space<vmem>>
    %dma_start3A_244 = tpu.memref_slice %arg2[%multiple_of3A_233, %multiple_of3A] : memref<100000x1024xf32, #tpu.memory_space<hbm>> -> memref<8x128xf32, #tpu.memory_space<hbm>>
    tpu.enqueue_dma source(%dma_start3A_244 : memref<8x128xf32, #tpu.memory_space<hbm>>) target(%dma_start3A_243 : memref<8x128xf32, #tpu.memory_space<vmem>>) target_semaphore(%arg12 : memref<!tpu.dma_semaphore, #tpu.memory_space<semaphore_mem>>)
    %dma_start3A_245 = arith.constant 5 : i32
    %dma_start3A_246 = arith.constant 0 : i32
    %dma_start3A_247 = arith.constant 0 : i32
    %dma_start3A_248 = tpu.memref_slice %arg9[%dma_start3A_245, %dma_start3A_246, %dma_start3A_247] : memref<32x8x128xf32, #tpu.memory_space<vmem>> -> memref<1x8x128xf32, #tpu.memory_space<vmem>>
    %dma_start3A_249 = tpu.memref_squeeze %dma_start3A_248 : memref<1x8x128xf32, #tpu.memory_space<vmem>> -> memref<8x128xf32, #tpu.memory_space<vmem>>
    %dma_start3A_250 = tpu.memref_slice %arg3[%multiple_of3A_233, %multiple_of3A] : memref<100000x1024xf32, #tpu.memory_space<hbm>> -> memref<8x128xf32, #tpu.memory_space<hbm>>
    %dma_start3A_251 = arith.constant 0 : i32
    %dma_start3A_252 = arith.constant 0 : i32
    %dma_start3A_253 = tpu.memref_slice %arg9[%dma_start3A_245, %dma_start3A_251, %dma_start3A_252] : memref<32x8x128xf32, #tpu.memory_space<vmem>> -> memref<1x8x128xf32, #tpu.memory_space<vmem>>
    %dma_start3A_254 = tpu.memref_squeeze %dma_start3A_253 : memref<1x8x128xf32, #tpu.memory_space<vmem>> -> memref<8x128xf32, #tpu.memory_space<vmem>>
    %dma_start3A_255 = tpu.memref_slice %arg3[%multiple_of3A_233, %multiple_of3A] : memref<100000x1024xf32, #tpu.memory_space<hbm>> -> memref<8x128xf32, #tpu.memory_space<hbm>>
    tpu.enqueue_dma source(%dma_start3A_255 : memref<8x128xf32, #tpu.memory_space<hbm>>) target(%dma_start3A_254 : memref<8x128xf32, #tpu.memory_space<vmem>>) target_semaphore(%arg13 : memref<!tpu.dma_semaphore, #tpu.memory_space<semaphore_mem>>)
    %get3A_256 = arith.constant 0 : index
    %get3A_257 = tpu.vector_load %arg7[%get3A_256] {strides = array<i32>} : memref<32xi32, #tpu.memory_space<vmem>>, vector<16xi32>,
    %eq3A_258 = arith.constant 6 : i32
    %eq3A_259 = vector.broadcast %eq3A_258 : i32 to vector<16xi32>
    %eq3A_260 = arith.cmpi eq, %iota3A, %eq3A_259 : vector<16xi32>
    %jit3A_261 = arith.constant -1 : i32
    %broadcast_in_dim3A_262 = vector.broadcast %jit3A_261 : i32 to vector<16xi32>
    %select_n3A_263 = arith.select %eq3A_260, %get3A_257, %broadcast_in_dim3A_262 : vector<16xi1>, vector<16xi32>
    %reduce_max3A_264 = arith.constant true
    %reduce_max3A_265 = vector.broadcast %reduce_max3A_264 : i1 to vector<16xi1>
    %reduce_max3A_266 = arith.constant -2147483648 : i32
    %reduce_max3A_267 = vector.broadcast %reduce_max3A_266 : i32 to vector<16xi32>
    %reduce_max3A_268 = arith.xori %select_n3A_263, %reduce_max3A_267 : vector<16xi32>
    %reduce_max3A_269 = tpu.scan <max>, %reduce_max3A_268 masked %reduce_max3A_265 : vector<16xi32>, vector<16xi1> -> vector<16xi32>
    %reduce_max3A_270 = arith.xori %reduce_max3A_269, %reduce_max3A_267 : vector<16xi32>
    %reduce_max3A_271 = vector.extract %reduce_max3A_270[15] : i32 from vector<16xi32>
    %shift_right_arithmetic3A_272 = arith.constant 3 : i32
    %shift_right_arithmetic3A_273 = arith.shrsi %reduce_max3A_271, %shift_right_arithmetic3A_272 : i32
    %shift_left3A_274 = arith.constant 3 : i32
    %shift_left3A_275 = arith.shli %shift_right_arithmetic3A_273, %shift_left3A_274 : i32
    %multiple_of3A_276 = tpu.assume_multiple %shift_left3A_275, 8 : i32
    %dma_start3A_277 = arith.constant 6 : i32
    %dma_start3A_278 = arith.constant 0 : i32
    %dma_start3A_279 = arith.constant 0 : i32
    %dma_start3A_280 = tpu.memref_slice %arg8[%dma_start3A_277, %dma_start3A_278, %dma_start3A_279] : memref<32x8x128xf32, #tpu.memory_space<vmem>> -> memref<1x8x128xf32, #tpu.memory_space<vmem>>
    %dma_start3A_281 = tpu.memref_squeeze %dma_start3A_280 : memref<1x8x128xf32, #tpu.memory_space<vmem>> -> memref<8x128xf32, #tpu.memory_space<vmem>>
    %dma_start3A_282 = tpu.memref_slice %arg2[%multiple_of3A_276, %multiple_of3A] : memref<100000x1024xf32, #tpu.memory_space<hbm>> -> memref<8x128xf32, #tpu.memory_space<hbm>>
    %dma_start3A_283 = arith.constant 0 : i32
    %dma_start3A_284 = arith.constant 0 : i32
    %dma_start3A_285 = tpu.memref_slice %arg8[%dma_start3A_277, %dma_start3A_283, %dma_start3A_284] : memref<32x8x128xf32, #tpu.memory_space<vmem>> -> memref<1x8x128xf32, #tpu.memory_space<vmem>>
    %dma_start3A_286 = tpu.memref_squeeze %dma_start3A_285 : memref<1x8x128xf32, #tpu.memory_space<vmem>> -> memref<8x128xf32, #tpu.memory_space<vmem>>
    %dma_start3A_287 = tpu.memref_slice %arg2[%multiple_of3A_276, %multiple_of3A] : memref<100000x1024xf32, #tpu.memory_space<hbm>> -> memref<8x128xf32, #tpu.memory_space<hbm>>
    tpu.enqueue_dma source(%dma_start3A_287 : memref<8x128xf32, #tpu.memory_space<hbm>>) target(%dma_start3A_286 : memref<8x128xf32, #tpu.memory_space<vmem>>) target_semaphore(%arg12 : memref<!tpu.dma_semaphore, #tpu.memory_space<semaphore_mem>>)
    %dma_start3A_288 = arith.constant 6 : i32
    %dma_start3A_289 = arith.constant 0 : i32
    %dma_start3A_290 = arith.constant 0 : i32
    %dma_start3A_291 = tpu.memref_slice %arg9[%dma_start3A_288, %dma_start3A_289, %dma_start3A_290] : memref<32x8x128xf32, #tpu.memory_space<vmem>> -> memref<1x8x128xf32, #tpu.memory_space<vmem>>
    %dma_start3A_292 = tpu.memref_squeeze %dma_start3A_291 : memref<1x8x128xf32, #tpu.memory_space<vmem>> -> memref<8x128xf32, #tpu.memory_space<vmem>>
    %dma_start3A_293 = tpu.memref_slice %arg3[%multiple_of3A_276, %multiple_of3A] : memref<100000x1024xf32, #tpu.memory_space<hbm>> -> memref<8x128xf32, #tpu.memory_space<hbm>>
    %dma_start3A_294 = arith.constant 0 : i32
    %dma_start3A_295 = arith.constant 0 : i32
    %dma_start3A_296 = tpu.memref_slice %arg9[%dma_start3A_288, %dma_start3A_294, %dma_start3A_295] : memref<32x8x128xf32, #tpu.memory_space<vmem>> -> memref<1x8x128xf32, #tpu.memory_space<vmem>>
    %dma_start3A_297 = tpu.memref_squeeze %dma_start3A_296 : memref<1x8x128xf32, #tpu.memory_space<vmem>> -> memref<8x128xf32, #tpu.memory_space<vmem>>
    %dma_start3A_298 = tpu.memref_slice %arg3[%multiple_of3A_276, %multiple_of3A] : memref<100000x1024xf32, #tpu.memory_space<hbm>> -> memref<8x128xf32, #tpu.memory_space<hbm>>
    tpu.enqueue_dma source(%dma_start3A_298 : memref<8x128xf32, #tpu.memory_space<hbm>>) target(%dma_start3A_297 : memref<8x128xf32, #tpu.memory_space<vmem>>) target_semaphore(%arg13 : memref<!tpu.dma_semaphore, #tpu.memory_space<semaphore_mem>>)
    %get3A_299 = arith.constant 0 : index
    %get3A_300 = tpu.vector_load %arg7[%get3A_299] {strides = array<i32>} : memref<32xi32, #tpu.memory_space<vmem>>, vector<16xi32>,
    %eq3A_301 = arith.constant 7 : i32
    %eq3A_302 = vector.broadcast %eq3A_301 : i32 to vector<16xi32>
    %eq3A_303 = arith.cmpi eq, %iota3A, %eq3A_302 : vector<16xi32>
    %jit3A_304 = arith.constant -1 : i32
    %broadcast_in_dim3A_305 = vector.broadcast %jit3A_304 : i32 to vector<16xi32>
    %select_n3A_306 = arith.select %eq3A_303, %get3A_300, %broadcast_in_dim3A_305 : vector<16xi1>, vector<16xi32>
    %reduce_max3A_307 = arith.constant true
    %reduce_max3A_308 = vector.broadcast %reduce_max3A_307 : i1 to vector<16xi1>
    %reduce_max3A_309 = arith.constant -2147483648 : i32
    %reduce_max3A_310 = vector.broadcast %reduce_max3A_309 : i32 to vector<16xi32>
    %reduce_max3A_311 = arith.xori %select_n3A_306, %reduce_max3A_310 : vector<16xi32>
    %reduce_max3A_312 = tpu.scan <max>, %reduce_max3A_311 masked %reduce_max3A_308 : vector<16xi32>, vector<16xi1> -> vector<16xi32>
    %reduce_max3A_313 = arith.xori %reduce_max3A_312, %reduce_max3A_310 : vector<16xi32>
    %reduce_max3A_314 = vector.extract %reduce_max3A_313[15] : i32 from vector<16xi32>
    %shift_right_arithmetic3A_315 = arith.constant 3 : i32
    %shift_right_arithmetic3A_316 = arith.shrsi %reduce_max3A_314, %shift_right_arithmetic3A_315 : i32
    %shift_left3A_317 = arith.constant 3 : i32
    %shift_left3A_318 = arith.shli %shift_right_arithmetic3A_316, %shift_left3A_317 : i32
    %multiple_of3A_319 = tpu.assume_multiple %shift_left3A_318, 8 : i32
    %dma_start3A_320 = arith.constant 7 : i32
    %dma_start3A_321 = arith.constant 0 : i32
    %dma_start3A_322 = arith.constant 0 : i32
    %dma_start3A_323 = tpu.memref_slice %arg8[%dma_start3A_320, %dma_start3A_321, %dma_start3A_322] : memref<32x8x128xf32, #tpu.memory_space<vmem>> -> memref<1x8x128xf32, #tpu.memory_space<vmem>>
    %dma_start3A_324 = tpu.memref_squeeze %dma_start3A_323 : memref<1x8x128xf32, #tpu.memory_space<vmem>> -> memref<8x128xf32, #tpu.memory_space<vmem>>
    %dma_start3A_325 = tpu.memref_slice %arg2[%multiple_of3A_319, %multiple_of3A] : memref<100000x1024xf32, #tpu.memory_space<hbm>> -> memref<8x128xf32, #tpu.memory_space<hbm>>
    %dma_start3A_326 = arith.constant 0 : i32
    %dma_start3A_327 = arith.constant 0 : i32
    %dma_start3A_328 = tpu.memref_slice %arg8[%dma_start3A_320, %dma_start3A_326, %dma_start3A_327] : memref<32x8x128xf32, #tpu.memory_space<vmem>> -> memref<1x8x128xf32, #tpu.memory_space<vmem>>
    %dma_start3A_329 = tpu.memref_squeeze %dma_start3A_328 : memref<1x8x128xf32, #tpu.memory_space<vmem>> -> memref<8x128xf32, #tpu.memory_space<vmem>>
    %dma_start3A_330 = tpu.memref_slice %arg2[%multiple_of3A_319, %multiple_of3A] : memref<100000x1024xf32, #tpu.memory_space<hbm>> -> memref<8x128xf32, #tpu.memory_space<hbm>>
    tpu.enqueue_dma source(%dma_start3A_330 : memref<8x128xf32, #tpu.memory_space<hbm>>) target(%dma_start3A_329 : memref<8x128xf32, #tpu.memory_space<vmem>>) target_semaphore(%arg12 : memref<!tpu.dma_semaphore, #tpu.memory_space<semaphore_mem>>)
    %dma_start3A_331 = arith.constant 7 : i32
    %dma_start3A_332 = arith.constant 0 : i32
    %dma_start3A_333 = arith.constant 0 : i32
    %dma_start3A_334 = tpu.memref_slice %arg9[%dma_start3A_331, %dma_start3A_332, %dma_start3A_333] : memref<32x8x128xf32, #tpu.memory_space<vmem>> -> memref<1x8x128xf32, #tpu.memory_space<vmem>>
    %dma_start3A_335 = tpu.memref_squeeze %dma_start3A_334 : memref<1x8x128xf32, #tpu.memory_space<vmem>> -> memref<8x128xf32, #tpu.memory_space<vmem>>
    %dma_start3A_336 = tpu.memref_slice %arg3[%multiple_of3A_319, %multiple_of3A] : memref<100000x1024xf32, #tpu.memory_space<hbm>> -> memref<8x128xf32, #tpu.memory_space<hbm>>
    %dma_start3A_337 = arith.constant 0 : i32
    %dma_start3A_338 = arith.constant 0 : i32
    %dma_start3A_339 = tpu.memref_slice %arg9[%dma_start3A_331, %dma_start3A_337, %dma_start3A_338] : memref<32x8x128xf32, #tpu.memory_space<vmem>> -> memref<1x8x128xf32, #tpu.memory_space<vmem>>
    %dma_start3A_340 = tpu.memref_squeeze %dma_start3A_339 : memref<1x8x128xf32, #tpu.memory_space<vmem>> -> memref<8x128xf32, #tpu.memory_space<vmem>>
    %dma_start3A_341 = tpu.memref_slice %arg3[%multiple_of3A_319, %multiple_of3A] : memref<100000x1024xf32, #tpu.memory_space<hbm>> -> memref<8x128xf32, #tpu.memory_space<hbm>>
    tpu.enqueue_dma source(%dma_start3A_341 : memref<8x128xf32, #tpu.memory_space<hbm>>) target(%dma_start3A_340 : memref<8x128xf32, #tpu.memory_space<vmem>>) target_semaphore(%arg13 : memref<!tpu.dma_semaphore, #tpu.memory_space<semaphore_mem>>)
    %get3A_342 = arith.constant 0 : index
    %get3A_343 = tpu.vector_load %arg7[%get3A_342] {strides = array<i32>} : memref<32xi32, #tpu.memory_space<vmem>>, vector<16xi32>,
    %eq3A_344 = arith.constant 8 : i32
    %eq3A_345 = vector.broadcast %eq3A_344 : i32 to vector<16xi32>
    %eq3A_346 = arith.cmpi eq, %iota3A, %eq3A_345 : vector<16xi32>
    %jit3A_347 = arith.constant -1 : i32
    %broadcast_in_dim3A_348 = vector.broadcast %jit3A_347 : i32 to vector<16xi32>
    %select_n3A_349 = arith.select %eq3A_346, %get3A_343, %broadcast_in_dim3A_348 : vector<16xi1>, vector<16xi32>
    %reduce_max3A_350 = arith.constant true
    %reduce_max3A_351 = vector.broadcast %reduce_max3A_350 : i1 to vector<16xi1>
    %reduce_max3A_352 = arith.constant -2147483648 : i32
    %reduce_max3A_353 = vector.broadcast %reduce_max3A_352 : i32 to vector<16xi32>
    %reduce_max3A_354 = arith.xori %select_n3A_349, %reduce_max3A_353 : vector<16xi32>
    %reduce_max3A_355 = tpu.scan <max>, %reduce_max3A_354 masked %reduce_max3A_351 : vector<16xi32>, vector<16xi1> -> vector<16xi32>
    %reduce_max3A_356 = arith.xori %reduce_max3A_355, %reduce_max3A_353 : vector<16xi32>
    %reduce_max3A_357 = vector.extract %reduce_max3A_356[15] : i32 from vector<16xi32>
    %shift_right_arithmetic3A_358 = arith.constant 3 : i32
    %shift_right_arithmetic3A_359 = arith.shrsi %reduce_max3A_357, %shift_right_arithmetic3A_358 : i32
    %shift_left3A_360 = arith.constant 3 : i32
    %shift_left3A_361 = arith.shli %shift_right_arithmetic3A_359, %shift_left3A_360 : i32
    %multiple_of3A_362 = tpu.assume_multiple %shift_left3A_361, 8 : i32
    %dma_start3A_363 = arith.constant 8 : i32
    %dma_start3A_364 = arith.constant 0 : i32
    %dma_start3A_365 = arith.constant 0 : i32
    %dma_start3A_366 = tpu.memref_slice %arg8[%dma_start3A_363, %dma_start3A_364, %dma_start3A_365] : memref<32x8x128xf32, #tpu.memory_space<vmem>> -> memref<1x8x128xf32, #tpu.memory_space<vmem>>
    %dma_start3A_367 = tpu.memref_squeeze %dma_start3A_366 : memref<1x8x128xf32, #tpu.memory_space<vmem>> -> memref<8x128xf32, #tpu.memory_space<vmem>>
    %dma_start3A_368 = tpu.memref_slice %arg2[%multiple_of3A_362, %multiple_of3A] : memref<100000x1024xf32, #tpu.memory_space<hbm>> -> memref<8x128xf32, #tpu.memory_space<hbm>>
    %dma_start3A_369 = arith.constant 0 : i32
    %dma_start3A_370 = arith.constant 0 : i32
    %dma_start3A_371 = tpu.memref_slice %arg8[%dma_start3A_363, %dma_start3A_369, %dma_start3A_370] : memref<32x8x128xf32, #tpu.memory_space<vmem>> -> memref<1x8x128xf32, #tpu.memory_space<vmem>>
    %dma_start3A_372 = tpu.memref_squeeze %dma_start3A_371 : memref<1x8x128xf32, #tpu.memory_space<vmem>> -> memref<8x128xf32, #tpu.memory_space<vmem>>
    %dma_start3A_373 = tpu.memref_slice %arg2[%multiple_of3A_362, %multiple_of3A] : memref<100000x1024xf32, #tpu.memory_space<hbm>> -> memref<8x128xf32, #tpu.memory_space<hbm>>
    tpu.enqueue_dma source(%dma_start3A_373 : memref<8x128xf32, #tpu.memory_space<hbm>>) target(%dma_start3A_372 : memref<8x128xf32, #tpu.memory_space<vmem>>) target_semaphore(%arg12 : memref<!tpu.dma_semaphore, #tpu.memory_space<semaphore_mem>>)
    %dma_start3A_374 = arith.constant 8 : i32
    %dma_start3A_375 = arith.constant 0 : i32
    %dma_start3A_376 = arith.constant 0 : i32
    %dma_start3A_377 = tpu.memref_slice %arg9[%dma_start3A_374, %dma_start3A_375, %dma_start3A_376] : memref<32x8x128xf32, #tpu.memory_space<vmem>> -> memref<1x8x128xf32, #tpu.memory_space<vmem>>
    %dma_start3A_378 = tpu.memref_squeeze %dma_start3A_377 : memref<1x8x128xf32, #tpu.memory_space<vmem>> -> memref<8x128xf32, #tpu.memory_space<vmem>>
    %dma_start3A_379 = tpu.memref_slice %arg3[%multiple_of3A_362, %multiple_of3A] : memref<100000x1024xf32, #tpu.memory_space<hbm>> -> memref<8x128xf32, #tpu.memory_space<hbm>>
    %dma_start3A_380 = arith.constant 0 : i32
    %dma_start3A_381 = arith.constant 0 : i32
    %dma_start3A_382 = tpu.memref_slice %arg9[%dma_start3A_374, %dma_start3A_380, %dma_start3A_381] : memref<32x8x128xf32, #tpu.memory_space<vmem>> -> memref<1x8x128xf32, #tpu.memory_space<vmem>>
    %dma_start3A_383 = tpu.memref_squeeze %dma_start3A_382 : memref<1x8x128xf32, #tpu.memory_space<vmem>> -> memref<8x128xf32, #tpu.memory_space<vmem>>
    %dma_start3A_384 = tpu.memref_slice %arg3[%multiple_of3A_362, %multiple_of3A] : memref<100000x1024xf32, #tpu.memory_space<hbm>> -> memref<8x128xf32, #tpu.memory_space<hbm>>
    tpu.enqueue_dma source(%dma_start3A_384 : memref<8x128xf32, #tpu.memory_space<hbm>>) target(%dma_start3A_383 : memref<8x128xf32, #tpu.memory_space<vmem>>) target_semaphore(%arg13 : memref<!tpu.dma_semaphore, #tpu.memory_space<semaphore_mem>>)
    %get3A_385 = arith.constant 0 : index
    %get3A_386 = tpu.vector_load %arg7[%get3A_385] {strides = array<i32>} : memref<32xi32, #tpu.memory_space<vmem>>, vector<16xi32>,
    %eq3A_387 = arith.constant 9 : i32
    %eq3A_388 = vector.broadcast %eq3A_387 : i32 to vector<16xi32>
    %eq3A_389 = arith.cmpi eq, %iota3A, %eq3A_388 : vector<16xi32>
    %jit3A_390 = arith.constant -1 : i32
    %broadcast_in_dim3A_391 = vector.broadcast %jit3A_390 : i32 to vector<16xi32>
    %select_n3A_392 = arith.select %eq3A_389, %get3A_386, %broadcast_in_dim3A_391 : vector<16xi1>, vector<16xi32>
    %reduce_max3A_393 = arith.constant true
    %reduce_max3A_394 = vector.broadcast %reduce_max3A_393 : i1 to vector<16xi1>
    %reduce_max3A_395 = arith.constant -2147483648 : i32
    %reduce_max3A_396 = vector.broadcast %reduce_max3A_395 : i32 to vector<16xi32>
    %reduce_max3A_397 = arith.xori %select_n3A_392, %reduce_max3A_396 : vector<16xi32>
    %reduce_max3A_398 = tpu.scan <max>, %reduce_max3A_397 masked %reduce_max3A_394 : vector<16xi32>, vector<16xi1> -> vector<16xi32>
    %reduce_max3A_399 = arith.xori %reduce_max3A_398, %reduce_max3A_396 : vector<16xi32>
    %reduce_max3A_400 = vector.extract %reduce_max3A_399[15] : i32 from vector<16xi32>
    %shift_right_arithmetic3A_401 = arith.constant 3 : i32
    %shift_right_arithmetic3A_402 = arith.shrsi %reduce_max3A_400, %shift_right_arithmetic3A_401 : i32
    %shift_left3A_403 = arith.constant 3 : i32
    %shift_left3A_404 = arith.shli %shift_right_arithmetic3A_402, %shift_left3A_403 : i32
    %multiple_of3A_405 = tpu.assume_multiple %shift_left3A_404, 8 : i32
    %dma_start3A_406 = arith.constant 9 : i32
    %dma_start3A_407 = arith.constant 0 : i32
    %dma_start3A_408 = arith.constant 0 : i32
    %dma_start3A_409 = tpu.memref_slice %arg8[%dma_start3A_406, %dma_start3A_407, %dma_start3A_408] : memref<32x8x128xf32, #tpu.memory_space<vmem>> -> memref<1x8x128xf32, #tpu.memory_space<vmem>>
    %dma_start3A_410 = tpu.memref_squeeze %dma_start3A_409 : memref<1x8x128xf32, #tpu.memory_space<vmem>> -> memref<8x128xf32, #tpu.memory_space<vmem>>
    %dma_start3A_411 = tpu.memref_slice %arg2[%multiple_of3A_405, %multiple_of3A] : memref<100000x1024xf32, #tpu.memory_space<hbm>> -> memref<8x128xf32, #tpu.memory_space<hbm>>
    %dma_start3A_412 = arith.constant 0 : i32
    %dma_start3A_413 = arith.constant 0 : i32
    %dma_start3A_414 = tpu.memref_slice %arg8[%dma_start3A_406, %dma_start3A_412, %dma_start3A_413] : memref<32x8x128xf32, #tpu.memory_space<vmem>> -> memref<1x8x128xf32, #tpu.memory_space<vmem>>
    %dma_start3A_415 = tpu.memref_squeeze %dma_start3A_414 : memref<1x8x128xf32, #tpu.memory_space<vmem>> -> memref<8x128xf32, #tpu.memory_space<vmem>>
    %dma_start3A_416 = tpu.memref_slice %arg2[%multiple_of3A_405, %multiple_of3A] : memref<100000x1024xf32, #tpu.memory_space<hbm>> -> memref<8x128xf32, #tpu.memory_space<hbm>>
    tpu.enqueue_dma source(%dma_start3A_416 : memref<8x128xf32, #tpu.memory_space<hbm>>) target(%dma_start3A_415 : memref<8x128xf32, #tpu.memory_space<vmem>>) target_semaphore(%arg12 : memref<!tpu.dma_semaphore, #tpu.memory_space<semaphore_mem>>)
    %dma_start3A_417 = arith.constant 9 : i32
    %dma_start3A_418 = arith.constant 0 : i32
    %dma_start3A_419 = arith.constant 0 : i32
    %dma_start3A_420 = tpu.memref_slice %arg9[%dma_start3A_417, %dma_start3A_418, %dma_start3A_419] : memref<32x8x128xf32, #tpu.memory_space<vmem>> -> memref<1x8x128xf32, #tpu.memory_space<vmem>>
    %dma_start3A_421 = tpu.memref_squeeze %dma_start3A_420 : memref<1x8x128xf32, #tpu.memory_space<vmem>> -> memref<8x128xf32, #tpu.memory_space<vmem>>
    %dma_start3A_422 = tpu.memref_slice %arg3[%multiple_of3A_405, %multiple_of3A] : memref<100000x1024xf32, #tpu.memory_space<hbm>> -> memref<8x128xf32, #tpu.memory_space<hbm>>
    %dma_start3A_423 = arith.constant 0 : i32
    %dma_start3A_424 = arith.constant 0 : i32
    %dma_start3A_425 = tpu.memref_slice %arg9[%dma_start3A_417, %dma_start3A_423, %dma_start3A_424] : memref<32x8x128xf32, #tpu.memory_space<vmem>> -> memref<1x8x128xf32, #tpu.memory_space<vmem>>
    %dma_start3A_426 = tpu.memref_squeeze %dma_start3A_425 : memref<1x8x128xf32, #tpu.memory_space<vmem>> -> memref<8x128xf32, #tpu.memory_space<vmem>>
    %dma_start3A_427 = tpu.memref_slice %arg3[%multiple_of3A_405, %multiple_of3A] : memref<100000x1024xf32, #tpu.memory_space<hbm>> -> memref<8x128xf32, #tpu.memory_space<hbm>>
    tpu.enqueue_dma source(%dma_start3A_427 : memref<8x128xf32, #tpu.memory_space<hbm>>) target(%dma_start3A_426 : memref<8x128xf32, #tpu.memory_space<vmem>>) target_semaphore(%arg13 : memref<!tpu.dma_semaphore, #tpu.memory_space<semaphore_mem>>)
    %get3A_428 = arith.constant 0 : index
    %get3A_429 = tpu.vector_load %arg7[%get3A_428] {strides = array<i32>} : memref<32xi32, #tpu.memory_space<vmem>>, vector<16xi32>,
    %eq3A_430 = arith.constant 10 : i32
    %eq3A_431 = vector.broadcast %eq3A_430 : i32 to vector<16xi32>
    %eq3A_432 = arith.cmpi eq, %iota3A, %eq3A_431 : vector<16xi32>
    %jit3A_433 = arith.constant -1 : i32
    %broadcast_in_dim3A_434 = vector.broadcast %jit3A_433 : i32 to vector<16xi32>
    %select_n3A_435 = arith.select %eq3A_432, %get3A_429, %broadcast_in_dim3A_434 : vector<16xi1>, vector<16xi32>
    %reduce_max3A_436 = arith.constant true
    %reduce_max3A_437 = vector.broadcast %reduce_max3A_436 : i1 to vector<16xi1>
    %reduce_max3A_438 = arith.constant -2147483648 : i32
    %reduce_max3A_439 = vector.broadcast %reduce_max3A_438 : i32 to vector<16xi32>
    %reduce_max3A_440 = arith.xori %select_n3A_435, %reduce_max3A_439 : vector<16xi32>
    %reduce_max3A_441 = tpu.scan <max>, %reduce_max3A_440 masked %reduce_max3A_437 : vector<16xi32>, vector<16xi1> -> vector<16xi32>
    %reduce_max3A_442 = arith.xori %reduce_max3A_441, %reduce_max3A_439 : vector<16xi32>
    %reduce_max3A_443 = vector.extract %reduce_max3A_442[15] : i32 from vector<16xi32>
    %shift_right_arithmetic3A_444 = arith.constant 3 : i32
    %shift_right_arithmetic3A_445 = arith.shrsi %reduce_max3A_443, %shift_right_arithmetic3A_444 : i32
    %shift_left3A_446 = arith.constant 3 : i32
    %shift_left3A_447 = arith.shli %shift_right_arithmetic3A_445, %shift_left3A_446 : i32
    %multiple_of3A_448 = tpu.assume_multiple %shift_left3A_447, 8 : i32
    %dma_start3A_449 = arith.constant 10 : i32
    %dma_start3A_450 = arith.constant 0 : i32
    %dma_start3A_451 = arith.constant 0 : i32
    %dma_start3A_452 = tpu.memref_slice %arg8[%dma_start3A_449, %dma_start3A_450, %dma_start3A_451] : memref<32x8x128xf32, #tpu.memory_space<vmem>> -> memref<1x8x128xf32, #tpu.memory_space<vmem>>
    %dma_start3A_453 = tpu.memref_squeeze %dma_start3A_452 : memref<1x8x128xf32, #tpu.memory_space<vmem>> -> memref<8x128xf32, #tpu.memory_space<vmem>>
    %dma_start3A_454 = tpu.memref_slice %arg2[%multiple_of3A_448, %multiple_of3A] : memref<100000x1024xf32, #tpu.memory_space<hbm>> -> memref<8x128xf32, #tpu.memory_space<hbm>>
    %dma_start3A_455 = arith.constant 0 : i32
    %dma_start3A_456 = arith.constant 0 : i32
    %dma_start3A_457 = tpu.memref_slice %arg8[%dma_start3A_449, %dma_start3A_455, %dma_start3A_456] : memref<32x8x128xf32, #tpu.memory_space<vmem>> -> memref<1x8x128xf32, #tpu.memory_space<vmem>>
    %dma_start3A_458 = tpu.memref_squeeze %dma_start3A_457 : memref<1x8x128xf32, #tpu.memory_space<vmem>> -> memref<8x128xf32, #tpu.memory_space<vmem>>
    %dma_start3A_459 = tpu.memref_slice %arg2[%multiple_of3A_448, %multiple_of3A] : memref<100000x1024xf32, #tpu.memory_space<hbm>> -> memref<8x128xf32, #tpu.memory_space<hbm>>
    tpu.enqueue_dma source(%dma_start3A_459 : memref<8x128xf32, #tpu.memory_space<hbm>>) target(%dma_start3A_458 : memref<8x128xf32, #tpu.memory_space<vmem>>) target_semaphore(%arg12 : memref<!tpu.dma_semaphore, #tpu.memory_space<semaphore_mem>>)
    %dma_start3A_460 = arith.constant 10 : i32
    %dma_start3A_461 = arith.constant 0 : i32
    %dma_start3A_462 = arith.constant 0 : i32
    %dma_start3A_463 = tpu.memref_slice %arg9[%dma_start3A_460, %dma_start3A_461, %dma_start3A_462] : memref<32x8x128xf32, #tpu.memory_space<vmem>> -> memref<1x8x128xf32, #tpu.memory_space<vmem>>
    %dma_start3A_464 = tpu.memref_squeeze %dma_start3A_463 : memref<1x8x128xf32, #tpu.memory_space<vmem>> -> memref<8x128xf32, #tpu.memory_space<vmem>>
    %dma_start3A_465 = tpu.memref_slice %arg3[%multiple_of3A_448, %multiple_of3A] : memref<100000x1024xf32, #tpu.memory_space<hbm>> -> memref<8x128xf32, #tpu.memory_space<hbm>>
    %dma_start3A_466 = arith.constant 0 : i32
    %dma_start3A_467 = arith.constant 0 : i32
    %dma_start3A_468 = tpu.memref_slice %arg9[%dma_start3A_460, %dma_start3A_466, %dma_start3A_467] : memref<32x8x128xf32, #tpu.memory_space<vmem>> -> memref<1x8x128xf32, #tpu.memory_space<vmem>>
    %dma_start3A_469 = tpu.memref_squeeze %dma_start3A_468 : memref<1x8x128xf32, #tpu.memory_space<vmem>> -> memref<8x128xf32, #tpu.memory_space<vmem>>
    %dma_start3A_470 = tpu.memref_slice %arg3[%multiple_of3A_448, %multiple_of3A] : memref<100000x1024xf32, #tpu.memory_space<hbm>> -> memref<8x128xf32, #tpu.memory_space<hbm>>
    tpu.enqueue_dma source(%dma_start3A_470 : memref<8x128xf32, #tpu.memory_space<hbm>>) target(%dma_start3A_469 : memref<8x128xf32, #tpu.memory_space<vmem>>) target_semaphore(%arg13 : memref<!tpu.dma_semaphore, #tpu.memory_space<semaphore_mem>>)
    %get3A_471 = arith.constant 0 : index
    %get3A_472 = tpu.vector_load %arg7[%get3A_471] {strides = array<i32>} : memref<32xi32, #tpu.memory_space<vmem>>, vector<16xi32>,
    %eq3A_473 = arith.constant 11 : i32
    %eq3A_474 = vector.broadcast %eq3A_473 : i32 to vector<16xi32>
    %eq3A_475 = arith.cmpi eq, %iota3A, %eq3A_474 : vector<16xi32>
    %jit3A_476 = arith.constant -1 : i32
    %broadcast_in_dim3A_477 = vector.broadcast %jit3A_476 : i32 to vector<16xi32>
    %select_n3A_478 = arith.select %eq3A_475, %get3A_472, %broadcast_in_dim3A_477 : vector<16xi1>, vector<16xi32>
    %reduce_max3A_479 = arith.constant true
    %reduce_max3A_480 = vector.broadcast %reduce_max3A_479 : i1 to vector<16xi1>
    %reduce_max3A_481 = arith.constant -2147483648 : i32
    %reduce_max3A_482 = vector.broadcast %reduce_max3A_481 : i32 to vector<16xi32>
    %reduce_max3A_483 = arith.xori %select_n3A_478, %reduce_max3A_482 : vector<16xi32>
    %reduce_max3A_484 = tpu.scan <max>, %reduce_max3A_483 masked %reduce_max3A_480 : vector<16xi32>, vector<16xi1> -> vector<16xi32>
    %reduce_max3A_485 = arith.xori %reduce_max3A_484, %reduce_max3A_482 : vector<16xi32>
    %reduce_max3A_486 = vector.extract %reduce_max3A_485[15] : i32 from vector<16xi32>
    %shift_right_arithmetic3A_487 = arith.constant 3 : i32
    %shift_right_arithmetic3A_488 = arith.shrsi %reduce_max3A_486, %shift_right_arithmetic3A_487 : i32
    %shift_left3A_489 = arith.constant 3 : i32
    %shift_left3A_490 = arith.shli %shift_right_arithmetic3A_488, %shift_left3A_489 : i32
    %multiple_of3A_491 = tpu.assume_multiple %shift_left3A_490, 8 : i32
    %dma_start3A_492 = arith.constant 11 : i32
    %dma_start3A_493 = arith.constant 0 : i32
    %dma_start3A_494 = arith.constant 0 : i32
    %dma_start3A_495 = tpu.memref_slice %arg8[%dma_start3A_492, %dma_start3A_493, %dma_start3A_494] : memref<32x8x128xf32, #tpu.memory_space<vmem>> -> memref<1x8x128xf32, #tpu.memory_space<vmem>>
    %dma_start3A_496 = tpu.memref_squeeze %dma_start3A_495 : memref<1x8x128xf32, #tpu.memory_space<vmem>> -> memref<8x128xf32, #tpu.memory_space<vmem>>
    %dma_start3A_497 = tpu.memref_slice %arg2[%multiple_of3A_491, %multiple_of3A] : memref<100000x1024xf32, #tpu.memory_space<hbm>> -> memref<8x128xf32, #tpu.memory_space<hbm>>
    %dma_start3A_498 = arith.constant 0 : i32
    %dma_start3A_499 = arith.constant 0 : i32
    %dma_start3A_500 = tpu.memref_slice %arg8[%dma_start3A_492, %dma_start3A_498, %dma_start3A_499] : memref<32x8x128xf32, #tpu.memory_space<vmem>> -> memref<1x8x128xf32, #tpu.memory_space<vmem>>
    %dma_start3A_501 = tpu.memref_squeeze %dma_start3A_500 : memref<1x8x128xf32, #tpu.memory_space<vmem>> -> memref<8x128xf32, #tpu.memory_space<vmem>>
    %dma_start3A_502 = tpu.memref_slice %arg2[%multiple_of3A_491, %multiple_of3A] : memref<100000x1024xf32, #tpu.memory_space<hbm>> -> memref<8x128xf32, #tpu.memory_space<hbm>>
    tpu.enqueue_dma source(%dma_start3A_502 : memref<8x128xf32, #tpu.memory_space<hbm>>) target(%dma_start3A_501 : memref<8x128xf32, #tpu.memory_space<vmem>>) target_semaphore(%arg12 : memref<!tpu.dma_semaphore, #tpu.memory_space<semaphore_mem>>)
    %dma_start3A_503 = arith.constant 11 : i32
    %dma_start3A_504 = arith.constant 0 : i32
    %dma_start3A_505 = arith.constant 0 : i32
    %dma_start3A_506 = tpu.memref_slice %arg9[%dma_start3A_503, %dma_start3A_504, %dma_start3A_505] : memref<32x8x128xf32, #tpu.memory_space<vmem>> -> memref<1x8x128xf32, #tpu.memory_space<vmem>>
    %dma_start3A_507 = tpu.memref_squeeze %dma_start3A_506 : memref<1x8x128xf32, #tpu.memory_space<vmem>> -> memref<8x128xf32, #tpu.memory_space<vmem>>
    %dma_start3A_508 = tpu.memref_slice %arg3[%multiple_of3A_491, %multiple_of3A] : memref<100000x1024xf32, #tpu.memory_space<hbm>> -> memref<8x128xf32, #tpu.memory_space<hbm>>
    %dma_start3A_509 = arith.constant 0 : i32
    %dma_start3A_510 = arith.constant 0 : i32
    %dma_start3A_511 = tpu.memref_slice %arg9[%dma_start3A_503, %dma_start3A_509, %dma_start3A_510] : memref<32x8x128xf32, #tpu.memory_space<vmem>> -> memref<1x8x128xf32, #tpu.memory_space<vmem>>
    %dma_start3A_512 = tpu.memref_squeeze %dma_start3A_511 : memref<1x8x128xf32, #tpu.memory_space<vmem>> -> memref<8x128xf32, #tpu.memory_space<vmem>>
    %dma_start3A_513 = tpu.memref_slice %arg3[%multiple_of3A_491, %multiple_of3A] : memref<100000x1024xf32, #tpu.memory_space<hbm>> -> memref<8x128xf32, #tpu.memory_space<hbm>>
    tpu.enqueue_dma source(%dma_start3A_513 : memref<8x128xf32, #tpu.memory_space<hbm>>) target(%dma_start3A_512 : memref<8x128xf32, #tpu.memory_space<vmem>>) target_semaphore(%arg13 : memref<!tpu.dma_semaphore, #tpu.memory_space<semaphore_mem>>)
    %get3A_514 = arith.constant 0 : index
    %get3A_515 = tpu.vector_load %arg7[%get3A_514] {strides = array<i32>} : memref<32xi32, #tpu.memory_space<vmem>>, vector<16xi32>,
    %eq3A_516 = arith.constant 12 : i32
    %eq3A_517 = vector.broadcast %eq3A_516 : i32 to vector<16xi32>
    %eq3A_518 = arith.cmpi eq, %iota3A, %eq3A_517 : vector<16xi32>
    %jit3A_519 = arith.constant -1 : i32
    %broadcast_in_dim3A_520 = vector.broadcast %jit3A_519 : i32 to vector<16xi32>
    %select_n3A_521 = arith.select %eq3A_518, %get3A_515, %broadcast_in_dim3A_520 : vector<16xi1>, vector<16xi32>
    %reduce_max3A_522 = arith.constant true
    %reduce_max3A_523 = vector.broadcast %reduce_max3A_522 : i1 to vector<16xi1>
    %reduce_max3A_524 = arith.constant -2147483648 : i32
    %reduce_max3A_525 = vector.broadcast %reduce_max3A_524 : i32 to vector<16xi32>
    %reduce_max3A_526 = arith.xori %select_n3A_521, %reduce_max3A_525 : vector<16xi32>
    %reduce_max3A_527 = tpu.scan <max>, %reduce_max3A_526 masked %reduce_max3A_523 : vector<16xi32>, vector<16xi1> -> vector<16xi32>
    %reduce_max3A_528 = arith.xori %reduce_max3A_527, %reduce_max3A_525 : vector<16xi32>
    %reduce_max3A_529 = vector.extract %reduce_max3A_528[15] : i32 from vector<16xi32>
    %shift_right_arithmetic3A_530 = arith.constant 3 : i32
    %shift_right_arithmetic3A_531 = arith.shrsi %reduce_max3A_529, %shift_right_arithmetic3A_530 : i32
    %shift_left3A_532 = arith.constant 3 : i32
    %shift_left3A_533 = arith.shli %shift_right_arithmetic3A_531, %shift_left3A_532 : i32
    %multiple_of3A_534 = tpu.assume_multiple %shift_left3A_533, 8 : i32
    %dma_start3A_535 = arith.constant 12 : i32
    %dma_start3A_536 = arith.constant 0 : i32
    %dma_start3A_537 = arith.constant 0 : i32
    %dma_start3A_538 = tpu.memref_slice %arg8[%dma_start3A_535, %dma_start3A_536, %dma_start3A_537] : memref<32x8x128xf32, #tpu.memory_space<vmem>> -> memref<1x8x128xf32, #tpu.memory_space<vmem>>
    %dma_start3A_539 = tpu.memref_squeeze %dma_start3A_538 : memref<1x8x128xf32, #tpu.memory_space<vmem>> -> memref<8x128xf32, #tpu.memory_space<vmem>>
    %dma_start3A_540 = tpu.memref_slice %arg2[%multiple_of3A_534, %multiple_of3A] : memref<100000x1024xf32, #tpu.memory_space<hbm>> -> memref<8x128xf32, #tpu.memory_space<hbm>>
    %dma_start3A_541 = arith.constant 0 : i32
    %dma_start3A_542 = arith.constant 0 : i32
    %dma_start3A_543 = tpu.memref_slice %arg8[%dma_start3A_535, %dma_start3A_541, %dma_start3A_542] : memref<32x8x128xf32, #tpu.memory_space<vmem>> -> memref<1x8x128xf32, #tpu.memory_space<vmem>>
    %dma_start3A_544 = tpu.memref_squeeze %dma_start3A_543 : memref<1x8x128xf32, #tpu.memory_space<vmem>> -> memref<8x128xf32, #tpu.memory_space<vmem>>
    %dma_start3A_545 = tpu.memref_slice %arg2[%multiple_of3A_534, %multiple_of3A] : memref<100000x1024xf32, #tpu.memory_space<hbm>> -> memref<8x128xf32, #tpu.memory_space<hbm>>
    tpu.enqueue_dma source(%dma_start3A_545 : memref<8x128xf32, #tpu.memory_space<hbm>>) target(%dma_start3A_544 : memref<8x128xf32, #tpu.memory_space<vmem>>) target_semaphore(%arg12 : memref<!tpu.dma_semaphore, #tpu.memory_space<semaphore_mem>>)
    %dma_start3A_546 = arith.constant 12 : i32
    %dma_start3A_547 = arith.constant 0 : i32
    %dma_start3A_548 = arith.constant 0 : i32
    %dma_start3A_549 = tpu.memref_slice %arg9[%dma_start3A_546, %dma_start3A_547, %dma_start3A_548] : memref<32x8x128xf32, #tpu.memory_space<vmem>> -> memref<1x8x128xf32, #tpu.memory_space<vmem>>
    %dma_start3A_550 = tpu.memref_squeeze %dma_start3A_549 : memref<1x8x128xf32, #tpu.memory_space<vmem>> -> memref<8x128xf32, #tpu.memory_space<vmem>>
    %dma_start3A_551 = tpu.memref_slice %arg3[%multiple_of3A_534, %multiple_of3A] : memref<100000x1024xf32, #tpu.memory_space<hbm>> -> memref<8x128xf32, #tpu.memory_space<hbm>>
    %dma_start3A_552 = arith.constant 0 : i32
    %dma_start3A_553 = arith.constant 0 : i32
    %dma_start3A_554 = tpu.memref_slice %arg9[%dma_start3A_546, %dma_start3A_552, %dma_start3A_553] : memref<32x8x128xf32, #tpu.memory_space<vmem>> -> memref<1x8x128xf32, #tpu.memory_space<vmem>>
    %dma_start3A_555 = tpu.memref_squeeze %dma_start3A_554 : memref<1x8x128xf32, #tpu.memory_space<vmem>> -> memref<8x128xf32, #tpu.memory_space<vmem>>
    %dma_start3A_556 = tpu.memref_slice %arg3[%multiple_of3A_534, %multiple_of3A] : memref<100000x1024xf32, #tpu.memory_space<hbm>> -> memref<8x128xf32, #tpu.memory_space<hbm>>
    tpu.enqueue_dma source(%dma_start3A_556 : memref<8x128xf32, #tpu.memory_space<hbm>>) target(%dma_start3A_555 : memref<8x128xf32, #tpu.memory_space<vmem>>) target_semaphore(%arg13 : memref<!tpu.dma_semaphore, #tpu.memory_space<semaphore_mem>>)
    %get3A_557 = arith.constant 0 : index
    %get3A_558 = tpu.vector_load %arg7[%get3A_557] {strides = array<i32>} : memref<32xi32, #tpu.memory_space<vmem>>, vector<16xi32>,
    %eq3A_559 = arith.constant 13 : i32
    %eq3A_560 = vector.broadcast %eq3A_559 : i32 to vector<16xi32>
    %eq3A_561 = arith.cmpi eq, %iota3A, %eq3A_560 : vector<16xi32>
    %jit3A_562 = arith.constant -1 : i32
    %broadcast_in_dim3A_563 = vector.broadcast %jit3A_562 : i32 to vector<16xi32>
    %select_n3A_564 = arith.select %eq3A_561, %get3A_558, %broadcast_in_dim3A_563 : vector<16xi1>, vector<16xi32>
    %reduce_max3A_565 = arith.constant true
    %reduce_max3A_566 = vector.broadcast %reduce_max3A_565 : i1 to vector<16xi1>
    %reduce_max3A_567 = arith.constant -2147483648 : i32
    %reduce_max3A_568 = vector.broadcast %reduce_max3A_567 : i32 to vector<16xi32>
    %reduce_max3A_569 = arith.xori %select_n3A_564, %reduce_max3A_568 : vector<16xi32>
    %reduce_max3A_570 = tpu.scan <max>, %reduce_max3A_569 masked %reduce_max3A_566 : vector<16xi32>, vector<16xi1> -> vector<16xi32>
    %reduce_max3A_571 = arith.xori %reduce_max3A_570, %reduce_max3A_568 : vector<16xi32>
    %reduce_max3A_572 = vector.extract %reduce_max3A_571[15] : i32 from vector<16xi32>
    %shift_right_arithmetic3A_573 = arith.constant 3 : i32
    %shift_right_arithmetic3A_574 = arith.shrsi %reduce_max3A_572, %shift_right_arithmetic3A_573 : i32
    %shift_left3A_575 = arith.constant 3 : i32
    %shift_left3A_576 = arith.shli %shift_right_arithmetic3A_574, %shift_left3A_575 : i32
    %multiple_of3A_577 = tpu.assume_multiple %shift_left3A_576, 8 : i32
    %dma_start3A_578 = arith.constant 13 : i32
    %dma_start3A_579 = arith.constant 0 : i32
    %dma_start3A_580 = arith.constant 0 : i32
    %dma_start3A_581 = tpu.memref_slice %arg8[%dma_start3A_578, %dma_start3A_579, %dma_start3A_580] : memref<32x8x128xf32, #tpu.memory_space<vmem>> -> memref<1x8x128xf32, #tpu.memory_space<vmem>>
    %dma_start3A_582 = tpu.memref_squeeze %dma_start3A_581 : memref<1x8x128xf32, #tpu.memory_space<vmem>> -> memref<8x128xf32, #tpu.memory_space<vmem>>
    %dma_start3A_583 = tpu.memref_slice %arg2[%multiple_of3A_577, %multiple_of3A] : memref<100000x1024xf32, #tpu.memory_space<hbm>> -> memref<8x128xf32, #tpu.memory_space<hbm>>
    %dma_start3A_584 = arith.constant 0 : i32
    %dma_start3A_585 = arith.constant 0 : i32
    %dma_start3A_586 = tpu.memref_slice %arg8[%dma_start3A_578, %dma_start3A_584, %dma_start3A_585] : memref<32x8x128xf32, #tpu.memory_space<vmem>> -> memref<1x8x128xf32, #tpu.memory_space<vmem>>
    %dma_start3A_587 = tpu.memref_squeeze %dma_start3A_586 : memref<1x8x128xf32, #tpu.memory_space<vmem>> -> memref<8x128xf32, #tpu.memory_space<vmem>>
    %dma_start3A_588 = tpu.memref_slice %arg2[%multiple_of3A_577, %multiple_of3A] : memref<100000x1024xf32, #tpu.memory_space<hbm>> -> memref<8x128xf32, #tpu.memory_space<hbm>>
    tpu.enqueue_dma source(%dma_start3A_588 : memref<8x128xf32, #tpu.memory_space<hbm>>) target(%dma_start3A_587 : memref<8x128xf32, #tpu.memory_space<vmem>>) target_semaphore(%arg12 : memref<!tpu.dma_semaphore, #tpu.memory_space<semaphore_mem>>)
    %dma_start3A_589 = arith.constant 13 : i32
    %dma_start3A_590 = arith.constant 0 : i32
    %dma_start3A_591 = arith.constant 0 : i32
    %dma_start3A_592 = tpu.memref_slice %arg9[%dma_start3A_589, %dma_start3A_590, %dma_start3A_591] : memref<32x8x128xf32, #tpu.memory_space<vmem>> -> memref<1x8x128xf32, #tpu.memory_space<vmem>>
    %dma_start3A_593 = tpu.memref_squeeze %dma_start3A_592 : memref<1x8x128xf32, #tpu.memory_space<vmem>> -> memref<8x128xf32, #tpu.memory_space<vmem>>
    %dma_start3A_594 = tpu.memref_slice %arg3[%multiple_of3A_577, %multiple_of3A] : memref<100000x1024xf32, #tpu.memory_space<hbm>> -> memref<8x128xf32, #tpu.memory_space<hbm>>
    %dma_start3A_595 = arith.constant 0 : i32
    %dma_start3A_596 = arith.constant 0 : i32
    %dma_start3A_597 = tpu.memref_slice %arg9[%dma_start3A_589, %dma_start3A_595, %dma_start3A_596] : memref<32x8x128xf32, #tpu.memory_space<vmem>> -> memref<1x8x128xf32, #tpu.memory_space<vmem>>
    %dma_start3A_598 = tpu.memref_squeeze %dma_start3A_597 : memref<1x8x128xf32, #tpu.memory_space<vmem>> -> memref<8x128xf32, #tpu.memory_space<vmem>>
    %dma_start3A_599 = tpu.memref_slice %arg3[%multiple_of3A_577, %multiple_of3A] : memref<100000x1024xf32, #tpu.memory_space<hbm>> -> memref<8x128xf32, #tpu.memory_space<hbm>>
    tpu.enqueue_dma source(%dma_start3A_599 : memref<8x128xf32, #tpu.memory_space<hbm>>) target(%dma_start3A_598 : memref<8x128xf32, #tpu.memory_space<vmem>>) target_semaphore(%arg13 : memref<!tpu.dma_semaphore, #tpu.memory_space<semaphore_mem>>)
    %get3A_600 = arith.constant 0 : index
    %get3A_601 = tpu.vector_load %arg7[%get3A_600] {strides = array<i32>} : memref<32xi32, #tpu.memory_space<vmem>>, vector<16xi32>,
    %eq3A_602 = arith.constant 14 : i32
    %eq3A_603 = vector.broadcast %eq3A_602 : i32 to vector<16xi32>
    %eq3A_604 = arith.cmpi eq, %iota3A, %eq3A_603 : vector<16xi32>
    %jit3A_605 = arith.constant -1 : i32
    %broadcast_in_dim3A_606 = vector.broadcast %jit3A_605 : i32 to vector<16xi32>
    %select_n3A_607 = arith.select %eq3A_604, %get3A_601, %broadcast_in_dim3A_606 : vector<16xi1>, vector<16xi32>
    %reduce_max3A_608 = arith.constant true
    %reduce_max3A_609 = vector.broadcast %reduce_max3A_608 : i1 to vector<16xi1>
    %reduce_max3A_610 = arith.constant -2147483648 : i32
    %reduce_max3A_611 = vector.broadcast %reduce_max3A_610 : i32 to vector<16xi32>
    %reduce_max3A_612 = arith.xori %select_n3A_607, %reduce_max3A_611 : vector<16xi32>
    %reduce_max3A_613 = tpu.scan <max>, %reduce_max3A_612 masked %reduce_max3A_609 : vector<16xi32>, vector<16xi1> -> vector<16xi32>
    %reduce_max3A_614 = arith.xori %reduce_max3A_613, %reduce_max3A_611 : vector<16xi32>
    %reduce_max3A_615 = vector.extract %reduce_max3A_614[15] : i32 from vector<16xi32>
    %shift_right_arithmetic3A_616 = arith.constant 3 : i32
    %shift_right_arithmetic3A_617 = arith.shrsi %reduce_max3A_615, %shift_right_arithmetic3A_616 : i32
    %shift_left3A_618 = arith.constant 3 : i32
    %shift_left3A_619 = arith.shli %shift_right_arithmetic3A_617, %shift_left3A_618 : i32
    %multiple_of3A_620 = tpu.assume_multiple %shift_left3A_619, 8 : i32
    %dma_start3A_621 = arith.constant 14 : i32
    %dma_start3A_622 = arith.constant 0 : i32
    %dma_start3A_623 = arith.constant 0 : i32
    %dma_start3A_624 = tpu.memref_slice %arg8[%dma_start3A_621, %dma_start3A_622, %dma_start3A_623] : memref<32x8x128xf32, #tpu.memory_space<vmem>> -> memref<1x8x128xf32, #tpu.memory_space<vmem>>
    %dma_start3A_625 = tpu.memref_squeeze %dma_start3A_624 : memref<1x8x128xf32, #tpu.memory_space<vmem>> -> memref<8x128xf32, #tpu.memory_space<vmem>>
    %dma_start3A_626 = tpu.memref_slice %arg2[%multiple_of3A_620, %multiple_of3A] : memref<100000x1024xf32, #tpu.memory_space<hbm>> -> memref<8x128xf32, #tpu.memory_space<hbm>>
    %dma_start3A_627 = arith.constant 0 : i32
    %dma_start3A_628 = arith.constant 0 : i32
    %dma_start3A_629 = tpu.memref_slice %arg8[%dma_start3A_621, %dma_start3A_627, %dma_start3A_628] : memref<32x8x128xf32, #tpu.memory_space<vmem>> -> memref<1x8x128xf32, #tpu.memory_space<vmem>>
    %dma_start3A_630 = tpu.memref_squeeze %dma_start3A_629 : memref<1x8x128xf32, #tpu.memory_space<vmem>> -> memref<8x128xf32, #tpu.memory_space<vmem>>
    %dma_start3A_631 = tpu.memref_slice %arg2[%multiple_of3A_620, %multiple_of3A] : memref<100000x1024xf32, #tpu.memory_space<hbm>> -> memref<8x128xf32, #tpu.memory_space<hbm>>
    tpu.enqueue_dma source(%dma_start3A_631 : memref<8x128xf32, #tpu.memory_space<hbm>>) target(%dma_start3A_630 : memref<8x128xf32, #tpu.memory_space<vmem>>) target_semaphore(%arg12 : memref<!tpu.dma_semaphore, #tpu.memory_space<semaphore_mem>>)
    %dma_start3A_632 = arith.constant 14 : i32
    %dma_start3A_633 = arith.constant 0 : i32
    %dma_start3A_634 = arith.constant 0 : i32
    %dma_start3A_635 = tpu.memref_slice %arg9[%dma_start3A_632, %dma_start3A_633, %dma_start3A_634] : memref<32x8x128xf32, #tpu.memory_space<vmem>> -> memref<1x8x128xf32, #tpu.memory_space<vmem>>
    %dma_start3A_636 = tpu.memref_squeeze %dma_start3A_635 : memref<1x8x128xf32, #tpu.memory_space<vmem>> -> memref<8x128xf32, #tpu.memory_space<vmem>>
    %dma_start3A_637 = tpu.memref_slice %arg3[%multiple_of3A_620, %multiple_of3A] : memref<100000x1024xf32, #tpu.memory_space<hbm>> -> memref<8x128xf32, #tpu.memory_space<hbm>>
    %dma_start3A_638 = arith.constant 0 : i32
    %dma_start3A_639 = arith.constant 0 : i32
    %dma_start3A_640 = tpu.memref_slice %arg9[%dma_start3A_632, %dma_start3A_638, %dma_start3A_639] : memref<32x8x128xf32, #tpu.memory_space<vmem>> -> memref<1x8x128xf32, #tpu.memory_space<vmem>>
    %dma_start3A_641 = tpu.memref_squeeze %dma_start3A_640 : memref<1x8x128xf32, #tpu.memory_space<vmem>> -> memref<8x128xf32, #tpu.memory_space<vmem>>
    %dma_start3A_642 = tpu.memref_slice %arg3[%multiple_of3A_620, %multiple_of3A] : memref<100000x1024xf32, #tpu.memory_space<hbm>> -> memref<8x128xf32, #tpu.memory_space<hbm>>
    tpu.enqueue_dma source(%dma_start3A_642 : memref<8x128xf32, #tpu.memory_space<hbm>>) target(%dma_start3A_641 : memref<8x128xf32, #tpu.memory_space<vmem>>) target_semaphore(%arg13 : memref<!tpu.dma_semaphore, #tpu.memory_space<semaphore_mem>>)
    %get3A_643 = arith.constant 0 : index
    %get3A_644 = tpu.vector_load %arg7[%get3A_643] {strides = array<i32>} : memref<32xi32, #tpu.memory_space<vmem>>, vector<16xi32>,
    %eq3A_645 = arith.constant 15 : i32
    %eq3A_646 = vector.broadcast %eq3A_645 : i32 to vector<16xi32>
    %eq3A_647 = arith.cmpi eq, %iota3A, %eq3A_646 : vector<16xi32>
    %jit3A_648 = arith.constant -1 : i32
    %broadcast_in_dim3A_649 = vector.broadcast %jit3A_648 : i32 to vector<16xi32>
    %select_n3A_650 = arith.select %eq3A_647, %get3A_644, %broadcast_in_dim3A_649 : vector<16xi1>, vector<16xi32>
    %reduce_max3A_651 = arith.constant true
    %reduce_max3A_652 = vector.broadcast %reduce_max3A_651 : i1 to vector<16xi1>
    %reduce_max3A_653 = arith.constant -2147483648 : i32
    %reduce_max3A_654 = vector.broadcast %reduce_max3A_653 : i32 to vector<16xi32>
    %reduce_max3A_655 = arith.xori %select_n3A_650, %reduce_max3A_654 : vector<16xi32>
    %reduce_max3A_656 = tpu.scan <max>, %reduce_max3A_655 masked %reduce_max3A_652 : vector<16xi32>, vector<16xi1> -> vector<16xi32>
    %reduce_max3A_657 = arith.xori %reduce_max3A_656, %reduce_max3A_654 : vector<16xi32>
    %reduce_max3A_658 = vector.extract %reduce_max3A_657[15] : i32 from vector<16xi32>
    %shift_right_arithmetic3A_659 = arith.constant 3 : i32
    %shift_right_arithmetic3A_660 = arith.shrsi %reduce_max3A_658, %shift_right_arithmetic3A_659 : i32
    %shift_left3A_661 = arith.constant 3 : i32
    %shift_left3A_662 = arith.shli %shift_right_arithmetic3A_660, %shift_left3A_661 : i32
    %multiple_of3A_663 = tpu.assume_multiple %shift_left3A_662, 8 : i32
    %dma_start3A_664 = arith.constant 15 : i32
    %dma_start3A_665 = arith.constant 0 : i32
    %dma_start3A_666 = arith.constant 0 : i32
    %dma_start3A_667 = tpu.memref_slice %arg8[%dma_start3A_664, %dma_start3A_665, %dma_start3A_666] : memref<32x8x128xf32, #tpu.memory_space<vmem>> -> memref<1x8x128xf32, #tpu.memory_space<vmem>>
    %dma_start3A_668 = tpu.memref_squeeze %dma_start3A_667 : memref<1x8x128xf32, #tpu.memory_space<vmem>> -> memref<8x128xf32, #tpu.memory_space<vmem>>
    %dma_start3A_669 = tpu.memref_slice %arg2[%multiple_of3A_663, %multiple_of3A] : memref<100000x1024xf32, #tpu.memory_space<hbm>> -> memref<8x128xf32, #tpu.memory_space<hbm>>
    %dma_start3A_670 = arith.constant 0 : i32
    %dma_start3A_671 = arith.constant 0 : i32
    %dma_start3A_672 = tpu.memref_slice %arg8[%dma_start3A_664, %dma_start3A_670, %dma_start3A_671] : memref<32x8x128xf32, #tpu.memory_space<vmem>> -> memref<1x8x128xf32, #tpu.memory_space<vmem>>
    %dma_start3A_673 = tpu.memref_squeeze %dma_start3A_672 : memref<1x8x128xf32, #tpu.memory_space<vmem>> -> memref<8x128xf32, #tpu.memory_space<vmem>>
    %dma_start3A_674 = tpu.memref_slice %arg2[%multiple_of3A_663, %multiple_of3A] : memref<100000x1024xf32, #tpu.memory_space<hbm>> -> memref<8x128xf32, #tpu.memory_space<hbm>>
    tpu.enqueue_dma source(%dma_start3A_674 : memref<8x128xf32, #tpu.memory_space<hbm>>) target(%dma_start3A_673 : memref<8x128xf32, #tpu.memory_space<vmem>>) target_semaphore(%arg12 : memref<!tpu.dma_semaphore, #tpu.memory_space<semaphore_mem>>)
    %dma_start3A_675 = arith.constant 15 : i32
    %dma_start3A_676 = arith.constant 0 : i32
    %dma_start3A_677 = arith.constant 0 : i32
    %dma_start3A_678 = tpu.memref_slice %arg9[%dma_start3A_675, %dma_start3A_676, %dma_start3A_677] : memref<32x8x128xf32, #tpu.memory_space<vmem>> -> memref<1x8x128xf32, #tpu.memory_space<vmem>>
    %dma_start3A_679 = tpu.memref_squeeze %dma_start3A_678 : memref<1x8x128xf32, #tpu.memory_space<vmem>> -> memref<8x128xf32, #tpu.memory_space<vmem>>
    %dma_start3A_680 = tpu.memref_slice %arg3[%multiple_of3A_663, %multiple_of3A] : memref<100000x1024xf32, #tpu.memory_space<hbm>> -> memref<8x128xf32, #tpu.memory_space<hbm>>
    %dma_start3A_681 = arith.constant 0 : i32
    %dma_start3A_682 = arith.constant 0 : i32
    %dma_start3A_683 = tpu.memref_slice %arg9[%dma_start3A_675, %dma_start3A_681, %dma_start3A_682] : memref<32x8x128xf32, #tpu.memory_space<vmem>> -> memref<1x8x128xf32, #tpu.memory_space<vmem>>
    %dma_start3A_684 = tpu.memref_squeeze %dma_start3A_683 : memref<1x8x128xf32, #tpu.memory_space<vmem>> -> memref<8x128xf32, #tpu.memory_space<vmem>>
    %dma_start3A_685 = tpu.memref_slice %arg3[%multiple_of3A_663, %multiple_of3A] : memref<100000x1024xf32, #tpu.memory_space<hbm>> -> memref<8x128xf32, #tpu.memory_space<hbm>>
    tpu.enqueue_dma source(%dma_start3A_685 : memref<8x128xf32, #tpu.memory_space<hbm>>) target(%dma_start3A_684 : memref<8x128xf32, #tpu.memory_space<vmem>>) target_semaphore(%arg13 : memref<!tpu.dma_semaphore, #tpu.memory_space<semaphore_mem>>)
    %get3A_686 = arith.constant 16 : index
    %get3A_687 = tpu.vector_load %arg7[%get3A_686] {strides = array<i32>} : memref<32xi32, #tpu.memory_space<vmem>>, vector<16xi32>,
    %eq3A_688 = arith.constant 0 : i32
    %eq3A_689 = vector.broadcast %eq3A_688 : i32 to vector<16xi32>
    %eq3A_690 = arith.cmpi eq, %iota3A, %eq3A_689 : vector<16xi32>
    %jit3A_691 = arith.constant -1 : i32
    %broadcast_in_dim3A_692 = vector.broadcast %jit3A_691 : i32 to vector<16xi32>
    %select_n3A_693 = arith.select %eq3A_690, %get3A_687, %broadcast_in_dim3A_692 : vector<16xi1>, vector<16xi32>
    %reduce_max3A_694 = arith.constant true
    %reduce_max3A_695 = vector.broadcast %reduce_max3A_694 : i1 to vector<16xi1>
    %reduce_max3A_696 = arith.constant -2147483648 : i32
    %reduce_max3A_697 = vector.broadcast %reduce_max3A_696 : i32 to vector<16xi32>
    %reduce_max3A_698 = arith.xori %select_n3A_693, %reduce_max3A_697 : vector<16xi32>
    %reduce_max3A_699 = tpu.scan <max>, %reduce_max3A_698 masked %reduce_max3A_695 : vector<16xi32>, vector<16xi1> -> vector<16xi32>
    %reduce_max3A_700 = arith.xori %reduce_max3A_699, %reduce_max3A_697 : vector<16xi32>
    %reduce_max3A_701 = vector.extract %reduce_max3A_700[15] : i32 from vector<16xi32>
    %shift_right_arithmetic3A_702 = arith.constant 3 : i32
    %shift_right_arithmetic3A_703 = arith.shrsi %reduce_max3A_701, %shift_right_arithmetic3A_702 : i32
    %shift_left3A_704 = arith.constant 3 : i32
    %shift_left3A_705 = arith.shli %shift_right_arithmetic3A_703, %shift_left3A_704 : i32
    %multiple_of3A_706 = tpu.assume_multiple %shift_left3A_705, 8 : i32
    %dma_start3A_707 = arith.constant 16 : i32
    %dma_start3A_708 = arith.constant 0 : i32
    %dma_start3A_709 = arith.constant 0 : i32
    %dma_start3A_710 = tpu.memref_slice %arg8[%dma_start3A_707, %dma_start3A_708, %dma_start3A_709] : memref<32x8x128xf32, #tpu.memory_space<vmem>> -> memref<1x8x128xf32, #tpu.memory_space<vmem>>
    %dma_start3A_711 = tpu.memref_squeeze %dma_start3A_710 : memref<1x8x128xf32, #tpu.memory_space<vmem>> -> memref<8x128xf32, #tpu.memory_space<vmem>>
    %dma_start3A_712 = tpu.memref_slice %arg2[%multiple_of3A_706, %multiple_of3A] : memref<100000x1024xf32, #tpu.memory_space<hbm>> -> memref<8x128xf32, #tpu.memory_space<hbm>>
    %dma_start3A_713 = arith.constant 0 : i32
    %dma_start3A_714 = arith.constant 0 : i32
    %dma_start3A_715 = tpu.memref_slice %arg8[%dma_start3A_707, %dma_start3A_713, %dma_start3A_714] : memref<32x8x128xf32, #tpu.memory_space<vmem>> -> memref<1x8x128xf32, #tpu.memory_space<vmem>>
    %dma_start3A_716 = tpu.memref_squeeze %dma_start3A_715 : memref<1x8x128xf32, #tpu.memory_space<vmem>> -> memref<8x128xf32, #tpu.memory_space<vmem>>
    %dma_start3A_717 = tpu.memref_slice %arg2[%multiple_of3A_706, %multiple_of3A] : memref<100000x1024xf32, #tpu.memory_space<hbm>> -> memref<8x128xf32, #tpu.memory_space<hbm>>
    tpu.enqueue_dma source(%dma_start3A_717 : memref<8x128xf32, #tpu.memory_space<hbm>>) target(%dma_start3A_716 : memref<8x128xf32, #tpu.memory_space<vmem>>) target_semaphore(%arg12 : memref<!tpu.dma_semaphore, #tpu.memory_space<semaphore_mem>>)
    %dma_start3A_718 = arith.constant 16 : i32
    %dma_start3A_719 = arith.constant 0 : i32
    %dma_start3A_720 = arith.constant 0 : i32
    %dma_start3A_721 = tpu.memref_slice %arg9[%dma_start3A_718, %dma_start3A_719, %dma_start3A_720] : memref<32x8x128xf32, #tpu.memory_space<vmem>> -> memref<1x8x128xf32, #tpu.memory_space<vmem>>
    %dma_start3A_722 = tpu.memref_squeeze %dma_start3A_721 : memref<1x8x128xf32, #tpu.memory_space<vmem>> -> memref<8x128xf32, #tpu.memory_space<vmem>>
    %dma_start3A_723 = tpu.memref_slice %arg3[%multiple_of3A_706, %multiple_of3A] : memref<100000x1024xf32, #tpu.memory_space<hbm>> -> memref<8x128xf32, #tpu.memory_space<hbm>>
    %dma_start3A_724 = arith.constant 0 : i32
    %dma_start3A_725 = arith.constant 0 : i32
    %dma_start3A_726 = tpu.memref_slice %arg9[%dma_start3A_718, %dma_start3A_724, %dma_start3A_725] : memref<32x8x128xf32, #tpu.memory_space<vmem>> -> memref<1x8x128xf32, #tpu.memory_space<vmem>>
    %dma_start3A_727 = tpu.memref_squeeze %dma_start3A_726 : memref<1x8x128xf32, #tpu.memory_space<vmem>> -> memref<8x128xf32, #tpu.memory_space<vmem>>
    %dma_start3A_728 = tpu.memref_slice %arg3[%multiple_of3A_706, %multiple_of3A] : memref<100000x1024xf32, #tpu.memory_space<hbm>> -> memref<8x128xf32, #tpu.memory_space<hbm>>
    tpu.enqueue_dma source(%dma_start3A_728 : memref<8x128xf32, #tpu.memory_space<hbm>>) target(%dma_start3A_727 : memref<8x128xf32, #tpu.memory_space<vmem>>) target_semaphore(%arg13 : memref<!tpu.dma_semaphore, #tpu.memory_space<semaphore_mem>>)
    %get3A_729 = arith.constant 16 : index
    %get3A_730 = tpu.vector_load %arg7[%get3A_729] {strides = array<i32>} : memref<32xi32, #tpu.memory_space<vmem>>, vector<16xi32>,
    %eq3A_731 = arith.constant 1 : i32
    %eq3A_732 = vector.broadcast %eq3A_731 : i32 to vector<16xi32>
    %eq3A_733 = arith.cmpi eq, %iota3A, %eq3A_732 : vector<16xi32>
    %jit3A_734 = arith.constant -1 : i32
    %broadcast_in_dim3A_735 = vector.broadcast %jit3A_734 : i32 to vector<16xi32>
    %select_n3A_736 = arith.select %eq3A_733, %get3A_730, %broadcast_in_dim3A_735 : vector<16xi1>, vector<16xi32>
    %reduce_max3A_737 = arith.constant true
    %reduce_max3A_738 = vector.broadcast %reduce_max3A_737 : i1 to vector<16xi1>
    %reduce_max3A_739 = arith.constant -2147483648 : i32
    %reduce_max3A_740 = vector.broadcast %reduce_max3A_739 : i32 to vector<16xi32>
    %reduce_max3A_741 = arith.xori %select_n3A_736, %reduce_max3A_740 : vector<16xi32>
    %reduce_max3A_742 = tpu.scan <max>, %reduce_max3A_741 masked %reduce_max3A_738 : vector<16xi32>, vector<16xi1> -> vector<16xi32>
    %reduce_max3A_743 = arith.xori %reduce_max3A_742, %reduce_max3A_740 : vector<16xi32>
    %reduce_max3A_744 = vector.extract %reduce_max3A_743[15] : i32 from vector<16xi32>
    %shift_right_arithmetic3A_745 = arith.constant 3 : i32
    %shift_right_arithmetic3A_746 = arith.shrsi %reduce_max3A_744, %shift_right_arithmetic3A_745 : i32
    %shift_left3A_747 = arith.constant 3 : i32
    %shift_left3A_748 = arith.shli %shift_right_arithmetic3A_746, %shift_left3A_747 : i32
    %multiple_of3A_749 = tpu.assume_multiple %shift_left3A_748, 8 : i32
    %dma_start3A_750 = arith.constant 17 : i32
    %dma_start3A_751 = arith.constant 0 : i32
    %dma_start3A_752 = arith.constant 0 : i32
    %dma_start3A_753 = tpu.memref_slice %arg8[%dma_start3A_750, %dma_start3A_751, %dma_start3A_752] : memref<32x8x128xf32, #tpu.memory_space<vmem>> -> memref<1x8x128xf32, #tpu.memory_space<vmem>>
    %dma_start3A_754 = tpu.memref_squeeze %dma_start3A_753 : memref<1x8x128xf32, #tpu.memory_space<vmem>> -> memref<8x128xf32, #tpu.memory_space<vmem>>
    %dma_start3A_755 = tpu.memref_slice %arg2[%multiple_of3A_749, %multiple_of3A] : memref<100000x1024xf32, #tpu.memory_space<hbm>> -> memref<8x128xf32, #tpu.memory_space<hbm>>
    %dma_start3A_756 = arith.constant 0 : i32
    %dma_start3A_757 = arith.constant 0 : i32
    %dma_start3A_758 = tpu.memref_slice %arg8[%dma_start3A_750, %dma_start3A_756, %dma_start3A_757] : memref<32x8x128xf32, #tpu.memory_space<vmem>> -> memref<1x8x128xf32, #tpu.memory_space<vmem>>
    %dma_start3A_759 = tpu.memref_squeeze %dma_start3A_758 : memref<1x8x128xf32, #tpu.memory_space<vmem>> -> memref<8x128xf32, #tpu.memory_space<vmem>>
    %dma_start3A_760 = tpu.memref_slice %arg2[%multiple_of3A_749, %multiple_of3A] : memref<100000x1024xf32, #tpu.memory_space<hbm>> -> memref<8x128xf32, #tpu.memory_space<hbm>>
    tpu.enqueue_dma source(%dma_start3A_760 : memref<8x128xf32, #tpu.memory_space<hbm>>) target(%dma_start3A_759 : memref<8x128xf32, #tpu.memory_space<vmem>>) target_semaphore(%arg12 : memref<!tpu.dma_semaphore, #tpu.memory_space<semaphore_mem>>)
    %dma_start3A_761 = arith.constant 17 : i32
    %dma_start3A_762 = arith.constant 0 : i32
    %dma_start3A_763 = arith.constant 0 : i32
    %dma_start3A_764 = tpu.memref_slice %arg9[%dma_start3A_761, %dma_start3A_762, %dma_start3A_763] : memref<32x8x128xf32, #tpu.memory_space<vmem>> -> memref<1x8x128xf32, #tpu.memory_space<vmem>>
    %dma_start3A_765 = tpu.memref_squeeze %dma_start3A_764 : memref<1x8x128xf32, #tpu.memory_space<vmem>> -> memref<8x128xf32, #tpu.memory_space<vmem>>
    %dma_start3A_766 = tpu.memref_slice %arg3[%multiple_of3A_749, %multiple_of3A] : memref<100000x1024xf32, #tpu.memory_space<hbm>> -> memref<8x128xf32, #tpu.memory_space<hbm>>
    %dma_start3A_767 = arith.constant 0 : i32
    %dma_start3A_768 = arith.constant 0 : i32
    %dma_start3A_769 = tpu.memref_slice %arg9[%dma_start3A_761, %dma_start3A_767, %dma_start3A_768] : memref<32x8x128xf32, #tpu.memory_space<vmem>> -> memref<1x8x128xf32, #tpu.memory_space<vmem>>
    %dma_start3A_770 = tpu.memref_squeeze %dma_start3A_769 : memref<1x8x128xf32, #tpu.memory_space<vmem>> -> memref<8x128xf32, #tpu.memory_space<vmem>>
    %dma_start3A_771 = tpu.memref_slice %arg3[%multiple_of3A_749, %multiple_of3A] : memref<100000x1024xf32, #tpu.memory_space<hbm>> -> memref<8x128xf32, #tpu.memory_space<hbm>>
    tpu.enqueue_dma source(%dma_start3A_771 : memref<8x128xf32, #tpu.memory_space<hbm>>) target(%dma_start3A_770 : memref<8x128xf32, #tpu.memory_space<vmem>>) target_semaphore(%arg13 : memref<!tpu.dma_semaphore, #tpu.memory_space<semaphore_mem>>)
    %get3A_772 = arith.constant 16 : index
    %get3A_773 = tpu.vector_load %arg7[%get3A_772] {strides = array<i32>} : memref<32xi32, #tpu.memory_space<vmem>>, vector<16xi32>,
    %eq3A_774 = arith.constant 2 : i32
    %eq3A_775 = vector.broadcast %eq3A_774 : i32 to vector<16xi32>
    %eq3A_776 = arith.cmpi eq, %iota3A, %eq3A_775 : vector<16xi32>
    %jit3A_777 = arith.constant -1 : i32
    %broadcast_in_dim3A_778 = vector.broadcast %jit3A_777 : i32 to vector<16xi32>
    %select_n3A_779 = arith.select %eq3A_776, %get3A_773, %broadcast_in_dim3A_778 : vector<16xi1>, vector<16xi32>
    %reduce_max3A_780 = arith.constant true
    %reduce_max3A_781 = vector.broadcast %reduce_max3A_780 : i1 to vector<16xi1>
    %reduce_max3A_782 = arith.constant -2147483648 : i32
    %reduce_max3A_783 = vector.broadcast %reduce_max3A_782 : i32 to vector<16xi32>
    %reduce_max3A_784 = arith.xori %select_n3A_779, %reduce_max3A_783 : vector<16xi32>
    %reduce_max3A_785 = tpu.scan <max>, %reduce_max3A_784 masked %reduce_max3A_781 : vector<16xi32>, vector<16xi1> -> vector<16xi32>
    %reduce_max3A_786 = arith.xori %reduce_max3A_785, %reduce_max3A_783 : vector<16xi32>
    %reduce_max3A_787 = vector.extract %reduce_max3A_786[15] : i32 from vector<16xi32>
    %shift_right_arithmetic3A_788 = arith.constant 3 : i32
    %shift_right_arithmetic3A_789 = arith.shrsi %reduce_max3A_787, %shift_right_arithmetic3A_788 : i32
    %shift_left3A_790 = arith.constant 3 : i32
    %shift_left3A_791 = arith.shli %shift_right_arithmetic3A_789, %shift_left3A_790 : i32
    %multiple_of3A_792 = tpu.assume_multiple %shift_left3A_791, 8 : i32
    %dma_start3A_793 = arith.constant 18 : i32
    %dma_start3A_794 = arith.constant 0 : i32
    %dma_start3A_795 = arith.constant 0 : i32
    %dma_start3A_796 = tpu.memref_slice %arg8[%dma_start3A_793, %dma_start3A_794, %dma_start3A_795] : memref<32x8x128xf32, #tpu.memory_space<vmem>> -> memref<1x8x128xf32, #tpu.memory_space<vmem>>
    %dma_start3A_797 = tpu.memref_squeeze %dma_start3A_796 : memref<1x8x128xf32, #tpu.memory_space<vmem>> -> memref<8x128xf32, #tpu.memory_space<vmem>>
    %dma_start3A_798 = tpu.memref_slice %arg2[%multiple_of3A_792, %multiple_of3A] : memref<100000x1024xf32, #tpu.memory_space<hbm>> -> memref<8x128xf32, #tpu.memory_space<hbm>>
    %dma_start3A_799 = arith.constant 0 : i32
    %dma_start3A_800 = arith.constant 0 : i32
    %dma_start3A_801 = tpu.memref_slice %arg8[%dma_start3A_793, %dma_start3A_799, %dma_start3A_800] : memref<32x8x128xf32, #tpu.memory_space<vmem>> -> memref<1x8x128xf32, #tpu.memory_space<vmem>>
    %dma_start3A_802 = tpu.memref_squeeze %dma_start3A_801 : memref<1x8x128xf32, #tpu.memory_space<vmem>> -> memref<8x128xf32, #tpu.memory_space<vmem>>
    %dma_start3A_803 = tpu.memref_slice %arg2[%multiple_of3A_792, %multiple_of3A] : memref<100000x1024xf32, #tpu.memory_space<hbm>> -> memref<8x128xf32, #tpu.memory_space<hbm>>
    tpu.enqueue_dma source(%dma_start3A_803 : memref<8x128xf32, #tpu.memory_space<hbm>>) target(%dma_start3A_802 : memref<8x128xf32, #tpu.memory_space<vmem>>) target_semaphore(%arg12 : memref<!tpu.dma_semaphore, #tpu.memory_space<semaphore_mem>>)
    %dma_start3A_804 = arith.constant 18 : i32
    %dma_start3A_805 = arith.constant 0 : i32
    %dma_start3A_806 = arith.constant 0 : i32
    %dma_start3A_807 = tpu.memref_slice %arg9[%dma_start3A_804, %dma_start3A_805, %dma_start3A_806] : memref<32x8x128xf32, #tpu.memory_space<vmem>> -> memref<1x8x128xf32, #tpu.memory_space<vmem>>
    %dma_start3A_808 = tpu.memref_squeeze %dma_start3A_807 : memref<1x8x128xf32, #tpu.memory_space<vmem>> -> memref<8x128xf32, #tpu.memory_space<vmem>>
    %dma_start3A_809 = tpu.memref_slice %arg3[%multiple_of3A_792, %multiple_of3A] : memref<100000x1024xf32, #tpu.memory_space<hbm>> -> memref<8x128xf32, #tpu.memory_space<hbm>>
    %dma_start3A_810 = arith.constant 0 : i32
    %dma_start3A_811 = arith.constant 0 : i32
    %dma_start3A_812 = tpu.memref_slice %arg9[%dma_start3A_804, %dma_start3A_810, %dma_start3A_811] : memref<32x8x128xf32, #tpu.memory_space<vmem>> -> memref<1x8x128xf32, #tpu.memory_space<vmem>>
    %dma_start3A_813 = tpu.memref_squeeze %dma_start3A_812 : memref<1x8x128xf32, #tpu.memory_space<vmem>> -> memref<8x128xf32, #tpu.memory_space<vmem>>
    %dma_start3A_814 = tpu.memref_slice %arg3[%multiple_of3A_792, %multiple_of3A] : memref<100000x1024xf32, #tpu.memory_space<hbm>> -> memref<8x128xf32, #tpu.memory_space<hbm>>
    tpu.enqueue_dma source(%dma_start3A_814 : memref<8x128xf32, #tpu.memory_space<hbm>>) target(%dma_start3A_813 : memref<8x128xf32, #tpu.memory_space<vmem>>) target_semaphore(%arg13 : memref<!tpu.dma_semaphore, #tpu.memory_space<semaphore_mem>>)
    %get3A_815 = arith.constant 16 : index
    %get3A_816 = tpu.vector_load %arg7[%get3A_815] {strides = array<i32>} : memref<32xi32, #tpu.memory_space<vmem>>, vector<16xi32>,
    %eq3A_817 = arith.constant 3 : i32
    %eq3A_818 = vector.broadcast %eq3A_817 : i32 to vector<16xi32>
    %eq3A_819 = arith.cmpi eq, %iota3A, %eq3A_818 : vector<16xi32>
    %jit3A_820 = arith.constant -1 : i32
    %broadcast_in_dim3A_821 = vector.broadcast %jit3A_820 : i32 to vector<16xi32>
    %select_n3A_822 = arith.select %eq3A_819, %get3A_816, %broadcast_in_dim3A_821 : vector<16xi1>, vector<16xi32>
    %reduce_max3A_823 = arith.constant true
    %reduce_max3A_824 = vector.broadcast %reduce_max3A_823 : i1 to vector<16xi1>
    %reduce_max3A_825 = arith.constant -2147483648 : i32
    %reduce_max3A_826 = vector.broadcast %reduce_max3A_825 : i32 to vector<16xi32>
    %reduce_max3A_827 = arith.xori %select_n3A_822, %reduce_max3A_826 : vector<16xi32>
    %reduce_max3A_828 = tpu.scan <max>, %reduce_max3A_827 masked %reduce_max3A_824 : vector<16xi32>, vector<16xi1> -> vector<16xi32>
    %reduce_max3A_829 = arith.xori %reduce_max3A_828, %reduce_max3A_826 : vector<16xi32>
    %reduce_max3A_830 = vector.extract %reduce_max3A_829[15] : i32 from vector<16xi32>
    %shift_right_arithmetic3A_831 = arith.constant 3 : i32
    %shift_right_arithmetic3A_832 = arith.shrsi %reduce_max3A_830, %shift_right_arithmetic3A_831 : i32
    %shift_left3A_833 = arith.constant 3 : i32
    %shift_left3A_834 = arith.shli %shift_right_arithmetic3A_832, %shift_left3A_833 : i32
    %multiple_of3A_835 = tpu.assume_multiple %shift_left3A_834, 8 : i32
    %dma_start3A_836 = arith.constant 19 : i32
    %dma_start3A_837 = arith.constant 0 : i32
    %dma_start3A_838 = arith.constant 0 : i32
    %dma_start3A_839 = tpu.memref_slice %arg8[%dma_start3A_836, %dma_start3A_837, %dma_start3A_838] : memref<32x8x128xf32, #tpu.memory_space<vmem>> -> memref<1x8x128xf32, #tpu.memory_space<vmem>>
    %dma_start3A_840 = tpu.memref_squeeze %dma_start3A_839 : memref<1x8x128xf32, #tpu.memory_space<vmem>> -> memref<8x128xf32, #tpu.memory_space<vmem>>
    %dma_start3A_841 = tpu.memref_slice %arg2[%multiple_of3A_835, %multiple_of3A] : memref<100000x1024xf32, #tpu.memory_space<hbm>> -> memref<8x128xf32, #tpu.memory_space<hbm>>
    %dma_start3A_842 = arith.constant 0 : i32
    %dma_start3A_843 = arith.constant 0 : i32
    %dma_start3A_844 = tpu.memref_slice %arg8[%dma_start3A_836, %dma_start3A_842, %dma_start3A_843] : memref<32x8x128xf32, #tpu.memory_space<vmem>> -> memref<1x8x128xf32, #tpu.memory_space<vmem>>
    %dma_start3A_845 = tpu.memref_squeeze %dma_start3A_844 : memref<1x8x128xf32, #tpu.memory_space<vmem>> -> memref<8x128xf32, #tpu.memory_space<vmem>>
    %dma_start3A_846 = tpu.memref_slice %arg2[%multiple_of3A_835, %multiple_of3A] : memref<100000x1024xf32, #tpu.memory_space<hbm>> -> memref<8x128xf32, #tpu.memory_space<hbm>>
    tpu.enqueue_dma source(%dma_start3A_846 : memref<8x128xf32, #tpu.memory_space<hbm>>) target(%dma_start3A_845 : memref<8x128xf32, #tpu.memory_space<vmem>>) target_semaphore(%arg12 : memref<!tpu.dma_semaphore, #tpu.memory_space<semaphore_mem>>)
    %dma_start3A_847 = arith.constant 19 : i32
    %dma_start3A_848 = arith.constant 0 : i32
    %dma_start3A_849 = arith.constant 0 : i32
    %dma_start3A_850 = tpu.memref_slice %arg9[%dma_start3A_847, %dma_start3A_848, %dma_start3A_849] : memref<32x8x128xf32, #tpu.memory_space<vmem>> -> memref<1x8x128xf32, #tpu.memory_space<vmem>>
    %dma_start3A_851 = tpu.memref_squeeze %dma_start3A_850 : memref<1x8x128xf32, #tpu.memory_space<vmem>> -> memref<8x128xf32, #tpu.memory_space<vmem>>
    %dma_start3A_852 = tpu.memref_slice %arg3[%multiple_of3A_835, %multiple_of3A] : memref<100000x1024xf32, #tpu.memory_space<hbm>> -> memref<8x128xf32, #tpu.memory_space<hbm>>
    %dma_start3A_853 = arith.constant 0 : i32
    %dma_start3A_854 = arith.constant 0 : i32
    %dma_start3A_855 = tpu.memref_slice %arg9[%dma_start3A_847, %dma_start3A_853, %dma_start3A_854] : memref<32x8x128xf32, #tpu.memory_space<vmem>> -> memref<1x8x128xf32, #tpu.memory_space<vmem>>
    %dma_start3A_856 = tpu.memref_squeeze %dma_start3A_855 : memref<1x8x128xf32, #tpu.memory_space<vmem>> -> memref<8x128xf32, #tpu.memory_space<vmem>>
    %dma_start3A_857 = tpu.memref_slice %arg3[%multiple_of3A_835, %multiple_of3A] : memref<100000x1024xf32, #tpu.memory_space<hbm>> -> memref<8x128xf32, #tpu.memory_space<hbm>>
    tpu.enqueue_dma source(%dma_start3A_857 : memref<8x128xf32, #tpu.memory_space<hbm>>) target(%dma_start3A_856 : memref<8x128xf32, #tpu.memory_space<vmem>>) target_semaphore(%arg13 : memref<!tpu.dma_semaphore, #tpu.memory_space<semaphore_mem>>)
    %get3A_858 = arith.constant 16 : index
    %get3A_859 = tpu.vector_load %arg7[%get3A_858] {strides = array<i32>} : memref<32xi32, #tpu.memory_space<vmem>>, vector<16xi32>,
    %eq3A_860 = arith.constant 4 : i32
    %eq3A_861 = vector.broadcast %eq3A_860 : i32 to vector<16xi32>
    %eq3A_862 = arith.cmpi eq, %iota3A, %eq3A_861 : vector<16xi32>
    %jit3A_863 = arith.constant -1 : i32
    %broadcast_in_dim3A_864 = vector.broadcast %jit3A_863 : i32 to vector<16xi32>
    %select_n3A_865 = arith.select %eq3A_862, %get3A_859, %broadcast_in_dim3A_864 : vector<16xi1>, vector<16xi32>
    %reduce_max3A_866 = arith.constant true
    %reduce_max3A_867 = vector.broadcast %reduce_max3A_866 : i1 to vector<16xi1>
    %reduce_max3A_868 = arith.constant -2147483648 : i32
    %reduce_max3A_869 = vector.broadcast %reduce_max3A_868 : i32 to vector<16xi32>
    %reduce_max3A_870 = arith.xori %select_n3A_865, %reduce_max3A_869 : vector<16xi32>
    %reduce_max3A_871 = tpu.scan <max>, %reduce_max3A_870 masked %reduce_max3A_867 : vector<16xi32>, vector<16xi1> -> vector<16xi32>
    %reduce_max3A_872 = arith.xori %reduce_max3A_871, %reduce_max3A_869 : vector<16xi32>
    %reduce_max3A_873 = vector.extract %reduce_max3A_872[15] : i32 from vector<16xi32>
    %shift_right_arithmetic3A_874 = arith.constant 3 : i32
    %shift_right_arithmetic3A_875 = arith.shrsi %reduce_max3A_873, %shift_right_arithmetic3A_874 : i32
    %shift_left3A_876 = arith.constant 3 : i32
    %shift_left3A_877 = arith.shli %shift_right_arithmetic3A_875, %shift_left3A_876 : i32
    %multiple_of3A_878 = tpu.assume_multiple %shift_left3A_877, 8 : i32
    %dma_start3A_879 = arith.constant 20 : i32
    %dma_start3A_880 = arith.constant 0 : i32
    %dma_start3A_881 = arith.constant 0 : i32
    %dma_start3A_882 = tpu.memref_slice %arg8[%dma_start3A_879, %dma_start3A_880, %dma_start3A_881] : memref<32x8x128xf32, #tpu.memory_space<vmem>> -> memref<1x8x128xf32, #tpu.memory_space<vmem>>
    %dma_start3A_883 = tpu.memref_squeeze %dma_start3A_882 : memref<1x8x128xf32, #tpu.memory_space<vmem>> -> memref<8x128xf32, #tpu.memory_space<vmem>>
    %dma_start3A_884 = tpu.memref_slice %arg2[%multiple_of3A_878, %multiple_of3A] : memref<100000x1024xf32, #tpu.memory_space<hbm>> -> memref<8x128xf32, #tpu.memory_space<hbm>>
    %dma_start3A_885 = arith.constant 0 : i32
    %dma_start3A_886 = arith.constant 0 : i32
    %dma_start3A_887 = tpu.memref_slice %arg8[%dma_start3A_879, %dma_start3A_885, %dma_start3A_886] : memref<32x8x128xf32, #tpu.memory_space<vmem>> -> memref<1x8x128xf32, #tpu.memory_space<vmem>>
    %dma_start3A_888 = tpu.memref_squeeze %dma_start3A_887 : memref<1x8x128xf32, #tpu.memory_space<vmem>> -> memref<8x128xf32, #tpu.memory_space<vmem>>
    %dma_start3A_889 = tpu.memref_slice %arg2[%multiple_of3A_878, %multiple_of3A] : memref<100000x1024xf32, #tpu.memory_space<hbm>> -> memref<8x128xf32, #tpu.memory_space<hbm>>
    tpu.enqueue_dma source(%dma_start3A_889 : memref<8x128xf32, #tpu.memory_space<hbm>>) target(%dma_start3A_888 : memref<8x128xf32, #tpu.memory_space<vmem>>) target_semaphore(%arg12 : memref<!tpu.dma_semaphore, #tpu.memory_space<semaphore_mem>>)
    %dma_start3A_890 = arith.constant 20 : i32
    %dma_start3A_891 = arith.constant 0 : i32
    %dma_start3A_892 = arith.constant 0 : i32
    %dma_start3A_893 = tpu.memref_slice %arg9[%dma_start3A_890, %dma_start3A_891, %dma_start3A_892] : memref<32x8x128xf32, #tpu.memory_space<vmem>> -> memref<1x8x128xf32, #tpu.memory_space<vmem>>
    %dma_start3A_894 = tpu.memref_squeeze %dma_start3A_893 : memref<1x8x128xf32, #tpu.memory_space<vmem>> -> memref<8x128xf32, #tpu.memory_space<vmem>>
    %dma_start3A_895 = tpu.memref_slice %arg3[%multiple_of3A_878, %multiple_of3A] : memref<100000x1024xf32, #tpu.memory_space<hbm>> -> memref<8x128xf32, #tpu.memory_space<hbm>>
    %dma_start3A_896 = arith.constant 0 : i32
    %dma_start3A_897 = arith.constant 0 : i32
    %dma_start3A_898 = tpu.memref_slice %arg9[%dma_start3A_890, %dma_start3A_896, %dma_start3A_897] : memref<32x8x128xf32, #tpu.memory_space<vmem>> -> memref<1x8x128xf32, #tpu.memory_space<vmem>>
    %dma_start3A_899 = tpu.memref_squeeze %dma_start3A_898 : memref<1x8x128xf32, #tpu.memory_space<vmem>> -> memref<8x128xf32, #tpu.memory_space<vmem>>
    %dma_start3A_900 = tpu.memref_slice %arg3[%multiple_of3A_878, %multiple_of3A] : memref<100000x1024xf32, #tpu.memory_space<hbm>> -> memref<8x128xf32, #tpu.memory_space<hbm>>
    tpu.enqueue_dma source(%dma_start3A_900 : memref<8x128xf32, #tpu.memory_space<hbm>>) target(%dma_start3A_899 : memref<8x128xf32, #tpu.memory_space<vmem>>) target_semaphore(%arg13 : memref<!tpu.dma_semaphore, #tpu.memory_space<semaphore_mem>>)
    %get3A_901 = arith.constant 16 : index
    %get3A_902 = tpu.vector_load %arg7[%get3A_901] {strides = array<i32>} : memref<32xi32, #tpu.memory_space<vmem>>, vector<16xi32>,
    %eq3A_903 = arith.constant 5 : i32
    %eq3A_904 = vector.broadcast %eq3A_903 : i32 to vector<16xi32>
    %eq3A_905 = arith.cmpi eq, %iota3A, %eq3A_904 : vector<16xi32>
    %jit3A_906 = arith.constant -1 : i32
    %broadcast_in_dim3A_907 = vector.broadcast %jit3A_906 : i32 to vector<16xi32>
    %select_n3A_908 = arith.select %eq3A_905, %get3A_902, %broadcast_in_dim3A_907 : vector<16xi1>, vector<16xi32>
    %reduce_max3A_909 = arith.constant true
    %reduce_max3A_910 = vector.broadcast %reduce_max3A_909 : i1 to vector<16xi1>
    %reduce_max3A_911 = arith.constant -2147483648 : i32
    %reduce_max3A_912 = vector.broadcast %reduce_max3A_911 : i32 to vector<16xi32>
    %reduce_max3A_913 = arith.xori %select_n3A_908, %reduce_max3A_912 : vector<16xi32>
    %reduce_max3A_914 = tpu.scan <max>, %reduce_max3A_913 masked %reduce_max3A_910 : vector<16xi32>, vector<16xi1> -> vector<16xi32>
    %reduce_max3A_915 = arith.xori %reduce_max3A_914, %reduce_max3A_912 : vector<16xi32>
    %reduce_max3A_916 = vector.extract %reduce_max3A_915[15] : i32 from vector<16xi32>
    %shift_right_arithmetic3A_917 = arith.constant 3 : i32
    %shift_right_arithmetic3A_918 = arith.shrsi %reduce_max3A_916, %shift_right_arithmetic3A_917 : i32
    %shift_left3A_919 = arith.constant 3 : i32
    %shift_left3A_920 = arith.shli %shift_right_arithmetic3A_918, %shift_left3A_919 : i32
    %multiple_of3A_921 = tpu.assume_multiple %shift_left3A_920, 8 : i32
    %dma_start3A_922 = arith.constant 21 : i32
    %dma_start3A_923 = arith.constant 0 : i32
    %dma_start3A_924 = arith.constant 0 : i32
    %dma_start3A_925 = tpu.memref_slice %arg8[%dma_start3A_922, %dma_start3A_923, %dma_start3A_924] : memref<32x8x128xf32, #tpu.memory_space<vmem>> -> memref<1x8x128xf32, #tpu.memory_space<vmem>>
    %dma_start3A_926 = tpu.memref_squeeze %dma_start3A_925 : memref<1x8x128xf32, #tpu.memory_space<vmem>> -> memref<8x128xf32, #tpu.memory_space<vmem>>
    %dma_start3A_927 = tpu.memref_slice %arg2[%multiple_of3A_921, %multiple_of3A] : memref<100000x1024xf32, #tpu.memory_space<hbm>> -> memref<8x128xf32, #tpu.memory_space<hbm>>
    %dma_start3A_928 = arith.constant 0 : i32
    %dma_start3A_929 = arith.constant 0 : i32
    %dma_start3A_930 = tpu.memref_slice %arg8[%dma_start3A_922, %dma_start3A_928, %dma_start3A_929] : memref<32x8x128xf32, #tpu.memory_space<vmem>> -> memref<1x8x128xf32, #tpu.memory_space<vmem>>
    %dma_start3A_931 = tpu.memref_squeeze %dma_start3A_930 : memref<1x8x128xf32, #tpu.memory_space<vmem>> -> memref<8x128xf32, #tpu.memory_space<vmem>>
    %dma_start3A_932 = tpu.memref_slice %arg2[%multiple_of3A_921, %multiple_of3A] : memref<100000x1024xf32, #tpu.memory_space<hbm>> -> memref<8x128xf32, #tpu.memory_space<hbm>>
    tpu.enqueue_dma source(%dma_start3A_932 : memref<8x128xf32, #tpu.memory_space<hbm>>) target(%dma_start3A_931 : memref<8x128xf32, #tpu.memory_space<vmem>>) target_semaphore(%arg12 : memref<!tpu.dma_semaphore, #tpu.memory_space<semaphore_mem>>)
    %dma_start3A_933 = arith.constant 21 : i32
    %dma_start3A_934 = arith.constant 0 : i32
    %dma_start3A_935 = arith.constant 0 : i32
    %dma_start3A_936 = tpu.memref_slice %arg9[%dma_start3A_933, %dma_start3A_934, %dma_start3A_935] : memref<32x8x128xf32, #tpu.memory_space<vmem>> -> memref<1x8x128xf32, #tpu.memory_space<vmem>>
    %dma_start3A_937 = tpu.memref_squeeze %dma_start3A_936 : memref<1x8x128xf32, #tpu.memory_space<vmem>> -> memref<8x128xf32, #tpu.memory_space<vmem>>
    %dma_start3A_938 = tpu.memref_slice %arg3[%multiple_of3A_921, %multiple_of3A] : memref<100000x1024xf32, #tpu.memory_space<hbm>> -> memref<8x128xf32, #tpu.memory_space<hbm>>
    %dma_start3A_939 = arith.constant 0 : i32
    %dma_start3A_940 = arith.constant 0 : i32
    %dma_start3A_941 = tpu.memref_slice %arg9[%dma_start3A_933, %dma_start3A_939, %dma_start3A_940] : memref<32x8x128xf32, #tpu.memory_space<vmem>> -> memref<1x8x128xf32, #tpu.memory_space<vmem>>
    %dma_start3A_942 = tpu.memref_squeeze %dma_start3A_941 : memref<1x8x128xf32, #tpu.memory_space<vmem>> -> memref<8x128xf32, #tpu.memory_space<vmem>>
    %dma_start3A_943 = tpu.memref_slice %arg3[%multiple_of3A_921, %multiple_of3A] : memref<100000x1024xf32, #tpu.memory_space<hbm>> -> memref<8x128xf32, #tpu.memory_space<hbm>>
    tpu.enqueue_dma source(%dma_start3A_943 : memref<8x128xf32, #tpu.memory_space<hbm>>) target(%dma_start3A_942 : memref<8x128xf32, #tpu.memory_space<vmem>>) target_semaphore(%arg13 : memref<!tpu.dma_semaphore, #tpu.memory_space<semaphore_mem>>)
    %get3A_944 = arith.constant 16 : index
    %get3A_945 = tpu.vector_load %arg7[%get3A_944] {strides = array<i32>} : memref<32xi32, #tpu.memory_space<vmem>>, vector<16xi32>,
    %eq3A_946 = arith.constant 6 : i32
    %eq3A_947 = vector.broadcast %eq3A_946 : i32 to vector<16xi32>
    %eq3A_948 = arith.cmpi eq, %iota3A, %eq3A_947 : vector<16xi32>
    %jit3A_949 = arith.constant -1 : i32
    %broadcast_in_dim3A_950 = vector.broadcast %jit3A_949 : i32 to vector<16xi32>
    %select_n3A_951 = arith.select %eq3A_948, %get3A_945, %broadcast_in_dim3A_950 : vector<16xi1>, vector<16xi32>
    %reduce_max3A_952 = arith.constant true
    %reduce_max3A_953 = vector.broadcast %reduce_max3A_952 : i1 to vector<16xi1>
    %reduce_max3A_954 = arith.constant -2147483648 : i32
    %reduce_max3A_955 = vector.broadcast %reduce_max3A_954 : i32 to vector<16xi32>
    %reduce_max3A_956 = arith.xori %select_n3A_951, %reduce_max3A_955 : vector<16xi32>
    %reduce_max3A_957 = tpu.scan <max>, %reduce_max3A_956 masked %reduce_max3A_953 : vector<16xi32>, vector<16xi1> -> vector<16xi32>
    %reduce_max3A_958 = arith.xori %reduce_max3A_957, %reduce_max3A_955 : vector<16xi32>
    %reduce_max3A_959 = vector.extract %reduce_max3A_958[15] : i32 from vector<16xi32>
    %shift_right_arithmetic3A_960 = arith.constant 3 : i32
    %shift_right_arithmetic3A_961 = arith.shrsi %reduce_max3A_959, %shift_right_arithmetic3A_960 : i32
    %shift_left3A_962 = arith.constant 3 : i32
    %shift_left3A_963 = arith.shli %shift_right_arithmetic3A_961, %shift_left3A_962 : i32
    %multiple_of3A_964 = tpu.assume_multiple %shift_left3A_963, 8 : i32
    %dma_start3A_965 = arith.constant 22 : i32
    %dma_start3A_966 = arith.constant 0 : i32
    %dma_start3A_967 = arith.constant 0 : i32
    %dma_start3A_968 = tpu.memref_slice %arg8[%dma_start3A_965, %dma_start3A_966, %dma_start3A_967] : memref<32x8x128xf32, #tpu.memory_space<vmem>> -> memref<1x8x128xf32, #tpu.memory_space<vmem>>
    %dma_start3A_969 = tpu.memref_squeeze %dma_start3A_968 : memref<1x8x128xf32, #tpu.memory_space<vmem>> -> memref<8x128xf32, #tpu.memory_space<vmem>>
    %dma_start3A_970 = tpu.memref_slice %arg2[%multiple_of3A_964, %multiple_of3A] : memref<100000x1024xf32, #tpu.memory_space<hbm>> -> memref<8x128xf32, #tpu.memory_space<hbm>>
    %dma_start3A_971 = arith.constant 0 : i32
    %dma_start3A_972 = arith.constant 0 : i32
    %dma_start3A_973 = tpu.memref_slice %arg8[%dma_start3A_965, %dma_start3A_971, %dma_start3A_972] : memref<32x8x128xf32, #tpu.memory_space<vmem>> -> memref<1x8x128xf32, #tpu.memory_space<vmem>>
    %dma_start3A_974 = tpu.memref_squeeze %dma_start3A_973 : memref<1x8x128xf32, #tpu.memory_space<vmem>> -> memref<8x128xf32, #tpu.memory_space<vmem>>
    %dma_start3A_975 = tpu.memref_slice %arg2[%multiple_of3A_964, %multiple_of3A] : memref<100000x1024xf32, #tpu.memory_space<hbm>> -> memref<8x128xf32, #tpu.memory_space<hbm>>
    tpu.enqueue_dma source(%dma_start3A_975 : memref<8x128xf32, #tpu.memory_space<hbm>>) target(%dma_start3A_974 : memref<8x128xf32, #tpu.memory_space<vmem>>) target_semaphore(%arg12 : memref<!tpu.dma_semaphore, #tpu.memory_space<semaphore_mem>>)
    %dma_start3A_976 = arith.constant 22 : i32
    %dma_start3A_977 = arith.constant 0 : i32
    %dma_start3A_978 = arith.constant 0 : i32
    %dma_start3A_979 = tpu.memref_slice %arg9[%dma_start3A_976, %dma_start3A_977, %dma_start3A_978] : memref<32x8x128xf32, #tpu.memory_space<vmem>> -> memref<1x8x128xf32, #tpu.memory_space<vmem>>
    %dma_start3A_980 = tpu.memref_squeeze %dma_start3A_979 : memref<1x8x128xf32, #tpu.memory_space<vmem>> -> memref<8x128xf32, #tpu.memory_space<vmem>>
    %dma_start3A_981 = tpu.memref_slice %arg3[%multiple_of3A_964, %multiple_of3A] : memref<100000x1024xf32, #tpu.memory_space<hbm>> -> memref<8x128xf32, #tpu.memory_space<hbm>>
    %dma_start3A_982 = arith.constant 0 : i32
    %dma_start3A_983 = arith.constant 0 : i32
    %dma_start3A_984 = tpu.memref_slice %arg9[%dma_start3A_976, %dma_start3A_982, %dma_start3A_983] : memref<32x8x128xf32, #tpu.memory_space<vmem>> -> memref<1x8x128xf32, #tpu.memory_space<vmem>>
    %dma_start3A_985 = tpu.memref_squeeze %dma_start3A_984 : memref<1x8x128xf32, #tpu.memory_space<vmem>> -> memref<8x128xf32, #tpu.memory_space<vmem>>
    %dma_start3A_986 = tpu.memref_slice %arg3[%multiple_of3A_964, %multiple_of3A] : memref<100000x1024xf32, #tpu.memory_space<hbm>> -> memref<8x128xf32, #tpu.memory_space<hbm>>
    tpu.enqueue_dma source(%dma_start3A_986 : memref<8x128xf32, #tpu.memory_space<hbm>>) target(%dma_start3A_985 : memref<8x128xf32, #tpu.memory_space<vmem>>) target_semaphore(%arg13 : memref<!tpu.dma_semaphore, #tpu.memory_space<semaphore_mem>>)
    %get3A_987 = arith.constant 16 : index
    %get3A_988 = tpu.vector_load %arg7[%get3A_987] {strides = array<i32>} : memref<32xi32, #tpu.memory_space<vmem>>, vector<16xi32>,
    %eq3A_989 = arith.constant 7 : i32
    %eq3A_990 = vector.broadcast %eq3A_989 : i32 to vector<16xi32>
    %eq3A_991 = arith.cmpi eq, %iota3A, %eq3A_990 : vector<16xi32>
    %jit3A_992 = arith.constant -1 : i32
    %broadcast_in_dim3A_993 = vector.broadcast %jit3A_992 : i32 to vector<16xi32>
    %select_n3A_994 = arith.select %eq3A_991, %get3A_988, %broadcast_in_dim3A_993 : vector<16xi1>, vector<16xi32>
    %reduce_max3A_995 = arith.constant true
    %reduce_max3A_996 = vector.broadcast %reduce_max3A_995 : i1 to vector<16xi1>
    %reduce_max3A_997 = arith.constant -2147483648 : i32
    %reduce_max3A_998 = vector.broadcast %reduce_max3A_997 : i32 to vector<16xi32>
    %reduce_max3A_999 = arith.xori %select_n3A_994, %reduce_max3A_998 : vector<16xi32>
    %reduce_max3A_1000 = tpu.scan <max>, %reduce_max3A_999 masked %reduce_max3A_996 : vector<16xi32>, vector<16xi1> -> vector<16xi32>
    %reduce_max3A_1001 = arith.xori %reduce_max3A_1000, %reduce_max3A_998 : vector<16xi32>
    %reduce_max3A_1002 = vector.extract %reduce_max3A_1001[15] : i32 from vector<16xi32>
    %shift_right_arithmetic3A_1003 = arith.constant 3 : i32
    %shift_right_arithmetic3A_1004 = arith.shrsi %reduce_max3A_1002, %shift_right_arithmetic3A_1003 : i32
    %shift_left3A_1005 = arith.constant 3 : i32
    %shift_left3A_1006 = arith.shli %shift_right_arithmetic3A_1004, %shift_left3A_1005 : i32
    %multiple_of3A_1007 = tpu.assume_multiple %shift_left3A_1006, 8 : i32
    %dma_start3A_1008 = arith.constant 23 : i32
    %dma_start3A_1009 = arith.constant 0 : i32
    %dma_start3A_1010 = arith.constant 0 : i32
    %dma_start3A_1011 = tpu.memref_slice %arg8[%dma_start3A_1008, %dma_start3A_1009, %dma_start3A_1010] : memref<32x8x128xf32, #tpu.memory_space<vmem>> -> memref<1x8x128xf32, #tpu.memory_space<vmem>>
    %dma_start3A_1012 = tpu.memref_squeeze %dma_start3A_1011 : memref<1x8x128xf32, #tpu.memory_space<vmem>> -> memref<8x128xf32, #tpu.memory_space<vmem>>
    %dma_start3A_1013 = tpu.memref_slice %arg2[%multiple_of3A_1007, %multiple_of3A] : memref<100000x1024xf32, #tpu.memory_space<hbm>> -> memref<8x128xf32, #tpu.memory_space<hbm>>
    %dma_start3A_1014 = arith.constant 0 : i32
    %dma_start3A_1015 = arith.constant 0 : i32
    %dma_start3A_1016 = tpu.memref_slice %arg8[%dma_start3A_1008, %dma_start3A_1014, %dma_start3A_1015] : memref<32x8x128xf32, #tpu.memory_space<vmem>> -> memref<1x8x128xf32, #tpu.memory_space<vmem>>
    %dma_start3A_1017 = tpu.memref_squeeze %dma_start3A_1016 : memref<1x8x128xf32, #tpu.memory_space<vmem>> -> memref<8x128xf32, #tpu.memory_space<vmem>>
    %dma_start3A_1018 = tpu.memref_slice %arg2[%multiple_of3A_1007, %multiple_of3A] : memref<100000x1024xf32, #tpu.memory_space<hbm>> -> memref<8x128xf32, #tpu.memory_space<hbm>>
    tpu.enqueue_dma source(%dma_start3A_1018 : memref<8x128xf32, #tpu.memory_space<hbm>>) target(%dma_start3A_1017 : memref<8x128xf32, #tpu.memory_space<vmem>>) target_semaphore(%arg12 : memref<!tpu.dma_semaphore, #tpu.memory_space<semaphore_mem>>)
    %dma_start3A_1019 = arith.constant 23 : i32
    %dma_start3A_1020 = arith.constant 0 : i32
    %dma_start3A_1021 = arith.constant 0 : i32
    %dma_start3A_1022 = tpu.memref_slice %arg9[%dma_start3A_1019, %dma_start3A_1020, %dma_start3A_1021] : memref<32x8x128xf32, #tpu.memory_space<vmem>> -> memref<1x8x128xf32, #tpu.memory_space<vmem>>
    %dma_start3A_1023 = tpu.memref_squeeze %dma_start3A_1022 : memref<1x8x128xf32, #tpu.memory_space<vmem>> -> memref<8x128xf32, #tpu.memory_space<vmem>>
    %dma_start3A_1024 = tpu.memref_slice %arg3[%multiple_of3A_1007, %multiple_of3A] : memref<100000x1024xf32, #tpu.memory_space<hbm>> -> memref<8x128xf32, #tpu.memory_space<hbm>>
    %dma_start3A_1025 = arith.constant 0 : i32
    %dma_start3A_1026 = arith.constant 0 : i32
    %dma_start3A_1027 = tpu.memref_slice %arg9[%dma_start3A_1019, %dma_start3A_1025, %dma_start3A_1026] : memref<32x8x128xf32, #tpu.memory_space<vmem>> -> memref<1x8x128xf32, #tpu.memory_space<vmem>>
    %dma_start3A_1028 = tpu.memref_squeeze %dma_start3A_1027 : memref<1x8x128xf32, #tpu.memory_space<vmem>> -> memref<8x128xf32, #tpu.memory_space<vmem>>
    %dma_start3A_1029 = tpu.memref_slice %arg3[%multiple_of3A_1007, %multiple_of3A] : memref<100000x1024xf32, #tpu.memory_space<hbm>> -> memref<8x128xf32, #tpu.memory_space<hbm>>
    tpu.enqueue_dma source(%dma_start3A_1029 : memref<8x128xf32, #tpu.memory_space<hbm>>) target(%dma_start3A_1028 : memref<8x128xf32, #tpu.memory_space<vmem>>) target_semaphore(%arg13 : memref<!tpu.dma_semaphore, #tpu.memory_space<semaphore_mem>>)
    %get3A_1030 = arith.constant 16 : index
    %get3A_1031 = tpu.vector_load %arg7[%get3A_1030] {strides = array<i32>} : memref<32xi32, #tpu.memory_space<vmem>>, vector<16xi32>,
    %eq3A_1032 = arith.constant 8 : i32
    %eq3A_1033 = vector.broadcast %eq3A_1032 : i32 to vector<16xi32>
    %eq3A_1034 = arith.cmpi eq, %iota3A, %eq3A_1033 : vector<16xi32>
    %jit3A_1035 = arith.constant -1 : i32
    %broadcast_in_dim3A_1036 = vector.broadcast %jit3A_1035 : i32 to vector<16xi32>
    %select_n3A_1037 = arith.select %eq3A_1034, %get3A_1031, %broadcast_in_dim3A_1036 : vector<16xi1>, vector<16xi32>
    %reduce_max3A_1038 = arith.constant true
    %reduce_max3A_1039 = vector.broadcast %reduce_max3A_1038 : i1 to vector<16xi1>
    %reduce_max3A_1040 = arith.constant -2147483648 : i32
    %reduce_max3A_1041 = vector.broadcast %reduce_max3A_1040 : i32 to vector<16xi32>
    %reduce_max3A_1042 = arith.xori %select_n3A_1037, %reduce_max3A_1041 : vector<16xi32>
    %reduce_max3A_1043 = tpu.scan <max>, %reduce_max3A_1042 masked %reduce_max3A_1039 : vector<16xi32>, vector<16xi1> -> vector<16xi32>
    %reduce_max3A_1044 = arith.xori %reduce_max3A_1043, %reduce_max3A_1041 : vector<16xi32>
    %reduce_max3A_1045 = vector.extract %reduce_max3A_1044[15] : i32 from vector<16xi32>
    %shift_right_arithmetic3A_1046 = arith.constant 3 : i32
    %shift_right_arithmetic3A_1047 = arith.shrsi %reduce_max3A_1045, %shift_right_arithmetic3A_1046 : i32
    %shift_left3A_1048 = arith.constant 3 : i32
    %shift_left3A_1049 = arith.shli %shift_right_arithmetic3A_1047, %shift_left3A_1048 : i32
    %multiple_of3A_1050 = tpu.assume_multiple %shift_left3A_1049, 8 : i32
    %dma_start3A_1051 = arith.constant 24 : i32
    %dma_start3A_1052 = arith.constant 0 : i32
    %dma_start3A_1053 = arith.constant 0 : i32
    %dma_start3A_1054 = tpu.memref_slice %arg8[%dma_start3A_1051, %dma_start3A_1052, %dma_start3A_1053] : memref<32x8x128xf32, #tpu.memory_space<vmem>> -> memref<1x8x128xf32, #tpu.memory_space<vmem>>
    %dma_start3A_1055 = tpu.memref_squeeze %dma_start3A_1054 : memref<1x8x128xf32, #tpu.memory_space<vmem>> -> memref<8x128xf32, #tpu.memory_space<vmem>>
    %dma_start3A_1056 = tpu.memref_slice %arg2[%multiple_of3A_1050, %multiple_of3A] : memref<100000x1024xf32, #tpu.memory_space<hbm>> -> memref<8x128xf32, #tpu.memory_space<hbm>>
    %dma_start3A_1057 = arith.constant 0 : i32
    %dma_start3A_1058 = arith.constant 0 : i32
    %dma_start3A_1059 = tpu.memref_slice %arg8[%dma_start3A_1051, %dma_start3A_1057, %dma_start3A_1058] : memref<32x8x128xf32, #tpu.memory_space<vmem>> -> memref<1x8x128xf32, #tpu.memory_space<vmem>>
    %dma_start3A_1060 = tpu.memref_squeeze %dma_start3A_1059 : memref<1x8x128xf32, #tpu.memory_space<vmem>> -> memref<8x128xf32, #tpu.memory_space<vmem>>
    %dma_start3A_1061 = tpu.memref_slice %arg2[%multiple_of3A_1050, %multiple_of3A] : memref<100000x1024xf32, #tpu.memory_space<hbm>> -> memref<8x128xf32, #tpu.memory_space<hbm>>
    tpu.enqueue_dma source(%dma_start3A_1061 : memref<8x128xf32, #tpu.memory_space<hbm>>) target(%dma_start3A_1060 : memref<8x128xf32, #tpu.memory_space<vmem>>) target_semaphore(%arg12 : memref<!tpu.dma_semaphore, #tpu.memory_space<semaphore_mem>>)
    %dma_start3A_1062 = arith.constant 24 : i32
    %dma_start3A_1063 = arith.constant 0 : i32
    %dma_start3A_1064 = arith.constant 0 : i32
    %dma_start3A_1065 = tpu.memref_slice %arg9[%dma_start3A_1062, %dma_start3A_1063, %dma_start3A_1064] : memref<32x8x128xf32, #tpu.memory_space<vmem>> -> memref<1x8x128xf32, #tpu.memory_space<vmem>>
    %dma_start3A_1066 = tpu.memref_squeeze %dma_start3A_1065 : memref<1x8x128xf32, #tpu.memory_space<vmem>> -> memref<8x128xf32, #tpu.memory_space<vmem>>
    %dma_start3A_1067 = tpu.memref_slice %arg3[%multiple_of3A_1050, %multiple_of3A] : memref<100000x1024xf32, #tpu.memory_space<hbm>> -> memref<8x128xf32, #tpu.memory_space<hbm>>
    %dma_start3A_1068 = arith.constant 0 : i32
    %dma_start3A_1069 = arith.constant 0 : i32
    %dma_start3A_1070 = tpu.memref_slice %arg9[%dma_start3A_1062, %dma_start3A_1068, %dma_start3A_1069] : memref<32x8x128xf32, #tpu.memory_space<vmem>> -> memref<1x8x128xf32, #tpu.memory_space<vmem>>
    %dma_start3A_1071 = tpu.memref_squeeze %dma_start3A_1070 : memref<1x8x128xf32, #tpu.memory_space<vmem>> -> memref<8x128xf32, #tpu.memory_space<vmem>>
    %dma_start3A_1072 = tpu.memref_slice %arg3[%multiple_of3A_1050, %multiple_of3A] : memref<100000x1024xf32, #tpu.memory_space<hbm>> -> memref<8x128xf32, #tpu.memory_space<hbm>>
    tpu.enqueue_dma source(%dma_start3A_1072 : memref<8x128xf32, #tpu.memory_space<hbm>>) target(%dma_start3A_1071 : memref<8x128xf32, #tpu.memory_space<vmem>>) target_semaphore(%arg13 : memref<!tpu.dma_semaphore, #tpu.memory_space<semaphore_mem>>)
    %get3A_1073 = arith.constant 16 : index
    %get3A_1074 = tpu.vector_load %arg7[%get3A_1073] {strides = array<i32>} : memref<32xi32, #tpu.memory_space<vmem>>, vector<16xi32>,
    %eq3A_1075 = arith.constant 9 : i32
    %eq3A_1076 = vector.broadcast %eq3A_1075 : i32 to vector<16xi32>
    %eq3A_1077 = arith.cmpi eq, %iota3A, %eq3A_1076 : vector<16xi32>
    %jit3A_1078 = arith.constant -1 : i32
    %broadcast_in_dim3A_1079 = vector.broadcast %jit3A_1078 : i32 to vector<16xi32>
    %select_n3A_1080 = arith.select %eq3A_1077, %get3A_1074, %broadcast_in_dim3A_1079 : vector<16xi1>, vector<16xi32>
    %reduce_max3A_1081 = arith.constant true
    %reduce_max3A_1082 = vector.broadcast %reduce_max3A_1081 : i1 to vector<16xi1>
    %reduce_max3A_1083 = arith.constant -2147483648 : i32
    %reduce_max3A_1084 = vector.broadcast %reduce_max3A_1083 : i32 to vector<16xi32>
    %reduce_max3A_1085 = arith.xori %select_n3A_1080, %reduce_max3A_1084 : vector<16xi32>
    %reduce_max3A_1086 = tpu.scan <max>, %reduce_max3A_1085 masked %reduce_max3A_1082 : vector<16xi32>, vector<16xi1> -> vector<16xi32>
    %reduce_max3A_1087 = arith.xori %reduce_max3A_1086, %reduce_max3A_1084 : vector<16xi32>
    %reduce_max3A_1088 = vector.extract %reduce_max3A_1087[15] : i32 from vector<16xi32>
    %shift_right_arithmetic3A_1089 = arith.constant 3 : i32
    %shift_right_arithmetic3A_1090 = arith.shrsi %reduce_max3A_1088, %shift_right_arithmetic3A_1089 : i32
    %shift_left3A_1091 = arith.constant 3 : i32
    %shift_left3A_1092 = arith.shli %shift_right_arithmetic3A_1090, %shift_left3A_1091 : i32
    %multiple_of3A_1093 = tpu.assume_multiple %shift_left3A_1092, 8 : i32
    %dma_start3A_1094 = arith.constant 25 : i32
    %dma_start3A_1095 = arith.constant 0 : i32
    %dma_start3A_1096 = arith.constant 0 : i32
    %dma_start3A_1097 = tpu.memref_slice %arg8[%dma_start3A_1094, %dma_start3A_1095, %dma_start3A_1096] : memref<32x8x128xf32, #tpu.memory_space<vmem>> -> memref<1x8x128xf32, #tpu.memory_space<vmem>>
    %dma_start3A_1098 = tpu.memref_squeeze %dma_start3A_1097 : memref<1x8x128xf32, #tpu.memory_space<vmem>> -> memref<8x128xf32, #tpu.memory_space<vmem>>
    %dma_start3A_1099 = tpu.memref_slice %arg2[%multiple_of3A_1093, %multiple_of3A] : memref<100000x1024xf32, #tpu.memory_space<hbm>> -> memref<8x128xf32, #tpu.memory_space<hbm>>
    %dma_start3A_1100 = arith.constant 0 : i32
    %dma_start3A_1101 = arith.constant 0 : i32
    %dma_start3A_1102 = tpu.memref_slice %arg8[%dma_start3A_1094, %dma_start3A_1100, %dma_start3A_1101] : memref<32x8x128xf32, #tpu.memory_space<vmem>> -> memref<1x8x128xf32, #tpu.memory_space<vmem>>
    %dma_start3A_1103 = tpu.memref_squeeze %dma_start3A_1102 : memref<1x8x128xf32, #tpu.memory_space<vmem>> -> memref<8x128xf32, #tpu.memory_space<vmem>>
    %dma_start3A_1104 = tpu.memref_slice %arg2[%multiple_of3A_1093, %multiple_of3A] : memref<100000x1024xf32, #tpu.memory_space<hbm>> -> memref<8x128xf32, #tpu.memory_space<hbm>>
    tpu.enqueue_dma source(%dma_start3A_1104 : memref<8x128xf32, #tpu.memory_space<hbm>>) target(%dma_start3A_1103 : memref<8x128xf32, #tpu.memory_space<vmem>>) target_semaphore(%arg12 : memref<!tpu.dma_semaphore, #tpu.memory_space<semaphore_mem>>)
    %dma_start3A_1105 = arith.constant 25 : i32
    %dma_start3A_1106 = arith.constant 0 : i32
    %dma_start3A_1107 = arith.constant 0 : i32
    %dma_start3A_1108 = tpu.memref_slice %arg9[%dma_start3A_1105, %dma_start3A_1106, %dma_start3A_1107] : memref<32x8x128xf32, #tpu.memory_space<vmem>> -> memref<1x8x128xf32, #tpu.memory_space<vmem>>
    %dma_start3A_1109 = tpu.memref_squeeze %dma_start3A_1108 : memref<1x8x128xf32, #tpu.memory_space<vmem>> -> memref<8x128xf32, #tpu.memory_space<vmem>>
    %dma_start3A_1110 = tpu.memref_slice %arg3[%multiple_of3A_1093, %multiple_of3A] : memref<100000x1024xf32, #tpu.memory_space<hbm>> -> memref<8x128xf32, #tpu.memory_space<hbm>>
    %dma_start3A_1111 = arith.constant 0 : i32
    %dma_start3A_1112 = arith.constant 0 : i32
    %dma_start3A_1113 = tpu.memref_slice %arg9[%dma_start3A_1105, %dma_start3A_1111, %dma_start3A_1112] : memref<32x8x128xf32, #tpu.memory_space<vmem>> -> memref<1x8x128xf32, #tpu.memory_space<vmem>>
    %dma_start3A_1114 = tpu.memref_squeeze %dma_start3A_1113 : memref<1x8x128xf32, #tpu.memory_space<vmem>> -> memref<8x128xf32, #tpu.memory_space<vmem>>
    %dma_start3A_1115 = tpu.memref_slice %arg3[%multiple_of3A_1093, %multiple_of3A] : memref<100000x1024xf32, #tpu.memory_space<hbm>> -> memref<8x128xf32, #tpu.memory_space<hbm>>
    tpu.enqueue_dma source(%dma_start3A_1115 : memref<8x128xf32, #tpu.memory_space<hbm>>) target(%dma_start3A_1114 : memref<8x128xf32, #tpu.memory_space<vmem>>) target_semaphore(%arg13 : memref<!tpu.dma_semaphore, #tpu.memory_space<semaphore_mem>>)
    %get3A_1116 = arith.constant 16 : index
    %get3A_1117 = tpu.vector_load %arg7[%get3A_1116] {strides = array<i32>} : memref<32xi32, #tpu.memory_space<vmem>>, vector<16xi32>,
    %eq3A_1118 = arith.constant 10 : i32
    %eq3A_1119 = vector.broadcast %eq3A_1118 : i32 to vector<16xi32>
    %eq3A_1120 = arith.cmpi eq, %iota3A, %eq3A_1119 : vector<16xi32>
    %jit3A_1121 = arith.constant -1 : i32
    %broadcast_in_dim3A_1122 = vector.broadcast %jit3A_1121 : i32 to vector<16xi32>
    %select_n3A_1123 = arith.select %eq3A_1120, %get3A_1117, %broadcast_in_dim3A_1122 : vector<16xi1>, vector<16xi32>
    %reduce_max3A_1124 = arith.constant true
    %reduce_max3A_1125 = vector.broadcast %reduce_max3A_1124 : i1 to vector<16xi1>
    %reduce_max3A_1126 = arith.constant -2147483648 : i32
    %reduce_max3A_1127 = vector.broadcast %reduce_max3A_1126 : i32 to vector<16xi32>
    %reduce_max3A_1128 = arith.xori %select_n3A_1123, %reduce_max3A_1127 : vector<16xi32>
    %reduce_max3A_1129 = tpu.scan <max>, %reduce_max3A_1128 masked %reduce_max3A_1125 : vector<16xi32>, vector<16xi1> -> vector<16xi32>
    %reduce_max3A_1130 = arith.xori %reduce_max3A_1129, %reduce_max3A_1127 : vector<16xi32>
    %reduce_max3A_1131 = vector.extract %reduce_max3A_1130[15] : i32 from vector<16xi32>
    %shift_right_arithmetic3A_1132 = arith.constant 3 : i32
    %shift_right_arithmetic3A_1133 = arith.shrsi %reduce_max3A_1131, %shift_right_arithmetic3A_1132 : i32
    %shift_left3A_1134 = arith.constant 3 : i32
    %shift_left3A_1135 = arith.shli %shift_right_arithmetic3A_1133, %shift_left3A_1134 : i32
    %multiple_of3A_1136 = tpu.assume_multiple %shift_left3A_1135, 8 : i32
    %dma_start3A_1137 = arith.constant 26 : i32
    %dma_start3A_1138 = arith.constant 0 : i32
    %dma_start3A_1139 = arith.constant 0 : i32
    %dma_start3A_1140 = tpu.memref_slice %arg8[%dma_start3A_1137, %dma_start3A_1138, %dma_start3A_1139] : memref<32x8x128xf32, #tpu.memory_space<vmem>> -> memref<1x8x128xf32, #tpu.memory_space<vmem>>
    %dma_start3A_1141 = tpu.memref_squeeze %dma_start3A_1140 : memref<1x8x128xf32, #tpu.memory_space<vmem>> -> memref<8x128xf32, #tpu.memory_space<vmem>>
    %dma_start3A_1142 = tpu.memref_slice %arg2[%multiple_of3A_1136, %multiple_of3A] : memref<100000x1024xf32, #tpu.memory_space<hbm>> -> memref<8x128xf32, #tpu.memory_space<hbm>>
    %dma_start3A_1143 = arith.constant 0 : i32
    %dma_start3A_1144 = arith.constant 0 : i32
    %dma_start3A_1145 = tpu.memref_slice %arg8[%dma_start3A_1137, %dma_start3A_1143, %dma_start3A_1144] : memref<32x8x128xf32, #tpu.memory_space<vmem>> -> memref<1x8x128xf32, #tpu.memory_space<vmem>>
    %dma_start3A_1146 = tpu.memref_squeeze %dma_start3A_1145 : memref<1x8x128xf32, #tpu.memory_space<vmem>> -> memref<8x128xf32, #tpu.memory_space<vmem>>
    %dma_start3A_1147 = tpu.memref_slice %arg2[%multiple_of3A_1136, %multiple_of3A] : memref<100000x1024xf32, #tpu.memory_space<hbm>> -> memref<8x128xf32, #tpu.memory_space<hbm>>
    tpu.enqueue_dma source(%dma_start3A_1147 : memref<8x128xf32, #tpu.memory_space<hbm>>) target(%dma_start3A_1146 : memref<8x128xf32, #tpu.memory_space<vmem>>) target_semaphore(%arg12 : memref<!tpu.dma_semaphore, #tpu.memory_space<semaphore_mem>>)
    %dma_start3A_1148 = arith.constant 26 : i32
    %dma_start3A_1149 = arith.constant 0 : i32
    %dma_start3A_1150 = arith.constant 0 : i32
    %dma_start3A_1151 = tpu.memref_slice %arg9[%dma_start3A_1148, %dma_start3A_1149, %dma_start3A_1150] : memref<32x8x128xf32, #tpu.memory_space<vmem>> -> memref<1x8x128xf32, #tpu.memory_space<vmem>>
    %dma_start3A_1152 = tpu.memref_squeeze %dma_start3A_1151 : memref<1x8x128xf32, #tpu.memory_space<vmem>> -> memref<8x128xf32, #tpu.memory_space<vmem>>
    %dma_start3A_1153 = tpu.memref_slice %arg3[%multiple_of3A_1136, %multiple_of3A] : memref<100000x1024xf32, #tpu.memory_space<hbm>> -> memref<8x128xf32, #tpu.memory_space<hbm>>
    %dma_start3A_1154 = arith.constant 0 : i32
    %dma_start3A_1155 = arith.constant 0 : i32
    %dma_start3A_1156 = tpu.memref_slice %arg9[%dma_start3A_1148, %dma_start3A_1154, %dma_start3A_1155] : memref<32x8x128xf32, #tpu.memory_space<vmem>> -> memref<1x8x128xf32, #tpu.memory_space<vmem>>
    %dma_start3A_1157 = tpu.memref_squeeze %dma_start3A_1156 : memref<1x8x128xf32, #tpu.memory_space<vmem>> -> memref<8x128xf32, #tpu.memory_space<vmem>>
    %dma_start3A_1158 = tpu.memref_slice %arg3[%multiple_of3A_1136, %multiple_of3A] : memref<100000x1024xf32, #tpu.memory_space<hbm>> -> memref<8x128xf32, #tpu.memory_space<hbm>>
    tpu.enqueue_dma source(%dma_start3A_1158 : memref<8x128xf32, #tpu.memory_space<hbm>>) target(%dma_start3A_1157 : memref<8x128xf32, #tpu.memory_space<vmem>>) target_semaphore(%arg13 : memref<!tpu.dma_semaphore, #tpu.memory_space<semaphore_mem>>)
    %get3A_1159 = arith.constant 16 : index
    %get3A_1160 = tpu.vector_load %arg7[%get3A_1159] {strides = array<i32>} : memref<32xi32, #tpu.memory_space<vmem>>, vector<16xi32>,
    %eq3A_1161 = arith.constant 11 : i32
    %eq3A_1162 = vector.broadcast %eq3A_1161 : i32 to vector<16xi32>
    %eq3A_1163 = arith.cmpi eq, %iota3A, %eq3A_1162 : vector<16xi32>
    %jit3A_1164 = arith.constant -1 : i32
    %broadcast_in_dim3A_1165 = vector.broadcast %jit3A_1164 : i32 to vector<16xi32>
    %select_n3A_1166 = arith.select %eq3A_1163, %get3A_1160, %broadcast_in_dim3A_1165 : vector<16xi1>, vector<16xi32>
    %reduce_max3A_1167 = arith.constant true
    %reduce_max3A_1168 = vector.broadcast %reduce_max3A_1167 : i1 to vector<16xi1>
    %reduce_max3A_1169 = arith.constant -2147483648 : i32
    %reduce_max3A_1170 = vector.broadcast %reduce_max3A_1169 : i32 to vector<16xi32>
    %reduce_max3A_1171 = arith.xori %select_n3A_1166, %reduce_max3A_1170 : vector<16xi32>
    %reduce_max3A_1172 = tpu.scan <max>, %reduce_max3A_1171 masked %reduce_max3A_1168 : vector<16xi32>, vector<16xi1> -> vector<16xi32>
    %reduce_max3A_1173 = arith.xori %reduce_max3A_1172, %reduce_max3A_1170 : vector<16xi32>
    %reduce_max3A_1174 = vector.extract %reduce_max3A_1173[15] : i32 from vector<16xi32>
    %shift_right_arithmetic3A_1175 = arith.constant 3 : i32
    %shift_right_arithmetic3A_1176 = arith.shrsi %reduce_max3A_1174, %shift_right_arithmetic3A_1175 : i32
    %shift_left3A_1177 = arith.constant 3 : i32
    %shift_left3A_1178 = arith.shli %shift_right_arithmetic3A_1176, %shift_left3A_1177 : i32
    %multiple_of3A_1179 = tpu.assume_multiple %shift_left3A_1178, 8 : i32
    %dma_start3A_1180 = arith.constant 27 : i32
    %dma_start3A_1181 = arith.constant 0 : i32
    %dma_start3A_1182 = arith.constant 0 : i32
    %dma_start3A_1183 = tpu.memref_slice %arg8[%dma_start3A_1180, %dma_start3A_1181, %dma_start3A_1182] : memref<32x8x128xf32, #tpu.memory_space<vmem>> -> memref<1x8x128xf32, #tpu.memory_space<vmem>>
    %dma_start3A_1184 = tpu.memref_squeeze %dma_start3A_1183 : memref<1x8x128xf32, #tpu.memory_space<vmem>> -> memref<8x128xf32, #tpu.memory_space<vmem>>
    %dma_start3A_1185 = tpu.memref_slice %arg2[%multiple_of3A_1179, %multiple_of3A] : memref<100000x1024xf32, #tpu.memory_space<hbm>> -> memref<8x128xf32, #tpu.memory_space<hbm>>
    %dma_start3A_1186 = arith.constant 0 : i32
    %dma_start3A_1187 = arith.constant 0 : i32
    %dma_start3A_1188 = tpu.memref_slice %arg8[%dma_start3A_1180, %dma_start3A_1186, %dma_start3A_1187] : memref<32x8x128xf32, #tpu.memory_space<vmem>> -> memref<1x8x128xf32, #tpu.memory_space<vmem>>
    %dma_start3A_1189 = tpu.memref_squeeze %dma_start3A_1188 : memref<1x8x128xf32, #tpu.memory_space<vmem>> -> memref<8x128xf32, #tpu.memory_space<vmem>>
    %dma_start3A_1190 = tpu.memref_slice %arg2[%multiple_of3A_1179, %multiple_of3A] : memref<100000x1024xf32, #tpu.memory_space<hbm>> -> memref<8x128xf32, #tpu.memory_space<hbm>>
    tpu.enqueue_dma source(%dma_start3A_1190 : memref<8x128xf32, #tpu.memory_space<hbm>>) target(%dma_start3A_1189 : memref<8x128xf32, #tpu.memory_space<vmem>>) target_semaphore(%arg12 : memref<!tpu.dma_semaphore, #tpu.memory_space<semaphore_mem>>)
    %dma_start3A_1191 = arith.constant 27 : i32
    %dma_start3A_1192 = arith.constant 0 : i32
    %dma_start3A_1193 = arith.constant 0 : i32
    %dma_start3A_1194 = tpu.memref_slice %arg9[%dma_start3A_1191, %dma_start3A_1192, %dma_start3A_1193] : memref<32x8x128xf32, #tpu.memory_space<vmem>> -> memref<1x8x128xf32, #tpu.memory_space<vmem>>
    %dma_start3A_1195 = tpu.memref_squeeze %dma_start3A_1194 : memref<1x8x128xf32, #tpu.memory_space<vmem>> -> memref<8x128xf32, #tpu.memory_space<vmem>>
    %dma_start3A_1196 = tpu.memref_slice %arg3[%multiple_of3A_1179, %multiple_of3A] : memref<100000x1024xf32, #tpu.memory_space<hbm>> -> memref<8x128xf32, #tpu.memory_space<hbm>>
    %dma_start3A_1197 = arith.constant 0 : i32
    %dma_start3A_1198 = arith.constant 0 : i32
    %dma_start3A_1199 = tpu.memref_slice %arg9[%dma_start3A_1191, %dma_start3A_1197, %dma_start3A_1198] : memref<32x8x128xf32, #tpu.memory_space<vmem>> -> memref<1x8x128xf32, #tpu.memory_space<vmem>>
    %dma_start3A_1200 = tpu.memref_squeeze %dma_start3A_1199 : memref<1x8x128xf32, #tpu.memory_space<vmem>> -> memref<8x128xf32, #tpu.memory_space<vmem>>
    %dma_start3A_1201 = tpu.memref_slice %arg3[%multiple_of3A_1179, %multiple_of3A] : memref<100000x1024xf32, #tpu.memory_space<hbm>> -> memref<8x128xf32, #tpu.memory_space<hbm>>
    tpu.enqueue_dma source(%dma_start3A_1201 : memref<8x128xf32, #tpu.memory_space<hbm>>) target(%dma_start3A_1200 : memref<8x128xf32, #tpu.memory_space<vmem>>) target_semaphore(%arg13 : memref<!tpu.dma_semaphore, #tpu.memory_space<semaphore_mem>>)
    %get3A_1202 = arith.constant 16 : index
    %get3A_1203 = tpu.vector_load %arg7[%get3A_1202] {strides = array<i32>} : memref<32xi32, #tpu.memory_space<vmem>>, vector<16xi32>,
    %eq3A_1204 = arith.constant 12 : i32
    %eq3A_1205 = vector.broadcast %eq3A_1204 : i32 to vector<16xi32>
    %eq3A_1206 = arith.cmpi eq, %iota3A, %eq3A_1205 : vector<16xi32>
    %jit3A_1207 = arith.constant -1 : i32
    %broadcast_in_dim3A_1208 = vector.broadcast %jit3A_1207 : i32 to vector<16xi32>
    %select_n3A_1209 = arith.select %eq3A_1206, %get3A_1203, %broadcast_in_dim3A_1208 : vector<16xi1>, vector<16xi32>
    %reduce_max3A_1210 = arith.constant true
    %reduce_max3A_1211 = vector.broadcast %reduce_max3A_1210 : i1 to vector<16xi1>
    %reduce_max3A_1212 = arith.constant -2147483648 : i32
    %reduce_max3A_1213 = vector.broadcast %reduce_max3A_1212 : i32 to vector<16xi32>
    %reduce_max3A_1214 = arith.xori %select_n3A_1209, %reduce_max3A_1213 : vector<16xi32>
    %reduce_max3A_1215 = tpu.scan <max>, %reduce_max3A_1214 masked %reduce_max3A_1211 : vector<16xi32>, vector<16xi1> -> vector<16xi32>
    %reduce_max3A_1216 = arith.xori %reduce_max3A_1215, %reduce_max3A_1213 : vector<16xi32>
    %reduce_max3A_1217 = vector.extract %reduce_max3A_1216[15] : i32 from vector<16xi32>
    %shift_right_arithmetic3A_1218 = arith.constant 3 : i32
    %shift_right_arithmetic3A_1219 = arith.shrsi %reduce_max3A_1217, %shift_right_arithmetic3A_1218 : i32
    %shift_left3A_1220 = arith.constant 3 : i32
    %shift_left3A_1221 = arith.shli %shift_right_arithmetic3A_1219, %shift_left3A_1220 : i32
    %multiple_of3A_1222 = tpu.assume_multiple %shift_left3A_1221, 8 : i32
    %dma_start3A_1223 = arith.constant 28 : i32
    %dma_start3A_1224 = arith.constant 0 : i32
    %dma_start3A_1225 = arith.constant 0 : i32
    %dma_start3A_1226 = tpu.memref_slice %arg8[%dma_start3A_1223, %dma_start3A_1224, %dma_start3A_1225] : memref<32x8x128xf32, #tpu.memory_space<vmem>> -> memref<1x8x128xf32, #tpu.memory_space<vmem>>
    %dma_start3A_1227 = tpu.memref_squeeze %dma_start3A_1226 : memref<1x8x128xf32, #tpu.memory_space<vmem>> -> memref<8x128xf32, #tpu.memory_space<vmem>>
    %dma_start3A_1228 = tpu.memref_slice %arg2[%multiple_of3A_1222, %multiple_of3A] : memref<100000x1024xf32, #tpu.memory_space<hbm>> -> memref<8x128xf32, #tpu.memory_space<hbm>>
    %dma_start3A_1229 = arith.constant 0 : i32
    %dma_start3A_1230 = arith.constant 0 : i32
    %dma_start3A_1231 = tpu.memref_slice %arg8[%dma_start3A_1223, %dma_start3A_1229, %dma_start3A_1230] : memref<32x8x128xf32, #tpu.memory_space<vmem>> -> memref<1x8x128xf32, #tpu.memory_space<vmem>>
    %dma_start3A_1232 = tpu.memref_squeeze %dma_start3A_1231 : memref<1x8x128xf32, #tpu.memory_space<vmem>> -> memref<8x128xf32, #tpu.memory_space<vmem>>
    %dma_start3A_1233 = tpu.memref_slice %arg2[%multiple_of3A_1222, %multiple_of3A] : memref<100000x1024xf32, #tpu.memory_space<hbm>> -> memref<8x128xf32, #tpu.memory_space<hbm>>
    tpu.enqueue_dma source(%dma_start3A_1233 : memref<8x128xf32, #tpu.memory_space<hbm>>) target(%dma_start3A_1232 : memref<8x128xf32, #tpu.memory_space<vmem>>) target_semaphore(%arg12 : memref<!tpu.dma_semaphore, #tpu.memory_space<semaphore_mem>>)
    %dma_start3A_1234 = arith.constant 28 : i32
    %dma_start3A_1235 = arith.constant 0 : i32
    %dma_start3A_1236 = arith.constant 0 : i32
    %dma_start3A_1237 = tpu.memref_slice %arg9[%dma_start3A_1234, %dma_start3A_1235, %dma_start3A_1236] : memref<32x8x128xf32, #tpu.memory_space<vmem>> -> memref<1x8x128xf32, #tpu.memory_space<vmem>>
    %dma_start3A_1238 = tpu.memref_squeeze %dma_start3A_1237 : memref<1x8x128xf32, #tpu.memory_space<vmem>> -> memref<8x128xf32, #tpu.memory_space<vmem>>
    %dma_start3A_1239 = tpu.memref_slice %arg3[%multiple_of3A_1222, %multiple_of3A] : memref<100000x1024xf32, #tpu.memory_space<hbm>> -> memref<8x128xf32, #tpu.memory_space<hbm>>
    %dma_start3A_1240 = arith.constant 0 : i32
    %dma_start3A_1241 = arith.constant 0 : i32
    %dma_start3A_1242 = tpu.memref_slice %arg9[%dma_start3A_1234, %dma_start3A_1240, %dma_start3A_1241] : memref<32x8x128xf32, #tpu.memory_space<vmem>> -> memref<1x8x128xf32, #tpu.memory_space<vmem>>
    %dma_start3A_1243 = tpu.memref_squeeze %dma_start3A_1242 : memref<1x8x128xf32, #tpu.memory_space<vmem>> -> memref<8x128xf32, #tpu.memory_space<vmem>>
    %dma_start3A_1244 = tpu.memref_slice %arg3[%multiple_of3A_1222, %multiple_of3A] : memref<100000x1024xf32, #tpu.memory_space<hbm>> -> memref<8x128xf32, #tpu.memory_space<hbm>>
    tpu.enqueue_dma source(%dma_start3A_1244 : memref<8x128xf32, #tpu.memory_space<hbm>>) target(%dma_start3A_1243 : memref<8x128xf32, #tpu.memory_space<vmem>>) target_semaphore(%arg13 : memref<!tpu.dma_semaphore, #tpu.memory_space<semaphore_mem>>)
    %get3A_1245 = arith.constant 16 : index
    %get3A_1246 = tpu.vector_load %arg7[%get3A_1245] {strides = array<i32>} : memref<32xi32, #tpu.memory_space<vmem>>, vector<16xi32>,
    %eq3A_1247 = arith.constant 13 : i32
    %eq3A_1248 = vector.broadcast %eq3A_1247 : i32 to vector<16xi32>
    %eq3A_1249 = arith.cmpi eq, %iota3A, %eq3A_1248 : vector<16xi32>
    %jit3A_1250 = arith.constant -1 : i32
    %broadcast_in_dim3A_1251 = vector.broadcast %jit3A_1250 : i32 to vector<16xi32>
    %select_n3A_1252 = arith.select %eq3A_1249, %get3A_1246, %broadcast_in_dim3A_1251 : vector<16xi1>, vector<16xi32>
    %reduce_max3A_1253 = arith.constant true
    %reduce_max3A_1254 = vector.broadcast %reduce_max3A_1253 : i1 to vector<16xi1>
    %reduce_max3A_1255 = arith.constant -2147483648 : i32
    %reduce_max3A_1256 = vector.broadcast %reduce_max3A_1255 : i32 to vector<16xi32>
    %reduce_max3A_1257 = arith.xori %select_n3A_1252, %reduce_max3A_1256 : vector<16xi32>
    %reduce_max3A_1258 = tpu.scan <max>, %reduce_max3A_1257 masked %reduce_max3A_1254 : vector<16xi32>, vector<16xi1> -> vector<16xi32>
    %reduce_max3A_1259 = arith.xori %reduce_max3A_1258, %reduce_max3A_1256 : vector<16xi32>
    %reduce_max3A_1260 = vector.extract %reduce_max3A_1259[15] : i32 from vector<16xi32>
    %shift_right_arithmetic3A_1261 = arith.constant 3 : i32
    %shift_right_arithmetic3A_1262 = arith.shrsi %reduce_max3A_1260, %shift_right_arithmetic3A_1261 : i32
    %shift_left3A_1263 = arith.constant 3 : i32
    %shift_left3A_1264 = arith.shli %shift_right_arithmetic3A_1262, %shift_left3A_1263 : i32
    %multiple_of3A_1265 = tpu.assume_multiple %shift_left3A_1264, 8 : i32
    %dma_start3A_1266 = arith.constant 29 : i32
    %dma_start3A_1267 = arith.constant 0 : i32
    %dma_start3A_1268 = arith.constant 0 : i32
    %dma_start3A_1269 = tpu.memref_slice %arg8[%dma_start3A_1266, %dma_start3A_1267, %dma_start3A_1268] : memref<32x8x128xf32, #tpu.memory_space<vmem>> -> memref<1x8x128xf32, #tpu.memory_space<vmem>>
    %dma_start3A_1270 = tpu.memref_squeeze %dma_start3A_1269 : memref<1x8x128xf32, #tpu.memory_space<vmem>> -> memref<8x128xf32, #tpu.memory_space<vmem>>
    %dma_start3A_1271 = tpu.memref_slice %arg2[%multiple_of3A_1265, %multiple_of3A] : memref<100000x1024xf32, #tpu.memory_space<hbm>> -> memref<8x128xf32, #tpu.memory_space<hbm>>
    %dma_start3A_1272 = arith.constant 0 : i32
    %dma_start3A_1273 = arith.constant 0 : i32
    %dma_start3A_1274 = tpu.memref_slice %arg8[%dma_start3A_1266, %dma_start3A_1272, %dma_start3A_1273] : memref<32x8x128xf32, #tpu.memory_space<vmem>> -> memref<1x8x128xf32, #tpu.memory_space<vmem>>
    %dma_start3A_1275 = tpu.memref_squeeze %dma_start3A_1274 : memref<1x8x128xf32, #tpu.memory_space<vmem>> -> memref<8x128xf32, #tpu.memory_space<vmem>>
    %dma_start3A_1276 = tpu.memref_slice %arg2[%multiple_of3A_1265, %multiple_of3A] : memref<100000x1024xf32, #tpu.memory_space<hbm>> -> memref<8x128xf32, #tpu.memory_space<hbm>>
    tpu.enqueue_dma source(%dma_start3A_1276 : memref<8x128xf32, #tpu.memory_space<hbm>>) target(%dma_start3A_1275 : memref<8x128xf32, #tpu.memory_space<vmem>>) target_semaphore(%arg12 : memref<!tpu.dma_semaphore, #tpu.memory_space<semaphore_mem>>)
    %dma_start3A_1277 = arith.constant 29 : i32
    %dma_start3A_1278 = arith.constant 0 : i32
    %dma_start3A_1279 = arith.constant 0 : i32
    %dma_start3A_1280 = tpu.memref_slice %arg9[%dma_start3A_1277, %dma_start3A_1278, %dma_start3A_1279] : memref<32x8x128xf32, #tpu.memory_space<vmem>> -> memref<1x8x128xf32, #tpu.memory_space<vmem>>
    %dma_start3A_1281 = tpu.memref_squeeze %dma_start3A_1280 : memref<1x8x128xf32, #tpu.memory_space<vmem>> -> memref<8x128xf32, #tpu.memory_space<vmem>>
    %dma_start3A_1282 = tpu.memref_slice %arg3[%multiple_of3A_1265, %multiple_of3A] : memref<100000x1024xf32, #tpu.memory_space<hbm>> -> memref<8x128xf32, #tpu.memory_space<hbm>>
    %dma_start3A_1283 = arith.constant 0 : i32
    %dma_start3A_1284 = arith.constant 0 : i32
    %dma_start3A_1285 = tpu.memref_slice %arg9[%dma_start3A_1277, %dma_start3A_1283, %dma_start3A_1284] : memref<32x8x128xf32, #tpu.memory_space<vmem>> -> memref<1x8x128xf32, #tpu.memory_space<vmem>>
    %dma_start3A_1286 = tpu.memref_squeeze %dma_start3A_1285 : memref<1x8x128xf32, #tpu.memory_space<vmem>> -> memref<8x128xf32, #tpu.memory_space<vmem>>
    %dma_start3A_1287 = tpu.memref_slice %arg3[%multiple_of3A_1265, %multiple_of3A] : memref<100000x1024xf32, #tpu.memory_space<hbm>> -> memref<8x128xf32, #tpu.memory_space<hbm>>
    tpu.enqueue_dma source(%dma_start3A_1287 : memref<8x128xf32, #tpu.memory_space<hbm>>) target(%dma_start3A_1286 : memref<8x128xf32, #tpu.memory_space<vmem>>) target_semaphore(%arg13 : memref<!tpu.dma_semaphore, #tpu.memory_space<semaphore_mem>>)
    %get3A_1288 = arith.constant 16 : index
    %get3A_1289 = tpu.vector_load %arg7[%get3A_1288] {strides = array<i32>} : memref<32xi32, #tpu.memory_space<vmem>>, vector<16xi32>,
    %eq3A_1290 = arith.constant 14 : i32
    %eq3A_1291 = vector.broadcast %eq3A_1290 : i32 to vector<16xi32>
    %eq3A_1292 = arith.cmpi eq, %iota3A, %eq3A_1291 : vector<16xi32>
    %jit3A_1293 = arith.constant -1 : i32
    %broadcast_in_dim3A_1294 = vector.broadcast %jit3A_1293 : i32 to vector<16xi32>
    %select_n3A_1295 = arith.select %eq3A_1292, %get3A_1289, %broadcast_in_dim3A_1294 : vector<16xi1>, vector<16xi32>
    %reduce_max3A_1296 = arith.constant true
    %reduce_max3A_1297 = vector.broadcast %reduce_max3A_1296 : i1 to vector<16xi1>
    %reduce_max3A_1298 = arith.constant -2147483648 : i32
    %reduce_max3A_1299 = vector.broadcast %reduce_max3A_1298 : i32 to vector<16xi32>
    %reduce_max3A_1300 = arith.xori %select_n3A_1295, %reduce_max3A_1299 : vector<16xi32>
    %reduce_max3A_1301 = tpu.scan <max>, %reduce_max3A_1300 masked %reduce_max3A_1297 : vector<16xi32>, vector<16xi1> -> vector<16xi32>
    %reduce_max3A_1302 = arith.xori %reduce_max3A_1301, %reduce_max3A_1299 : vector<16xi32>
    %reduce_max3A_1303 = vector.extract %reduce_max3A_1302[15] : i32 from vector<16xi32>
    %shift_right_arithmetic3A_1304 = arith.constant 3 : i32
    %shift_right_arithmetic3A_1305 = arith.shrsi %reduce_max3A_1303, %shift_right_arithmetic3A_1304 : i32
    %shift_left3A_1306 = arith.constant 3 : i32
    %shift_left3A_1307 = arith.shli %shift_right_arithmetic3A_1305, %shift_left3A_1306 : i32
    %multiple_of3A_1308 = tpu.assume_multiple %shift_left3A_1307, 8 : i32
    %dma_start3A_1309 = arith.constant 30 : i32
    %dma_start3A_1310 = arith.constant 0 : i32
    %dma_start3A_1311 = arith.constant 0 : i32
    %dma_start3A_1312 = tpu.memref_slice %arg8[%dma_start3A_1309, %dma_start3A_1310, %dma_start3A_1311] : memref<32x8x128xf32, #tpu.memory_space<vmem>> -> memref<1x8x128xf32, #tpu.memory_space<vmem>>
    %dma_start3A_1313 = tpu.memref_squeeze %dma_start3A_1312 : memref<1x8x128xf32, #tpu.memory_space<vmem>> -> memref<8x128xf32, #tpu.memory_space<vmem>>
    %dma_start3A_1314 = tpu.memref_slice %arg2[%multiple_of3A_1308, %multiple_of3A] : memref<100000x1024xf32, #tpu.memory_space<hbm>> -> memref<8x128xf32, #tpu.memory_space<hbm>>
    %dma_start3A_1315 = arith.constant 0 : i32
    %dma_start3A_1316 = arith.constant 0 : i32
    %dma_start3A_1317 = tpu.memref_slice %arg8[%dma_start3A_1309, %dma_start3A_1315, %dma_start3A_1316] : memref<32x8x128xf32, #tpu.memory_space<vmem>> -> memref<1x8x128xf32, #tpu.memory_space<vmem>>
    %dma_start3A_1318 = tpu.memref_squeeze %dma_start3A_1317 : memref<1x8x128xf32, #tpu.memory_space<vmem>> -> memref<8x128xf32, #tpu.memory_space<vmem>>
    %dma_start3A_1319 = tpu.memref_slice %arg2[%multiple_of3A_1308, %multiple_of3A] : memref<100000x1024xf32, #tpu.memory_space<hbm>> -> memref<8x128xf32, #tpu.memory_space<hbm>>
    tpu.enqueue_dma source(%dma_start3A_1319 : memref<8x128xf32, #tpu.memory_space<hbm>>) target(%dma_start3A_1318 : memref<8x128xf32, #tpu.memory_space<vmem>>) target_semaphore(%arg12 : memref<!tpu.dma_semaphore, #tpu.memory_space<semaphore_mem>>)
    %dma_start3A_1320 = arith.constant 30 : i32
    %dma_start3A_1321 = arith.constant 0 : i32
    %dma_start3A_1322 = arith.constant 0 : i32
    %dma_start3A_1323 = tpu.memref_slice %arg9[%dma_start3A_1320, %dma_start3A_1321, %dma_start3A_1322] : memref<32x8x128xf32, #tpu.memory_space<vmem>> -> memref<1x8x128xf32, #tpu.memory_space<vmem>>
    %dma_start3A_1324 = tpu.memref_squeeze %dma_start3A_1323 : memref<1x8x128xf32, #tpu.memory_space<vmem>> -> memref<8x128xf32, #tpu.memory_space<vmem>>
    %dma_start3A_1325 = tpu.memref_slice %arg3[%multiple_of3A_1308, %multiple_of3A] : memref<100000x1024xf32, #tpu.memory_space<hbm>> -> memref<8x128xf32, #tpu.memory_space<hbm>>
    %dma_start3A_1326 = arith.constant 0 : i32
    %dma_start3A_1327 = arith.constant 0 : i32
    %dma_start3A_1328 = tpu.memref_slice %arg9[%dma_start3A_1320, %dma_start3A_1326, %dma_start3A_1327] : memref<32x8x128xf32, #tpu.memory_space<vmem>> -> memref<1x8x128xf32, #tpu.memory_space<vmem>>
    %dma_start3A_1329 = tpu.memref_squeeze %dma_start3A_1328 : memref<1x8x128xf32, #tpu.memory_space<vmem>> -> memref<8x128xf32, #tpu.memory_space<vmem>>
    %dma_start3A_1330 = tpu.memref_slice %arg3[%multiple_of3A_1308, %multiple_of3A] : memref<100000x1024xf32, #tpu.memory_space<hbm>> -> memref<8x128xf32, #tpu.memory_space<hbm>>
    tpu.enqueue_dma source(%dma_start3A_1330 : memref<8x128xf32, #tpu.memory_space<hbm>>) target(%dma_start3A_1329 : memref<8x128xf32, #tpu.memory_space<vmem>>) target_semaphore(%arg13 : memref<!tpu.dma_semaphore, #tpu.memory_space<semaphore_mem>>)
    %get3A_1331 = arith.constant 16 : index
    %get3A_1332 = tpu.vector_load %arg7[%get3A_1331] {strides = array<i32>} : memref<32xi32, #tpu.memory_space<vmem>>, vector<16xi32>,
    %eq3A_1333 = arith.constant 15 : i32
    %eq3A_1334 = vector.broadcast %eq3A_1333 : i32 to vector<16xi32>
    %eq3A_1335 = arith.cmpi eq, %iota3A, %eq3A_1334 : vector<16xi32>
    %jit3A_1336 = arith.constant -1 : i32
    %broadcast_in_dim3A_1337 = vector.broadcast %jit3A_1336 : i32 to vector<16xi32>
    %select_n3A_1338 = arith.select %eq3A_1335, %get3A_1332, %broadcast_in_dim3A_1337 : vector<16xi1>, vector<16xi32>
    %reduce_max3A_1339 = arith.constant true
    %reduce_max3A_1340 = vector.broadcast %reduce_max3A_1339 : i1 to vector<16xi1>
    %reduce_max3A_1341 = arith.constant -2147483648 : i32
    %reduce_max3A_1342 = vector.broadcast %reduce_max3A_1341 : i32 to vector<16xi32>
    %reduce_max3A_1343 = arith.xori %select_n3A_1338, %reduce_max3A_1342 : vector<16xi32>
    %reduce_max3A_1344 = tpu.scan <max>, %reduce_max3A_1343 masked %reduce_max3A_1340 : vector<16xi32>, vector<16xi1> -> vector<16xi32>
    %reduce_max3A_1345 = arith.xori %reduce_max3A_1344, %reduce_max3A_1342 : vector<16xi32>
    %reduce_max3A_1346 = vector.extract %reduce_max3A_1345[15] : i32 from vector<16xi32>
    %shift_right_arithmetic3A_1347 = arith.constant 3 : i32
    %shift_right_arithmetic3A_1348 = arith.shrsi %reduce_max3A_1346, %shift_right_arithmetic3A_1347 : i32
    %shift_left3A_1349 = arith.constant 3 : i32
    %shift_left3A_1350 = arith.shli %shift_right_arithmetic3A_1348, %shift_left3A_1349 : i32
    %multiple_of3A_1351 = tpu.assume_multiple %shift_left3A_1350, 8 : i32
    %dma_start3A_1352 = arith.constant 31 : i32
    %dma_start3A_1353 = arith.constant 0 : i32
    %dma_start3A_1354 = arith.constant 0 : i32
    %dma_start3A_1355 = tpu.memref_slice %arg8[%dma_start3A_1352, %dma_start3A_1353, %dma_start3A_1354] : memref<32x8x128xf32, #tpu.memory_space<vmem>> -> memref<1x8x128xf32, #tpu.memory_space<vmem>>
    %dma_start3A_1356 = tpu.memref_squeeze %dma_start3A_1355 : memref<1x8x128xf32, #tpu.memory_space<vmem>> -> memref<8x128xf32, #tpu.memory_space<vmem>>
    %dma_start3A_1357 = tpu.memref_slice %arg2[%multiple_of3A_1351, %multiple_of3A] : memref<100000x1024xf32, #tpu.memory_space<hbm>> -> memref<8x128xf32, #tpu.memory_space<hbm>>
    %dma_start3A_1358 = arith.constant 0 : i32
    %dma_start3A_1359 = arith.constant 0 : i32
    %dma_start3A_1360 = tpu.memref_slice %arg8[%dma_start3A_1352, %dma_start3A_1358, %dma_start3A_1359] : memref<32x8x128xf32, #tpu.memory_space<vmem>> -> memref<1x8x128xf32, #tpu.memory_space<vmem>>
    %dma_start3A_1361 = tpu.memref_squeeze %dma_start3A_1360 : memref<1x8x128xf32, #tpu.memory_space<vmem>> -> memref<8x128xf32, #tpu.memory_space<vmem>>
    %dma_start3A_1362 = tpu.memref_slice %arg2[%multiple_of3A_1351, %multiple_of3A] : memref<100000x1024xf32, #tpu.memory_space<hbm>> -> memref<8x128xf32, #tpu.memory_space<hbm>>
    tpu.enqueue_dma source(%dma_start3A_1362 : memref<8x128xf32, #tpu.memory_space<hbm>>) target(%dma_start3A_1361 : memref<8x128xf32, #tpu.memory_space<vmem>>) target_semaphore(%arg12 : memref<!tpu.dma_semaphore, #tpu.memory_space<semaphore_mem>>)
    %dma_start3A_1363 = arith.constant 31 : i32
    %dma_start3A_1364 = arith.constant 0 : i32
    %dma_start3A_1365 = arith.constant 0 : i32
    %dma_start3A_1366 = tpu.memref_slice %arg9[%dma_start3A_1363, %dma_start3A_1364, %dma_start3A_1365] : memref<32x8x128xf32, #tpu.memory_space<vmem>> -> memref<1x8x128xf32, #tpu.memory_space<vmem>>
    %dma_start3A_1367 = tpu.memref_squeeze %dma_start3A_1366 : memref<1x8x128xf32, #tpu.memory_space<vmem>> -> memref<8x128xf32, #tpu.memory_space<vmem>>
    %dma_start3A_1368 = tpu.memref_slice %arg3[%multiple_of3A_1351, %multiple_of3A] : memref<100000x1024xf32, #tpu.memory_space<hbm>> -> memref<8x128xf32, #tpu.memory_space<hbm>>
    %dma_start3A_1369 = arith.constant 0 : i32
    %dma_start3A_1370 = arith.constant 0 : i32
    %dma_start3A_1371 = tpu.memref_slice %arg9[%dma_start3A_1363, %dma_start3A_1369, %dma_start3A_1370] : memref<32x8x128xf32, #tpu.memory_space<vmem>> -> memref<1x8x128xf32, #tpu.memory_space<vmem>>
    %dma_start3A_1372 = tpu.memref_squeeze %dma_start3A_1371 : memref<1x8x128xf32, #tpu.memory_space<vmem>> -> memref<8x128xf32, #tpu.memory_space<vmem>>
    %dma_start3A_1373 = tpu.memref_slice %arg3[%multiple_of3A_1351, %multiple_of3A] : memref<100000x1024xf32, #tpu.memory_space<hbm>> -> memref<8x128xf32, #tpu.memory_space<hbm>>
    tpu.enqueue_dma source(%dma_start3A_1373 : memref<8x128xf32, #tpu.memory_space<hbm>>) target(%dma_start3A_1372 : memref<8x128xf32, #tpu.memory_space<vmem>>) target_semaphore(%arg13 : memref<!tpu.dma_semaphore, #tpu.memory_space<semaphore_mem>>)
    %dma_wait3A = arith.constant 0 : i32
    %dma_wait3A_1374 = arith.constant 0 : i32
    %dma_wait3A_1375 = arith.constant 0 : i32
    %dma_wait3A_1376 = tpu.memref_slice %arg8[%dma_wait3A, %dma_wait3A_1374, %dma_wait3A_1375] : memref<32x8x128xf32, #tpu.memory_space<vmem>> -> memref<1x8x128xf32, #tpu.memory_space<vmem>>
    %dma_wait3A_1377 = tpu.memref_squeeze %dma_wait3A_1376 : memref<1x8x128xf32, #tpu.memory_space<vmem>> -> memref<8x128xf32, #tpu.memory_space<vmem>>
    %dma_wait3A_1378 = tpu.memref_slice %arg2[%multiple_of3A_19, %multiple_of3A] : memref<100000x1024xf32, #tpu.memory_space<hbm>> -> memref<8x128xf32, #tpu.memory_space<hbm>>
    %dma_wait3A_1379 = arith.constant 0 : i32
    %dma_wait3A_1380 = arith.constant 0 : i32
    %dma_wait3A_1381 = tpu.memref_slice %arg8[%dma_wait3A, %dma_wait3A_1379, %dma_wait3A_1380] : memref<32x8x128xf32, #tpu.memory_space<vmem>> -> memref<1x8x128xf32, #tpu.memory_space<vmem>>
    %dma_wait3A_1382 = tpu.memref_squeeze %dma_wait3A_1381 : memref<1x8x128xf32, #tpu.memory_space<vmem>> -> memref<8x128xf32, #tpu.memory_space<vmem>>
    %dma_wait3A_1383 = tpu.memref_slice %arg2[%multiple_of3A_19, %multiple_of3A] : memref<100000x1024xf32, #tpu.memory_space<hbm>> -> memref<8x128xf32, #tpu.memory_space<hbm>>
    tpu.wait_dma2 semaphore(%arg12 : memref<!tpu.dma_semaphore, #tpu.memory_space<semaphore_mem>>) src(%dma_wait3A_1383 : memref<8x128xf32, #tpu.memory_space<hbm>>) dst(%dma_wait3A_1382 : memref<8x128xf32, #tpu.memory_space<vmem>>)
    %dma_wait3A_1384 = arith.constant 0 : i32
    %dma_wait3A_1385 = arith.constant 0 : i32
    %dma_wait3A_1386 = arith.constant 0 : i32
    %dma_wait3A_1387 = tpu.memref_slice %arg9[%dma_wait3A_1384, %dma_wait3A_1385, %dma_wait3A_1386] : memref<32x8x128xf32, #tpu.memory_space<vmem>> -> memref<1x8x128xf32, #tpu.memory_space<vmem>>
    %dma_wait3A_1388 = tpu.memref_squeeze %dma_wait3A_1387 : memref<1x8x128xf32, #tpu.memory_space<vmem>> -> memref<8x128xf32, #tpu.memory_space<vmem>>
    %dma_wait3A_1389 = tpu.memref_slice %arg3[%multiple_of3A_19, %multiple_of3A] : memref<100000x1024xf32, #tpu.memory_space<hbm>> -> memref<8x128xf32, #tpu.memory_space<hbm>>
    %dma_wait3A_1390 = arith.constant 0 : i32
    %dma_wait3A_1391 = arith.constant 0 : i32
    %dma_wait3A_1392 = tpu.memref_slice %arg9[%dma_wait3A_1384, %dma_wait3A_1390, %dma_wait3A_1391] : memref<32x8x128xf32, #tpu.memory_space<vmem>> -> memref<1x8x128xf32, #tpu.memory_space<vmem>>
    %dma_wait3A_1393 = tpu.memref_squeeze %dma_wait3A_1392 : memref<1x8x128xf32, #tpu.memory_space<vmem>> -> memref<8x128xf32, #tpu.memory_space<vmem>>
    %dma_wait3A_1394 = tpu.memref_slice %arg3[%multiple_of3A_19, %multiple_of3A] : memref<100000x1024xf32, #tpu.memory_space<hbm>> -> memref<8x128xf32, #tpu.memory_space<hbm>>
    tpu.wait_dma2 semaphore(%arg13 : memref<!tpu.dma_semaphore, #tpu.memory_space<semaphore_mem>>) src(%dma_wait3A_1394 : memref<8x128xf32, #tpu.memory_space<hbm>>) dst(%dma_wait3A_1393 : memref<8x128xf32, #tpu.memory_space<vmem>>)
    %dma_wait3A_1395 = arith.constant 1 : i32
    %dma_wait3A_1396 = arith.constant 0 : i32
    %dma_wait3A_1397 = arith.constant 0 : i32
    %dma_wait3A_1398 = tpu.memref_slice %arg8[%dma_wait3A_1395, %dma_wait3A_1396, %dma_wait3A_1397] : memref<32x8x128xf32, #tpu.memory_space<vmem>> -> memref<1x8x128xf32, #tpu.memory_space<vmem>>
    %dma_wait3A_1399 = tpu.memref_squeeze %dma_wait3A_1398 : memref<1x8x128xf32, #tpu.memory_space<vmem>> -> memref<8x128xf32, #tpu.memory_space<vmem>>
    %dma_wait3A_1400 = tpu.memref_slice %arg2[%multiple_of3A_61, %multiple_of3A] : memref<100000x1024xf32, #tpu.memory_space<hbm>> -> memref<8x128xf32, #tpu.memory_space<hbm>>
    %dma_wait3A_1401 = arith.constant 0 : i32
    %dma_wait3A_1402 = arith.constant 0 : i32
    %dma_wait3A_1403 = tpu.memref_slice %arg8[%dma_wait3A_1395, %dma_wait3A_1401, %dma_wait3A_1402] : memref<32x8x128xf32, #tpu.memory_space<vmem>> -> memref<1x8x128xf32, #tpu.memory_space<vmem>>
    %dma_wait3A_1404 = tpu.memref_squeeze %dma_wait3A_1403 : memref<1x8x128xf32, #tpu.memory_space<vmem>> -> memref<8x128xf32, #tpu.memory_space<vmem>>
    %dma_wait3A_1405 = tpu.memref_slice %arg2[%multiple_of3A_61, %multiple_of3A] : memref<100000x1024xf32, #tpu.memory_space<hbm>> -> memref<8x128xf32, #tpu.memory_space<hbm>>
    tpu.wait_dma2 semaphore(%arg12 : memref<!tpu.dma_semaphore, #tpu.memory_space<semaphore_mem>>) src(%dma_wait3A_1405 : memref<8x128xf32, #tpu.memory_space<hbm>>) dst(%dma_wait3A_1404 : memref<8x128xf32, #tpu.memory_space<vmem>>)
    %dma_wait3A_1406 = arith.constant 1 : i32
    %dma_wait3A_1407 = arith.constant 0 : i32
    %dma_wait3A_1408 = arith.constant 0 : i32
    %dma_wait3A_1409 = tpu.memref_slice %arg9[%dma_wait3A_1406, %dma_wait3A_1407, %dma_wait3A_1408] : memref<32x8x128xf32, #tpu.memory_space<vmem>> -> memref<1x8x128xf32, #tpu.memory_space<vmem>>
    %dma_wait3A_1410 = tpu.memref_squeeze %dma_wait3A_1409 : memref<1x8x128xf32, #tpu.memory_space<vmem>> -> memref<8x128xf32, #tpu.memory_space<vmem>>
    %dma_wait3A_1411 = tpu.memref_slice %arg3[%multiple_of3A_61, %multiple_of3A] : memref<100000x1024xf32, #tpu.memory_space<hbm>> -> memref<8x128xf32, #tpu.memory_space<hbm>>
    %dma_wait3A_1412 = arith.constant 0 : i32
    %dma_wait3A_1413 = arith.constant 0 : i32
    %dma_wait3A_1414 = tpu.memref_slice %arg9[%dma_wait3A_1406, %dma_wait3A_1412, %dma_wait3A_1413] : memref<32x8x128xf32, #tpu.memory_space<vmem>> -> memref<1x8x128xf32, #tpu.memory_space<vmem>>
    %dma_wait3A_1415 = tpu.memref_squeeze %dma_wait3A_1414 : memref<1x8x128xf32, #tpu.memory_space<vmem>> -> memref<8x128xf32, #tpu.memory_space<vmem>>
    %dma_wait3A_1416 = tpu.memref_slice %arg3[%multiple_of3A_61, %multiple_of3A] : memref<100000x1024xf32, #tpu.memory_space<hbm>> -> memref<8x128xf32, #tpu.memory_space<hbm>>
    tpu.wait_dma2 semaphore(%arg13 : memref<!tpu.dma_semaphore, #tpu.memory_space<semaphore_mem>>) src(%dma_wait3A_1416 : memref<8x128xf32, #tpu.memory_space<hbm>>) dst(%dma_wait3A_1415 : memref<8x128xf32, #tpu.memory_space<vmem>>)
    %dma_wait3A_1417 = arith.constant 2 : i32
    %dma_wait3A_1418 = arith.constant 0 : i32
    %dma_wait3A_1419 = arith.constant 0 : i32
    %dma_wait3A_1420 = tpu.memref_slice %arg8[%dma_wait3A_1417, %dma_wait3A_1418, %dma_wait3A_1419] : memref<32x8x128xf32, #tpu.memory_space<vmem>> -> memref<1x8x128xf32, #tpu.memory_space<vmem>>
    %dma_wait3A_1421 = tpu.memref_squeeze %dma_wait3A_1420 : memref<1x8x128xf32, #tpu.memory_space<vmem>> -> memref<8x128xf32, #tpu.memory_space<vmem>>
    %dma_wait3A_1422 = tpu.memref_slice %arg2[%multiple_of3A_104, %multiple_of3A] : memref<100000x1024xf32, #tpu.memory_space<hbm>> -> memref<8x128xf32, #tpu.memory_space<hbm>>
    %dma_wait3A_1423 = arith.constant 0 : i32
    %dma_wait3A_1424 = arith.constant 0 : i32
    %dma_wait3A_1425 = tpu.memref_slice %arg8[%dma_wait3A_1417, %dma_wait3A_1423, %dma_wait3A_1424] : memref<32x8x128xf32, #tpu.memory_space<vmem>> -> memref<1x8x128xf32, #tpu.memory_space<vmem>>
    %dma_wait3A_1426 = tpu.memref_squeeze %dma_wait3A_1425 : memref<1x8x128xf32, #tpu.memory_space<vmem>> -> memref<8x128xf32, #tpu.memory_space<vmem>>
    %dma_wait3A_1427 = tpu.memref_slice %arg2[%multiple_of3A_104, %multiple_of3A] : memref<100000x1024xf32, #tpu.memory_space<hbm>> -> memref<8x128xf32, #tpu.memory_space<hbm>>
    tpu.wait_dma2 semaphore(%arg12 : memref<!tpu.dma_semaphore, #tpu.memory_space<semaphore_mem>>) src(%dma_wait3A_1427 : memref<8x128xf32, #tpu.memory_space<hbm>>) dst(%dma_wait3A_1426 : memref<8x128xf32, #tpu.memory_space<vmem>>)
    %dma_wait3A_1428 = arith.constant 2 : i32
    %dma_wait3A_1429 = arith.constant 0 : i32
    %dma_wait3A_1430 = arith.constant 0 : i32
    %dma_wait3A_1431 = tpu.memref_slice %arg9[%dma_wait3A_1428, %dma_wait3A_1429, %dma_wait3A_1430] : memref<32x8x128xf32, #tpu.memory_space<vmem>> -> memref<1x8x128xf32, #tpu.memory_space<vmem>>
    %dma_wait3A_1432 = tpu.memref_squeeze %dma_wait3A_1431 : memref<1x8x128xf32, #tpu.memory_space<vmem>> -> memref<8x128xf32, #tpu.memory_space<vmem>>
    %dma_wait3A_1433 = tpu.memref_slice %arg3[%multiple_of3A_104, %multiple_of3A] : memref<100000x1024xf32, #tpu.memory_space<hbm>> -> memref<8x128xf32, #tpu.memory_space<hbm>>
    %dma_wait3A_1434 = arith.constant 0 : i32
    %dma_wait3A_1435 = arith.constant 0 : i32
    %dma_wait3A_1436 = tpu.memref_slice %arg9[%dma_wait3A_1428, %dma_wait3A_1434, %dma_wait3A_1435] : memref<32x8x128xf32, #tpu.memory_space<vmem>> -> memref<1x8x128xf32, #tpu.memory_space<vmem>>
    %dma_wait3A_1437 = tpu.memref_squeeze %dma_wait3A_1436 : memref<1x8x128xf32, #tpu.memory_space<vmem>> -> memref<8x128xf32, #tpu.memory_space<vmem>>
    %dma_wait3A_1438 = tpu.memref_slice %arg3[%multiple_of3A_104, %multiple_of3A] : memref<100000x1024xf32, #tpu.memory_space<hbm>> -> memref<8x128xf32, #tpu.memory_space<hbm>>
    tpu.wait_dma2 semaphore(%arg13 : memref<!tpu.dma_semaphore, #tpu.memory_space<semaphore_mem>>) src(%dma_wait3A_1438 : memref<8x128xf32, #tpu.memory_space<hbm>>) dst(%dma_wait3A_1437 : memref<8x128xf32, #tpu.memory_space<vmem>>)
    %dma_wait3A_1439 = arith.constant 3 : i32
    %dma_wait3A_1440 = arith.constant 0 : i32
    %dma_wait3A_1441 = arith.constant 0 : i32
    %dma_wait3A_1442 = tpu.memref_slice %arg8[%dma_wait3A_1439, %dma_wait3A_1440, %dma_wait3A_1441] : memref<32x8x128xf32, #tpu.memory_space<vmem>> -> memref<1x8x128xf32, #tpu.memory_space<vmem>>
    %dma_wait3A_1443 = tpu.memref_squeeze %dma_wait3A_1442 : memref<1x8x128xf32, #tpu.memory_space<vmem>> -> memref<8x128xf32, #tpu.memory_space<vmem>>
    %dma_wait3A_1444 = tpu.memref_slice %arg2[%multiple_of3A_147, %multiple_of3A] : memref<100000x1024xf32, #tpu.memory_space<hbm>> -> memref<8x128xf32, #tpu.memory_space<hbm>>
    %dma_wait3A_1445 = arith.constant 0 : i32
    %dma_wait3A_1446 = arith.constant 0 : i32
    %dma_wait3A_1447 = tpu.memref_slice %arg8[%dma_wait3A_1439, %dma_wait3A_1445, %dma_wait3A_1446] : memref<32x8x128xf32, #tpu.memory_space<vmem>> -> memref<1x8x128xf32, #tpu.memory_space<vmem>>
    %dma_wait3A_1448 = tpu.memref_squeeze %dma_wait3A_1447 : memref<1x8x128xf32, #tpu.memory_space<vmem>> -> memref<8x128xf32, #tpu.memory_space<vmem>>
    %dma_wait3A_1449 = tpu.memref_slice %arg2[%multiple_of3A_147, %multiple_of3A] : memref<100000x1024xf32, #tpu.memory_space<hbm>> -> memref<8x128xf32, #tpu.memory_space<hbm>>
    tpu.wait_dma2 semaphore(%arg12 : memref<!tpu.dma_semaphore, #tpu.memory_space<semaphore_mem>>) src(%dma_wait3A_1449 : memref<8x128xf32, #tpu.memory_space<hbm>>) dst(%dma_wait3A_1448 : memref<8x128xf32, #tpu.memory_space<vmem>>)
    %dma_wait3A_1450 = arith.constant 3 : i32
    %dma_wait3A_1451 = arith.constant 0 : i32
    %dma_wait3A_1452 = arith.constant 0 : i32
    %dma_wait3A_1453 = tpu.memref_slice %arg9[%dma_wait3A_1450, %dma_wait3A_1451, %dma_wait3A_1452] : memref<32x8x128xf32, #tpu.memory_space<vmem>> -> memref<1x8x128xf32, #tpu.memory_space<vmem>>
    %dma_wait3A_1454 = tpu.memref_squeeze %dma_wait3A_1453 : memref<1x8x128xf32, #tpu.memory_space<vmem>> -> memref<8x128xf32, #tpu.memory_space<vmem>>
    %dma_wait3A_1455 = tpu.memref_slice %arg3[%multiple_of3A_147, %multiple_of3A] : memref<100000x1024xf32, #tpu.memory_space<hbm>> -> memref<8x128xf32, #tpu.memory_space<hbm>>
    %dma_wait3A_1456 = arith.constant 0 : i32
    %dma_wait3A_1457 = arith.constant 0 : i32
    %dma_wait3A_1458 = tpu.memref_slice %arg9[%dma_wait3A_1450, %dma_wait3A_1456, %dma_wait3A_1457] : memref<32x8x128xf32, #tpu.memory_space<vmem>> -> memref<1x8x128xf32, #tpu.memory_space<vmem>>
    %dma_wait3A_1459 = tpu.memref_squeeze %dma_wait3A_1458 : memref<1x8x128xf32, #tpu.memory_space<vmem>> -> memref<8x128xf32, #tpu.memory_space<vmem>>
    %dma_wait3A_1460 = tpu.memref_slice %arg3[%multiple_of3A_147, %multiple_of3A] : memref<100000x1024xf32, #tpu.memory_space<hbm>> -> memref<8x128xf32, #tpu.memory_space<hbm>>
    tpu.wait_dma2 semaphore(%arg13 : memref<!tpu.dma_semaphore, #tpu.memory_space<semaphore_mem>>) src(%dma_wait3A_1460 : memref<8x128xf32, #tpu.memory_space<hbm>>) dst(%dma_wait3A_1459 : memref<8x128xf32, #tpu.memory_space<vmem>>)
    %dma_wait3A_1461 = arith.constant 4 : i32
    %dma_wait3A_1462 = arith.constant 0 : i32
    %dma_wait3A_1463 = arith.constant 0 : i32
    %dma_wait3A_1464 = tpu.memref_slice %arg8[%dma_wait3A_1461, %dma_wait3A_1462, %dma_wait3A_1463] : memref<32x8x128xf32, #tpu.memory_space<vmem>> -> memref<1x8x128xf32, #tpu.memory_space<vmem>>
    %dma_wait3A_1465 = tpu.memref_squeeze %dma_wait3A_1464 : memref<1x8x128xf32, #tpu.memory_space<vmem>> -> memref<8x128xf32, #tpu.memory_space<vmem>>
    %dma_wait3A_1466 = tpu.memref_slice %arg2[%multiple_of3A_190, %multiple_of3A] : memref<100000x1024xf32, #tpu.memory_space<hbm>> -> memref<8x128xf32, #tpu.memory_space<hbm>>
    %dma_wait3A_1467 = arith.constant 0 : i32
    %dma_wait3A_1468 = arith.constant 0 : i32
    %dma_wait3A_1469 = tpu.memref_slice %arg8[%dma_wait3A_1461, %dma_wait3A_1467, %dma_wait3A_1468] : memref<32x8x128xf32, #tpu.memory_space<vmem>> -> memref<1x8x128xf32, #tpu.memory_space<vmem>>
    %dma_wait3A_1470 = tpu.memref_squeeze %dma_wait3A_1469 : memref<1x8x128xf32, #tpu.memory_space<vmem>> -> memref<8x128xf32, #tpu.memory_space<vmem>>
    %dma_wait3A_1471 = tpu.memref_slice %arg2[%multiple_of3A_190, %multiple_of3A] : memref<100000x1024xf32, #tpu.memory_space<hbm>> -> memref<8x128xf32, #tpu.memory_space<hbm>>
    tpu.wait_dma2 semaphore(%arg12 : memref<!tpu.dma_semaphore, #tpu.memory_space<semaphore_mem>>) src(%dma_wait3A_1471 : memref<8x128xf32, #tpu.memory_space<hbm>>) dst(%dma_wait3A_1470 : memref<8x128xf32, #tpu.memory_space<vmem>>)
    %dma_wait3A_1472 = arith.constant 4 : i32
    %dma_wait3A_1473 = arith.constant 0 : i32
    %dma_wait3A_1474 = arith.constant 0 : i32
    %dma_wait3A_1475 = tpu.memref_slice %arg9[%dma_wait3A_1472, %dma_wait3A_1473, %dma_wait3A_1474] : memref<32x8x128xf32, #tpu.memory_space<vmem>> -> memref<1x8x128xf32, #tpu.memory_space<vmem>>
    %dma_wait3A_1476 = tpu.memref_squeeze %dma_wait3A_1475 : memref<1x8x128xf32, #tpu.memory_space<vmem>> -> memref<8x128xf32, #tpu.memory_space<vmem>>
    %dma_wait3A_1477 = tpu.memref_slice %arg3[%multiple_of3A_190, %multiple_of3A] : memref<100000x1024xf32, #tpu.memory_space<hbm>> -> memref<8x128xf32, #tpu.memory_space<hbm>>
    %dma_wait3A_1478 = arith.constant 0 : i32
    %dma_wait3A_1479 = arith.constant 0 : i32
    %dma_wait3A_1480 = tpu.memref_slice %arg9[%dma_wait3A_1472, %dma_wait3A_1478, %dma_wait3A_1479] : memref<32x8x128xf32, #tpu.memory_space<vmem>> -> memref<1x8x128xf32, #tpu.memory_space<vmem>>
    %dma_wait3A_1481 = tpu.memref_squeeze %dma_wait3A_1480 : memref<1x8x128xf32, #tpu.memory_space<vmem>> -> memref<8x128xf32, #tpu.memory_space<vmem>>
    %dma_wait3A_1482 = tpu.memref_slice %arg3[%multiple_of3A_190, %multiple_of3A] : memref<100000x1024xf32, #tpu.memory_space<hbm>> -> memref<8x128xf32, #tpu.memory_space<hbm>>
    tpu.wait_dma2 semaphore(%arg13 : memref<!tpu.dma_semaphore, #tpu.memory_space<semaphore_mem>>) src(%dma_wait3A_1482 : memref<8x128xf32, #tpu.memory_space<hbm>>) dst(%dma_wait3A_1481 : memref<8x128xf32, #tpu.memory_space<vmem>>)
    %dma_wait3A_1483 = arith.constant 5 : i32
    %dma_wait3A_1484 = arith.constant 0 : i32
    %dma_wait3A_1485 = arith.constant 0 : i32
    %dma_wait3A_1486 = tpu.memref_slice %arg8[%dma_wait3A_1483, %dma_wait3A_1484, %dma_wait3A_1485] : memref<32x8x128xf32, #tpu.memory_space<vmem>> -> memref<1x8x128xf32, #tpu.memory_space<vmem>>
    %dma_wait3A_1487 = tpu.memref_squeeze %dma_wait3A_1486 : memref<1x8x128xf32, #tpu.memory_space<vmem>> -> memref<8x128xf32, #tpu.memory_space<vmem>>
    %dma_wait3A_1488 = tpu.memref_slice %arg2[%multiple_of3A_233, %multiple_of3A] : memref<100000x1024xf32, #tpu.memory_space<hbm>> -> memref<8x128xf32, #tpu.memory_space<hbm>>
    %dma_wait3A_1489 = arith.constant 0 : i32
    %dma_wait3A_1490 = arith.constant 0 : i32
    %dma_wait3A_1491 = tpu.memref_slice %arg8[%dma_wait3A_1483, %dma_wait3A_1489, %dma_wait3A_1490] : memref<32x8x128xf32, #tpu.memory_space<vmem>> -> memref<1x8x128xf32, #tpu.memory_space<vmem>>
    %dma_wait3A_1492 = tpu.memref_squeeze %dma_wait3A_1491 : memref<1x8x128xf32, #tpu.memory_space<vmem>> -> memref<8x128xf32, #tpu.memory_space<vmem>>
    %dma_wait3A_1493 = tpu.memref_slice %arg2[%multiple_of3A_233, %multiple_of3A] : memref<100000x1024xf32, #tpu.memory_space<hbm>> -> memref<8x128xf32, #tpu.memory_space<hbm>>
    tpu.wait_dma2 semaphore(%arg12 : memref<!tpu.dma_semaphore, #tpu.memory_space<semaphore_mem>>) src(%dma_wait3A_1493 : memref<8x128xf32, #tpu.memory_space<hbm>>) dst(%dma_wait3A_1492 : memref<8x128xf32, #tpu.memory_space<vmem>>)
    %dma_wait3A_1494 = arith.constant 5 : i32
    %dma_wait3A_1495 = arith.constant 0 : i32
    %dma_wait3A_1496 = arith.constant 0 : i32
    %dma_wait3A_1497 = tpu.memref_slice %arg9[%dma_wait3A_1494, %dma_wait3A_1495, %dma_wait3A_1496] : memref<32x8x128xf32, #tpu.memory_space<vmem>> -> memref<1x8x128xf32, #tpu.memory_space<vmem>>
    %dma_wait3A_1498 = tpu.memref_squeeze %dma_wait3A_1497 : memref<1x8x128xf32, #tpu.memory_space<vmem>> -> memref<8x128xf32, #tpu.memory_space<vmem>>
    %dma_wait3A_1499 = tpu.memref_slice %arg3[%multiple_of3A_233, %multiple_of3A] : memref<100000x1024xf32, #tpu.memory_space<hbm>> -> memref<8x128xf32, #tpu.memory_space<hbm>>
    %dma_wait3A_1500 = arith.constant 0 : i32
    %dma_wait3A_1501 = arith.constant 0 : i32
    %dma_wait3A_1502 = tpu.memref_slice %arg9[%dma_wait3A_1494, %dma_wait3A_1500, %dma_wait3A_1501] : memref<32x8x128xf32, #tpu.memory_space<vmem>> -> memref<1x8x128xf32, #tpu.memory_space<vmem>>
    %dma_wait3A_1503 = tpu.memref_squeeze %dma_wait3A_1502 : memref<1x8x128xf32, #tpu.memory_space<vmem>> -> memref<8x128xf32, #tpu.memory_space<vmem>>
    %dma_wait3A_1504 = tpu.memref_slice %arg3[%multiple_of3A_233, %multiple_of3A] : memref<100000x1024xf32, #tpu.memory_space<hbm>> -> memref<8x128xf32, #tpu.memory_space<hbm>>
    tpu.wait_dma2 semaphore(%arg13 : memref<!tpu.dma_semaphore, #tpu.memory_space<semaphore_mem>>) src(%dma_wait3A_1504 : memref<8x128xf32, #tpu.memory_space<hbm>>) dst(%dma_wait3A_1503 : memref<8x128xf32, #tpu.memory_space<vmem>>)
    %dma_wait3A_1505 = arith.constant 6 : i32
    %dma_wait3A_1506 = arith.constant 0 : i32
    %dma_wait3A_1507 = arith.constant 0 : i32
    %dma_wait3A_1508 = tpu.memref_slice %arg8[%dma_wait3A_1505, %dma_wait3A_1506, %dma_wait3A_1507] : memref<32x8x128xf32, #tpu.memory_space<vmem>> -> memref<1x8x128xf32, #tpu.memory_space<vmem>>
    %dma_wait3A_1509 = tpu.memref_squeeze %dma_wait3A_1508 : memref<1x8x128xf32, #tpu.memory_space<vmem>> -> memref<8x128xf32, #tpu.memory_space<vmem>>
    %dma_wait3A_1510 = tpu.memref_slice %arg2[%multiple_of3A_276, %multiple_of3A] : memref<100000x1024xf32, #tpu.memory_space<hbm>> -> memref<8x128xf32, #tpu.memory_space<hbm>>
    %dma_wait3A_1511 = arith.constant 0 : i32
    %dma_wait3A_1512 = arith.constant 0 : i32
    %dma_wait3A_1513 = tpu.memref_slice %arg8[%dma_wait3A_1505, %dma_wait3A_1511, %dma_wait3A_1512] : memref<32x8x128xf32, #tpu.memory_space<vmem>> -> memref<1x8x128xf32, #tpu.memory_space<vmem>>
    %dma_wait3A_1514 = tpu.memref_squeeze %dma_wait3A_1513 : memref<1x8x128xf32, #tpu.memory_space<vmem>> -> memref<8x128xf32, #tpu.memory_space<vmem>>
    %dma_wait3A_1515 = tpu.memref_slice %arg2[%multiple_of3A_276, %multiple_of3A] : memref<100000x1024xf32, #tpu.memory_space<hbm>> -> memref<8x128xf32, #tpu.memory_space<hbm>>
    tpu.wait_dma2 semaphore(%arg12 : memref<!tpu.dma_semaphore, #tpu.memory_space<semaphore_mem>>) src(%dma_wait3A_1515 : memref<8x128xf32, #tpu.memory_space<hbm>>) dst(%dma_wait3A_1514 : memref<8x128xf32, #tpu.memory_space<vmem>>)
    %dma_wait3A_1516 = arith.constant 6 : i32
    %dma_wait3A_1517 = arith.constant 0 : i32
    %dma_wait3A_1518 = arith.constant 0 : i32
    %dma_wait3A_1519 = tpu.memref_slice %arg9[%dma_wait3A_1516, %dma_wait3A_1517, %dma_wait3A_1518] : memref<32x8x128xf32, #tpu.memory_space<vmem>> -> memref<1x8x128xf32, #tpu.memory_space<vmem>>
    %dma_wait3A_1520 = tpu.memref_squeeze %dma_wait3A_1519 : memref<1x8x128xf32, #tpu.memory_space<vmem>> -> memref<8x128xf32, #tpu.memory_space<vmem>>
    %dma_wait3A_1521 = tpu.memref_slice %arg3[%multiple_of3A_276, %multiple_of3A] : memref<100000x1024xf32, #tpu.memory_space<hbm>> -> memref<8x128xf32, #tpu.memory_space<hbm>>
    %dma_wait3A_1522 = arith.constant 0 : i32
    %dma_wait3A_1523 = arith.constant 0 : i32
    %dma_wait3A_1524 = tpu.memref_slice %arg9[%dma_wait3A_1516, %dma_wait3A_1522, %dma_wait3A_1523] : memref<32x8x128xf32, #tpu.memory_space<vmem>> -> memref<1x8x128xf32, #tpu.memory_space<vmem>>
    %dma_wait3A_1525 = tpu.memref_squeeze %dma_wait3A_1524 : memref<1x8x128xf32, #tpu.memory_space<vmem>> -> memref<8x128xf32, #tpu.memory_space<vmem>>
    %dma_wait3A_1526 = tpu.memref_slice %arg3[%multiple_of3A_276, %multiple_of3A] : memref<100000x1024xf32, #tpu.memory_space<hbm>> -> memref<8x128xf32, #tpu.memory_space<hbm>>
    tpu.wait_dma2 semaphore(%arg13 : memref<!tpu.dma_semaphore, #tpu.memory_space<semaphore_mem>>) src(%dma_wait3A_1526 : memref<8x128xf32, #tpu.memory_space<hbm>>) dst(%dma_wait3A_1525 : memref<8x128xf32, #tpu.memory_space<vmem>>)
    %dma_wait3A_1527 = arith.constant 7 : i32
    %dma_wait3A_1528 = arith.constant 0 : i32
    %dma_wait3A_1529 = arith.constant 0 : i32
    %dma_wait3A_1530 = tpu.memref_slice %arg8[%dma_wait3A_1527, %dma_wait3A_1528, %dma_wait3A_1529] : memref<32x8x128xf32, #tpu.memory_space<vmem>> -> memref<1x8x128xf32, #tpu.memory_space<vmem>>
    %dma_wait3A_1531 = tpu.memref_squeeze %dma_wait3A_1530 : memref<1x8x128xf32, #tpu.memory_space<vmem>> -> memref<8x128xf32, #tpu.memory_space<vmem>>
    %dma_wait3A_1532 = tpu.memref_slice %arg2[%multiple_of3A_319, %multiple_of3A] : memref<100000x1024xf32, #tpu.memory_space<hbm>> -> memref<8x128xf32, #tpu.memory_space<hbm>>
    %dma_wait3A_1533 = arith.constant 0 : i32
    %dma_wait3A_1534 = arith.constant 0 : i32
    %dma_wait3A_1535 = tpu.memref_slice %arg8[%dma_wait3A_1527, %dma_wait3A_1533, %dma_wait3A_1534] : memref<32x8x128xf32, #tpu.memory_space<vmem>> -> memref<1x8x128xf32, #tpu.memory_space<vmem>>
    %dma_wait3A_1536 = tpu.memref_squeeze %dma_wait3A_1535 : memref<1x8x128xf32, #tpu.memory_space<vmem>> -> memref<8x128xf32, #tpu.memory_space<vmem>>
    %dma_wait3A_1537 = tpu.memref_slice %arg2[%multiple_of3A_319, %multiple_of3A] : memref<100000x1024xf32, #tpu.memory_space<hbm>> -> memref<8x128xf32, #tpu.memory_space<hbm>>
    tpu.wait_dma2 semaphore(%arg12 : memref<!tpu.dma_semaphore, #tpu.memory_space<semaphore_mem>>) src(%dma_wait3A_1537 : memref<8x128xf32, #tpu.memory_space<hbm>>) dst(%dma_wait3A_1536 : memref<8x128xf32, #tpu.memory_space<vmem>>)
    %dma_wait3A_1538 = arith.constant 7 : i32
    %dma_wait3A_1539 = arith.constant 0 : i32
    %dma_wait3A_1540 = arith.constant 0 : i32
    %dma_wait3A_1541 = tpu.memref_slice %arg9[%dma_wait3A_1538, %dma_wait3A_1539, %dma_wait3A_1540] : memref<32x8x128xf32, #tpu.memory_space<vmem>> -> memref<1x8x128xf32, #tpu.memory_space<vmem>>
    %dma_wait3A_1542 = tpu.memref_squeeze %dma_wait3A_1541 : memref<1x8x128xf32, #tpu.memory_space<vmem>> -> memref<8x128xf32, #tpu.memory_space<vmem>>
    %dma_wait3A_1543 = tpu.memref_slice %arg3[%multiple_of3A_319, %multiple_of3A] : memref<100000x1024xf32, #tpu.memory_space<hbm>> -> memref<8x128xf32, #tpu.memory_space<hbm>>
    %dma_wait3A_1544 = arith.constant 0 : i32
    %dma_wait3A_1545 = arith.constant 0 : i32
    %dma_wait3A_1546 = tpu.memref_slice %arg9[%dma_wait3A_1538, %dma_wait3A_1544, %dma_wait3A_1545] : memref<32x8x128xf32, #tpu.memory_space<vmem>> -> memref<1x8x128xf32, #tpu.memory_space<vmem>>
    %dma_wait3A_1547 = tpu.memref_squeeze %dma_wait3A_1546 : memref<1x8x128xf32, #tpu.memory_space<vmem>> -> memref<8x128xf32, #tpu.memory_space<vmem>>
    %dma_wait3A_1548 = tpu.memref_slice %arg3[%multiple_of3A_319, %multiple_of3A] : memref<100000x1024xf32, #tpu.memory_space<hbm>> -> memref<8x128xf32, #tpu.memory_space<hbm>>
    tpu.wait_dma2 semaphore(%arg13 : memref<!tpu.dma_semaphore, #tpu.memory_space<semaphore_mem>>) src(%dma_wait3A_1548 : memref<8x128xf32, #tpu.memory_space<hbm>>) dst(%dma_wait3A_1547 : memref<8x128xf32, #tpu.memory_space<vmem>>)
    %dma_wait3A_1549 = arith.constant 8 : i32
    %dma_wait3A_1550 = arith.constant 0 : i32
    %dma_wait3A_1551 = arith.constant 0 : i32
    %dma_wait3A_1552 = tpu.memref_slice %arg8[%dma_wait3A_1549, %dma_wait3A_1550, %dma_wait3A_1551] : memref<32x8x128xf32, #tpu.memory_space<vmem>> -> memref<1x8x128xf32, #tpu.memory_space<vmem>>
    %dma_wait3A_1553 = tpu.memref_squeeze %dma_wait3A_1552 : memref<1x8x128xf32, #tpu.memory_space<vmem>> -> memref<8x128xf32, #tpu.memory_space<vmem>>
    %dma_wait3A_1554 = tpu.memref_slice %arg2[%multiple_of3A_362, %multiple_of3A] : memref<100000x1024xf32, #tpu.memory_space<hbm>> -> memref<8x128xf32, #tpu.memory_space<hbm>>
    %dma_wait3A_1555 = arith.constant 0 : i32
    %dma_wait3A_1556 = arith.constant 0 : i32
    %dma_wait3A_1557 = tpu.memref_slice %arg8[%dma_wait3A_1549, %dma_wait3A_1555, %dma_wait3A_1556] : memref<32x8x128xf32, #tpu.memory_space<vmem>> -> memref<1x8x128xf32, #tpu.memory_space<vmem>>
    %dma_wait3A_1558 = tpu.memref_squeeze %dma_wait3A_1557 : memref<1x8x128xf32, #tpu.memory_space<vmem>> -> memref<8x128xf32, #tpu.memory_space<vmem>>
    %dma_wait3A_1559 = tpu.memref_slice %arg2[%multiple_of3A_362, %multiple_of3A] : memref<100000x1024xf32, #tpu.memory_space<hbm>> -> memref<8x128xf32, #tpu.memory_space<hbm>>
    tpu.wait_dma2 semaphore(%arg12 : memref<!tpu.dma_semaphore, #tpu.memory_space<semaphore_mem>>) src(%dma_wait3A_1559 : memref<8x128xf32, #tpu.memory_space<hbm>>) dst(%dma_wait3A_1558 : memref<8x128xf32, #tpu.memory_space<vmem>>)
    %dma_wait3A_1560 = arith.constant 8 : i32
    %dma_wait3A_1561 = arith.constant 0 : i32
    %dma_wait3A_1562 = arith.constant 0 : i32
    %dma_wait3A_1563 = tpu.memref_slice %arg9[%dma_wait3A_1560, %dma_wait3A_1561, %dma_wait3A_1562] : memref<32x8x128xf32, #tpu.memory_space<vmem>> -> memref<1x8x128xf32, #tpu.memory_space<vmem>>
    %dma_wait3A_1564 = tpu.memref_squeeze %dma_wait3A_1563 : memref<1x8x128xf32, #tpu.memory_space<vmem>> -> memref<8x128xf32, #tpu.memory_space<vmem>>
    %dma_wait3A_1565 = tpu.memref_slice %arg3[%multiple_of3A_362, %multiple_of3A] : memref<100000x1024xf32, #tpu.memory_space<hbm>> -> memref<8x128xf32, #tpu.memory_space<hbm>>
    %dma_wait3A_1566 = arith.constant 0 : i32
    %dma_wait3A_1567 = arith.constant 0 : i32
    %dma_wait3A_1568 = tpu.memref_slice %arg9[%dma_wait3A_1560, %dma_wait3A_1566, %dma_wait3A_1567] : memref<32x8x128xf32, #tpu.memory_space<vmem>> -> memref<1x8x128xf32, #tpu.memory_space<vmem>>
    %dma_wait3A_1569 = tpu.memref_squeeze %dma_wait3A_1568 : memref<1x8x128xf32, #tpu.memory_space<vmem>> -> memref<8x128xf32, #tpu.memory_space<vmem>>
    %dma_wait3A_1570 = tpu.memref_slice %arg3[%multiple_of3A_362, %multiple_of3A] : memref<100000x1024xf32, #tpu.memory_space<hbm>> -> memref<8x128xf32, #tpu.memory_space<hbm>>
    tpu.wait_dma2 semaphore(%arg13 : memref<!tpu.dma_semaphore, #tpu.memory_space<semaphore_mem>>) src(%dma_wait3A_1570 : memref<8x128xf32, #tpu.memory_space<hbm>>) dst(%dma_wait3A_1569 : memref<8x128xf32, #tpu.memory_space<vmem>>)
    %dma_wait3A_1571 = arith.constant 9 : i32
    %dma_wait3A_1572 = arith.constant 0 : i32
    %dma_wait3A_1573 = arith.constant 0 : i32
    %dma_wait3A_1574 = tpu.memref_slice %arg8[%dma_wait3A_1571, %dma_wait3A_1572, %dma_wait3A_1573] : memref<32x8x128xf32, #tpu.memory_space<vmem>> -> memref<1x8x128xf32, #tpu.memory_space<vmem>>
    %dma_wait3A_1575 = tpu.memref_squeeze %dma_wait3A_1574 : memref<1x8x128xf32, #tpu.memory_space<vmem>> -> memref<8x128xf32, #tpu.memory_space<vmem>>
    %dma_wait3A_1576 = tpu.memref_slice %arg2[%multiple_of3A_405, %multiple_of3A] : memref<100000x1024xf32, #tpu.memory_space<hbm>> -> memref<8x128xf32, #tpu.memory_space<hbm>>
    %dma_wait3A_1577 = arith.constant 0 : i32
    %dma_wait3A_1578 = arith.constant 0 : i32
    %dma_wait3A_1579 = tpu.memref_slice %arg8[%dma_wait3A_1571, %dma_wait3A_1577, %dma_wait3A_1578] : memref<32x8x128xf32, #tpu.memory_space<vmem>> -> memref<1x8x128xf32, #tpu.memory_space<vmem>>
    %dma_wait3A_1580 = tpu.memref_squeeze %dma_wait3A_1579 : memref<1x8x128xf32, #tpu.memory_space<vmem>> -> memref<8x128xf32, #tpu.memory_space<vmem>>
    %dma_wait3A_1581 = tpu.memref_slice %arg2[%multiple_of3A_405, %multiple_of3A] : memref<100000x1024xf32, #tpu.memory_space<hbm>> -> memref<8x128xf32, #tpu.memory_space<hbm>>
    tpu.wait_dma2 semaphore(%arg12 : memref<!tpu.dma_semaphore, #tpu.memory_space<semaphore_mem>>) src(%dma_wait3A_1581 : memref<8x128xf32, #tpu.memory_space<hbm>>) dst(%dma_wait3A_1580 : memref<8x128xf32, #tpu.memory_space<vmem>>)
    %dma_wait3A_1582 = arith.constant 9 : i32
    %dma_wait3A_1583 = arith.constant 0 : i32
    %dma_wait3A_1584 = arith.constant 0 : i32
    %dma_wait3A_1585 = tpu.memref_slice %arg9[%dma_wait3A_1582, %dma_wait3A_1583, %dma_wait3A_1584] : memref<32x8x128xf32, #tpu.memory_space<vmem>> -> memref<1x8x128xf32, #tpu.memory_space<vmem>>
    %dma_wait3A_1586 = tpu.memref_squeeze %dma_wait3A_1585 : memref<1x8x128xf32, #tpu.memory_space<vmem>> -> memref<8x128xf32, #tpu.memory_space<vmem>>
    %dma_wait3A_1587 = tpu.memref_slice %arg3[%multiple_of3A_405, %multiple_of3A] : memref<100000x1024xf32, #tpu.memory_space<hbm>> -> memref<8x128xf32, #tpu.memory_space<hbm>>
    %dma_wait3A_1588 = arith.constant 0 : i32
    %dma_wait3A_1589 = arith.constant 0 : i32
    %dma_wait3A_1590 = tpu.memref_slice %arg9[%dma_wait3A_1582, %dma_wait3A_1588, %dma_wait3A_1589] : memref<32x8x128xf32, #tpu.memory_space<vmem>> -> memref<1x8x128xf32, #tpu.memory_space<vmem>>
    %dma_wait3A_1591 = tpu.memref_squeeze %dma_wait3A_1590 : memref<1x8x128xf32, #tpu.memory_space<vmem>> -> memref<8x128xf32, #tpu.memory_space<vmem>>
    %dma_wait3A_1592 = tpu.memref_slice %arg3[%multiple_of3A_405, %multiple_of3A] : memref<100000x1024xf32, #tpu.memory_space<hbm>> -> memref<8x128xf32, #tpu.memory_space<hbm>>
    tpu.wait_dma2 semaphore(%arg13 : memref<!tpu.dma_semaphore, #tpu.memory_space<semaphore_mem>>) src(%dma_wait3A_1592 : memref<8x128xf32, #tpu.memory_space<hbm>>) dst(%dma_wait3A_1591 : memref<8x128xf32, #tpu.memory_space<vmem>>)
    %dma_wait3A_1593 = arith.constant 10 : i32
    %dma_wait3A_1594 = arith.constant 0 : i32
    %dma_wait3A_1595 = arith.constant 0 : i32
    %dma_wait3A_1596 = tpu.memref_slice %arg8[%dma_wait3A_1593, %dma_wait3A_1594, %dma_wait3A_1595] : memref<32x8x128xf32, #tpu.memory_space<vmem>> -> memref<1x8x128xf32, #tpu.memory_space<vmem>>
    %dma_wait3A_1597 = tpu.memref_squeeze %dma_wait3A_1596 : memref<1x8x128xf32, #tpu.memory_space<vmem>> -> memref<8x128xf32, #tpu.memory_space<vmem>>
    %dma_wait3A_1598 = tpu.memref_slice %arg2[%multiple_of3A_448, %multiple_of3A] : memref<100000x1024xf32, #tpu.memory_space<hbm>> -> memref<8x128xf32, #tpu.memory_space<hbm>>
    %dma_wait3A_1599 = arith.constant 0 : i32
    %dma_wait3A_1600 = arith.constant 0 : i32
    %dma_wait3A_1601 = tpu.memref_slice %arg8[%dma_wait3A_1593, %dma_wait3A_1599, %dma_wait3A_1600] : memref<32x8x128xf32, #tpu.memory_space<vmem>> -> memref<1x8x128xf32, #tpu.memory_space<vmem>>
    %dma_wait3A_1602 = tpu.memref_squeeze %dma_wait3A_1601 : memref<1x8x128xf32, #tpu.memory_space<vmem>> -> memref<8x128xf32, #tpu.memory_space<vmem>>
    %dma_wait3A_1603 = tpu.memref_slice %arg2[%multiple_of3A_448, %multiple_of3A] : memref<100000x1024xf32, #tpu.memory_space<hbm>> -> memref<8x128xf32, #tpu.memory_space<hbm>>
    tpu.wait_dma2 semaphore(%arg12 : memref<!tpu.dma_semaphore, #tpu.memory_space<semaphore_mem>>) src(%dma_wait3A_1603 : memref<8x128xf32, #tpu.memory_space<hbm>>) dst(%dma_wait3A_1602 : memref<8x128xf32, #tpu.memory_space<vmem>>)
    %dma_wait3A_1604 = arith.constant 10 : i32
    %dma_wait3A_1605 = arith.constant 0 : i32
    %dma_wait3A_1606 = arith.constant 0 : i32
    %dma_wait3A_1607 = tpu.memref_slice %arg9[%dma_wait3A_1604, %dma_wait3A_1605, %dma_wait3A_1606] : memref<32x8x128xf32, #tpu.memory_space<vmem>> -> memref<1x8x128xf32, #tpu.memory_space<vmem>>
    %dma_wait3A_1608 = tpu.memref_squeeze %dma_wait3A_1607 : memref<1x8x128xf32, #tpu.memory_space<vmem>> -> memref<8x128xf32, #tpu.memory_space<vmem>>
    %dma_wait3A_1609 = tpu.memref_slice %arg3[%multiple_of3A_448, %multiple_of3A] : memref<100000x1024xf32, #tpu.memory_space<hbm>> -> memref<8x128xf32, #tpu.memory_space<hbm>>
    %dma_wait3A_1610 = arith.constant 0 : i32
    %dma_wait3A_1611 = arith.constant 0 : i32
    %dma_wait3A_1612 = tpu.memref_slice %arg9[%dma_wait3A_1604, %dma_wait3A_1610, %dma_wait3A_1611] : memref<32x8x128xf32, #tpu.memory_space<vmem>> -> memref<1x8x128xf32, #tpu.memory_space<vmem>>
    %dma_wait3A_1613 = tpu.memref_squeeze %dma_wait3A_1612 : memref<1x8x128xf32, #tpu.memory_space<vmem>> -> memref<8x128xf32, #tpu.memory_space<vmem>>
    %dma_wait3A_1614 = tpu.memref_slice %arg3[%multiple_of3A_448, %multiple_of3A] : memref<100000x1024xf32, #tpu.memory_space<hbm>> -> memref<8x128xf32, #tpu.memory_space<hbm>>
    tpu.wait_dma2 semaphore(%arg13 : memref<!tpu.dma_semaphore, #tpu.memory_space<semaphore_mem>>) src(%dma_wait3A_1614 : memref<8x128xf32, #tpu.memory_space<hbm>>) dst(%dma_wait3A_1613 : memref<8x128xf32, #tpu.memory_space<vmem>>)
    %dma_wait3A_1615 = arith.constant 11 : i32
    %dma_wait3A_1616 = arith.constant 0 : i32
    %dma_wait3A_1617 = arith.constant 0 : i32
    %dma_wait3A_1618 = tpu.memref_slice %arg8[%dma_wait3A_1615, %dma_wait3A_1616, %dma_wait3A_1617] : memref<32x8x128xf32, #tpu.memory_space<vmem>> -> memref<1x8x128xf32, #tpu.memory_space<vmem>>
    %dma_wait3A_1619 = tpu.memref_squeeze %dma_wait3A_1618 : memref<1x8x128xf32, #tpu.memory_space<vmem>> -> memref<8x128xf32, #tpu.memory_space<vmem>>
    %dma_wait3A_1620 = tpu.memref_slice %arg2[%multiple_of3A_491, %multiple_of3A] : memref<100000x1024xf32, #tpu.memory_space<hbm>> -> memref<8x128xf32, #tpu.memory_space<hbm>>
    %dma_wait3A_1621 = arith.constant 0 : i32
    %dma_wait3A_1622 = arith.constant 0 : i32
    %dma_wait3A_1623 = tpu.memref_slice %arg8[%dma_wait3A_1615, %dma_wait3A_1621, %dma_wait3A_1622] : memref<32x8x128xf32, #tpu.memory_space<vmem>> -> memref<1x8x128xf32, #tpu.memory_space<vmem>>
    %dma_wait3A_1624 = tpu.memref_squeeze %dma_wait3A_1623 : memref<1x8x128xf32, #tpu.memory_space<vmem>> -> memref<8x128xf32, #tpu.memory_space<vmem>>
    %dma_wait3A_1625 = tpu.memref_slice %arg2[%multiple_of3A_491, %multiple_of3A] : memref<100000x1024xf32, #tpu.memory_space<hbm>> -> memref<8x128xf32, #tpu.memory_space<hbm>>
    tpu.wait_dma2 semaphore(%arg12 : memref<!tpu.dma_semaphore, #tpu.memory_space<semaphore_mem>>) src(%dma_wait3A_1625 : memref<8x128xf32, #tpu.memory_space<hbm>>) dst(%dma_wait3A_1624 : memref<8x128xf32, #tpu.memory_space<vmem>>)
    %dma_wait3A_1626 = arith.constant 11 : i32
    %dma_wait3A_1627 = arith.constant 0 : i32
    %dma_wait3A_1628 = arith.constant 0 : i32
    %dma_wait3A_1629 = tpu.memref_slice %arg9[%dma_wait3A_1626, %dma_wait3A_1627, %dma_wait3A_1628] : memref<32x8x128xf32, #tpu.memory_space<vmem>> -> memref<1x8x128xf32, #tpu.memory_space<vmem>>
    %dma_wait3A_1630 = tpu.memref_squeeze %dma_wait3A_1629 : memref<1x8x128xf32, #tpu.memory_space<vmem>> -> memref<8x128xf32, #tpu.memory_space<vmem>>
    %dma_wait3A_1631 = tpu.memref_slice %arg3[%multiple_of3A_491, %multiple_of3A] : memref<100000x1024xf32, #tpu.memory_space<hbm>> -> memref<8x128xf32, #tpu.memory_space<hbm>>
    %dma_wait3A_1632 = arith.constant 0 : i32
    %dma_wait3A_1633 = arith.constant 0 : i32
    %dma_wait3A_1634 = tpu.memref_slice %arg9[%dma_wait3A_1626, %dma_wait3A_1632, %dma_wait3A_1633] : memref<32x8x128xf32, #tpu.memory_space<vmem>> -> memref<1x8x128xf32, #tpu.memory_space<vmem>>
    %dma_wait3A_1635 = tpu.memref_squeeze %dma_wait3A_1634 : memref<1x8x128xf32, #tpu.memory_space<vmem>> -> memref<8x128xf32, #tpu.memory_space<vmem>>
    %dma_wait3A_1636 = tpu.memref_slice %arg3[%multiple_of3A_491, %multiple_of3A] : memref<100000x1024xf32, #tpu.memory_space<hbm>> -> memref<8x128xf32, #tpu.memory_space<hbm>>
    tpu.wait_dma2 semaphore(%arg13 : memref<!tpu.dma_semaphore, #tpu.memory_space<semaphore_mem>>) src(%dma_wait3A_1636 : memref<8x128xf32, #tpu.memory_space<hbm>>) dst(%dma_wait3A_1635 : memref<8x128xf32, #tpu.memory_space<vmem>>)
    %dma_wait3A_1637 = arith.constant 12 : i32
    %dma_wait3A_1638 = arith.constant 0 : i32
    %dma_wait3A_1639 = arith.constant 0 : i32
    %dma_wait3A_1640 = tpu.memref_slice %arg8[%dma_wait3A_1637, %dma_wait3A_1638, %dma_wait3A_1639] : memref<32x8x128xf32, #tpu.memory_space<vmem>> -> memref<1x8x128xf32, #tpu.memory_space<vmem>>
    %dma_wait3A_1641 = tpu.memref_squeeze %dma_wait3A_1640 : memref<1x8x128xf32, #tpu.memory_space<vmem>> -> memref<8x128xf32, #tpu.memory_space<vmem>>
    %dma_wait3A_1642 = tpu.memref_slice %arg2[%multiple_of3A_534, %multiple_of3A] : memref<100000x1024xf32, #tpu.memory_space<hbm>> -> memref<8x128xf32, #tpu.memory_space<hbm>>
    %dma_wait3A_1643 = arith.constant 0 : i32
    %dma_wait3A_1644 = arith.constant 0 : i32
    %dma_wait3A_1645 = tpu.memref_slice %arg8[%dma_wait3A_1637, %dma_wait3A_1643, %dma_wait3A_1644] : memref<32x8x128xf32, #tpu.memory_space<vmem>> -> memref<1x8x128xf32, #tpu.memory_space<vmem>>
    %dma_wait3A_1646 = tpu.memref_squeeze %dma_wait3A_1645 : memref<1x8x128xf32, #tpu.memory_space<vmem>> -> memref<8x128xf32, #tpu.memory_space<vmem>>
    %dma_wait3A_1647 = tpu.memref_slice %arg2[%multiple_of3A_534, %multiple_of3A] : memref<100000x1024xf32, #tpu.memory_space<hbm>> -> memref<8x128xf32, #tpu.memory_space<hbm>>
    tpu.wait_dma2 semaphore(%arg12 : memref<!tpu.dma_semaphore, #tpu.memory_space<semaphore_mem>>) src(%dma_wait3A_1647 : memref<8x128xf32, #tpu.memory_space<hbm>>) dst(%dma_wait3A_1646 : memref<8x128xf32, #tpu.memory_space<vmem>>)
    %dma_wait3A_1648 = arith.constant 12 : i32
    %dma_wait3A_1649 = arith.constant 0 : i32
    %dma_wait3A_1650 = arith.constant 0 : i32
    %dma_wait3A_1651 = tpu.memref_slice %arg9[%dma_wait3A_1648, %dma_wait3A_1649, %dma_wait3A_1650] : memref<32x8x128xf32, #tpu.memory_space<vmem>> -> memref<1x8x128xf32, #tpu.memory_space<vmem>>
    %dma_wait3A_1652 = tpu.memref_squeeze %dma_wait3A_1651 : memref<1x8x128xf32, #tpu.memory_space<vmem>> -> memref<8x128xf32, #tpu.memory_space<vmem>>
    %dma_wait3A_1653 = tpu.memref_slice %arg3[%multiple_of3A_534, %multiple_of3A] : memref<100000x1024xf32, #tpu.memory_space<hbm>> -> memref<8x128xf32, #tpu.memory_space<hbm>>
    %dma_wait3A_1654 = arith.constant 0 : i32
    %dma_wait3A_1655 = arith.constant 0 : i32
    %dma_wait3A_1656 = tpu.memref_slice %arg9[%dma_wait3A_1648, %dma_wait3A_1654, %dma_wait3A_1655] : memref<32x8x128xf32, #tpu.memory_space<vmem>> -> memref<1x8x128xf32, #tpu.memory_space<vmem>>
    %dma_wait3A_1657 = tpu.memref_squeeze %dma_wait3A_1656 : memref<1x8x128xf32, #tpu.memory_space<vmem>> -> memref<8x128xf32, #tpu.memory_space<vmem>>
    %dma_wait3A_1658 = tpu.memref_slice %arg3[%multiple_of3A_534, %multiple_of3A] : memref<100000x1024xf32, #tpu.memory_space<hbm>> -> memref<8x128xf32, #tpu.memory_space<hbm>>
    tpu.wait_dma2 semaphore(%arg13 : memref<!tpu.dma_semaphore, #tpu.memory_space<semaphore_mem>>) src(%dma_wait3A_1658 : memref<8x128xf32, #tpu.memory_space<hbm>>) dst(%dma_wait3A_1657 : memref<8x128xf32, #tpu.memory_space<vmem>>)
    %dma_wait3A_1659 = arith.constant 13 : i32
    %dma_wait3A_1660 = arith.constant 0 : i32
    %dma_wait3A_1661 = arith.constant 0 : i32
    %dma_wait3A_1662 = tpu.memref_slice %arg8[%dma_wait3A_1659, %dma_wait3A_1660, %dma_wait3A_1661] : memref<32x8x128xf32, #tpu.memory_space<vmem>> -> memref<1x8x128xf32, #tpu.memory_space<vmem>>
    %dma_wait3A_1663 = tpu.memref_squeeze %dma_wait3A_1662 : memref<1x8x128xf32, #tpu.memory_space<vmem>> -> memref<8x128xf32, #tpu.memory_space<vmem>>
    %dma_wait3A_1664 = tpu.memref_slice %arg2[%multiple_of3A_577, %multiple_of3A] : memref<100000x1024xf32, #tpu.memory_space<hbm>> -> memref<8x128xf32, #tpu.memory_space<hbm>>
    %dma_wait3A_1665 = arith.constant 0 : i32
    %dma_wait3A_1666 = arith.constant 0 : i32
    %dma_wait3A_1667 = tpu.memref_slice %arg8[%dma_wait3A_1659, %dma_wait3A_1665, %dma_wait3A_1666] : memref<32x8x128xf32, #tpu.memory_space<vmem>> -> memref<1x8x128xf32, #tpu.memory_space<vmem>>
    %dma_wait3A_1668 = tpu.memref_squeeze %dma_wait3A_1667 : memref<1x8x128xf32, #tpu.memory_space<vmem>> -> memref<8x128xf32, #tpu.memory_space<vmem>>
    %dma_wait3A_1669 = tpu.memref_slice %arg2[%multiple_of3A_577, %multiple_of3A] : memref<100000x1024xf32, #tpu.memory_space<hbm>> -> memref<8x128xf32, #tpu.memory_space<hbm>>
    tpu.wait_dma2 semaphore(%arg12 : memref<!tpu.dma_semaphore, #tpu.memory_space<semaphore_mem>>) src(%dma_wait3A_1669 : memref<8x128xf32, #tpu.memory_space<hbm>>) dst(%dma_wait3A_1668 : memref<8x128xf32, #tpu.memory_space<vmem>>)
    %dma_wait3A_1670 = arith.constant 13 : i32
    %dma_wait3A_1671 = arith.constant 0 : i32
    %dma_wait3A_1672 = arith.constant 0 : i32
    %dma_wait3A_1673 = tpu.memref_slice %arg9[%dma_wait3A_1670, %dma_wait3A_1671, %dma_wait3A_1672] : memref<32x8x128xf32, #tpu.memory_space<vmem>> -> memref<1x8x128xf32, #tpu.memory_space<vmem>>
    %dma_wait3A_1674 = tpu.memref_squeeze %dma_wait3A_1673 : memref<1x8x128xf32, #tpu.memory_space<vmem>> -> memref<8x128xf32, #tpu.memory_space<vmem>>
    %dma_wait3A_1675 = tpu.memref_slice %arg3[%multiple_of3A_577, %multiple_of3A] : memref<100000x1024xf32, #tpu.memory_space<hbm>> -> memref<8x128xf32, #tpu.memory_space<hbm>>
    %dma_wait3A_1676 = arith.constant 0 : i32
    %dma_wait3A_1677 = arith.constant 0 : i32
    %dma_wait3A_1678 = tpu.memref_slice %arg9[%dma_wait3A_1670, %dma_wait3A_1676, %dma_wait3A_1677] : memref<32x8x128xf32, #tpu.memory_space<vmem>> -> memref<1x8x128xf32, #tpu.memory_space<vmem>>
    %dma_wait3A_1679 = tpu.memref_squeeze %dma_wait3A_1678 : memref<1x8x128xf32, #tpu.memory_space<vmem>> -> memref<8x128xf32, #tpu.memory_space<vmem>>
    %dma_wait3A_1680 = tpu.memref_slice %arg3[%multiple_of3A_577, %multiple_of3A] : memref<100000x1024xf32, #tpu.memory_space<hbm>> -> memref<8x128xf32, #tpu.memory_space<hbm>>
    tpu.wait_dma2 semaphore(%arg13 : memref<!tpu.dma_semaphore, #tpu.memory_space<semaphore_mem>>) src(%dma_wait3A_1680 : memref<8x128xf32, #tpu.memory_space<hbm>>) dst(%dma_wait3A_1679 : memref<8x128xf32, #tpu.memory_space<vmem>>)
    %dma_wait3A_1681 = arith.constant 14 : i32
    %dma_wait3A_1682 = arith.constant 0 : i32
    %dma_wait3A_1683 = arith.constant 0 : i32
    %dma_wait3A_1684 = tpu.memref_slice %arg8[%dma_wait3A_1681, %dma_wait3A_1682, %dma_wait3A_1683] : memref<32x8x128xf32, #tpu.memory_space<vmem>> -> memref<1x8x128xf32, #tpu.memory_space<vmem>>
    %dma_wait3A_1685 = tpu.memref_squeeze %dma_wait3A_1684 : memref<1x8x128xf32, #tpu.memory_space<vmem>> -> memref<8x128xf32, #tpu.memory_space<vmem>>
    %dma_wait3A_1686 = tpu.memref_slice %arg2[%multiple_of3A_620, %multiple_of3A] : memref<100000x1024xf32, #tpu.memory_space<hbm>> -> memref<8x128xf32, #tpu.memory_space<hbm>>
    %dma_wait3A_1687 = arith.constant 0 : i32
    %dma_wait3A_1688 = arith.constant 0 : i32
    %dma_wait3A_1689 = tpu.memref_slice %arg8[%dma_wait3A_1681, %dma_wait3A_1687, %dma_wait3A_1688] : memref<32x8x128xf32, #tpu.memory_space<vmem>> -> memref<1x8x128xf32, #tpu.memory_space<vmem>>
    %dma_wait3A_1690 = tpu.memref_squeeze %dma_wait3A_1689 : memref<1x8x128xf32, #tpu.memory_space<vmem>> -> memref<8x128xf32, #tpu.memory_space<vmem>>
    %dma_wait3A_1691 = tpu.memref_slice %arg2[%multiple_of3A_620, %multiple_of3A] : memref<100000x1024xf32, #tpu.memory_space<hbm>> -> memref<8x128xf32, #tpu.memory_space<hbm>>
    tpu.wait_dma2 semaphore(%arg12 : memref<!tpu.dma_semaphore, #tpu.memory_space<semaphore_mem>>) src(%dma_wait3A_1691 : memref<8x128xf32, #tpu.memory_space<hbm>>) dst(%dma_wait3A_1690 : memref<8x128xf32, #tpu.memory_space<vmem>>)
    %dma_wait3A_1692 = arith.constant 14 : i32
    %dma_wait3A_1693 = arith.constant 0 : i32
    %dma_wait3A_1694 = arith.constant 0 : i32
    %dma_wait3A_1695 = tpu.memref_slice %arg9[%dma_wait3A_1692, %dma_wait3A_1693, %dma_wait3A_1694] : memref<32x8x128xf32, #tpu.memory_space<vmem>> -> memref<1x8x128xf32, #tpu.memory_space<vmem>>
    %dma_wait3A_1696 = tpu.memref_squeeze %dma_wait3A_1695 : memref<1x8x128xf32, #tpu.memory_space<vmem>> -> memref<8x128xf32, #tpu.memory_space<vmem>>
    %dma_wait3A_1697 = tpu.memref_slice %arg3[%multiple_of3A_620, %multiple_of3A] : memref<100000x1024xf32, #tpu.memory_space<hbm>> -> memref<8x128xf32, #tpu.memory_space<hbm>>
    %dma_wait3A_1698 = arith.constant 0 : i32
    %dma_wait3A_1699 = arith.constant 0 : i32
    %dma_wait3A_1700 = tpu.memref_slice %arg9[%dma_wait3A_1692, %dma_wait3A_1698, %dma_wait3A_1699] : memref<32x8x128xf32, #tpu.memory_space<vmem>> -> memref<1x8x128xf32, #tpu.memory_space<vmem>>
    %dma_wait3A_1701 = tpu.memref_squeeze %dma_wait3A_1700 : memref<1x8x128xf32, #tpu.memory_space<vmem>> -> memref<8x128xf32, #tpu.memory_space<vmem>>
    %dma_wait3A_1702 = tpu.memref_slice %arg3[%multiple_of3A_620, %multiple_of3A] : memref<100000x1024xf32, #tpu.memory_space<hbm>> -> memref<8x128xf32, #tpu.memory_space<hbm>>
    tpu.wait_dma2 semaphore(%arg13 : memref<!tpu.dma_semaphore, #tpu.memory_space<semaphore_mem>>) src(%dma_wait3A_1702 : memref<8x128xf32, #tpu.memory_space<hbm>>) dst(%dma_wait3A_1701 : memref<8x128xf32, #tpu.memory_space<vmem>>)
    %dma_wait3A_1703 = arith.constant 15 : i32
    %dma_wait3A_1704 = arith.constant 0 : i32
    %dma_wait3A_1705 = arith.constant 0 : i32
    %dma_wait3A_1706 = tpu.memref_slice %arg8[%dma_wait3A_1703, %dma_wait3A_1704, %dma_wait3A_1705] : memref<32x8x128xf32, #tpu.memory_space<vmem>> -> memref<1x8x128xf32, #tpu.memory_space<vmem>>
    %dma_wait3A_1707 = tpu.memref_squeeze %dma_wait3A_1706 : memref<1x8x128xf32, #tpu.memory_space<vmem>> -> memref<8x128xf32, #tpu.memory_space<vmem>>
    %dma_wait3A_1708 = tpu.memref_slice %arg2[%multiple_of3A_663, %multiple_of3A] : memref<100000x1024xf32, #tpu.memory_space<hbm>> -> memref<8x128xf32, #tpu.memory_space<hbm>>
    %dma_wait3A_1709 = arith.constant 0 : i32
    %dma_wait3A_1710 = arith.constant 0 : i32
    %dma_wait3A_1711 = tpu.memref_slice %arg8[%dma_wait3A_1703, %dma_wait3A_1709, %dma_wait3A_1710] : memref<32x8x128xf32, #tpu.memory_space<vmem>> -> memref<1x8x128xf32, #tpu.memory_space<vmem>>
    %dma_wait3A_1712 = tpu.memref_squeeze %dma_wait3A_1711 : memref<1x8x128xf32, #tpu.memory_space<vmem>> -> memref<8x128xf32, #tpu.memory_space<vmem>>
    %dma_wait3A_1713 = tpu.memref_slice %arg2[%multiple_of3A_663, %multiple_of3A] : memref<100000x1024xf32, #tpu.memory_space<hbm>> -> memref<8x128xf32, #tpu.memory_space<hbm>>
    tpu.wait_dma2 semaphore(%arg12 : memref<!tpu.dma_semaphore, #tpu.memory_space<semaphore_mem>>) src(%dma_wait3A_1713 : memref<8x128xf32, #tpu.memory_space<hbm>>) dst(%dma_wait3A_1712 : memref<8x128xf32, #tpu.memory_space<vmem>>)
    %dma_wait3A_1714 = arith.constant 15 : i32
    %dma_wait3A_1715 = arith.constant 0 : i32
    %dma_wait3A_1716 = arith.constant 0 : i32
    %dma_wait3A_1717 = tpu.memref_slice %arg9[%dma_wait3A_1714, %dma_wait3A_1715, %dma_wait3A_1716] : memref<32x8x128xf32, #tpu.memory_space<vmem>> -> memref<1x8x128xf32, #tpu.memory_space<vmem>>
    %dma_wait3A_1718 = tpu.memref_squeeze %dma_wait3A_1717 : memref<1x8x128xf32, #tpu.memory_space<vmem>> -> memref<8x128xf32, #tpu.memory_space<vmem>>
    %dma_wait3A_1719 = tpu.memref_slice %arg3[%multiple_of3A_663, %multiple_of3A] : memref<100000x1024xf32, #tpu.memory_space<hbm>> -> memref<8x128xf32, #tpu.memory_space<hbm>>
    %dma_wait3A_1720 = arith.constant 0 : i32
    %dma_wait3A_1721 = arith.constant 0 : i32
    %dma_wait3A_1722 = tpu.memref_slice %arg9[%dma_wait3A_1714, %dma_wait3A_1720, %dma_wait3A_1721] : memref<32x8x128xf32, #tpu.memory_space<vmem>> -> memref<1x8x128xf32, #tpu.memory_space<vmem>>
    %dma_wait3A_1723 = tpu.memref_squeeze %dma_wait3A_1722 : memref<1x8x128xf32, #tpu.memory_space<vmem>> -> memref<8x128xf32, #tpu.memory_space<vmem>>
    %dma_wait3A_1724 = tpu.memref_slice %arg3[%multiple_of3A_663, %multiple_of3A] : memref<100000x1024xf32, #tpu.memory_space<hbm>> -> memref<8x128xf32, #tpu.memory_space<hbm>>
    tpu.wait_dma2 semaphore(%arg13 : memref<!tpu.dma_semaphore, #tpu.memory_space<semaphore_mem>>) src(%dma_wait3A_1724 : memref<8x128xf32, #tpu.memory_space<hbm>>) dst(%dma_wait3A_1723 : memref<8x128xf32, #tpu.memory_space<vmem>>)
    %dma_wait3A_1725 = arith.constant 16 : i32
    %dma_wait3A_1726 = arith.constant 0 : i32
    %dma_wait3A_1727 = arith.constant 0 : i32
    %dma_wait3A_1728 = tpu.memref_slice %arg8[%dma_wait3A_1725, %dma_wait3A_1726, %dma_wait3A_1727] : memref<32x8x128xf32, #tpu.memory_space<vmem>> -> memref<1x8x128xf32, #tpu.memory_space<vmem>>
    %dma_wait3A_1729 = tpu.memref_squeeze %dma_wait3A_1728 : memref<1x8x128xf32, #tpu.memory_space<vmem>> -> memref<8x128xf32, #tpu.memory_space<vmem>>
    %dma_wait3A_1730 = tpu.memref_slice %arg2[%multiple_of3A_706, %multiple_of3A] : memref<100000x1024xf32, #tpu.memory_space<hbm>> -> memref<8x128xf32, #tpu.memory_space<hbm>>
    %dma_wait3A_1731 = arith.constant 0 : i32
    %dma_wait3A_1732 = arith.constant 0 : i32
    %dma_wait3A_1733 = tpu.memref_slice %arg8[%dma_wait3A_1725, %dma_wait3A_1731, %dma_wait3A_1732] : memref<32x8x128xf32, #tpu.memory_space<vmem>> -> memref<1x8x128xf32, #tpu.memory_space<vmem>>
    %dma_wait3A_1734 = tpu.memref_squeeze %dma_wait3A_1733 : memref<1x8x128xf32, #tpu.memory_space<vmem>> -> memref<8x128xf32, #tpu.memory_space<vmem>>
    %dma_wait3A_1735 = tpu.memref_slice %arg2[%multiple_of3A_706, %multiple_of3A] : memref<100000x1024xf32, #tpu.memory_space<hbm>> -> memref<8x128xf32, #tpu.memory_space<hbm>>
    tpu.wait_dma2 semaphore(%arg12 : memref<!tpu.dma_semaphore, #tpu.memory_space<semaphore_mem>>) src(%dma_wait3A_1735 : memref<8x128xf32, #tpu.memory_space<hbm>>) dst(%dma_wait3A_1734 : memref<8x128xf32, #tpu.memory_space<vmem>>)
    %dma_wait3A_1736 = arith.constant 16 : i32
    %dma_wait3A_1737 = arith.constant 0 : i32
    %dma_wait3A_1738 = arith.constant 0 : i32
    %dma_wait3A_1739 = tpu.memref_slice %arg9[%dma_wait3A_1736, %dma_wait3A_1737, %dma_wait3A_1738] : memref<32x8x128xf32, #tpu.memory_space<vmem>> -> memref<1x8x128xf32, #tpu.memory_space<vmem>>
    %dma_wait3A_1740 = tpu.memref_squeeze %dma_wait3A_1739 : memref<1x8x128xf32, #tpu.memory_space<vmem>> -> memref<8x128xf32, #tpu.memory_space<vmem>>
    %dma_wait3A_1741 = tpu.memref_slice %arg3[%multiple_of3A_706, %multiple_of3A] : memref<100000x1024xf32, #tpu.memory_space<hbm>> -> memref<8x128xf32, #tpu.memory_space<hbm>>
    %dma_wait3A_1742 = arith.constant 0 : i32
    %dma_wait3A_1743 = arith.constant 0 : i32
    %dma_wait3A_1744 = tpu.memref_slice %arg9[%dma_wait3A_1736, %dma_wait3A_1742, %dma_wait3A_1743] : memref<32x8x128xf32, #tpu.memory_space<vmem>> -> memref<1x8x128xf32, #tpu.memory_space<vmem>>
    %dma_wait3A_1745 = tpu.memref_squeeze %dma_wait3A_1744 : memref<1x8x128xf32, #tpu.memory_space<vmem>> -> memref<8x128xf32, #tpu.memory_space<vmem>>
    %dma_wait3A_1746 = tpu.memref_slice %arg3[%multiple_of3A_706, %multiple_of3A] : memref<100000x1024xf32, #tpu.memory_space<hbm>> -> memref<8x128xf32, #tpu.memory_space<hbm>>
    tpu.wait_dma2 semaphore(%arg13 : memref<!tpu.dma_semaphore, #tpu.memory_space<semaphore_mem>>) src(%dma_wait3A_1746 : memref<8x128xf32, #tpu.memory_space<hbm>>) dst(%dma_wait3A_1745 : memref<8x128xf32, #tpu.memory_space<vmem>>)
    %dma_wait3A_1747 = arith.constant 17 : i32
    %dma_wait3A_1748 = arith.constant 0 : i32
    %dma_wait3A_1749 = arith.constant 0 : i32
    %dma_wait3A_1750 = tpu.memref_slice %arg8[%dma_wait3A_1747, %dma_wait3A_1748, %dma_wait3A_1749] : memref<32x8x128xf32, #tpu.memory_space<vmem>> -> memref<1x8x128xf32, #tpu.memory_space<vmem>>
    %dma_wait3A_1751 = tpu.memref_squeeze %dma_wait3A_1750 : memref<1x8x128xf32, #tpu.memory_space<vmem>> -> memref<8x128xf32, #tpu.memory_space<vmem>>
    %dma_wait3A_1752 = tpu.memref_slice %arg2[%multiple_of3A_749, %multiple_of3A] : memref<100000x1024xf32, #tpu.memory_space<hbm>> -> memref<8x128xf32, #tpu.memory_space<hbm>>
    %dma_wait3A_1753 = arith.constant 0 : i32
    %dma_wait3A_1754 = arith.constant 0 : i32
    %dma_wait3A_1755 = tpu.memref_slice %arg8[%dma_wait3A_1747, %dma_wait3A_1753, %dma_wait3A_1754] : memref<32x8x128xf32, #tpu.memory_space<vmem>> -> memref<1x8x128xf32, #tpu.memory_space<vmem>>
    %dma_wait3A_1756 = tpu.memref_squeeze %dma_wait3A_1755 : memref<1x8x128xf32, #tpu.memory_space<vmem>> -> memref<8x128xf32, #tpu.memory_space<vmem>>
    %dma_wait3A_1757 = tpu.memref_slice %arg2[%multiple_of3A_749, %multiple_of3A] : memref<100000x1024xf32, #tpu.memory_space<hbm>> -> memref<8x128xf32, #tpu.memory_space<hbm>>
    tpu.wait_dma2 semaphore(%arg12 : memref<!tpu.dma_semaphore, #tpu.memory_space<semaphore_mem>>) src(%dma_wait3A_1757 : memref<8x128xf32, #tpu.memory_space<hbm>>) dst(%dma_wait3A_1756 : memref<8x128xf32, #tpu.memory_space<vmem>>)
    %dma_wait3A_1758 = arith.constant 17 : i32
    %dma_wait3A_1759 = arith.constant 0 : i32
    %dma_wait3A_1760 = arith.constant 0 : i32
    %dma_wait3A_1761 = tpu.memref_slice %arg9[%dma_wait3A_1758, %dma_wait3A_1759, %dma_wait3A_1760] : memref<32x8x128xf32, #tpu.memory_space<vmem>> -> memref<1x8x128xf32, #tpu.memory_space<vmem>>
    %dma_wait3A_1762 = tpu.memref_squeeze %dma_wait3A_1761 : memref<1x8x128xf32, #tpu.memory_space<vmem>> -> memref<8x128xf32, #tpu.memory_space<vmem>>
    %dma_wait3A_1763 = tpu.memref_slice %arg3[%multiple_of3A_749, %multiple_of3A] : memref<100000x1024xf32, #tpu.memory_space<hbm>> -> memref<8x128xf32, #tpu.memory_space<hbm>>
    %dma_wait3A_1764 = arith.constant 0 : i32
    %dma_wait3A_1765 = arith.constant 0 : i32
    %dma_wait3A_1766 = tpu.memref_slice %arg9[%dma_wait3A_1758, %dma_wait3A_1764, %dma_wait3A_1765] : memref<32x8x128xf32, #tpu.memory_space<vmem>> -> memref<1x8x128xf32, #tpu.memory_space<vmem>>
    %dma_wait3A_1767 = tpu.memref_squeeze %dma_wait3A_1766 : memref<1x8x128xf32, #tpu.memory_space<vmem>> -> memref<8x128xf32, #tpu.memory_space<vmem>>
    %dma_wait3A_1768 = tpu.memref_slice %arg3[%multiple_of3A_749, %multiple_of3A] : memref<100000x1024xf32, #tpu.memory_space<hbm>> -> memref<8x128xf32, #tpu.memory_space<hbm>>
    tpu.wait_dma2 semaphore(%arg13 : memref<!tpu.dma_semaphore, #tpu.memory_space<semaphore_mem>>) src(%dma_wait3A_1768 : memref<8x128xf32, #tpu.memory_space<hbm>>) dst(%dma_wait3A_1767 : memref<8x128xf32, #tpu.memory_space<vmem>>)
    %dma_wait3A_1769 = arith.constant 18 : i32
    %dma_wait3A_1770 = arith.constant 0 : i32
    %dma_wait3A_1771 = arith.constant 0 : i32
    %dma_wait3A_1772 = tpu.memref_slice %arg8[%dma_wait3A_1769, %dma_wait3A_1770, %dma_wait3A_1771] : memref<32x8x128xf32, #tpu.memory_space<vmem>> -> memref<1x8x128xf32, #tpu.memory_space<vmem>>
    %dma_wait3A_1773 = tpu.memref_squeeze %dma_wait3A_1772 : memref<1x8x128xf32, #tpu.memory_space<vmem>> -> memref<8x128xf32, #tpu.memory_space<vmem>>
    %dma_wait3A_1774 = tpu.memref_slice %arg2[%multiple_of3A_792, %multiple_of3A] : memref<100000x1024xf32, #tpu.memory_space<hbm>> -> memref<8x128xf32, #tpu.memory_space<hbm>>
    %dma_wait3A_1775 = arith.constant 0 : i32
    %dma_wait3A_1776 = arith.constant 0 : i32
    %dma_wait3A_1777 = tpu.memref_slice %arg8[%dma_wait3A_1769, %dma_wait3A_1775, %dma_wait3A_1776] : memref<32x8x128xf32, #tpu.memory_space<vmem>> -> memref<1x8x128xf32, #tpu.memory_space<vmem>>
    %dma_wait3A_1778 = tpu.memref_squeeze %dma_wait3A_1777 : memref<1x8x128xf32, #tpu.memory_space<vmem>> -> memref<8x128xf32, #tpu.memory_space<vmem>>
    %dma_wait3A_1779 = tpu.memref_slice %arg2[%multiple_of3A_792, %multiple_of3A] : memref<100000x1024xf32, #tpu.memory_space<hbm>> -> memref<8x128xf32, #tpu.memory_space<hbm>>
    tpu.wait_dma2 semaphore(%arg12 : memref<!tpu.dma_semaphore, #tpu.memory_space<semaphore_mem>>) src(%dma_wait3A_1779 : memref<8x128xf32, #tpu.memory_space<hbm>>) dst(%dma_wait3A_1778 : memref<8x128xf32, #tpu.memory_space<vmem>>)
    %dma_wait3A_1780 = arith.constant 18 : i32
    %dma_wait3A_1781 = arith.constant 0 : i32
    %dma_wait3A_1782 = arith.constant 0 : i32
    %dma_wait3A_1783 = tpu.memref_slice %arg9[%dma_wait3A_1780, %dma_wait3A_1781, %dma_wait3A_1782] : memref<32x8x128xf32, #tpu.memory_space<vmem>> -> memref<1x8x128xf32, #tpu.memory_space<vmem>>
    %dma_wait3A_1784 = tpu.memref_squeeze %dma_wait3A_1783 : memref<1x8x128xf32, #tpu.memory_space<vmem>> -> memref<8x128xf32, #tpu.memory_space<vmem>>
    %dma_wait3A_1785 = tpu.memref_slice %arg3[%multiple_of3A_792, %multiple_of3A] : memref<100000x1024xf32, #tpu.memory_space<hbm>> -> memref<8x128xf32, #tpu.memory_space<hbm>>
    %dma_wait3A_1786 = arith.constant 0 : i32
    %dma_wait3A_1787 = arith.constant 0 : i32
    %dma_wait3A_1788 = tpu.memref_slice %arg9[%dma_wait3A_1780, %dma_wait3A_1786, %dma_wait3A_1787] : memref<32x8x128xf32, #tpu.memory_space<vmem>> -> memref<1x8x128xf32, #tpu.memory_space<vmem>>
    %dma_wait3A_1789 = tpu.memref_squeeze %dma_wait3A_1788 : memref<1x8x128xf32, #tpu.memory_space<vmem>> -> memref<8x128xf32, #tpu.memory_space<vmem>>
    %dma_wait3A_1790 = tpu.memref_slice %arg3[%multiple_of3A_792, %multiple_of3A] : memref<100000x1024xf32, #tpu.memory_space<hbm>> -> memref<8x128xf32, #tpu.memory_space<hbm>>
    tpu.wait_dma2 semaphore(%arg13 : memref<!tpu.dma_semaphore, #tpu.memory_space<semaphore_mem>>) src(%dma_wait3A_1790 : memref<8x128xf32, #tpu.memory_space<hbm>>) dst(%dma_wait3A_1789 : memref<8x128xf32, #tpu.memory_space<vmem>>)
    %dma_wait3A_1791 = arith.constant 19 : i32
    %dma_wait3A_1792 = arith.constant 0 : i32
    %dma_wait3A_1793 = arith.constant 0 : i32
    %dma_wait3A_1794 = tpu.memref_slice %arg8[%dma_wait3A_1791, %dma_wait3A_1792, %dma_wait3A_1793] : memref<32x8x128xf32, #tpu.memory_space<vmem>> -> memref<1x8x128xf32, #tpu.memory_space<vmem>>
    %dma_wait3A_1795 = tpu.memref_squeeze %dma_wait3A_1794 : memref<1x8x128xf32, #tpu.memory_space<vmem>> -> memref<8x128xf32, #tpu.memory_space<vmem>>
    %dma_wait3A_1796 = tpu.memref_slice %arg2[%multiple_of3A_835, %multiple_of3A] : memref<100000x1024xf32, #tpu.memory_space<hbm>> -> memref<8x128xf32, #tpu.memory_space<hbm>>
    %dma_wait3A_1797 = arith.constant 0 : i32
    %dma_wait3A_1798 = arith.constant 0 : i32
    %dma_wait3A_1799 = tpu.memref_slice %arg8[%dma_wait3A_1791, %dma_wait3A_1797, %dma_wait3A_1798] : memref<32x8x128xf32, #tpu.memory_space<vmem>> -> memref<1x8x128xf32, #tpu.memory_space<vmem>>
    %dma_wait3A_1800 = tpu.memref_squeeze %dma_wait3A_1799 : memref<1x8x128xf32, #tpu.memory_space<vmem>> -> memref<8x128xf32, #tpu.memory_space<vmem>>
    %dma_wait3A_1801 = tpu.memref_slice %arg2[%multiple_of3A_835, %multiple_of3A] : memref<100000x1024xf32, #tpu.memory_space<hbm>> -> memref<8x128xf32, #tpu.memory_space<hbm>>
    tpu.wait_dma2 semaphore(%arg12 : memref<!tpu.dma_semaphore, #tpu.memory_space<semaphore_mem>>) src(%dma_wait3A_1801 : memref<8x128xf32, #tpu.memory_space<hbm>>) dst(%dma_wait3A_1800 : memref<8x128xf32, #tpu.memory_space<vmem>>)
    %dma_wait3A_1802 = arith.constant 19 : i32
    %dma_wait3A_1803 = arith.constant 0 : i32
    %dma_wait3A_1804 = arith.constant 0 : i32
    %dma_wait3A_1805 = tpu.memref_slice %arg9[%dma_wait3A_1802, %dma_wait3A_1803, %dma_wait3A_1804] : memref<32x8x128xf32, #tpu.memory_space<vmem>> -> memref<1x8x128xf32, #tpu.memory_space<vmem>>
    %dma_wait3A_1806 = tpu.memref_squeeze %dma_wait3A_1805 : memref<1x8x128xf32, #tpu.memory_space<vmem>> -> memref<8x128xf32, #tpu.memory_space<vmem>>
    %dma_wait3A_1807 = tpu.memref_slice %arg3[%multiple_of3A_835, %multiple_of3A] : memref<100000x1024xf32, #tpu.memory_space<hbm>> -> memref<8x128xf32, #tpu.memory_space<hbm>>
    %dma_wait3A_1808 = arith.constant 0 : i32
    %dma_wait3A_1809 = arith.constant 0 : i32
    %dma_wait3A_1810 = tpu.memref_slice %arg9[%dma_wait3A_1802, %dma_wait3A_1808, %dma_wait3A_1809] : memref<32x8x128xf32, #tpu.memory_space<vmem>> -> memref<1x8x128xf32, #tpu.memory_space<vmem>>
    %dma_wait3A_1811 = tpu.memref_squeeze %dma_wait3A_1810 : memref<1x8x128xf32, #tpu.memory_space<vmem>> -> memref<8x128xf32, #tpu.memory_space<vmem>>
    %dma_wait3A_1812 = tpu.memref_slice %arg3[%multiple_of3A_835, %multiple_of3A] : memref<100000x1024xf32, #tpu.memory_space<hbm>> -> memref<8x128xf32, #tpu.memory_space<hbm>>
    tpu.wait_dma2 semaphore(%arg13 : memref<!tpu.dma_semaphore, #tpu.memory_space<semaphore_mem>>) src(%dma_wait3A_1812 : memref<8x128xf32, #tpu.memory_space<hbm>>) dst(%dma_wait3A_1811 : memref<8x128xf32, #tpu.memory_space<vmem>>)
    %dma_wait3A_1813 = arith.constant 20 : i32
    %dma_wait3A_1814 = arith.constant 0 : i32
    %dma_wait3A_1815 = arith.constant 0 : i32
    %dma_wait3A_1816 = tpu.memref_slice %arg8[%dma_wait3A_1813, %dma_wait3A_1814, %dma_wait3A_1815] : memref<32x8x128xf32, #tpu.memory_space<vmem>> -> memref<1x8x128xf32, #tpu.memory_space<vmem>>
    %dma_wait3A_1817 = tpu.memref_squeeze %dma_wait3A_1816 : memref<1x8x128xf32, #tpu.memory_space<vmem>> -> memref<8x128xf32, #tpu.memory_space<vmem>>
    %dma_wait3A_1818 = tpu.memref_slice %arg2[%multiple_of3A_878, %multiple_of3A] : memref<100000x1024xf32, #tpu.memory_space<hbm>> -> memref<8x128xf32, #tpu.memory_space<hbm>>
    %dma_wait3A_1819 = arith.constant 0 : i32
    %dma_wait3A_1820 = arith.constant 0 : i32
    %dma_wait3A_1821 = tpu.memref_slice %arg8[%dma_wait3A_1813, %dma_wait3A_1819, %dma_wait3A_1820] : memref<32x8x128xf32, #tpu.memory_space<vmem>> -> memref<1x8x128xf32, #tpu.memory_space<vmem>>
    %dma_wait3A_1822 = tpu.memref_squeeze %dma_wait3A_1821 : memref<1x8x128xf32, #tpu.memory_space<vmem>> -> memref<8x128xf32, #tpu.memory_space<vmem>>
    %dma_wait3A_1823 = tpu.memref_slice %arg2[%multiple_of3A_878, %multiple_of3A] : memref<100000x1024xf32, #tpu.memory_space<hbm>> -> memref<8x128xf32, #tpu.memory_space<hbm>>
    tpu.wait_dma2 semaphore(%arg12 : memref<!tpu.dma_semaphore, #tpu.memory_space<semaphore_mem>>) src(%dma_wait3A_1823 : memref<8x128xf32, #tpu.memory_space<hbm>>) dst(%dma_wait3A_1822 : memref<8x128xf32, #tpu.memory_space<vmem>>)
    %dma_wait3A_1824 = arith.constant 20 : i32
    %dma_wait3A_1825 = arith.constant 0 : i32
    %dma_wait3A_1826 = arith.constant 0 : i32
    %dma_wait3A_1827 = tpu.memref_slice %arg9[%dma_wait3A_1824, %dma_wait3A_1825, %dma_wait3A_1826] : memref<32x8x128xf32, #tpu.memory_space<vmem>> -> memref<1x8x128xf32, #tpu.memory_space<vmem>>
    %dma_wait3A_1828 = tpu.memref_squeeze %dma_wait3A_1827 : memref<1x8x128xf32, #tpu.memory_space<vmem>> -> memref<8x128xf32, #tpu.memory_space<vmem>>
    %dma_wait3A_1829 = tpu.memref_slice %arg3[%multiple_of3A_878, %multiple_of3A] : memref<100000x1024xf32, #tpu.memory_space<hbm>> -> memref<8x128xf32, #tpu.memory_space<hbm>>
    %dma_wait3A_1830 = arith.constant 0 : i32
    %dma_wait3A_1831 = arith.constant 0 : i32
    %dma_wait3A_1832 = tpu.memref_slice %arg9[%dma_wait3A_1824, %dma_wait3A_1830, %dma_wait3A_1831] : memref<32x8x128xf32, #tpu.memory_space<vmem>> -> memref<1x8x128xf32, #tpu.memory_space<vmem>>
    %dma_wait3A_1833 = tpu.memref_squeeze %dma_wait3A_1832 : memref<1x8x128xf32, #tpu.memory_space<vmem>> -> memref<8x128xf32, #tpu.memory_space<vmem>>
    %dma_wait3A_1834 = tpu.memref_slice %arg3[%multiple_of3A_878, %multiple_of3A] : memref<100000x1024xf32, #tpu.memory_space<hbm>> -> memref<8x128xf32, #tpu.memory_space<hbm>>
    tpu.wait_dma2 semaphore(%arg13 : memref<!tpu.dma_semaphore, #tpu.memory_space<semaphore_mem>>) src(%dma_wait3A_1834 : memref<8x128xf32, #tpu.memory_space<hbm>>) dst(%dma_wait3A_1833 : memref<8x128xf32, #tpu.memory_space<vmem>>)
    %dma_wait3A_1835 = arith.constant 21 : i32
    %dma_wait3A_1836 = arith.constant 0 : i32
    %dma_wait3A_1837 = arith.constant 0 : i32
    %dma_wait3A_1838 = tpu.memref_slice %arg8[%dma_wait3A_1835, %dma_wait3A_1836, %dma_wait3A_1837] : memref<32x8x128xf32, #tpu.memory_space<vmem>> -> memref<1x8x128xf32, #tpu.memory_space<vmem>>
    %dma_wait3A_1839 = tpu.memref_squeeze %dma_wait3A_1838 : memref<1x8x128xf32, #tpu.memory_space<vmem>> -> memref<8x128xf32, #tpu.memory_space<vmem>>
    %dma_wait3A_1840 = tpu.memref_slice %arg2[%multiple_of3A_921, %multiple_of3A] : memref<100000x1024xf32, #tpu.memory_space<hbm>> -> memref<8x128xf32, #tpu.memory_space<hbm>>
    %dma_wait3A_1841 = arith.constant 0 : i32
    %dma_wait3A_1842 = arith.constant 0 : i32
    %dma_wait3A_1843 = tpu.memref_slice %arg8[%dma_wait3A_1835, %dma_wait3A_1841, %dma_wait3A_1842] : memref<32x8x128xf32, #tpu.memory_space<vmem>> -> memref<1x8x128xf32, #tpu.memory_space<vmem>>
    %dma_wait3A_1844 = tpu.memref_squeeze %dma_wait3A_1843 : memref<1x8x128xf32, #tpu.memory_space<vmem>> -> memref<8x128xf32, #tpu.memory_space<vmem>>
    %dma_wait3A_1845 = tpu.memref_slice %arg2[%multiple_of3A_921, %multiple_of3A] : memref<100000x1024xf32, #tpu.memory_space<hbm>> -> memref<8x128xf32, #tpu.memory_space<hbm>>
    tpu.wait_dma2 semaphore(%arg12 : memref<!tpu.dma_semaphore, #tpu.memory_space<semaphore_mem>>) src(%dma_wait3A_1845 : memref<8x128xf32, #tpu.memory_space<hbm>>) dst(%dma_wait3A_1844 : memref<8x128xf32, #tpu.memory_space<vmem>>)
    %dma_wait3A_1846 = arith.constant 21 : i32
    %dma_wait3A_1847 = arith.constant 0 : i32
    %dma_wait3A_1848 = arith.constant 0 : i32
    %dma_wait3A_1849 = tpu.memref_slice %arg9[%dma_wait3A_1846, %dma_wait3A_1847, %dma_wait3A_1848] : memref<32x8x128xf32, #tpu.memory_space<vmem>> -> memref<1x8x128xf32, #tpu.memory_space<vmem>>
    %dma_wait3A_1850 = tpu.memref_squeeze %dma_wait3A_1849 : memref<1x8x128xf32, #tpu.memory_space<vmem>> -> memref<8x128xf32, #tpu.memory_space<vmem>>
    %dma_wait3A_1851 = tpu.memref_slice %arg3[%multiple_of3A_921, %multiple_of3A] : memref<100000x1024xf32, #tpu.memory_space<hbm>> -> memref<8x128xf32, #tpu.memory_space<hbm>>
    %dma_wait3A_1852 = arith.constant 0 : i32
    %dma_wait3A_1853 = arith.constant 0 : i32
    %dma_wait3A_1854 = tpu.memref_slice %arg9[%dma_wait3A_1846, %dma_wait3A_1852, %dma_wait3A_1853] : memref<32x8x128xf32, #tpu.memory_space<vmem>> -> memref<1x8x128xf32, #tpu.memory_space<vmem>>
    %dma_wait3A_1855 = tpu.memref_squeeze %dma_wait3A_1854 : memref<1x8x128xf32, #tpu.memory_space<vmem>> -> memref<8x128xf32, #tpu.memory_space<vmem>>
    %dma_wait3A_1856 = tpu.memref_slice %arg3[%multiple_of3A_921, %multiple_of3A] : memref<100000x1024xf32, #tpu.memory_space<hbm>> -> memref<8x128xf32, #tpu.memory_space<hbm>>
    tpu.wait_dma2 semaphore(%arg13 : memref<!tpu.dma_semaphore, #tpu.memory_space<semaphore_mem>>) src(%dma_wait3A_1856 : memref<8x128xf32, #tpu.memory_space<hbm>>) dst(%dma_wait3A_1855 : memref<8x128xf32, #tpu.memory_space<vmem>>)
    %dma_wait3A_1857 = arith.constant 22 : i32
    %dma_wait3A_1858 = arith.constant 0 : i32
    %dma_wait3A_1859 = arith.constant 0 : i32
    %dma_wait3A_1860 = tpu.memref_slice %arg8[%dma_wait3A_1857, %dma_wait3A_1858, %dma_wait3A_1859] : memref<32x8x128xf32, #tpu.memory_space<vmem>> -> memref<1x8x128xf32, #tpu.memory_space<vmem>>
    %dma_wait3A_1861 = tpu.memref_squeeze %dma_wait3A_1860 : memref<1x8x128xf32, #tpu.memory_space<vmem>> -> memref<8x128xf32, #tpu.memory_space<vmem>>
    %dma_wait3A_1862 = tpu.memref_slice %arg2[%multiple_of3A_964, %multiple_of3A] : memref<100000x1024xf32, #tpu.memory_space<hbm>> -> memref<8x128xf32, #tpu.memory_space<hbm>>
    %dma_wait3A_1863 = arith.constant 0 : i32
    %dma_wait3A_1864 = arith.constant 0 : i32
    %dma_wait3A_1865 = tpu.memref_slice %arg8[%dma_wait3A_1857, %dma_wait3A_1863, %dma_wait3A_1864] : memref<32x8x128xf32, #tpu.memory_space<vmem>> -> memref<1x8x128xf32, #tpu.memory_space<vmem>>
    %dma_wait3A_1866 = tpu.memref_squeeze %dma_wait3A_1865 : memref<1x8x128xf32, #tpu.memory_space<vmem>> -> memref<8x128xf32, #tpu.memory_space<vmem>>
    %dma_wait3A_1867 = tpu.memref_slice %arg2[%multiple_of3A_964, %multiple_of3A] : memref<100000x1024xf32, #tpu.memory_space<hbm>> -> memref<8x128xf32, #tpu.memory_space<hbm>>
    tpu.wait_dma2 semaphore(%arg12 : memref<!tpu.dma_semaphore, #tpu.memory_space<semaphore_mem>>) src(%dma_wait3A_1867 : memref<8x128xf32, #tpu.memory_space<hbm>>) dst(%dma_wait3A_1866 : memref<8x128xf32, #tpu.memory_space<vmem>>)
    %dma_wait3A_1868 = arith.constant 22 : i32
    %dma_wait3A_1869 = arith.constant 0 : i32
    %dma_wait3A_1870 = arith.constant 0 : i32
    %dma_wait3A_1871 = tpu.memref_slice %arg9[%dma_wait3A_1868, %dma_wait3A_1869, %dma_wait3A_1870] : memref<32x8x128xf32, #tpu.memory_space<vmem>> -> memref<1x8x128xf32, #tpu.memory_space<vmem>>
    %dma_wait3A_1872 = tpu.memref_squeeze %dma_wait3A_1871 : memref<1x8x128xf32, #tpu.memory_space<vmem>> -> memref<8x128xf32, #tpu.memory_space<vmem>>
    %dma_wait3A_1873 = tpu.memref_slice %arg3[%multiple_of3A_964, %multiple_of3A] : memref<100000x1024xf32, #tpu.memory_space<hbm>> -> memref<8x128xf32, #tpu.memory_space<hbm>>
    %dma_wait3A_1874 = arith.constant 0 : i32
    %dma_wait3A_1875 = arith.constant 0 : i32
    %dma_wait3A_1876 = tpu.memref_slice %arg9[%dma_wait3A_1868, %dma_wait3A_1874, %dma_wait3A_1875] : memref<32x8x128xf32, #tpu.memory_space<vmem>> -> memref<1x8x128xf32, #tpu.memory_space<vmem>>
    %dma_wait3A_1877 = tpu.memref_squeeze %dma_wait3A_1876 : memref<1x8x128xf32, #tpu.memory_space<vmem>> -> memref<8x128xf32, #tpu.memory_space<vmem>>
    %dma_wait3A_1878 = tpu.memref_slice %arg3[%multiple_of3A_964, %multiple_of3A] : memref<100000x1024xf32, #tpu.memory_space<hbm>> -> memref<8x128xf32, #tpu.memory_space<hbm>>
    tpu.wait_dma2 semaphore(%arg13 : memref<!tpu.dma_semaphore, #tpu.memory_space<semaphore_mem>>) src(%dma_wait3A_1878 : memref<8x128xf32, #tpu.memory_space<hbm>>) dst(%dma_wait3A_1877 : memref<8x128xf32, #tpu.memory_space<vmem>>)
    %dma_wait3A_1879 = arith.constant 23 : i32
    %dma_wait3A_1880 = arith.constant 0 : i32
    %dma_wait3A_1881 = arith.constant 0 : i32
    %dma_wait3A_1882 = tpu.memref_slice %arg8[%dma_wait3A_1879, %dma_wait3A_1880, %dma_wait3A_1881] : memref<32x8x128xf32, #tpu.memory_space<vmem>> -> memref<1x8x128xf32, #tpu.memory_space<vmem>>
    %dma_wait3A_1883 = tpu.memref_squeeze %dma_wait3A_1882 : memref<1x8x128xf32, #tpu.memory_space<vmem>> -> memref<8x128xf32, #tpu.memory_space<vmem>>
    %dma_wait3A_1884 = tpu.memref_slice %arg2[%multiple_of3A_1007, %multiple_of3A] : memref<100000x1024xf32, #tpu.memory_space<hbm>> -> memref<8x128xf32, #tpu.memory_space<hbm>>
    %dma_wait3A_1885 = arith.constant 0 : i32
    %dma_wait3A_1886 = arith.constant 0 : i32
    %dma_wait3A_1887 = tpu.memref_slice %arg8[%dma_wait3A_1879, %dma_wait3A_1885, %dma_wait3A_1886] : memref<32x8x128xf32, #tpu.memory_space<vmem>> -> memref<1x8x128xf32, #tpu.memory_space<vmem>>
    %dma_wait3A_1888 = tpu.memref_squeeze %dma_wait3A_1887 : memref<1x8x128xf32, #tpu.memory_space<vmem>> -> memref<8x128xf32, #tpu.memory_space<vmem>>
    %dma_wait3A_1889 = tpu.memref_slice %arg2[%multiple_of3A_1007, %multiple_of3A] : memref<100000x1024xf32, #tpu.memory_space<hbm>> -> memref<8x128xf32, #tpu.memory_space<hbm>>
    tpu.wait_dma2 semaphore(%arg12 : memref<!tpu.dma_semaphore, #tpu.memory_space<semaphore_mem>>) src(%dma_wait3A_1889 : memref<8x128xf32, #tpu.memory_space<hbm>>) dst(%dma_wait3A_1888 : memref<8x128xf32, #tpu.memory_space<vmem>>)
    %dma_wait3A_1890 = arith.constant 23 : i32
    %dma_wait3A_1891 = arith.constant 0 : i32
    %dma_wait3A_1892 = arith.constant 0 : i32
    %dma_wait3A_1893 = tpu.memref_slice %arg9[%dma_wait3A_1890, %dma_wait3A_1891, %dma_wait3A_1892] : memref<32x8x128xf32, #tpu.memory_space<vmem>> -> memref<1x8x128xf32, #tpu.memory_space<vmem>>
    %dma_wait3A_1894 = tpu.memref_squeeze %dma_wait3A_1893 : memref<1x8x128xf32, #tpu.memory_space<vmem>> -> memref<8x128xf32, #tpu.memory_space<vmem>>
    %dma_wait3A_1895 = tpu.memref_slice %arg3[%multiple_of3A_1007, %multiple_of3A] : memref<100000x1024xf32, #tpu.memory_space<hbm>> -> memref<8x128xf32, #tpu.memory_space<hbm>>
    %dma_wait3A_1896 = arith.constant 0 : i32
    %dma_wait3A_1897 = arith.constant 0 : i32
    %dma_wait3A_1898 = tpu.memref_slice %arg9[%dma_wait3A_1890, %dma_wait3A_1896, %dma_wait3A_1897] : memref<32x8x128xf32, #tpu.memory_space<vmem>> -> memref<1x8x128xf32, #tpu.memory_space<vmem>>
    %dma_wait3A_1899 = tpu.memref_squeeze %dma_wait3A_1898 : memref<1x8x128xf32, #tpu.memory_space<vmem>> -> memref<8x128xf32, #tpu.memory_space<vmem>>
    %dma_wait3A_1900 = tpu.memref_slice %arg3[%multiple_of3A_1007, %multiple_of3A] : memref<100000x1024xf32, #tpu.memory_space<hbm>> -> memref<8x128xf32, #tpu.memory_space<hbm>>
    tpu.wait_dma2 semaphore(%arg13 : memref<!tpu.dma_semaphore, #tpu.memory_space<semaphore_mem>>) src(%dma_wait3A_1900 : memref<8x128xf32, #tpu.memory_space<hbm>>) dst(%dma_wait3A_1899 : memref<8x128xf32, #tpu.memory_space<vmem>>)
    %dma_wait3A_1901 = arith.constant 24 : i32
    %dma_wait3A_1902 = arith.constant 0 : i32
    %dma_wait3A_1903 = arith.constant 0 : i32
    %dma_wait3A_1904 = tpu.memref_slice %arg8[%dma_wait3A_1901, %dma_wait3A_1902, %dma_wait3A_1903] : memref<32x8x128xf32, #tpu.memory_space<vmem>> -> memref<1x8x128xf32, #tpu.memory_space<vmem>>
    %dma_wait3A_1905 = tpu.memref_squeeze %dma_wait3A_1904 : memref<1x8x128xf32, #tpu.memory_space<vmem>> -> memref<8x128xf32, #tpu.memory_space<vmem>>
    %dma_wait3A_1906 = tpu.memref_slice %arg2[%multiple_of3A_1050, %multiple_of3A] : memref<100000x1024xf32, #tpu.memory_space<hbm>> -> memref<8x128xf32, #tpu.memory_space<hbm>>
    %dma_wait3A_1907 = arith.constant 0 : i32
    %dma_wait3A_1908 = arith.constant 0 : i32
    %dma_wait3A_1909 = tpu.memref_slice %arg8[%dma_wait3A_1901, %dma_wait3A_1907, %dma_wait3A_1908] : memref<32x8x128xf32, #tpu.memory_space<vmem>> -> memref<1x8x128xf32, #tpu.memory_space<vmem>>
    %dma_wait3A_1910 = tpu.memref_squeeze %dma_wait3A_1909 : memref<1x8x128xf32, #tpu.memory_space<vmem>> -> memref<8x128xf32, #tpu.memory_space<vmem>>
    %dma_wait3A_1911 = tpu.memref_slice %arg2[%multiple_of3A_1050, %multiple_of3A] : memref<100000x1024xf32, #tpu.memory_space<hbm>> -> memref<8x128xf32, #tpu.memory_space<hbm>>
    tpu.wait_dma2 semaphore(%arg12 : memref<!tpu.dma_semaphore, #tpu.memory_space<semaphore_mem>>) src(%dma_wait3A_1911 : memref<8x128xf32, #tpu.memory_space<hbm>>) dst(%dma_wait3A_1910 : memref<8x128xf32, #tpu.memory_space<vmem>>)
    %dma_wait3A_1912 = arith.constant 24 : i32
    %dma_wait3A_1913 = arith.constant 0 : i32
    %dma_wait3A_1914 = arith.constant 0 : i32
    %dma_wait3A_1915 = tpu.memref_slice %arg9[%dma_wait3A_1912, %dma_wait3A_1913, %dma_wait3A_1914] : memref<32x8x128xf32, #tpu.memory_space<vmem>> -> memref<1x8x128xf32, #tpu.memory_space<vmem>>
    %dma_wait3A_1916 = tpu.memref_squeeze %dma_wait3A_1915 : memref<1x8x128xf32, #tpu.memory_space<vmem>> -> memref<8x128xf32, #tpu.memory_space<vmem>>
    %dma_wait3A_1917 = tpu.memref_slice %arg3[%multiple_of3A_1050, %multiple_of3A] : memref<100000x1024xf32, #tpu.memory_space<hbm>> -> memref<8x128xf32, #tpu.memory_space<hbm>>
    %dma_wait3A_1918 = arith.constant 0 : i32
    %dma_wait3A_1919 = arith.constant 0 : i32
    %dma_wait3A_1920 = tpu.memref_slice %arg9[%dma_wait3A_1912, %dma_wait3A_1918, %dma_wait3A_1919] : memref<32x8x128xf32, #tpu.memory_space<vmem>> -> memref<1x8x128xf32, #tpu.memory_space<vmem>>
    %dma_wait3A_1921 = tpu.memref_squeeze %dma_wait3A_1920 : memref<1x8x128xf32, #tpu.memory_space<vmem>> -> memref<8x128xf32, #tpu.memory_space<vmem>>
    %dma_wait3A_1922 = tpu.memref_slice %arg3[%multiple_of3A_1050, %multiple_of3A] : memref<100000x1024xf32, #tpu.memory_space<hbm>> -> memref<8x128xf32, #tpu.memory_space<hbm>>
    tpu.wait_dma2 semaphore(%arg13 : memref<!tpu.dma_semaphore, #tpu.memory_space<semaphore_mem>>) src(%dma_wait3A_1922 : memref<8x128xf32, #tpu.memory_space<hbm>>) dst(%dma_wait3A_1921 : memref<8x128xf32, #tpu.memory_space<vmem>>)
    %dma_wait3A_1923 = arith.constant 25 : i32
    %dma_wait3A_1924 = arith.constant 0 : i32
    %dma_wait3A_1925 = arith.constant 0 : i32
    %dma_wait3A_1926 = tpu.memref_slice %arg8[%dma_wait3A_1923, %dma_wait3A_1924, %dma_wait3A_1925] : memref<32x8x128xf32, #tpu.memory_space<vmem>> -> memref<1x8x128xf32, #tpu.memory_space<vmem>>
    %dma_wait3A_1927 = tpu.memref_squeeze %dma_wait3A_1926 : memref<1x8x128xf32, #tpu.memory_space<vmem>> -> memref<8x128xf32, #tpu.memory_space<vmem>>
    %dma_wait3A_1928 = tpu.memref_slice %arg2[%multiple_of3A_1093, %multiple_of3A] : memref<100000x1024xf32, #tpu.memory_space<hbm>> -> memref<8x128xf32, #tpu.memory_space<hbm>>
    %dma_wait3A_1929 = arith.constant 0 : i32
    %dma_wait3A_1930 = arith.constant 0 : i32
    %dma_wait3A_1931 = tpu.memref_slice %arg8[%dma_wait3A_1923, %dma_wait3A_1929, %dma_wait3A_1930] : memref<32x8x128xf32, #tpu.memory_space<vmem>> -> memref<1x8x128xf32, #tpu.memory_space<vmem>>
    %dma_wait3A_1932 = tpu.memref_squeeze %dma_wait3A_1931 : memref<1x8x128xf32, #tpu.memory_space<vmem>> -> memref<8x128xf32, #tpu.memory_space<vmem>>
    %dma_wait3A_1933 = tpu.memref_slice %arg2[%multiple_of3A_1093, %multiple_of3A] : memref<100000x1024xf32, #tpu.memory_space<hbm>> -> memref<8x128xf32, #tpu.memory_space<hbm>>
    tpu.wait_dma2 semaphore(%arg12 : memref<!tpu.dma_semaphore, #tpu.memory_space<semaphore_mem>>) src(%dma_wait3A_1933 : memref<8x128xf32, #tpu.memory_space<hbm>>) dst(%dma_wait3A_1932 : memref<8x128xf32, #tpu.memory_space<vmem>>)
    %dma_wait3A_1934 = arith.constant 25 : i32
    %dma_wait3A_1935 = arith.constant 0 : i32
    %dma_wait3A_1936 = arith.constant 0 : i32
    %dma_wait3A_1937 = tpu.memref_slice %arg9[%dma_wait3A_1934, %dma_wait3A_1935, %dma_wait3A_1936] : memref<32x8x128xf32, #tpu.memory_space<vmem>> -> memref<1x8x128xf32, #tpu.memory_space<vmem>>
    %dma_wait3A_1938 = tpu.memref_squeeze %dma_wait3A_1937 : memref<1x8x128xf32, #tpu.memory_space<vmem>> -> memref<8x128xf32, #tpu.memory_space<vmem>>
    %dma_wait3A_1939 = tpu.memref_slice %arg3[%multiple_of3A_1093, %multiple_of3A] : memref<100000x1024xf32, #tpu.memory_space<hbm>> -> memref<8x128xf32, #tpu.memory_space<hbm>>
    %dma_wait3A_1940 = arith.constant 0 : i32
    %dma_wait3A_1941 = arith.constant 0 : i32
    %dma_wait3A_1942 = tpu.memref_slice %arg9[%dma_wait3A_1934, %dma_wait3A_1940, %dma_wait3A_1941] : memref<32x8x128xf32, #tpu.memory_space<vmem>> -> memref<1x8x128xf32, #tpu.memory_space<vmem>>
    %dma_wait3A_1943 = tpu.memref_squeeze %dma_wait3A_1942 : memref<1x8x128xf32, #tpu.memory_space<vmem>> -> memref<8x128xf32, #tpu.memory_space<vmem>>
    %dma_wait3A_1944 = tpu.memref_slice %arg3[%multiple_of3A_1093, %multiple_of3A] : memref<100000x1024xf32, #tpu.memory_space<hbm>> -> memref<8x128xf32, #tpu.memory_space<hbm>>
    tpu.wait_dma2 semaphore(%arg13 : memref<!tpu.dma_semaphore, #tpu.memory_space<semaphore_mem>>) src(%dma_wait3A_1944 : memref<8x128xf32, #tpu.memory_space<hbm>>) dst(%dma_wait3A_1943 : memref<8x128xf32, #tpu.memory_space<vmem>>)
    %dma_wait3A_1945 = arith.constant 26 : i32
    %dma_wait3A_1946 = arith.constant 0 : i32
    %dma_wait3A_1947 = arith.constant 0 : i32
    %dma_wait3A_1948 = tpu.memref_slice %arg8[%dma_wait3A_1945, %dma_wait3A_1946, %dma_wait3A_1947] : memref<32x8x128xf32, #tpu.memory_space<vmem>> -> memref<1x8x128xf32, #tpu.memory_space<vmem>>
    %dma_wait3A_1949 = tpu.memref_squeeze %dma_wait3A_1948 : memref<1x8x128xf32, #tpu.memory_space<vmem>> -> memref<8x128xf32, #tpu.memory_space<vmem>>
    %dma_wait3A_1950 = tpu.memref_slice %arg2[%multiple_of3A_1136, %multiple_of3A] : memref<100000x1024xf32, #tpu.memory_space<hbm>> -> memref<8x128xf32, #tpu.memory_space<hbm>>
    %dma_wait3A_1951 = arith.constant 0 : i32
    %dma_wait3A_1952 = arith.constant 0 : i32
    %dma_wait3A_1953 = tpu.memref_slice %arg8[%dma_wait3A_1945, %dma_wait3A_1951, %dma_wait3A_1952] : memref<32x8x128xf32, #tpu.memory_space<vmem>> -> memref<1x8x128xf32, #tpu.memory_space<vmem>>
    %dma_wait3A_1954 = tpu.memref_squeeze %dma_wait3A_1953 : memref<1x8x128xf32, #tpu.memory_space<vmem>> -> memref<8x128xf32, #tpu.memory_space<vmem>>
    %dma_wait3A_1955 = tpu.memref_slice %arg2[%multiple_of3A_1136, %multiple_of3A] : memref<100000x1024xf32, #tpu.memory_space<hbm>> -> memref<8x128xf32, #tpu.memory_space<hbm>>
    tpu.wait_dma2 semaphore(%arg12 : memref<!tpu.dma_semaphore, #tpu.memory_space<semaphore_mem>>) src(%dma_wait3A_1955 : memref<8x128xf32, #tpu.memory_space<hbm>>) dst(%dma_wait3A_1954 : memref<8x128xf32, #tpu.memory_space<vmem>>)
    %dma_wait3A_1956 = arith.constant 26 : i32
    %dma_wait3A_1957 = arith.constant 0 : i32
    %dma_wait3A_1958 = arith.constant 0 : i32
    %dma_wait3A_1959 = tpu.memref_slice %arg9[%dma_wait3A_1956, %dma_wait3A_1957, %dma_wait3A_1958] : memref<32x8x128xf32, #tpu.memory_space<vmem>> -> memref<1x8x128xf32, #tpu.memory_space<vmem>>
    %dma_wait3A_1960 = tpu.memref_squeeze %dma_wait3A_1959 : memref<1x8x128xf32, #tpu.memory_space<vmem>> -> memref<8x128xf32, #tpu.memory_space<vmem>>
    %dma_wait3A_1961 = tpu.memref_slice %arg3[%multiple_of3A_1136, %multiple_of3A] : memref<100000x1024xf32, #tpu.memory_space<hbm>> -> memref<8x128xf32, #tpu.memory_space<hbm>>
    %dma_wait3A_1962 = arith.constant 0 : i32
    %dma_wait3A_1963 = arith.constant 0 : i32
    %dma_wait3A_1964 = tpu.memref_slice %arg9[%dma_wait3A_1956, %dma_wait3A_1962, %dma_wait3A_1963] : memref<32x8x128xf32, #tpu.memory_space<vmem>> -> memref<1x8x128xf32, #tpu.memory_space<vmem>>
    %dma_wait3A_1965 = tpu.memref_squeeze %dma_wait3A_1964 : memref<1x8x128xf32, #tpu.memory_space<vmem>> -> memref<8x128xf32, #tpu.memory_space<vmem>>
    %dma_wait3A_1966 = tpu.memref_slice %arg3[%multiple_of3A_1136, %multiple_of3A] : memref<100000x1024xf32, #tpu.memory_space<hbm>> -> memref<8x128xf32, #tpu.memory_space<hbm>>
    tpu.wait_dma2 semaphore(%arg13 : memref<!tpu.dma_semaphore, #tpu.memory_space<semaphore_mem>>) src(%dma_wait3A_1966 : memref<8x128xf32, #tpu.memory_space<hbm>>) dst(%dma_wait3A_1965 : memref<8x128xf32, #tpu.memory_space<vmem>>)
    %dma_wait3A_1967 = arith.constant 27 : i32
    %dma_wait3A_1968 = arith.constant 0 : i32
    %dma_wait3A_1969 = arith.constant 0 : i32
    %dma_wait3A_1970 = tpu.memref_slice %arg8[%dma_wait3A_1967, %dma_wait3A_1968, %dma_wait3A_1969] : memref<32x8x128xf32, #tpu.memory_space<vmem>> -> memref<1x8x128xf32, #tpu.memory_space<vmem>>
    %dma_wait3A_1971 = tpu.memref_squeeze %dma_wait3A_1970 : memref<1x8x128xf32, #tpu.memory_space<vmem>> -> memref<8x128xf32, #tpu.memory_space<vmem>>
    %dma_wait3A_1972 = tpu.memref_slice %arg2[%multiple_of3A_1179, %multiple_of3A] : memref<100000x1024xf32, #tpu.memory_space<hbm>> -> memref<8x128xf32, #tpu.memory_space<hbm>>
    %dma_wait3A_1973 = arith.constant 0 : i32
    %dma_wait3A_1974 = arith.constant 0 : i32
    %dma_wait3A_1975 = tpu.memref_slice %arg8[%dma_wait3A_1967, %dma_wait3A_1973, %dma_wait3A_1974] : memref<32x8x128xf32, #tpu.memory_space<vmem>> -> memref<1x8x128xf32, #tpu.memory_space<vmem>>
    %dma_wait3A_1976 = tpu.memref_squeeze %dma_wait3A_1975 : memref<1x8x128xf32, #tpu.memory_space<vmem>> -> memref<8x128xf32, #tpu.memory_space<vmem>>
    %dma_wait3A_1977 = tpu.memref_slice %arg2[%multiple_of3A_1179, %multiple_of3A] : memref<100000x1024xf32, #tpu.memory_space<hbm>> -> memref<8x128xf32, #tpu.memory_space<hbm>>
    tpu.wait_dma2 semaphore(%arg12 : memref<!tpu.dma_semaphore, #tpu.memory_space<semaphore_mem>>) src(%dma_wait3A_1977 : memref<8x128xf32, #tpu.memory_space<hbm>>) dst(%dma_wait3A_1976 : memref<8x128xf32, #tpu.memory_space<vmem>>)
    %dma_wait3A_1978 = arith.constant 27 : i32
    %dma_wait3A_1979 = arith.constant 0 : i32
    %dma_wait3A_1980 = arith.constant 0 : i32
    %dma_wait3A_1981 = tpu.memref_slice %arg9[%dma_wait3A_1978, %dma_wait3A_1979, %dma_wait3A_1980] : memref<32x8x128xf32, #tpu.memory_space<vmem>> -> memref<1x8x128xf32, #tpu.memory_space<vmem>>
    %dma_wait3A_1982 = tpu.memref_squeeze %dma_wait3A_1981 : memref<1x8x128xf32, #tpu.memory_space<vmem>> -> memref<8x128xf32, #tpu.memory_space<vmem>>
    %dma_wait3A_1983 = tpu.memref_slice %arg3[%multiple_of3A_1179, %multiple_of3A] : memref<100000x1024xf32, #tpu.memory_space<hbm>> -> memref<8x128xf32, #tpu.memory_space<hbm>>
    %dma_wait3A_1984 = arith.constant 0 : i32
    %dma_wait3A_1985 = arith.constant 0 : i32
    %dma_wait3A_1986 = tpu.memref_slice %arg9[%dma_wait3A_1978, %dma_wait3A_1984, %dma_wait3A_1985] : memref<32x8x128xf32, #tpu.memory_space<vmem>> -> memref<1x8x128xf32, #tpu.memory_space<vmem>>
    %dma_wait3A_1987 = tpu.memref_squeeze %dma_wait3A_1986 : memref<1x8x128xf32, #tpu.memory_space<vmem>> -> memref<8x128xf32, #tpu.memory_space<vmem>>
    %dma_wait3A_1988 = tpu.memref_slice %arg3[%multiple_of3A_1179, %multiple_of3A] : memref<100000x1024xf32, #tpu.memory_space<hbm>> -> memref<8x128xf32, #tpu.memory_space<hbm>>
    tpu.wait_dma2 semaphore(%arg13 : memref<!tpu.dma_semaphore, #tpu.memory_space<semaphore_mem>>) src(%dma_wait3A_1988 : memref<8x128xf32, #tpu.memory_space<hbm>>) dst(%dma_wait3A_1987 : memref<8x128xf32, #tpu.memory_space<vmem>>)
    %dma_wait3A_1989 = arith.constant 28 : i32
    %dma_wait3A_1990 = arith.constant 0 : i32
    %dma_wait3A_1991 = arith.constant 0 : i32
    %dma_wait3A_1992 = tpu.memref_slice %arg8[%dma_wait3A_1989, %dma_wait3A_1990, %dma_wait3A_1991] : memref<32x8x128xf32, #tpu.memory_space<vmem>> -> memref<1x8x128xf32, #tpu.memory_space<vmem>>
    %dma_wait3A_1993 = tpu.memref_squeeze %dma_wait3A_1992 : memref<1x8x128xf32, #tpu.memory_space<vmem>> -> memref<8x128xf32, #tpu.memory_space<vmem>>
    %dma_wait3A_1994 = tpu.memref_slice %arg2[%multiple_of3A_1222, %multiple_of3A] : memref<100000x1024xf32, #tpu.memory_space<hbm>> -> memref<8x128xf32, #tpu.memory_space<hbm>>
    %dma_wait3A_1995 = arith.constant 0 : i32
    %dma_wait3A_1996 = arith.constant 0 : i32
    %dma_wait3A_1997 = tpu.memref_slice %arg8[%dma_wait3A_1989, %dma_wait3A_1995, %dma_wait3A_1996] : memref<32x8x128xf32, #tpu.memory_space<vmem>> -> memref<1x8x128xf32, #tpu.memory_space<vmem>>
    %dma_wait3A_1998 = tpu.memref_squeeze %dma_wait3A_1997 : memref<1x8x128xf32, #tpu.memory_space<vmem>> -> memref<8x128xf32, #tpu.memory_space<vmem>>
    %dma_wait3A_1999 = tpu.memref_slice %arg2[%multiple_of3A_1222, %multiple_of3A] : memref<100000x1024xf32, #tpu.memory_space<hbm>> -> memref<8x128xf32, #tpu.memory_space<hbm>>
    tpu.wait_dma2 semaphore(%arg12 : memref<!tpu.dma_semaphore, #tpu.memory_space<semaphore_mem>>) src(%dma_wait3A_1999 : memref<8x128xf32, #tpu.memory_space<hbm>>) dst(%dma_wait3A_1998 : memref<8x128xf32, #tpu.memory_space<vmem>>)
    %dma_wait3A_2000 = arith.constant 28 : i32
    %dma_wait3A_2001 = arith.constant 0 : i32
    %dma_wait3A_2002 = arith.constant 0 : i32
    %dma_wait3A_2003 = tpu.memref_slice %arg9[%dma_wait3A_2000, %dma_wait3A_2001, %dma_wait3A_2002] : memref<32x8x128xf32, #tpu.memory_space<vmem>> -> memref<1x8x128xf32, #tpu.memory_space<vmem>>
    %dma_wait3A_2004 = tpu.memref_squeeze %dma_wait3A_2003 : memref<1x8x128xf32, #tpu.memory_space<vmem>> -> memref<8x128xf32, #tpu.memory_space<vmem>>
    %dma_wait3A_2005 = tpu.memref_slice %arg3[%multiple_of3A_1222, %multiple_of3A] : memref<100000x1024xf32, #tpu.memory_space<hbm>> -> memref<8x128xf32, #tpu.memory_space<hbm>>
    %dma_wait3A_2006 = arith.constant 0 : i32
    %dma_wait3A_2007 = arith.constant 0 : i32
    %dma_wait3A_2008 = tpu.memref_slice %arg9[%dma_wait3A_2000, %dma_wait3A_2006, %dma_wait3A_2007] : memref<32x8x128xf32, #tpu.memory_space<vmem>> -> memref<1x8x128xf32, #tpu.memory_space<vmem>>
    %dma_wait3A_2009 = tpu.memref_squeeze %dma_wait3A_2008 : memref<1x8x128xf32, #tpu.memory_space<vmem>> -> memref<8x128xf32, #tpu.memory_space<vmem>>
    %dma_wait3A_2010 = tpu.memref_slice %arg3[%multiple_of3A_1222, %multiple_of3A] : memref<100000x1024xf32, #tpu.memory_space<hbm>> -> memref<8x128xf32, #tpu.memory_space<hbm>>
    tpu.wait_dma2 semaphore(%arg13 : memref<!tpu.dma_semaphore, #tpu.memory_space<semaphore_mem>>) src(%dma_wait3A_2010 : memref<8x128xf32, #tpu.memory_space<hbm>>) dst(%dma_wait3A_2009 : memref<8x128xf32, #tpu.memory_space<vmem>>)
    %dma_wait3A_2011 = arith.constant 29 : i32
    %dma_wait3A_2012 = arith.constant 0 : i32
    %dma_wait3A_2013 = arith.constant 0 : i32
    %dma_wait3A_2014 = tpu.memref_slice %arg8[%dma_wait3A_2011, %dma_wait3A_2012, %dma_wait3A_2013] : memref<32x8x128xf32, #tpu.memory_space<vmem>> -> memref<1x8x128xf32, #tpu.memory_space<vmem>>
    %dma_wait3A_2015 = tpu.memref_squeeze %dma_wait3A_2014 : memref<1x8x128xf32, #tpu.memory_space<vmem>> -> memref<8x128xf32, #tpu.memory_space<vmem>>
    %dma_wait3A_2016 = tpu.memref_slice %arg2[%multiple_of3A_1265, %multiple_of3A] : memref<100000x1024xf32, #tpu.memory_space<hbm>> -> memref<8x128xf32, #tpu.memory_space<hbm>>
    %dma_wait3A_2017 = arith.constant 0 : i32
    %dma_wait3A_2018 = arith.constant 0 : i32
    %dma_wait3A_2019 = tpu.memref_slice %arg8[%dma_wait3A_2011, %dma_wait3A_2017, %dma_wait3A_2018] : memref<32x8x128xf32, #tpu.memory_space<vmem>> -> memref<1x8x128xf32, #tpu.memory_space<vmem>>
    %dma_wait3A_2020 = tpu.memref_squeeze %dma_wait3A_2019 : memref<1x8x128xf32, #tpu.memory_space<vmem>> -> memref<8x128xf32, #tpu.memory_space<vmem>>
    %dma_wait3A_2021 = tpu.memref_slice %arg2[%multiple_of3A_1265, %multiple_of3A] : memref<100000x1024xf32, #tpu.memory_space<hbm>> -> memref<8x128xf32, #tpu.memory_space<hbm>>
    tpu.wait_dma2 semaphore(%arg12 : memref<!tpu.dma_semaphore, #tpu.memory_space<semaphore_mem>>) src(%dma_wait3A_2021 : memref<8x128xf32, #tpu.memory_space<hbm>>) dst(%dma_wait3A_2020 : memref<8x128xf32, #tpu.memory_space<vmem>>)
    %dma_wait3A_2022 = arith.constant 29 : i32
    %dma_wait3A_2023 = arith.constant 0 : i32
    %dma_wait3A_2024 = arith.constant 0 : i32
    %dma_wait3A_2025 = tpu.memref_slice %arg9[%dma_wait3A_2022, %dma_wait3A_2023, %dma_wait3A_2024] : memref<32x8x128xf32, #tpu.memory_space<vmem>> -> memref<1x8x128xf32, #tpu.memory_space<vmem>>
    %dma_wait3A_2026 = tpu.memref_squeeze %dma_wait3A_2025 : memref<1x8x128xf32, #tpu.memory_space<vmem>> -> memref<8x128xf32, #tpu.memory_space<vmem>>
    %dma_wait3A_2027 = tpu.memref_slice %arg3[%multiple_of3A_1265, %multiple_of3A] : memref<100000x1024xf32, #tpu.memory_space<hbm>> -> memref<8x128xf32, #tpu.memory_space<hbm>>
    %dma_wait3A_2028 = arith.constant 0 : i32
    %dma_wait3A_2029 = arith.constant 0 : i32
    %dma_wait3A_2030 = tpu.memref_slice %arg9[%dma_wait3A_2022, %dma_wait3A_2028, %dma_wait3A_2029] : memref<32x8x128xf32, #tpu.memory_space<vmem>> -> memref<1x8x128xf32, #tpu.memory_space<vmem>>
    %dma_wait3A_2031 = tpu.memref_squeeze %dma_wait3A_2030 : memref<1x8x128xf32, #tpu.memory_space<vmem>> -> memref<8x128xf32, #tpu.memory_space<vmem>>
    %dma_wait3A_2032 = tpu.memref_slice %arg3[%multiple_of3A_1265, %multiple_of3A] : memref<100000x1024xf32, #tpu.memory_space<hbm>> -> memref<8x128xf32, #tpu.memory_space<hbm>>
    tpu.wait_dma2 semaphore(%arg13 : memref<!tpu.dma_semaphore, #tpu.memory_space<semaphore_mem>>) src(%dma_wait3A_2032 : memref<8x128xf32, #tpu.memory_space<hbm>>) dst(%dma_wait3A_2031 : memref<8x128xf32, #tpu.memory_space<vmem>>)
    %dma_wait3A_2033 = arith.constant 30 : i32
    %dma_wait3A_2034 = arith.constant 0 : i32
    %dma_wait3A_2035 = arith.constant 0 : i32
    %dma_wait3A_2036 = tpu.memref_slice %arg8[%dma_wait3A_2033, %dma_wait3A_2034, %dma_wait3A_2035] : memref<32x8x128xf32, #tpu.memory_space<vmem>> -> memref<1x8x128xf32, #tpu.memory_space<vmem>>
    %dma_wait3A_2037 = tpu.memref_squeeze %dma_wait3A_2036 : memref<1x8x128xf32, #tpu.memory_space<vmem>> -> memref<8x128xf32, #tpu.memory_space<vmem>>
    %dma_wait3A_2038 = tpu.memref_slice %arg2[%multiple_of3A_1308, %multiple_of3A] : memref<100000x1024xf32, #tpu.memory_space<hbm>> -> memref<8x128xf32, #tpu.memory_space<hbm>>
    %dma_wait3A_2039 = arith.constant 0 : i32
    %dma_wait3A_2040 = arith.constant 0 : i32
    %dma_wait3A_2041 = tpu.memref_slice %arg8[%dma_wait3A_2033, %dma_wait3A_2039, %dma_wait3A_2040] : memref<32x8x128xf32, #tpu.memory_space<vmem>> -> memref<1x8x128xf32, #tpu.memory_space<vmem>>
    %dma_wait3A_2042 = tpu.memref_squeeze %dma_wait3A_2041 : memref<1x8x128xf32, #tpu.memory_space<vmem>> -> memref<8x128xf32, #tpu.memory_space<vmem>>
    %dma_wait3A_2043 = tpu.memref_slice %arg2[%multiple_of3A_1308, %multiple_of3A] : memref<100000x1024xf32, #tpu.memory_space<hbm>> -> memref<8x128xf32, #tpu.memory_space<hbm>>
    tpu.wait_dma2 semaphore(%arg12 : memref<!tpu.dma_semaphore, #tpu.memory_space<semaphore_mem>>) src(%dma_wait3A_2043 : memref<8x128xf32, #tpu.memory_space<hbm>>) dst(%dma_wait3A_2042 : memref<8x128xf32, #tpu.memory_space<vmem>>)
    %dma_wait3A_2044 = arith.constant 30 : i32
    %dma_wait3A_2045 = arith.constant 0 : i32
    %dma_wait3A_2046 = arith.constant 0 : i32
    %dma_wait3A_2047 = tpu.memref_slice %arg9[%dma_wait3A_2044, %dma_wait3A_2045, %dma_wait3A_2046] : memref<32x8x128xf32, #tpu.memory_space<vmem>> -> memref<1x8x128xf32, #tpu.memory_space<vmem>>
    %dma_wait3A_2048 = tpu.memref_squeeze %dma_wait3A_2047 : memref<1x8x128xf32, #tpu.memory_space<vmem>> -> memref<8x128xf32, #tpu.memory_space<vmem>>
    %dma_wait3A_2049 = tpu.memref_slice %arg3[%multiple_of3A_1308, %multiple_of3A] : memref<100000x1024xf32, #tpu.memory_space<hbm>> -> memref<8x128xf32, #tpu.memory_space<hbm>>
    %dma_wait3A_2050 = arith.constant 0 : i32
    %dma_wait3A_2051 = arith.constant 0 : i32
    %dma_wait3A_2052 = tpu.memref_slice %arg9[%dma_wait3A_2044, %dma_wait3A_2050, %dma_wait3A_2051] : memref<32x8x128xf32, #tpu.memory_space<vmem>> -> memref<1x8x128xf32, #tpu.memory_space<vmem>>
    %dma_wait3A_2053 = tpu.memref_squeeze %dma_wait3A_2052 : memref<1x8x128xf32, #tpu.memory_space<vmem>> -> memref<8x128xf32, #tpu.memory_space<vmem>>
    %dma_wait3A_2054 = tpu.memref_slice %arg3[%multiple_of3A_1308, %multiple_of3A] : memref<100000x1024xf32, #tpu.memory_space<hbm>> -> memref<8x128xf32, #tpu.memory_space<hbm>>
    tpu.wait_dma2 semaphore(%arg13 : memref<!tpu.dma_semaphore, #tpu.memory_space<semaphore_mem>>) src(%dma_wait3A_2054 : memref<8x128xf32, #tpu.memory_space<hbm>>) dst(%dma_wait3A_2053 : memref<8x128xf32, #tpu.memory_space<vmem>>)
    %dma_wait3A_2055 = arith.constant 31 : i32
    %dma_wait3A_2056 = arith.constant 0 : i32
    %dma_wait3A_2057 = arith.constant 0 : i32
    %dma_wait3A_2058 = tpu.memref_slice %arg8[%dma_wait3A_2055, %dma_wait3A_2056, %dma_wait3A_2057] : memref<32x8x128xf32, #tpu.memory_space<vmem>> -> memref<1x8x128xf32, #tpu.memory_space<vmem>>
    %dma_wait3A_2059 = tpu.memref_squeeze %dma_wait3A_2058 : memref<1x8x128xf32, #tpu.memory_space<vmem>> -> memref<8x128xf32, #tpu.memory_space<vmem>>
    %dma_wait3A_2060 = tpu.memref_slice %arg2[%multiple_of3A_1351, %multiple_of3A] : memref<100000x1024xf32, #tpu.memory_space<hbm>> -> memref<8x128xf32, #tpu.memory_space<hbm>>
    %dma_wait3A_2061 = arith.constant 0 : i32
    %dma_wait3A_2062 = arith.constant 0 : i32
    %dma_wait3A_2063 = tpu.memref_slice %arg8[%dma_wait3A_2055, %dma_wait3A_2061, %dma_wait3A_2062] : memref<32x8x128xf32, #tpu.memory_space<vmem>> -> memref<1x8x128xf32, #tpu.memory_space<vmem>>
    %dma_wait3A_2064 = tpu.memref_squeeze %dma_wait3A_2063 : memref<1x8x128xf32, #tpu.memory_space<vmem>> -> memref<8x128xf32, #tpu.memory_space<vmem>>
    %dma_wait3A_2065 = tpu.memref_slice %arg2[%multiple_of3A_1351, %multiple_of3A] : memref<100000x1024xf32, #tpu.memory_space<hbm>> -> memref<8x128xf32, #tpu.memory_space<hbm>>
    tpu.wait_dma2 semaphore(%arg12 : memref<!tpu.dma_semaphore, #tpu.memory_space<semaphore_mem>>) src(%dma_wait3A_2065 : memref<8x128xf32, #tpu.memory_space<hbm>>) dst(%dma_wait3A_2064 : memref<8x128xf32, #tpu.memory_space<vmem>>)
    %dma_wait3A_2066 = arith.constant 31 : i32
    %dma_wait3A_2067 = arith.constant 0 : i32
    %dma_wait3A_2068 = arith.constant 0 : i32
    %dma_wait3A_2069 = tpu.memref_slice %arg9[%dma_wait3A_2066, %dma_wait3A_2067, %dma_wait3A_2068] : memref<32x8x128xf32, #tpu.memory_space<vmem>> -> memref<1x8x128xf32, #tpu.memory_space<vmem>>
    %dma_wait3A_2070 = tpu.memref_squeeze %dma_wait3A_2069 : memref<1x8x128xf32, #tpu.memory_space<vmem>> -> memref<8x128xf32, #tpu.memory_space<vmem>>
    %dma_wait3A_2071 = tpu.memref_slice %arg3[%multiple_of3A_1351, %multiple_of3A] : memref<100000x1024xf32, #tpu.memory_space<hbm>> -> memref<8x128xf32, #tpu.memory_space<hbm>>
    %dma_wait3A_2072 = arith.constant 0 : i32
    %dma_wait3A_2073 = arith.constant 0 : i32
    %dma_wait3A_2074 = tpu.memref_slice %arg9[%dma_wait3A_2066, %dma_wait3A_2072, %dma_wait3A_2073] : memref<32x8x128xf32, #tpu.memory_space<vmem>> -> memref<1x8x128xf32, #tpu.memory_space<vmem>>
    %dma_wait3A_2075 = tpu.memref_squeeze %dma_wait3A_2074 : memref<1x8x128xf32, #tpu.memory_space<vmem>> -> memref<8x128xf32, #tpu.memory_space<vmem>>
    %dma_wait3A_2076 = tpu.memref_slice %arg3[%multiple_of3A_1351, %multiple_of3A] : memref<100000x1024xf32, #tpu.memory_space<hbm>> -> memref<8x128xf32, #tpu.memory_space<hbm>>
    tpu.wait_dma2 semaphore(%arg13 : memref<!tpu.dma_semaphore, #tpu.memory_space<semaphore_mem>>) src(%dma_wait3A_2076 : memref<8x128xf32, #tpu.memory_space<hbm>>) dst(%dma_wait3A_2075 : memref<8x128xf32, #tpu.memory_space<vmem>>)
    %shift_right_arithmetic3A_2077 = arith.constant 7 : i32
    %shift_right_arithmetic3A_2078 = arith.shrsi %mul3A_2, %shift_right_arithmetic3A_2077 : i32
    %shift_left3A_2079 = arith.constant 7 : i32
    %shift_left3A_2080 = arith.shli %shift_right_arithmetic3A_2078, %shift_left3A_2079 : i32
    %sub3A = arith.subi %mul3A_2, %shift_left3A_2080 : i32
    %add3A_2081 = arith.constant 0 : i32
    %add3A_2082 = vector.broadcast %add3A_2081 : i32 to vector<16xi32>
    %add3A_2083 = arith.addi %add3A_2082, %iota3A : vector<16xi32>
    %get3A_2084 = arith.constant 0 : index
    %get3A_2085 = tpu.vector_load %arg7[%get3A_2084] {strides = array<i32>} : memref<32xi32, #tpu.memory_space<vmem>>, vector<16xi32>,
    %and3A = arith.constant 7 : i32
    %and3A_2086 = vector.broadcast %and3A : i32 to vector<16xi32>
    %and3A_2087 = arith.andi %get3A_2085, %and3A_2086 : vector<16xi32>
    %add3A_2088 = arith.constant 0 : i32
    %add3A_2089 = arith.addi %sub3A, %add3A_2088 : i32
    %add3A_2090 = vector.broadcast %add3A_2089 : i32 to vector<16xi32>
    %add3A_2091 = arith.addi %add3A_2090, %iota3A : vector<16xi32>
    %gather3A = tpu.vector_load_idx %arg8[%add3A_2083, %and3A_2087, %add3A_2091] : memref<32x8x128xf32, #tpu.memory_space<vmem>>[vector<16xi32>, vector<16xi32>, vector<16xi32>], vector<16xf32>,
    %swap3A = arith.constant 0 : index
    %swap3A_2092 = tpu.vector_load %arg10[%swap3A] {strides = array<i32>} : memref<32xf32, #tpu.memory_space<vmem>>, vector<16xf32>,
    tpu.vector_store %arg10[%swap3A], %gather3A {strides = array<i32>} : memref<32xf32, #tpu.memory_space<vmem>>, vector<16xf32>,
    %gather3A_2093 = tpu.vector_load_idx %arg9[%add3A_2083, %and3A_2087, %add3A_2091] : memref<32x8x128xf32, #tpu.memory_space<vmem>>[vector<16xi32>, vector<16xi32>, vector<16xi32>], vector<16xf32>,
    %swap3A_2094 = arith.constant 0 : index
    %swap3A_2095 = tpu.vector_load %arg11[%swap3A_2094] {strides = array<i32>} : memref<32xf32, #tpu.memory_space<vmem>>, vector<16xf32>,
    tpu.vector_store %arg11[%swap3A_2094], %gather3A_2093 {strides = array<i32>} : memref<32xf32, #tpu.memory_space<vmem>>, vector<16xf32>,
    %add3A_2096 = arith.constant 16 : i32
    %add3A_2097 = vector.broadcast %add3A_2096 : i32 to vector<16xi32>
    %add3A_2098 = arith.addi %add3A_2097, %iota3A : vector<16xi32>
    %get3A_2099 = arith.constant 16 : index
    %get3A_2100 = tpu.vector_load %arg7[%get3A_2099] {strides = array<i32>} : memref<32xi32, #tpu.memory_space<vmem>>, vector<16xi32>,
    %and3A_2101 = arith.constant 7 : i32
    %and3A_2102 = vector.broadcast %and3A_2101 : i32 to vector<16xi32>
    %and3A_2103 = arith.andi %get3A_2100, %and3A_2102 : vector<16xi32>
    %add3A_2104 = arith.constant 16 : i32
    %add3A_2105 = arith.addi %sub3A, %add3A_2104 : i32
    %add3A_2106 = vector.broadcast %add3A_2105 : i32 to vector<16xi32>
    %add3A_2107 = arith.addi %add3A_2106, %iota3A : vector<16xi32>
    %gather3A_2108 = tpu.vector_load_idx %arg8[%add3A_2098, %and3A_2103, %add3A_2107] : memref<32x8x128xf32, #tpu.memory_space<vmem>>[vector<16xi32>, vector<16xi32>, vector<16xi32>], vector<16xf32>,
    %swap3A_2109 = arith.constant 16 : index
    %swap3A_2110 = tpu.vector_load %arg10[%swap3A_2109] {strides = array<i32>} : memref<32xf32, #tpu.memory_space<vmem>>, vector<16xf32>,
    tpu.vector_store %arg10[%swap3A_2109], %gather3A_2108 {strides = array<i32>} : memref<32xf32, #tpu.memory_space<vmem>>, vector<16xf32>,
    %gather3A_2111 = tpu.vector_load_idx %arg9[%add3A_2098, %and3A_2103, %add3A_2107] : memref<32x8x128xf32, #tpu.memory_space<vmem>>[vector<16xi32>, vector<16xi32>, vector<16xi32>], vector<16xf32>,
    %swap3A_2112 = arith.constant 16 : index
    %swap3A_2113 = tpu.vector_load %arg11[%swap3A_2112] {strides = array<i32>} : memref<32xf32, #tpu.memory_space<vmem>>, vector<16xf32>,
    tpu.vector_store %arg11[%swap3A_2112], %gather3A_2111 {strides = array<i32>} : memref<32xf32, #tpu.memory_space<vmem>>, vector<16xf32>,
    "tpu.region"() ({
      %run_scoped3A = tpu.sem_alloc : memref<!tpu.dma_semaphore, #tpu.memory_space<semaphore_mem>>
      %dma_start3A_2114 = tpu.memref_slice %arg5[%mul3A_2] : memref<1024xf32, #tpu.memory_space<hbm>> -> memref<32xf32, #tpu.memory_space<hbm>>
      %dma_start3A_2115 = tpu.memref_slice %arg5[%mul3A_2] : memref<1024xf32, #tpu.memory_space<hbm>> -> memref<32xf32, #tpu.memory_space<hbm>>
      tpu.enqueue_dma source(%arg10 : memref<32xf32, #tpu.memory_space<vmem>>) target(%dma_start3A_2115 : memref<32xf32, #tpu.memory_space<hbm>>) target_semaphore(%run_scoped3A : memref<!tpu.dma_semaphore, #tpu.memory_space<semaphore_mem>>)
      %dma_wait3A_2116 = tpu.memref_slice %arg5[%mul3A_2] : memref<1024xf32, #tpu.memory_space<hbm>> -> memref<32xf32, #tpu.memory_space<hbm>>
      %dma_wait3A_2117 = tpu.memref_slice %arg5[%mul3A_2] : memref<1024xf32, #tpu.memory_space<hbm>> -> memref<32xf32, #tpu.memory_space<hbm>>
      tpu.wait_dma2 semaphore(%run_scoped3A : memref<!tpu.dma_semaphore, #tpu.memory_space<semaphore_mem>>) src(%arg10 : memref<32xf32, #tpu.memory_space<vmem>>) dst(%dma_wait3A_2117 : memref<32xf32, #tpu.memory_space<hbm>>)
      tpu.yield
    }) : () -> ()
    "tpu.region"() ({
      %run_scoped3A = tpu.sem_alloc : memref<!tpu.dma_semaphore, #tpu.memory_space<semaphore_mem>>
      %dma_start3A_2114 = tpu.memref_slice %arg6[%mul3A_2] : memref<1024xf32, #tpu.memory_space<hbm>> -> memref<32xf32, #tpu.memory_space<hbm>>
      %dma_start3A_2115 = tpu.memref_slice %arg6[%mul3A_2] : memref<1024xf32, #tpu.memory_space<hbm>> -> memref<32xf32, #tpu.memory_space<hbm>>
      tpu.enqueue_dma source(%arg11 : memref<32xf32, #tpu.memory_space<vmem>>) target(%dma_start3A_2115 : memref<32xf32, #tpu.memory_space<hbm>>) target_semaphore(%run_scoped3A : memref<!tpu.dma_semaphore, #tpu.memory_space<semaphore_mem>>)
      %dma_wait3A_2116 = tpu.memref_slice %arg6[%mul3A_2] : memref<1024xf32, #tpu.memory_space<hbm>> -> memref<32xf32, #tpu.memory_space<hbm>>
      %dma_wait3A_2117 = tpu.memref_slice %arg6[%mul3A_2] : memref<1024xf32, #tpu.memory_space<hbm>> -> memref<32xf32, #tpu.memory_space<hbm>>
      tpu.wait_dma2 semaphore(%run_scoped3A : memref<!tpu.dma_semaphore, #tpu.memory_space<semaphore_mem>>) src(%arg11 : memref<32xf32, #tpu.memory_space<vmem>>) dst(%dma_wait3A_2117 : memref<32xf32, #tpu.memory_space<hbm>>)
      tpu.yield
    }) : () -> ()
    return
  }
}

module attributes {stable_mosaic.version = 14 : i64} {
  func.func @_tc_body(%arg0: i32, %arg1: memref<4000x1024xf32, #tpu.memory_space<vmem>>, %arg2: memref<1x1024xf32, #tpu.memory_space<vmem>>, %arg3: memref<1x1024xf32, #tpu.memory_space<vmem>>, %arg4: memref<1x1xf32, #tpu.memory_space<vmem>>, %arg5: memref<1x1024xf32, #tpu.memory_space<vmem>>) attributes {dimension_semantics = [#tpu.dimension_semantics<arbitrary>], iteration_bounds = array<i64: 25>, scalar_prefetch = 0 : i64, scratch_operands = 1 : i64, tpu.core_type = #tpu.core_type<tc>, window_params = [{transform_indices = @transform_0, window_bounds = array<i64: 4000, 1024>}, {pipeline_mode = #tpu.pipeline_mode<synchronous>, transform_indices = @transform_1, window_bounds = array<i64: 1, 1024>}, {pipeline_mode = #tpu.pipeline_mode<synchronous>, transform_indices = @transform_2, window_bounds = array<i64: 1, 1024>}, {pipeline_mode = #tpu.pipeline_mode<synchronous>, transform_indices = @transform_3, window_bounds = array<i64: 1, 1>}]} {
    %eq3A = arith.constant 0 : i32
    %eq3A_0 = arith.cmpi eq, %arg0, %eq3A : i32
    %convert_element_type3A = arith.extui %eq3A_0 : i1 to i32
    %cond3A = arith.constant 0 : i32
    %cond3A_1 = arith.cmpi ne, %convert_element_type3A, %cond3A : i32
    scf.if %cond3A_1 {
      %broadcast_in_dim3A_19 = arith.constant 0.000000e+00 : f32
      %broadcast_in_dim3A_20 = vector.broadcast %broadcast_in_dim3A_19 : f32 to vector<1x1024xf32>
      %swap3A_21 = arith.constant 0 : index
      %swap3A_22 = arith.constant 0 : index
      %swap3A_23 = vector.load %arg5[%swap3A_21, %swap3A_22] : memref<1x1024xf32, #tpu.memory_space<vmem>>, vector<1x1024xf32>
      tpu.vector_store %arg5[%swap3A_21, %swap3A_22], %broadcast_in_dim3A_20 {strides = array<i32>} : memref<1x1024xf32, #tpu.memory_space<vmem>>, vector<1x1024xf32>,
    } else {
    }
    %broadcast_in_dim3A = arith.constant 0.000000e+00 : f32
    %broadcast_in_dim3A_2 = vector.broadcast %broadcast_in_dim3A : f32 to vector<40x1024xf32>
    %scan3A = arith.constant 0 : i32
    %scan3A_3 = arith.constant 100 : i32
    %scan3A_4 = arith.addi %scan3A, %scan3A_3 : i32
    %scan3A_5 = arith.constant 1 : i32
    %scan3A_6 = scf.for %scan3A_19 = %scan3A to %scan3A_4 step %scan3A_5 iter_args(%scan3A_20 = %broadcast_in_dim3A_2) -> (vector<40x1024xf32>)  : i32 {
      %mul3A = arith.constant 40 : i32
      %mul3A_21 = arith.muli %scan3A_19, %mul3A : i32
      %get3A_22 = arith.index_cast %mul3A_21 : i32 to index
      %get3A_23 = arith.constant 0 : index
      %get3A_24 = vector.load %arg1[%get3A_22, %get3A_23] : memref<4000x1024xf32, #tpu.memory_space<vmem>>, vector<40x1024xf32>
      %exp3A = math.exp %get3A_24 : vector<40x1024xf32>
      %add3A_25 = arith.addf %scan3A_20, %exp3A : vector<40x1024xf32>
      scf.yield %add3A_25 : vector<40x1024xf32>
    }
    %scan3A_7 = arith.constant 100 : i32
    %get3A = arith.constant 0 : index
    %get3A_8 = arith.constant 0 : index
    %get3A_9 = vector.load %arg5[%get3A, %get3A_8] : memref<1x1024xf32, #tpu.memory_space<vmem>>, vector<1x1024xf32>
    %reduce_sum3A = arith.constant dense<0.000000e+00> : vector<1024xf32>
    %reduce_sum3A_10 = vector.multi_reduction <add>, %scan3A_6, %reduce_sum3A [0] : vector<40x1024xf32> to vector<1024xf32>
    %broadcast_in_dim3A_11 = vector.shape_cast %reduce_sum3A_10 : vector<1024xf32> to vector<1x1024xf32>
    %add3A = arith.addf %get3A_9, %broadcast_in_dim3A_11 : vector<1x1024xf32>
    %swap3A = arith.constant 0 : index
    %swap3A_12 = arith.constant 0 : index
    %swap3A_13 = vector.load %arg5[%swap3A, %swap3A_12] : memref<1x1024xf32, #tpu.memory_space<vmem>>, vector<1x1024xf32>
    tpu.vector_store %arg5[%swap3A, %swap3A_12], %add3A {strides = array<i32>} : memref<1x1024xf32, #tpu.memory_space<vmem>>, vector<1x1024xf32>,
    %eq3A_14 = arith.constant 24 : i32
    %eq3A_15 = arith.cmpi eq, %arg0, %eq3A_14 : i32
    %convert_element_type3A_16 = arith.extui %eq3A_15 : i1 to i32
    %cond3A_17 = arith.constant 0 : i32
    %cond3A_18 = arith.cmpi ne, %convert_element_type3A_16, %cond3A_17 : i32
    scf.if %cond3A_18 {
      %get3A_19 = arith.constant 0 : index
      %get3A_20 = arith.constant 0 : index
      %get3A_21 = vector.load %arg2[%get3A_19, %get3A_20] : memref<1x1024xf32, #tpu.memory_space<vmem>>, vector<1x1024xf32>
      %get3A_22 = arith.constant 0 : index
      %get3A_23 = arith.constant 0 : index
      %get3A_24 = vector.load %arg3[%get3A_22, %get3A_23] : memref<1x1024xf32, #tpu.memory_space<vmem>>, vector<1x1024xf32>
      %sub3A = arith.subf %get3A_24, %get3A_21 : vector<1x1024xf32>
      %mul3A = arith.constant 7.327960e-04 : f32
      %mul3A_25 = vector.broadcast %mul3A : f32 to vector<1x1024xf32>
      %mul3A_26 = arith.mulf %mul3A_25, %sub3A : vector<1x1024xf32>
      %add3A_27 = arith.addf %get3A_21, %mul3A_26 : vector<1x1024xf32>
      %get3A_28 = arith.constant 0 : index
      %get3A_29 = arith.constant 0 : index
      %get3A_30 = vector.load %arg5[%get3A_28, %get3A_29] : memref<1x1024xf32, #tpu.memory_space<vmem>>, vector<1x1024xf32>
      %exp3A = math.exp %get3A_21 : vector<1x1024xf32>
      %sub3A_31 = arith.subf %get3A_30, %exp3A : vector<1x1024xf32>
      %exp3A_32 = math.exp %add3A_27 : vector<1x1024xf32>
      %add3A_33 = arith.addf %sub3A_31, %exp3A_32 : vector<1x1024xf32>
      %log3A = math.log %add3A_33 : vector<1x1024xf32>
      %sub3A_34 = arith.subf %log3A, %add3A_27 : vector<1x1024xf32>
      %reduce_sum3A_35 = vector.shape_cast %sub3A_34 : vector<1x1024xf32> to vector<1x1x1024xf32>
      %reduce_sum3A_36 = arith.constant dense<0.000000e+00> : vector<1xf32>
      %reduce_sum3A_37 = vector.multi_reduction <add>, %reduce_sum3A_35, %reduce_sum3A_36 [1, 2] : vector<1x1x1024xf32> to vector<1xf32>
      %reduce_sum3A_38 = vector.shape_cast %reduce_sum3A_37 : vector<1xf32> to vector<1x1x1xf32>
      %reduce_sum3A_39 = vector.extract %reduce_sum3A_38[0, 0, 0] : f32 from vector<1x1x1xf32>
      %mul3A_40 = arith.constant 9.765625E-4 : f32
      %mul3A_41 = arith.mulf %reduce_sum3A_39, %mul3A_40 : f32
      %reshape3A = vector.broadcast %mul3A_41 : f32 to vector<1x1xf32>
      %swap3A_42 = arith.constant 0 : index
      %swap3A_43 = arith.constant 0 : index
      %swap3A_44 = vector.load %arg4[%swap3A_42, %swap3A_43] : memref<1x1xf32, #tpu.memory_space<vmem>>, vector<1x1xf32>
      tpu.vector_store %arg4[%swap3A_42, %swap3A_43], %reshape3A {strides = array<i32>} : memref<1x1xf32, #tpu.memory_space<vmem>>, vector<1x1xf32>,
    } else {
    }
    return
  }
  func.func @transform_0(%arg0: i32) -> (i32, i32) {
    %c0_i32 = arith.constant 0 : i32
    %c0_i32_0 = arith.constant 0 : i32
    return %arg0, %c0_i32 : i32, i32
  }
  func.func @transform_1(%arg0: i32) -> (i32, i32) {
    %c0_i32 = arith.constant 0 : i32
    %c0_i32_0 = arith.constant 0 : i32
    %c0_i32_1 = arith.constant 0 : i32
    return %c0_i32, %c0_i32_0 : i32, i32
  }
  func.func @transform_2(%arg0: i32) -> (i32, i32) {
    %c0_i32 = arith.constant 0 : i32
    %c0_i32_0 = arith.constant 0 : i32
    %c0_i32_1 = arith.constant 0 : i32
    return %c0_i32, %c0_i32_0 : i32, i32
  }
  func.func @transform_3(%arg0: i32) -> (i32, i32) {
    %c0_i32 = arith.constant 0 : i32
    %c0_i32_0 = arith.constant 0 : i32
    %c0_i32_1 = arith.constant 0 : i32
    return %c0_i32, %c0_i32_0 : i32, i32
  }
}

</mosaic_0001>

<sc_bundles>
// kernel: kernel.4.cloned.1.call-start
scs
__scs_entry_jumppad:
0x0: {  	(pc) =	sbr.rel $0x88, $3  }
0x1: {  	(tag) =	ssettag $0x0;
	lr =	simm.s32 $0x1  }
0x2: {  	[smem:$0x3F9E] =	sst lr;
	_ =	strace $0xD0000000  }
0x3: {  	_ = 	snop  }
0x4: {  	_ = 	snop  }
0x5: {  	_ = 	snop  }
0x6: {  	_ = 	snop  }
0x7: {  	_ = 	snop  }
__scs_overlays_trampoline_lowered:
0x8: {  	[smem:$0x3FAD] =	sst s0  }
0x9: {  	[smem:$0x3FAE] =	sst s1  }
0xa: {  	[smem:$0x3FAF] =	sst s2  }
0xb: {  	[smem:$0x3FB0] =	sst s3  }
0xc: {  	[smem:$0x3FB1] =	sst s4  }
0xd: {  	[smem:$0x3FB2] =	sst s5  }
0xe: {  	[smem:$0x3FB3] =	sst s6  }
0xf: {  	[smem:$0x3FB4] =	sst s7  }
0x10: {  	[smem:$0x3FB5] =	sst s8  }
0x11: {  	[smem:$0x3FB6] =	sst s9;
	s0 =	simm.s32 @!p0 $0x0  }
0x12: {  	s1 =	sld [smem:$0x3F9C];
	s0 =	simm.s32 @p0 $0x1  }
0x13: {  	[smem:$0x3FB7] =	sst s0;
	s0 =	simm.s32 @!p1 $0x0  }
0x14: {  	s2 =	sld [smem:$0x3F9B];
	s0 =	simm.s32 @p1 $0x1  }
0x15: {  	[smem:$0x3FB8] =	sst s0;
	s0 =	simm.s32 @!p2 $0x0  }
0x16: {  	s3 =	sld [smem:$0x3FDB];
	s0 =	simm.s32 @p2 $0x1  }
0x17: {  	s4 =	simm.s32 $0x1BF5;
	[smem:$0x3FBA] =	sst s0  }
0x18: {  	s0 =	sld [smem:$0x3F9D];
	_ =	swait.ge [sflag:s4], $0x0  }
0x19: {  	s7 =	sld [smem:$0x3F9E]  }
0x1a: {  	s8 =	sadd.s32 $0xFFFFE003, lr  }
0x1b: {  	s9 =	sadd.s32 $0xFFFFFEF7, lr;
	s5 =	simm.s32 $0xFFFFFFFF;
	p2 =	slt.u32 s8, $0xFFFFF086  }
0x1c: {  	p1 =	slt.u32 s9, $0xF7A;
	s5 =	simm.s32 @!p2 $0x0  }
0x1d: {  	s5 =	simm.s32 @p1 $0x1;
	p0 =	seq.s32 s7, s2  }
0x1e: {  	s7 =	smul.u32 @!p0 $0xF7A, s2;
	p2 =	seq.s32 @!p0 s5, $0x0  }
0x1f: {  	s9 =	smul.u32 $0xF7A, s1;
	s8 =	simm.s32 @!p0 $0x1BF5;
	p2 =	por !p2, p0  }
0x20: {  	[sflag:s8] =	ssyncset.s32 @!p0 $0xFFFFF086;
	s6 =	sadd.s32 @!p0 s3, s7;
	s7 =	simm.s32 @!p0 $0x108  }
0x21: {  	s3 =	sadd.s32 s3, s9;
	s6 =	sadd.s32 @!p0 $0x88, s6;
	s7 =	simm.s32 @p2 $0x1082  }
0x22: {  	[simem:s7], [sflag:s8] =	dma.local @!p0 [hbm:s6], $0xF7A  }
0x23: {  	s9 =	sor.u32 $0xD0000000, s2;
	s6 =	simm.s32 $0x108;
	_ =	swait.ge @!p0 [sflag:s8], $0x0  }
0x24: {  	s3 =	sadd.s32 $0x88, s3;
	s6 =	simm.s32 @!p1 $0x1082;
	[sflag:s4] =	ssyncset.s32 $0xFFFFF086  }
0x25: {  	[simem:s6], [sflag:s4] =	dma.local [hbm:s3], $0xF7A  }
0x26: {  	[smem:$0x3F9E] =	sst s1;
	(tag) =	ssettag s2;
	_ =	strace s9  }
0x27: {  	s1 =	sld [smem:$0x3FAE]  }
0x28: {  	s2 =	sld [smem:$0x3FAF]  }
0x29: {  	s4 =	sld [smem:$0x3FB1]  }
0x2a: {  	p0 =	seq.s32 s5, $0x0;
	s5 =	sld [smem:$0x3FB2]  }
0x2b: {  	s6 =	sld [smem:$0x3FB3]  }
0x2c: {  	s7 =	sld [smem:$0x3FB4]  }
0x2d: {  	s3 =	simm.s32 $0x108;
	s8 =	sld [smem:$0x3FB5]  }
0x2e: {  	s3 =	simm.s32 @!p0 $0x1082;
	s9 =	sld [smem:$0x3FB6]  }
0x2f: {  	lr =	sadd.s32 s0, s3;
	s0 =	sld [smem:$0x3FAD]  }
0x30: {  	s3 =	sld [smem:$0x3FB0]  }
0x31: {  	[smem:$0x3FB9] =	sst s10  }
0x32: {  	s10 =	sld [smem:$0x3FB7];
	_ =	sdelay $0x3  }
0x33: {  	p0 =	seq.s32 s10, $0x1;
	s10 =	sld [smem:$0x3FB9];
	_ =	sdelay $0x3  }
0x34: {  	[smem:$0x3FB9] =	sst s10  }
0x35: {  	s10 =	sld [smem:$0x3FB8];
	_ =	sdelay $0x3  }
0x36: {  	p1 =	seq.s32 s10, $0x1;
	s10 =	sld [smem:$0x3FB9];
	_ =	sdelay $0x3  }
0x37: {  	[smem:$0x3FB9] =	sst s10  }
0x38: {  	s10 =	sld [smem:$0x3FBA]  }
0x39: {  	_ = 	snop;
	(pc) =	sbr.ind lr, $3  }
0x3a: {  	_ = 	snop  }
0x3b: {  	_ = 	snop  }
0x3c: {  	p2 =	seq.s32 s10, $0x1;
	s10 =	sld [smem:$0x3FB9]  }
0x3d: {  	_ =	shalt  }
0x3e: {  	_ =	shalt  }
0x3f: {  	_ =	shalt  }
0x40: {  	_ =	shalt  }
0x41: {  	_ =	shalt  }
0x42: {  	_ =	shalt  }
0x43: {  	_ =	shalt  }
0x44: {  	_ =	shalt  }
0x45: {  	_ =	shalt  }
0x46: {  	_ =	shalt  }
0x47: {  	_ =	shalt  }
0x48: {  	_ =	shalt  }
0x49: {  	_ =	shalt  }
0x4a: {  	_ =	shalt  }
0x4b: {  	_ =	shalt  }
0x4c: {  	_ =	shalt  }
0x4d: {  	_ =	shalt  }
0x4e: {  	_ =	shalt  }
0x4f: {  	_ =	shalt  }
0x50: {  	_ =	shalt  }
0x51: {  	_ =	shalt  }
0x52: {  	_ =	shalt  }
0x53: {  	_ =	shalt  }
0x54: {  	_ =	shalt  }
0x55: {  	_ =	shalt  }
0x56: {  	_ =	shalt  }
0x57: {  	_ =	shalt  }
0x58: {  	_ =	shalt  }
0x59: {  	_ =	shalt  }
0x5a: {  	_ =	shalt  }
0x5b: {  	_ =	shalt  }
0x5c: {  	_ =	shalt  }
0x5d: {  	_ =	shalt  }
0x5e: {  	_ =	shalt  }
0x5f: {  	_ =	shalt  }
0x60: {  	_ =	shalt  }
0x61: {  	_ =	shalt  }
0x62: {  	_ =	shalt  }
0x63: {  	_ =	shalt  }
0x64: {  	_ =	shalt  }
0x65: {  	_ =	shalt  }
0x66: {  	_ =	shalt  }
0x67: {  	_ =	shalt  }
0x68: {  	_ =	shalt  }
0x69: {  	_ =	shalt  }
0x6a: {  	_ =	shalt  }
0x6b: {  	_ =	shalt  }
0x6c: {  	_ =	shalt  }
0x6d: {  	_ =	shalt  }
0x6e: {  	_ =	shalt  }
0x6f: {  	_ =	shalt  }
0x70: {  	_ =	shalt  }
0x71: {  	_ =	shalt  }
0x72: {  	_ =	shalt  }
0x73: {  	_ =	shalt  }
0x74: {  	_ =	shalt  }
0x75: {  	_ =	shalt  }
0x76: {  	_ =	shalt  }
0x77: {  	_ =	shalt  }
0x78: {  	_ =	shalt  }
0x79: {  	_ =	shalt  }
0x7a: {  	_ =	shalt  }
0x7b: {  	_ =	shalt  }
0x7c: {  	_ =	shalt  }
0x7d: {  	_ =	shalt  }
0x7e: {  	_ =	shalt  }
0x7f: {  	_ =	shalt  }
0x80: {  	_ =	shalt  }
0x81: {  	_ =	shalt  }
0x82: {  	_ =	shalt  }
0x83: {  	_ =	shalt  }
0x84: {  	_ =	shalt  }
0x85: {  	_ =	shalt  }
0x86: {  	_ =	shalt  }
0x87: {  	_ =	shalt  }
.Lfunc_end0:
.L_simem_size_0:
called_computation_lowered:
.L_overlay_start_0:
0x88: {  	s2 =	sld [smem:$0x3FD9]  }
0x89: {  	s3 =	sld [smem:$0x3FFE];
	_ =	sdelay $0x1  }
0x8a: {  	s1 =	srdreg.scid  }
0x8b: {  	s0 =	sand.u32 $0x1, s1  }
0x8c: {  	s17 =	sshll.u32 s0, $0xA;
	s2 =	sadd.s32 s3, s2  }
0x8d: {  	s2 =	sadd.s32 s2, s17  }
0x8e: {  	[smem:$0x3FC5] =	sst s2  }
0x8f: {  	_ = 	snop  }
0x90: {  	s2 =	sld [smem:$0x3FC9]  }
0x91: {  	s18 =	sld [smem:$0x3FC8]  }
0x92: {  	s4 =	sld [smem:$0x3FC7];
	(tm) =	ssettm $0x1  }
0x93: {  	s5 =	sld [smem:$0x3FFB];
	_ =	sdelay $0x3  }
0x94: {  	_ =	strace s5  }
0x95: {  	s5 =	sld [smem:$0x3FFC];
	_ =	sdelay $0x3  }
0x96: {  	_ =	strace s5  }
0x97: {  	s5 =	sld [smem:$0x3FFD];
	_ =	sdelay $0x3  }
0x98: {  	_ =	strace s5  }
0x99: {  	_ =	strace $0x8FFFFFFF  }
0x9a: {  	s19 =	sld [smem:$0x3FDB];
	_ =	sdelay $0x1  }
0x9b: {  	s6 =	simm.s32 $_scs_section_size  }
0x9c: {  	s7 =	simm.s32 $_size__tile_overlayer_lowered;
	s8 =	simm.s32 $_tile_overlayer_lowered  }
0x9d: {  	s22 =	simm.s32 $0x1BFF;
	s21 =	sshll.u32 s8, $0x1;
	s5 =	sadd.s32 s6, s19  }
0x9e: {  	s9 =	simm.s32 $0x0;
	s20 =	sshll.u32 s7, $0x1;
	s7 =	sadd.s32 s21, s5  }
0x9f: {  	[timem:s9], [sflag:s22] =	dma.local [hbm:s7], s20  }
0xa0: {  	_ =	swait.ge [sflag:s22], s20  }
0xa1: {  	s6 =	ssub.s32 $0x0, s20;
	[sflag:s22] =	ssyncset.done $0x0  }
0xa2: {  	[sflag:s22] =	ssyncadd.s32 s6;
	_ =	sdelay $0x1  }
0xa3: {  	s23 =	simm.s32 $0x1B8B  }
0xa4: {  	_ =	swait.ge [sflag:s23], $0x1  }
0xa5: {  	[sflag:s23] =	ssyncset.done $0x0  }
0xa6: {  	s25 =	simm.s32 $0x1B8E;
	s24 =	sld [smem:$0x3FFE];
	[sflag:s23] =	ssyncadd.s32 $0xFFFFFFFF  }
0xa7: {  	s26 =	simm.s32 $execute0_lowered;
	[smem:$0x3FD2] =	sst s25  }
0xa8: {  	s7 =	sshll.u32 s26, $0x1;
	_ =	strace $0x80000046;
	[dreg:$0x1] =	wrdreg $0xFFFFFFFF  }
0xa9: {  	s28 =	simm.s32 $_size_execute0_lowered;
	s5 =	sadd.s32 s5, s7;
	[dreg:$0x0] =	wrdreg $0x0  }
0xaa: {  	s7 =	sshll.u32 s28, $0x1;
	[dreg:$0x2] =	wrdreg s5  }
0xab: {  	[dreg:$0x3] =	wrdreg s7  }
0xac: {  	[dreg:$0x4] =	wrdreg $0xC0  }
0xad: {  	_ =	task [dreg:s9], $0x5FFFF  }
0xae: {  	[dreg:$0x1] =	wrdreg $0xFFFFFFFF  }
0xaf: {  	[dreg:$0x0] =	wrdreg $0x60  }
0xb0: {  	[dreg:$0x2] =	wrdreg s2  }
0xb1: {  	[dreg:$0x3] =	wrdreg s18  }
0xb2: {  	[dreg:$0x4] =	wrdreg s4  }
0xb3: {  	[dreg:$0x5] =	wrdreg s24  }
0xb4: {  	[dreg:$0x6] =	wrdreg $0x9  }
0xb5: {  	_ =	task.clear_ibuf [dreg:s9], $0x7FFFF;
	_ =	strace $0x90000046  }
0xb6: {  	s29 =	simm.s32 $0x9;
	_ =	strace $0x80000048  }
0xb7: {  	_ =	swait.ge [sflag:s29], $0x1  }
0xb8: {  	[sflag:s29] =	ssyncadd.s32 $0xFFFFFFFF  }
0xb9: {  	_ =	strace $0x90000048  }
0xba: {  	_ =	sfence  }
0xbb: {  	s30 =	sld [smem:$0x0];
	_ =	sdelay $0x2  }
0xbc: {  	s31 =	sshll.u32 s1, $0xD;
	s1 =	sshrl.u32 s1, $0x2  }
0xbd: {  	s3 =	sand.u32 $0x4000, s31;
	s1 =	sadd.s32 s1, s30  }
0xbe: {  	s0 =	sor.u32 s3, s0;
	s1 =	sshll.u32 s1, $0x11  }
0xbf: {  	s0 =	sor.u32 s1, s0  }
0xc0: {  	s0 =	sadd.s32 $0x8F2B, s0  }
0xc1: {  	[sflag:s0] =	ssyncadd.remote.s32 $0x1  }
0xc2: {  	_ =	sfence.sel $0xFFFF  }
0xc3: {  	[dreg:$0x0] =	wrdreg $0xFFFFFFFF;
	(pc) =	sbr.abs _section_cstart, $3  }
0xc4: {  	[dreg:$0x1] =	wrdreg $0xFFFFFFFF  }
0xc5: {  	_ =	task.clear_ibuf [dreg:s9], $0x2FFFF;
	_ =	strace $0x9FFFFFFF  }
0xc6: {  	(tm) =	ssettm $0x7FFFFFFF  }
0xc7: {  	_ =	shalt  }
tec
execute0_lowered:
.L_overlay_start_1:
0x0: {  	(tag) =	ssettag $0x1  }
0x1: {  	s1 =	rddreg [dreg:$0x0]  }
0x2: {  	s2 =	rddreg [dreg:$0x1]  }
0x3: {  	s7 =	rddreg [dreg:$0x2]  }
0x4: {  	s3 =	srdreg.scid;
	s8 =	rddreg [dreg:$0x3]  }
0x5: {  	s4 =	simm.s32 $0x0;
	s6 =	sand.u32 $0x1, s3;
	s3 =	rddreg [dreg:$0x4]  }
0x6: {  	s11 =	simm.s32 $0x480;
	[smem:$0x7FF] =	sst s4  }
0x7: {  	s12 =	simm.s32 $0x8480;
	_ =	strace $0x80000047;
	[dreg:$0x8] =	wrdreg s11  }
0x8: {  	s13 =	simm.s32 $0x880;
	[dreg:$0x9] =	wrdreg s12  }
0x9: {  	s14 =	simm.s32 $0x8880;
	[dreg:$0xa] =	wrdreg s13  }
0xa: {  	s15 =	simm.s32 $0xC80;
	[dreg:$0xb] =	wrdreg s14  }
0xb: {  	s16 =	simm.s32 $0x8C80;
	[dreg:$0xc] =	wrdreg s15  }
0xc: {  	s17 =	simm.s32 $0x1080;
	[dreg:$0xd] =	wrdreg s16  }
0xd: {  	s18 =	simm.s32 $0x9080;
	[dreg:$0xe] =	wrdreg s17  }
0xe: {  	s19 =	simm.s32 $0x1480;
	[dreg:$0xf] =	wrdreg s18  }
0xf: {  	s20 =	simm.s32 $0x9480;
	[dreg:$0x10] =	wrdreg s19  }
0x10: {  	s21 =	simm.s32 $0x1880;
	[dreg:$0x11] =	wrdreg s20  }
0x11: {  	s22 =	simm.s32 $0x9880;
	[dreg:$0x12] =	wrdreg s21  }
0x12: {  	s23 =	simm.s32 $0x1C80;
	[dreg:$0x13] =	wrdreg s22  }
0x13: {  	s24 =	simm.s32 $0x9C80;
	[dreg:$0x14] =	wrdreg s23  }
0x14: {  	s25 =	simm.s32 $0x2080;
	[dreg:$0x15] =	wrdreg s24  }
0x15: {  	s26 =	simm.s32 $0xA080;
	[dreg:$0x16] =	wrdreg s25  }
0x16: {  	s28 =	simm.s32 $0x2480;
	[dreg:$0x17] =	wrdreg s26  }
0x17: {  	s29 =	simm.s32 $0xA480;
	[dreg:$0x18] =	wrdreg s28  }
0x18: {  	s30 =	simm.s32 $0x2880;
	[dreg:$0x19] =	wrdreg s29  }
0x19: {  	s31 =	simm.s32 $0xA880;
	[dreg:$0x1a] =	wrdreg s30  }
0x1a: {  	[dreg:$0x1b] =	wrdreg s31;
	s11 =	simm.s32 $0xB080  }
0x1b: {  	s12 =	simm.s32 $0x3480;
	[dreg:$0x1f] =	wrdreg s11  }
0x1c: {  	s13 =	simm.s32 $0xB480;
	[smem:$0x7D6] =	sst s12  }
0x1d: {  	s14 =	simm.s32 $0x3880;
	[smem:$0x7D7] =	sst s13  }
0x1e: {  	s15 =	simm.s32 $0xB880;
	[smem:$0x7D8] =	sst s14  }
0x1f: {  	s16 =	simm.s32 $0x3C80;
	[smem:$0x7D9] =	sst s15  }
0x20: {  	s17 =	simm.s32 $0xBC80;
	[smem:$0x7DA] =	sst s16  }
0x21: {  	s18 =	simm.s32 $0x4080;
	[smem:$0x7DB] =	sst s17  }
0x22: {  	s19 =	simm.s32 $0xC080;
	[smem:$0x7DC] =	sst s18  }
0x23: {  	s20 =	simm.s32 $0x4480;
	[smem:$0x7DD] =	sst s19  }
0x24: {  	s21 =	simm.s32 $0xC480;
	[smem:$0x7DE] =	sst s20  }
0x25: {  	s22 =	simm.s32 $0x4880;
	[smem:$0x7DF] =	sst s21  }
0x26: {  	s23 =	simm.s32 $0xC880;
	[smem:$0x7E0] =	sst s22  }
0x27: {  	s24 =	simm.s32 $0x4C80;
	[smem:$0x7E1] =	sst s23  }
0x28: {  	s25 =	simm.s32 $0xCC80;
	[smem:$0x7E2] =	sst s24  }
0x29: {  	s26 =	simm.s32 $0x5080;
	[smem:$0x7E3] =	sst s25  }
0x2a: {  	s28 =	simm.s32 $0xD080;
	[smem:$0x7E4] =	sst s26  }
0x2b: {  	s29 =	simm.s32 $0x5480;
	[smem:$0x7E5] =	sst s28  }
0x2c: {  	s30 =	simm.s32 $0xD480;
	[smem:$0x7E6] =	sst s29  }
0x2d: {  	s31 =	simm.s32 $0x5880;
	[smem:$0x7E7] =	sst s30  }
0x2e: {  	[smem:$0x7E8] =	sst s31;
	s11 =	simm.s32 $0x6080  }
0x2f: {  	s12 =	simm.s32 $0xE080;
	[smem:$0x7EC] =	sst s11  }
0x30: {  	s13 =	simm.s32 $0x6480;
	[smem:$0x7ED] =	sst s12  }
0x31: {  	s14 =	simm.s32 $0xE480;
	[smem:$0x7EE] =	sst s13  }
0x32: {  	s15 =	simm.s32 $0x6880;
	[smem:$0x7EF] =	sst s14  }
0x33: {  	s16 =	simm.s32 $0xE880;
	[smem:$0x7F0] =	sst s15  }
0x34: {  	s17 =	simm.s32 $0x6C80;
	[smem:$0x7F1] =	sst s16  }
0x35: {  	s18 =	simm.s32 $0xEC80;
	[smem:$0x7F2] =	sst s17  }
0x36: {  	s20 =	simm.s32 $0x7080;
	[smem:$0x7F3] =	sst s18  }
0x37: {  	s21 =	simm.s32 $0xF080;
	[smem:$0x7F4] =	sst s20  }
0x38: {  	s0 =	stileid.u32;
	s23 =	simm.s32 $0x7480;
	[smem:$0x7F5] =	sst s21  }
0x39: {  	s5 =	sshll.u32 s0, $0x6;
	s25 =	simm.s32 $0xF480;
	[smem:$0x7F6] =	sst s23  }
0x3a: {  	s9 =	sshll.u32 s6, $0x5;
	s28 =	simm.s32 $0xF880;
	[smem:$0x7F7] =	sst s25  }
0x3b: {  	s6 =	ssub.s32 $0x2, s6;
	s29 =	simm.s32 $0x7C80;
	[smem:$0x7F9] =	sst s28  }
0x3c: {  	s5 =	sor.u32 s9, s5;
	s30 =	simm.s32 $0xFC80;
	[smem:$0x7FA] =	sst s29  }
0x3d: {  	s19 =	sshrl.u32 s6, $0x1;
	s31 =	simm.s32 $0x10080;
	[smem:$0x7FB] =	sst s30  }
0x3e: {  	s9 =	sshrl.u32 s5, $0x3;
	[smem:$0x7FC] =	sst s31;
	s12 =	simm.s32 $0x10100  }
0x3f: {  	s8 =	sadd.s32 s9, s8;
	s7 =	sadd.s32 s7, s9;
	[smem:$0x7FD] =	sst s12  }
0x40: {  	s22 =	sshll.u32 s0, $0x9;
	[dreg:$0x5] =	wrdreg s7;
	s9 =	sadd.s32 $0xC00, s8  }
0x41: {  	s6 =	ssub.s32 s6, s19;
	s10 =	sadd.s32 $0xE00, s8;
	[dreg:$0x6] =	wrdreg s9  }
0x42: {  	s24 =	sand.u32 $0x60, s5;
	s8 =	simm.s32 $0x2C80;
	[dreg:$0x7] =	wrdreg s10  }
0x43: {  	v0 =	vlaneseq.u32;
	vm0 =	vmmov $0x1;
	vm1 =	vcmask $0x308;
	s5 =	sand.u32 $0x1C00, s22;
	[dreg:$0x1c] =	wrdreg s8;
	s9 =	simm.s32 $0xAC80  }
0x44: {  	vm2 =	vcmask $0x70C;
	vm3 =	vcmask $0xB10;
	vm4 =	vcmask $0xF14;
	s11 =	simm.s32 $0x2;
	s10 =	simm.s32 $0x3080;
	[dreg:$0x1d] =	wrdreg s9  }
0x45: {  	vm5 =	vcmask $0x1318;
	vm6 =	vcmask $0x171C;
	vm7 =	vcmask $0x1B20;
	s26 =	sor.u32 $0x10, s24;
	s8 =	simm.s32 $0xD880;
	[dreg:$0x1e] =	wrdreg s10  }
0x46: {  	vm8 =	vcmask $0x1F24;
	vm9 =	vcmask $0x2328;
	v0 =	vmul.u32 $0x401, v0;
	s6 =	smax.u32 s6, $0x1;
	[smem:$0x7E9] =	sst s8;
	s9 =	simm.s32 $0x5C80  }
0x47: {  	vm10 =	vcmask $0x272C;
	vm11 =	vcmask $0x2B30;
	vm12 =	vcmask $0x2F34;
	s7 =	simm.s32 $0x3;
	s10 =	simm.s32 $0xDC80;
	[smem:$0x7EA] =	sst s9  }
0x48: {  	vm13 =	vcmask $0x3338;
	vm14 =	vcmask $0x373C;
	v1 =	vor.u32 $0x4000, v0;
	s8 =	simm.s32 $0x80;
	[smem:$0x7EB] =	sst s10;
	s10 =	simm.s32 $0x7880  }
0x49: {  	vm15 =	vmmov $0x7fff;
	v0 =	vor.u32 s24, v0;
	v1 =	vor.u32 s26, v1;
	s9 =	simm.s32 $0x8080;
	[smem:$0x7F8] =	sst s10;
	s10 =	simm.s32 $0x1  }
.LBB2_1:
0x4a: {  	s12 =	rddreg [dreg:$0x5]  }
0x4b: {  	[tilespmem:s4], [sflag:$0x3] =	stream.linear.gather [hbm4b:s12+s4], $0x20, $0x38;
	[tilespmem:$0x10180] =	vst v63  }
0x4c: {  	_ =	swait.ge [sflag:s7], $0x20  }
0x4d: {  	[sflag:s7] =	ssyncset.done $0x0  }
0x4e: {  	[sflag:s7] =	ssyncadd.s32 $0xFFFFFFE0  }
0x4f: {  	v2 =	vld [tilespmem:$0x0];
	_ =	sdelay $0x4  }
0x50: {  	v2 =	vnsel vm0, $0xFFFFFFFF, v2  }
0x51: {  	v2 =	vxor.u32 $0x80000000, v2  }
0x52: {  	(xrf0) =	vmax.scan.msk.u32 $0xffff, v2;
	_ =	sdelay $0x5  }
0x53: {  	v2, _, _ =	vpop (xrf0)  }
0x54: {  	(v2sf) =	vpush v2, $0xF;
	_ =	sdelay $0xe  }
0x55: {  	s16 =	spop (v2sf)  }
0x56: {  	s12 =	sshll.u32 s16, $0xA  }
0x57: {  	s12 =	sand.u32 $0xFFFFE000, s12  }
0x58: {  	s12 =	sor.u32 s5, s12  }
0x59: {  	s12 =	sshrl.u32 s12, $0x3  }
0x5a: {  	s13 =	sadd.s32 s1, s12  }
0x5b: {  	[tilespmem:s8], [sflag:$0x1] =	stream.linear.gather [hbm4b:s13+s4], $0x400, $0x38;
	[tilespmem:$0x10180] =	vst v63  }
0x5c: {  	s12 =	sadd.s32 s2, s12  }
0x5d: {  	[tilespmem:s9], [sflag:$0x2] =	stream.linear.gather [hbm4b:s12+s4], $0x400, $0x38;
	[tilespmem:$0x10180] =	vst v63  }
0x5e: {  	v2 =	vld [tilespmem:$0x0];
	_ =	sdelay $0x4  }
0x5f: {  	v2 =	vsel vm1, $0xFFFFFFFF, v2  }
0x60: {  	v2 =	vxor.u32 $0x80000000, v2  }
0x61: {  	(xrf0) =	vmax.scan.msk.u32 $0xffff, v2;
	_ =	sdelay $0x5  }
0x62: {  	v2, _, _ =	vpop (xrf0)  }
0x63: {  	(v2sf) =	vpush v2, $0xF;
	_ =	sdelay $0xe  }
0x64: {  	s17 =	spop (v2sf)  }
0x65: {  	s12 =	sshll.u32 s17, $0xA  }
0x66: {  	s12 =	sand.u32 $0xFFFFE000, s12  }
0x67: {  	s12 =	sor.u32 s5, s12  }
0x68: {  	s12 =	sshrl.u32 s12, $0x3  }
0x69: {  	s18 =	rddreg [dreg:$0x8];
	s14 =	sadd.s32 s1, s12  }
0x6a: {  	[tilespmem:s18], [sflag:$0x1] =	stream.linear.gather [hbm4b:s14+s4], $0x400, $0x38;
	[tilespmem:$0x10180] =	vst v63  }
0x6b: {  	s15 =	rddreg [dreg:$0x9];
	s12 =	sadd.s32 s2, s12  }
0x6c: {  	[tilespmem:s15], [sflag:$0x2] =	stream.linear.gather [hbm4b:s12+s4], $0x400, $0x38;
	[tilespmem:$0x10180] =	vst v63  }
0x6d: {  	v2 =	vld [tilespmem:$0x0];
	_ =	sdelay $0x4  }
0x6e: {  	v2 =	vsel vm2, $0xFFFFFFFF, v2  }
0x6f: {  	v2 =	vxor.u32 $0x80000000, v2  }
0x70: {  	(xrf0) =	vmax.scan.msk.u32 $0xffff, v2;
	_ =	sdelay $0x5  }
0x71: {  	v2, _, _ =	vpop (xrf0)  }
0x72: {  	(v2sf) =	vpush v2, $0xF;
	_ =	sdelay $0xe  }
0x73: {  	s19 =	spop (v2sf)  }
0x74: {  	s12 =	sshll.u32 s19, $0xA  }
0x75: {  	s12 =	sand.u32 $0xFFFFE000, s12  }
0x76: {  	s12 =	sor.u32 s5, s12  }
0x77: {  	s12 =	sshrl.u32 s12, $0x3  }
0x78: {  	s20 =	rddreg [dreg:$0xa];
	s21 =	sadd.s32 s1, s12  }
0x79: {  	[tilespmem:s20], [sflag:$0x1] =	stream.linear.gather [hbm4b:s21+s4], $0x400, $0x38;
	[tilespmem:$0x10180] =	vst v63  }
0x7a: {  	s22 =	rddreg [dreg:$0xb];
	s12 =	sadd.s32 s2, s12  }
0x7b: {  	[tilespmem:s22], [sflag:$0x2] =	stream.linear.gather [hbm4b:s12+s4], $0x400, $0x38;
	[tilespmem:$0x10180] =	vst v63  }
0x7c: {  	v2 =	vld [tilespmem:$0x0];
	_ =	sdelay $0x4  }
0x7d: {  	v2 =	vsel vm3, $0xFFFFFFFF, v2  }
0x7e: {  	v2 =	vxor.u32 $0x80000000, v2  }
0x7f: {  	(xrf0) =	vmax.scan.msk.u32 $0xffff, v2;
	_ =	sdelay $0x5  }
0x80: {  	v2, _, _ =	vpop (xrf0)  }
0x81: {  	(v2sf) =	vpush v2, $0xF;
	_ =	sdelay $0xe  }
0x82: {  	s23 =	spop (v2sf)  }
0x83: {  	s12 =	sshll.u32 s23, $0xA  }
0x84: {  	s12 =	sand.u32 $0xFFFFE000, s12  }
0x85: {  	s12 =	sor.u32 s5, s12  }
0x86: {  	s12 =	sshrl.u32 s12, $0x3  }
0x87: {  	s24 =	rddreg [dreg:$0xc];
	s25 =	sadd.s32 s1, s12  }
0x88: {  	[tilespmem:s24], [sflag:$0x1] =	stream.linear.gather [hbm4b:s25+s4], $0x400, $0x38;
	[tilespmem:$0x10180] =	vst v63  }
0x89: {  	s26 =	rddreg [dreg:$0xd];
	s12 =	sadd.s32 s2, s12  }
0x8a: {  	[tilespmem:s26], [sflag:$0x2] =	stream.linear.gather [hbm4b:s12+s4], $0x400, $0x38;
	[tilespmem:$0x10180] =	vst v63  }
0x8b: {  	v2 =	vld [tilespmem:$0x0];
	_ =	sdelay $0x4  }
0x8c: {  	v2 =	vsel vm4, $0xFFFFFFFF, v2  }
0x8d: {  	v2 =	vxor.u32 $0x80000000, v2  }
0x8e: {  	(xrf0) =	vmax.scan.msk.u32 $0xffff, v2;
	_ =	sdelay $0x5  }
0x8f: {  	v2, _, _ =	vpop (xrf0)  }
0x90: {  	(v2sf) =	vpush v2, $0xF;
	_ =	sdelay $0xe  }
0x91: {  	s28 =	spop (v2sf)  }
0x92: {  	s12 =	sshll.u32 s28, $0xA  }
0x93: {  	s12 =	sand.u32 $0xFFFFE000, s12  }
0x94: {  	s12 =	sor.u32 s5, s12  }
0x95: {  	s12 =	sshrl.u32 s12, $0x3  }
0x96: {  	s29 =	rddreg [dreg:$0xe];
	s30 =	sadd.s32 s1, s12  }
0x97: {  	[tilespmem:s29], [sflag:$0x1] =	stream.linear.gather [hbm4b:s30+s4], $0x400, $0x38;
	[tilespmem:$0x10180] =	vst v63  }
0x98: {  	s31 =	rddreg [dreg:$0xf];
	s12 =	sadd.s32 s2, s12  }
0x99: {  	[tilespmem:s31], [sflag:$0x2] =	stream.linear.gather [hbm4b:s12+s4], $0x400, $0x38;
	[tilespmem:$0x10180] =	vst v63  }
0x9a: {  	v2 =	vld [tilespmem:$0x0];
	_ =	sdelay $0x4  }
0x9b: {  	v2 =	vsel vm5, $0xFFFFFFFF, v2  }
0x9c: {  	v2 =	vxor.u32 $0x80000000, v2  }
0x9d: {  	(xrf0) =	vmax.scan.msk.u32 $0xffff, v2;
	_ =	sdelay $0x5  }
0x9e: {  	v2, _, _ =	vpop (xrf0)  }
0x9f: {  	(v2sf) =	vpush v2, $0xF;
	_ =	sdelay $0xe  }
0xa0: {  	s15 =	spop (v2sf)  }
0xa1: {  	s12 =	sshll.u32 s15, $0xA  }
0xa2: {  	s12 =	sand.u32 $0xFFFFE000, s12  }
0xa3: {  	s12 =	sor.u32 s5, s12  }
0xa4: {  	s12 =	sshrl.u32 s12, $0x3  }
0xa5: {  	s16 =	rddreg [dreg:$0x10];
	s17 =	sadd.s32 s1, s12  }
0xa6: {  	[tilespmem:s16], [sflag:$0x1] =	stream.linear.gather [hbm4b:s17+s4], $0x400, $0x38;
	[tilespmem:$0x10180] =	vst v63  }
0xa7: {  	s18 =	rddreg [dreg:$0x11];
	s12 =	sadd.s32 s2, s12  }
0xa8: {  	[tilespmem:s18], [sflag:$0x2] =	stream.linear.gather [hbm4b:s12+s4], $0x400, $0x38;
	[tilespmem:$0x10180] =	vst v63  }
0xa9: {  	v2 =	vld [tilespmem:$0x0];
	_ =	sdelay $0x4  }
0xaa: {  	v2 =	vsel vm6, $0xFFFFFFFF, v2  }
0xab: {  	v2 =	vxor.u32 $0x80000000, v2  }
0xac: {  	(xrf0) =	vmax.scan.msk.u32 $0xffff, v2;
	_ =	sdelay $0x5  }
0xad: {  	v2, _, _ =	vpop (xrf0)  }
0xae: {  	(v2sf) =	vpush v2, $0xF;
	_ =	sdelay $0xe  }
0xaf: {  	s19 =	spop (v2sf)  }
0xb0: {  	s12 =	sshll.u32 s19, $0xA  }
0xb1: {  	s12 =	sand.u32 $0xFFFFE000, s12  }
0xb2: {  	s12 =	sor.u32 s5, s12  }
0xb3: {  	s12 =	sshrl.u32 s12, $0x3  }
0xb4: {  	s20 =	rddreg [dreg:$0x12];
	s21 =	sadd.s32 s1, s12  }
0xb5: {  	[tilespmem:s20], [sflag:$0x1] =	stream.linear.gather [hbm4b:s21+s4], $0x400, $0x38;
	[tilespmem:$0x10180] =	vst v63  }
0xb6: {  	s22 =	rddreg [dreg:$0x13];
	s12 =	sadd.s32 s2, s12  }
0xb7: {  	[tilespmem:s22], [sflag:$0x2] =	stream.linear.gather [hbm4b:s12+s4], $0x400, $0x38;
	[tilespmem:$0x10180] =	vst v63  }
0xb8: {  	v2 =	vld [tilespmem:$0x0];
	_ =	sdelay $0x4  }
0xb9: {  	v2 =	vsel vm7, $0xFFFFFFFF, v2  }
0xba: {  	v2 =	vxor.u32 $0x80000000, v2  }
0xbb: {  	(xrf0) =	vmax.scan.msk.u32 $0xffff, v2;
	_ =	sdelay $0x5  }
0xbc: {  	v2, _, _ =	vpop (xrf0)  }
0xbd: {  	(v2sf) =	vpush v2, $0xF;
	_ =	sdelay $0xe  }
0xbe: {  	s23 =	spop (v2sf)  }
0xbf: {  	s12 =	sshll.u32 s23, $0xA  }
0xc0: {  	s12 =	sand.u32 $0xFFFFE000, s12  }
0xc1: {  	s12 =	sor.u32 s5, s12  }
0xc2: {  	s12 =	sshrl.u32 s12, $0x3  }
0xc3: {  	s24 =	rddreg [dreg:$0x14];
	s25 =	sadd.s32 s1, s12  }
0xc4: {  	[tilespmem:s24], [sflag:$0x1] =	stream.linear.gather [hbm4b:s25+s4], $0x400, $0x38;
	[tilespmem:$0x10180] =	vst v63  }
0xc5: {  	s26 =	rddreg [dreg:$0x15];
	s12 =	sadd.s32 s2, s12  }
0xc6: {  	[tilespmem:s26], [sflag:$0x2] =	stream.linear.gather [hbm4b:s12+s4], $0x400, $0x38;
	[tilespmem:$0x10180] =	vst v63  }
0xc7: {  	v2 =	vld [tilespmem:$0x0];
	_ =	sdelay $0x4  }
0xc8: {  	v2 =	vsel vm8, $0xFFFFFFFF, v2  }
0xc9: {  	v2 =	vxor.u32 $0x80000000, v2  }
0xca: {  	(xrf0) =	vmax.scan.msk.u32 $0xffff, v2;
	_ =	sdelay $0x5  }
0xcb: {  	v2, _, _ =	vpop (xrf0)  }
0xcc: {  	(v2sf) =	vpush v2, $0xF;
	_ =	sdelay $0xe  }
0xcd: {  	s28 =	spop (v2sf)  }
0xce: {  	s12 =	sshll.u32 s28, $0xA  }
0xcf: {  	s12 =	sand.u32 $0xFFFFE000, s12  }
0xd0: {  	s12 =	sor.u32 s5, s12  }
0xd1: {  	s12 =	sshrl.u32 s12, $0x3  }
0xd2: {  	s29 =	rddreg [dreg:$0x16];
	s30 =	sadd.s32 s1, s12  }
0xd3: {  	[tilespmem:s29], [sflag:$0x1] =	stream.linear.gather [hbm4b:s30+s4], $0x400, $0x38;
	[tilespmem:$0x10180] =	vst v63  }
0xd4: {  	s31 =	rddreg [dreg:$0x17];
	s12 =	sadd.s32 s2, s12  }
0xd5: {  	[tilespmem:s31], [sflag:$0x2] =	stream.linear.gather [hbm4b:s12+s4], $0x400, $0x38;
	[tilespmem:$0x10180] =	vst v63  }
0xd6: {  	v2 =	vld [tilespmem:$0x0];
	_ =	sdelay $0x4  }
0xd7: {  	v2 =	vsel vm9, $0xFFFFFFFF, v2  }
0xd8: {  	v2 =	vxor.u32 $0x80000000, v2  }
0xd9: {  	(xrf0) =	vmax.scan.msk.u32 $0xffff, v2;
	_ =	sdelay $0x5  }
0xda: {  	v2, _, _ =	vpop (xrf0)  }
0xdb: {  	(v2sf) =	vpush v2, $0xF;
	_ =	sdelay $0xe  }
0xdc: {  	s15 =	spop (v2sf)  }
0xdd: {  	s12 =	sshll.u32 s15, $0xA  }
0xde: {  	s12 =	sand.u32 $0xFFFFE000, s12  }
0xdf: {  	s12 =	sor.u32 s5, s12  }
0xe0: {  	s12 =	sshrl.u32 s12, $0x3  }
0xe1: {  	s16 =	rddreg [dreg:$0x18];
	s17 =	sadd.s32 s1, s12  }
0xe2: {  	[tilespmem:s16], [sflag:$0x1] =	stream.linear.gather [hbm4b:s17+s4], $0x400, $0x38;
	[tilespmem:$0x10180] =	vst v63  }
0xe3: {  	s18 =	rddreg [dreg:$0x19];
	s12 =	sadd.s32 s2, s12  }
0xe4: {  	[tilespmem:s18], [sflag:$0x2] =	stream.linear.gather [hbm4b:s12+s4], $0x400, $0x38;
	[tilespmem:$0x10180] =	vst v63  }
0xe5: {  	v2 =	vld [tilespmem:$0x0];
	_ =	sdelay $0x4  }
0xe6: {  	v2 =	vsel vm10, $0xFFFFFFFF, v2  }
0xe7: {  	v2 =	vxor.u32 $0x80000000, v2  }
0xe8: {  	(xrf0) =	vmax.scan.msk.u32 $0xffff, v2;
	_ =	sdelay $0x5  }
0xe9: {  	v2, _, _ =	vpop (xrf0)  }
0xea: {  	(v2sf) =	vpush v2, $0xF;
	_ =	sdelay $0xe  }
0xeb: {  	s19 =	spop (v2sf)  }
0xec: {  	s12 =	sshll.u32 s19, $0xA  }
0xed: {  	s12 =	sand.u32 $0xFFFFE000, s12  }
0xee: {  	s12 =	sor.u32 s5, s12  }
0xef: {  	s12 =	sshrl.u32 s12, $0x3  }
0xf0: {  	s20 =	rddreg [dreg:$0x1a];
	s21 =	sadd.s32 s1, s12  }
0xf1: {  	[tilespmem:s20], [sflag:$0x1] =	stream.linear.gather [hbm4b:s21+s4], $0x400, $0x38;
	[tilespmem:$0x10180] =	vst v63  }
0xf2: {  	s22 =	rddreg [dreg:$0x1b];
	s12 =	sadd.s32 s2, s12  }
0xf3: {  	[tilespmem:s22], [sflag:$0x2] =	stream.linear.gather [hbm4b:s12+s4], $0x400, $0x38;
	[tilespmem:$0x10180] =	vst v63  }
0xf4: {  	v2 =	vld [tilespmem:$0x0];
	_ =	sdelay $0x4  }
0xf5: {  	v2 =	vsel vm11, $0xFFFFFFFF, v2  }
0xf6: {  	v2 =	vxor.u32 $0x80000000, v2  }
0xf7: {  	(xrf0) =	vmax.scan.msk.u32 $0xffff, v2;
	_ =	sdelay $0x5  }
0xf8: {  	v2, _, _ =	vpop (xrf0)  }
0xf9: {  	(v2sf) =	vpush v2, $0xF;
	_ =	sdelay $0xe  }
0xfa: {  	s23 =	spop (v2sf)  }
0xfb: {  	s12 =	sshll.u32 s23, $0xA  }
0xfc: {  	s12 =	sand.u32 $0xFFFFE000, s12  }
0xfd: {  	s12 =	sor.u32 s5, s12  }
0xfe: {  	s12 =	sshrl.u32 s12, $0x3  }
0xff: {  	s24 =	rddreg [dreg:$0x1c];
	s25 =	sadd.s32 s1, s12  }
0x100: {  	[tilespmem:s24], [sflag:$0x1] =	stream.linear.gather [hbm4b:s25+s4], $0x400, $0x38;
	[tilespmem:$0x10180] =	vst v63  }
0x101: {  	s26 =	rddreg [dreg:$0x1d];
	s12 =	sadd.s32 s2, s12  }
0x102: {  	[tilespmem:s26], [sflag:$0x2] =	stream.linear.gather [hbm4b:s12+s4], $0x400, $0x38;
	[tilespmem:$0x10180] =	vst v63  }
0x103: {  	v2 =	vld [tilespmem:$0x0];
	_ =	sdelay $0x4  }
0x104: {  	v2 =	vsel vm12, $0xFFFFFFFF, v2  }
0x105: {  	v2 =	vxor.u32 $0x80000000, v2  }
0x106: {  	(xrf0) =	vmax.scan.msk.u32 $0xffff, v2;
	_ =	sdelay $0x5  }
0x107: {  	v2, _, _ =	vpop (xrf0)  }
0x108: {  	(v2sf) =	vpush v2, $0xF;
	_ =	sdelay $0xe  }
0x109: {  	s28 =	spop (v2sf)  }
0x10a: {  	s12 =	sshll.u32 s28, $0xA  }
0x10b: {  	s12 =	sand.u32 $0xFFFFE000, s12  }
0x10c: {  	s12 =	sor.u32 s5, s12  }
0x10d: {  	s12 =	sshrl.u32 s12, $0x3  }
0x10e: {  	s29 =	rddreg [dreg:$0x1e];
	s30 =	sadd.s32 s1, s12  }
0x10f: {  	[tilespmem:s29], [sflag:$0x1] =	stream.linear.gather [hbm4b:s30+s4], $0x400, $0x38;
	[tilespmem:$0x10180] =	vst v63  }
0x110: {  	s31 =	rddreg [dreg:$0x1f];
	s12 =	sadd.s32 s2, s12  }
0x111: {  	[tilespmem:s31], [sflag:$0x2] =	stream.linear.gather [hbm4b:s12+s4], $0x400, $0x38;
	[tilespmem:$0x10180] =	vst v63  }
0x112: {  	v2 =	vld [tilespmem:$0x0];
	_ =	sdelay $0x4  }
0x113: {  	v2 =	vsel vm13, $0xFFFFFFFF, v2  }
0x114: {  	v2 =	vxor.u32 $0x80000000, v2  }
0x115: {  	(xrf0) =	vmax.scan.msk.u32 $0xffff, v2;
	_ =	sdelay $0x5  }
0x116: {  	v2, _, _ =	vpop (xrf0)  }
0x117: {  	(v2sf) =	vpush v2, $0xF;
	_ =	sdelay $0xe  }
0x118: {  	s15 =	spop (v2sf)  }
0x119: {  	s12 =	sshll.u32 s15, $0xA  }
0x11a: {  	s12 =	sand.u32 $0xFFFFE000, s12  }
0x11b: {  	s16 =	sld [smem:$0x7D6];
	s12 =	sor.u32 s5, s12  }
0x11c: {  	s12 =	sshrl.u32 s12, $0x3  }
0x11d: {  	s18 =	sld [smem:$0x7D7];
	s17 =	sadd.s32 s1, s12  }
0x11e: {  	[tilespmem:s16], [sflag:$0x1] =	stream.linear.gather [hbm4b:s17+s4], $0x400, $0x38;
	[tilespmem:$0x10180] =	vst v63  }
0x11f: {  	s12 =	sadd.s32 s2, s12  }
0x120: {  	[tilespmem:s18], [sflag:$0x2] =	stream.linear.gather [hbm4b:s12+s4], $0x400, $0x38;
	[tilespmem:$0x10180] =	vst v63  }
0x121: {  	v2 =	vld [tilespmem:$0x0];
	_ =	sdelay $0x4  }
0x122: {  	v2 =	vsel vm14, $0xFFFFFFFF, v2  }
0x123: {  	v2 =	vxor.u32 $0x80000000, v2  }
0x124: {  	(xrf0) =	vmax.scan.msk.u32 $0xffff, v2;
	_ =	sdelay $0x5  }
0x125: {  	v2, _, _ =	vpop (xrf0)  }
0x126: {  	(v2sf) =	vpush v2, $0xF;
	_ =	sdelay $0xe  }
0x127: {  	s19 =	spop (v2sf)  }
0x128: {  	s12 =	sshll.u32 s19, $0xA  }
0x129: {  	s12 =	sand.u32 $0xFFFFE000, s12  }
0x12a: {  	s20 =	sld [smem:$0x7D8];
	s12 =	sor.u32 s5, s12  }
0x12b: {  	s12 =	sshrl.u32 s12, $0x3  }
0x12c: {  	s22 =	sld [smem:$0x7D9];
	s21 =	sadd.s32 s1, s12  }
0x12d: {  	[tilespmem:s20], [sflag:$0x1] =	stream.linear.gather [hbm4b:s21+s4], $0x400, $0x38;
	[tilespmem:$0x10180] =	vst v63  }
0x12e: {  	s12 =	sadd.s32 s2, s12  }
0x12f: {  	[tilespmem:s22], [sflag:$0x2] =	stream.linear.gather [hbm4b:s12+s4], $0x400, $0x38;
	[tilespmem:$0x10180] =	vst v63  }
0x130: {  	v2 =	vld [tilespmem:$0x0];
	_ =	sdelay $0x4  }
0x131: {  	v2 =	vsel vm15, $0xFFFFFFFF, v2  }
0x132: {  	v2 =	vxor.u32 $0x80000000, v2  }
0x133: {  	(xrf0) =	vmax.scan.msk.u32 $0xffff, v2;
	_ =	sdelay $0x5  }
0x134: {  	v2, _, _ =	vpop (xrf0)  }
0x135: {  	(v2sf) =	vpush v2, $0xF;
	_ =	sdelay $0xe  }
0x136: {  	s23 =	spop (v2sf)  }
0x137: {  	s12 =	sshll.u32 s23, $0xA  }
0x138: {  	s12 =	sand.u32 $0xFFFFE000, s12  }
0x139: {  	s24 =	sld [smem:$0x7DA];
	s12 =	sor.u32 s5, s12  }
0x13a: {  	s12 =	sshrl.u32 s12, $0x3  }
0x13b: {  	s26 =	sld [smem:$0x7DB];
	s25 =	sadd.s32 s1, s12  }
0x13c: {  	[tilespmem:s24], [sflag:$0x1] =	stream.linear.gather [hbm4b:s25+s4], $0x400, $0x38;
	[tilespmem:$0x10180] =	vst v63  }
0x13d: {  	s12 =	sadd.s32 s2, s12  }
0x13e: {  	[tilespmem:s26], [sflag:$0x2] =	stream.linear.gather [hbm4b:s12+s4], $0x400, $0x38;
	[tilespmem:$0x10180] =	vst v63  }
0x13f: {  	v2 =	vld [tilespmem:$0x10];
	_ =	sdelay $0x4  }
0x140: {  	v2 =	vnsel vm0, $0xFFFFFFFF, v2  }
0x141: {  	v2 =	vxor.u32 $0x80000000, v2  }
0x142: {  	(xrf0) =	vmax.scan.msk.u32 $0xffff, v2;
	_ =	sdelay $0x5  }
0x143: {  	v2, _, _ =	vpop (xrf0)  }
0x144: {  	(v2sf) =	vpush v2, $0xF;
	_ =	sdelay $0xe  }
0x145: {  	s28 =	spop (v2sf)  }
0x146: {  	s12 =	sshll.u32 s28, $0xA  }
0x147: {  	s12 =	sand.u32 $0xFFFFE000, s12  }
0x148: {  	s29 =	sld [smem:$0x7DC];
	s12 =	sor.u32 s5, s12  }
0x149: {  	s12 =	sshrl.u32 s12, $0x3  }
0x14a: {  	s31 =	sld [smem:$0x7DD];
	s30 =	sadd.s32 s1, s12  }
0x14b: {  	[tilespmem:s29], [sflag:$0x1] =	stream.linear.gather [hbm4b:s30+s4], $0x400, $0x38;
	[tilespmem:$0x10180] =	vst v63  }
0x14c: {  	s12 =	sadd.s32 s2, s12  }
0x14d: {  	[tilespmem:s31], [sflag:$0x2] =	stream.linear.gather [hbm4b:s12+s4], $0x400, $0x38;
	[tilespmem:$0x10180] =	vst v63  }
0x14e: {  	v2 =	vld [tilespmem:$0x10];
	_ =	sdelay $0x4  }
0x14f: {  	v2 =	vsel vm1, $0xFFFFFFFF, v2  }
0x150: {  	v2 =	vxor.u32 $0x80000000, v2  }
0x151: {  	(xrf0) =	vmax.scan.msk.u32 $0xffff, v2;
	_ =	sdelay $0x5  }
0x152: {  	v2, _, _ =	vpop (xrf0)  }
0x153: {  	(v2sf) =	vpush v2, $0xF;
	_ =	sdelay $0xe  }
0x154: {  	s15 =	spop (v2sf)  }
0x155: {  	s12 =	sshll.u32 s15, $0xA  }
0x156: {  	s12 =	sand.u32 $0xFFFFE000, s12  }
0x157: {  	s16 =	sld [smem:$0x7DE];
	s12 =	sor.u32 s5, s12  }
0x158: {  	s12 =	sshrl.u32 s12, $0x3  }
0x159: {  	s18 =	sld [smem:$0x7DF];
	s17 =	sadd.s32 s1, s12  }
0x15a: {  	[tilespmem:s16], [sflag:$0x1] =	stream.linear.gather [hbm4b:s17+s4], $0x400, $0x38;
	[tilespmem:$0x10180] =	vst v63  }
0x15b: {  	s12 =	sadd.s32 s2, s12  }
0x15c: {  	[tilespmem:s18], [sflag:$0x2] =	stream.linear.gather [hbm4b:s12+s4], $0x400, $0x38;
	[tilespmem:$0x10180] =	vst v63  }
0x15d: {  	v2 =	vld [tilespmem:$0x10];
	_ =	sdelay $0x4  }
0x15e: {  	v2 =	vsel vm2, $0xFFFFFFFF, v2  }
0x15f: {  	v2 =	vxor.u32 $0x80000000, v2  }
0x160: {  	(xrf0) =	vmax.scan.msk.u32 $0xffff, v2;
	_ =	sdelay $0x5  }
0x161: {  	v2, _, _ =	vpop (xrf0)  }
0x162: {  	(v2sf) =	vpush v2, $0xF;
	_ =	sdelay $0xe  }
0x163: {  	s19 =	spop (v2sf)  }
0x164: {  	s12 =	sshll.u32 s19, $0xA  }
0x165: {  	s12 =	sand.u32 $0xFFFFE000, s12  }
0x166: {  	s20 =	sld [smem:$0x7E0];
	s12 =	sor.u32 s5, s12  }
0x167: {  	s12 =	sshrl.u32 s12, $0x3  }
0x168: {  	s22 =	sld [smem:$0x7E1];
	s21 =	sadd.s32 s1, s12  }
0x169: {  	[tilespmem:s20], [sflag:$0x1] =	stream.linear.gather [hbm4b:s21+s4], $0x400, $0x38;
	[tilespmem:$0x10180] =	vst v63  }
0x16a: {  	s12 =	sadd.s32 s2, s12  }
0x16b: {  	[tilespmem:s22], [sflag:$0x2] =	stream.linear.gather [hbm4b:s12+s4], $0x400, $0x38;
	[tilespmem:$0x10180] =	vst v63  }
0x16c: {  	v2 =	vld [tilespmem:$0x10];
	_ =	sdelay $0x4  }
0x16d: {  	v2 =	vsel vm3, $0xFFFFFFFF, v2  }
0x16e: {  	v2 =	vxor.u32 $0x80000000, v2  }
0x16f: {  	(xrf0) =	vmax.scan.msk.u32 $0xffff, v2;
	_ =	sdelay $0x5  }
0x170: {  	v2, _, _ =	vpop (xrf0)  }
0x171: {  	(v2sf) =	vpush v2, $0xF;
	_ =	sdelay $0xe  }
0x172: {  	s23 =	spop (v2sf)  }
0x173: {  	s12 =	sshll.u32 s23, $0xA  }
0x174: {  	s12 =	sand.u32 $0xFFFFE000, s12  }
0x175: {  	s24 =	sld [smem:$0x7E2];
	s12 =	sor.u32 s5, s12  }
0x176: {  	s12 =	sshrl.u32 s12, $0x3  }
0x177: {  	s26 =	sld [smem:$0x7E3];
	s25 =	sadd.s32 s1, s12  }
0x178: {  	[tilespmem:s24], [sflag:$0x1] =	stream.linear.gather [hbm4b:s25+s4], $0x400, $0x38;
	[tilespmem:$0x10180] =	vst v63  }
0x179: {  	s12 =	sadd.s32 s2, s12  }
0x17a: {  	[tilespmem:s26], [sflag:$0x2] =	stream.linear.gather [hbm4b:s12+s4], $0x400, $0x38;
	[tilespmem:$0x10180] =	vst v63  }
0x17b: {  	v2 =	vld [tilespmem:$0x10];
	_ =	sdelay $0x4  }
0x17c: {  	v2 =	vsel vm4, $0xFFFFFFFF, v2  }
0x17d: {  	v2 =	vxor.u32 $0x80000000, v2  }
0x17e: {  	(xrf0) =	vmax.scan.msk.u32 $0xffff, v2;
	_ =	sdelay $0x5  }
0x17f: {  	v2, _, _ =	vpop (xrf0)  }
0x180: {  	(v2sf) =	vpush v2, $0xF;
	_ =	sdelay $0xe  }
0x181: {  	s28 =	spop (v2sf)  }
0x182: {  	s12 =	sshll.u32 s28, $0xA  }
0x183: {  	s12 =	sand.u32 $0xFFFFE000, s12  }
0x184: {  	s29 =	sld [smem:$0x7E4];
	s12 =	sor.u32 s5, s12  }
0x185: {  	s12 =	sshrl.u32 s12, $0x3  }
0x186: {  	s31 =	sld [smem:$0x7E5];
	s30 =	sadd.s32 s1, s12  }
0x187: {  	[tilespmem:s29], [sflag:$0x1] =	stream.linear.gather [hbm4b:s30+s4], $0x400, $0x38;
	[tilespmem:$0x10180] =	vst v63  }
0x188: {  	s12 =	sadd.s32 s2, s12  }
0x189: {  	[tilespmem:s31], [sflag:$0x2] =	stream.linear.gather [hbm4b:s12+s4], $0x400, $0x38;
	[tilespmem:$0x10180] =	vst v63  }
0x18a: {  	v2 =	vld [tilespmem:$0x10];
	_ =	sdelay $0x4  }
0x18b: {  	v2 =	vsel vm5, $0xFFFFFFFF, v2  }
0x18c: {  	v2 =	vxor.u32 $0x80000000, v2  }
0x18d: {  	(xrf0) =	vmax.scan.msk.u32 $0xffff, v2;
	_ =	sdelay $0x5  }
0x18e: {  	v2, _, _ =	vpop (xrf0)  }
0x18f: {  	(v2sf) =	vpush v2, $0xF;
	_ =	sdelay $0xe  }
0x190: {  	s15 =	spop (v2sf)  }
0x191: {  	s12 =	sshll.u32 s15, $0xA  }
0x192: {  	s12 =	sand.u32 $0xFFFFE000, s12  }
0x193: {  	s16 =	sld [smem:$0x7E6];
	s12 =	sor.u32 s5, s12  }
0x194: {  	s12 =	sshrl.u32 s12, $0x3  }
0x195: {  	s18 =	sld [smem:$0x7E7];
	s17 =	sadd.s32 s1, s12  }
0x196: {  	[tilespmem:s16], [sflag:$0x1] =	stream.linear.gather [hbm4b:s17+s4], $0x400, $0x38;
	[tilespmem:$0x10180] =	vst v63  }
0x197: {  	s12 =	sadd.s32 s2, s12  }
0x198: {  	[tilespmem:s18], [sflag:$0x2] =	stream.linear.gather [hbm4b:s12+s4], $0x400, $0x38;
	[tilespmem:$0x10180] =	vst v63  }
0x199: {  	v2 =	vld [tilespmem:$0x10];
	_ =	sdelay $0x4  }
0x19a: {  	v2 =	vsel vm6, $0xFFFFFFFF, v2  }
0x19b: {  	v2 =	vxor.u32 $0x80000000, v2  }
0x19c: {  	(xrf0) =	vmax.scan.msk.u32 $0xffff, v2;
	_ =	sdelay $0x5  }
0x19d: {  	v2, _, _ =	vpop (xrf0)  }
0x19e: {  	(v2sf) =	vpush v2, $0xF;
	_ =	sdelay $0xe  }
0x19f: {  	s19 =	spop (v2sf)  }
0x1a0: {  	s12 =	sshll.u32 s19, $0xA  }
0x1a1: {  	s12 =	sand.u32 $0xFFFFE000, s12  }
0x1a2: {  	s20 =	sld [smem:$0x7E8];
	s12 =	sor.u32 s5, s12  }
0x1a3: {  	s12 =	sshrl.u32 s12, $0x3  }
0x1a4: {  	s22 =	sld [smem:$0x7E9];
	s21 =	sadd.s32 s1, s12  }
0x1a5: {  	[tilespmem:s20], [sflag:$0x1] =	stream.linear.gather [hbm4b:s21+s4], $0x400, $0x38;
	[tilespmem:$0x10180] =	vst v63  }
0x1a6: {  	s12 =	sadd.s32 s2, s12  }
0x1a7: {  	[tilespmem:s22], [sflag:$0x2] =	stream.linear.gather [hbm4b:s12+s4], $0x400, $0x38;
	[tilespmem:$0x10180] =	vst v63  }
0x1a8: {  	v2 =	vld [tilespmem:$0x10];
	_ =	sdelay $0x4  }
0x1a9: {  	v2 =	vsel vm7, $0xFFFFFFFF, v2  }
0x1aa: {  	v2 =	vxor.u32 $0x80000000, v2  }
0x1ab: {  	(xrf0) =	vmax.scan.msk.u32 $0xffff, v2;
	_ =	sdelay $0x5  }
0x1ac: {  	v2, _, _ =	vpop (xrf0)  }
0x1ad: {  	(v2sf) =	vpush v2, $0xF;
	_ =	sdelay $0xe  }
0x1ae: {  	s23 =	spop (v2sf)  }
0x1af: {  	s12 =	sshll.u32 s23, $0xA  }
0x1b0: {  	s12 =	sand.u32 $0xFFFFE000, s12  }
0x1b1: {  	s24 =	sld [smem:$0x7EA];
	s12 =	sor.u32 s5, s12  }
0x1b2: {  	s12 =	sshrl.u32 s12, $0x3  }
0x1b3: {  	s26 =	sld [smem:$0x7EB];
	s25 =	sadd.s32 s1, s12  }
0x1b4: {  	[tilespmem:s24], [sflag:$0x1] =	stream.linear.gather [hbm4b:s25+s4], $0x400, $0x38;
	[tilespmem:$0x10180] =	vst v63  }
0x1b5: {  	s12 =	sadd.s32 s2, s12  }
0x1b6: {  	[tilespmem:s26], [sflag:$0x2] =	stream.linear.gather [hbm4b:s12+s4], $0x400, $0x38;
	[tilespmem:$0x10180] =	vst v63  }
0x1b7: {  	v2 =	vld [tilespmem:$0x10];
	_ =	sdelay $0x4  }
0x1b8: {  	v2 =	vsel vm8, $0xFFFFFFFF, v2  }
0x1b9: {  	v2 =	vxor.u32 $0x80000000, v2  }
0x1ba: {  	(xrf0) =	vmax.scan.msk.u32 $0xffff, v2;
	_ =	sdelay $0x5  }
0x1bb: {  	v2, _, _ =	vpop (xrf0)  }
0x1bc: {  	(v2sf) =	vpush v2, $0xF;
	_ =	sdelay $0xe  }
0x1bd: {  	s28 =	spop (v2sf)  }
0x1be: {  	s12 =	sshll.u32 s28, $0xA  }
0x1bf: {  	s12 =	sand.u32 $0xFFFFE000, s12  }
0x1c0: {  	s29 =	sld [smem:$0x7EC];
	s12 =	sor.u32 s5, s12  }
0x1c1: {  	s12 =	sshrl.u32 s12, $0x3  }
0x1c2: {  	s31 =	sld [smem:$0x7ED];
	s30 =	sadd.s32 s1, s12  }
0x1c3: {  	[tilespmem:s29], [sflag:$0x1] =	stream.linear.gather [hbm4b:s30+s4], $0x400, $0x38;
	[tilespmem:$0x10180] =	vst v63  }
0x1c4: {  	s12 =	sadd.s32 s2, s12  }
0x1c5: {  	[tilespmem:s31], [sflag:$0x2] =	stream.linear.gather [hbm4b:s12+s4], $0x400, $0x38;
	[tilespmem:$0x10180] =	vst v63  }
0x1c6: {  	v2 =	vld [tilespmem:$0x10];
	_ =	sdelay $0x4  }
0x1c7: {  	v2 =	vsel vm9, $0xFFFFFFFF, v2  }
0x1c8: {  	v2 =	vxor.u32 $0x80000000, v2  }
0x1c9: {  	(xrf0) =	vmax.scan.msk.u32 $0xffff, v2;
	_ =	sdelay $0x5  }
0x1ca: {  	v2, _, _ =	vpop (xrf0)  }
0x1cb: {  	(v2sf) =	vpush v2, $0xF;
	_ =	sdelay $0xe  }
0x1cc: {  	s15 =	spop (v2sf)  }
0x1cd: {  	s12 =	sshll.u32 s15, $0xA  }
0x1ce: {  	s12 =	sand.u32 $0xFFFFE000, s12  }
0x1cf: {  	s16 =	sld [smem:$0x7EE];
	s12 =	sor.u32 s5, s12  }
0x1d0: {  	s12 =	sshrl.u32 s12, $0x3  }
0x1d1: {  	s18 =	sld [smem:$0x7EF];
	s17 =	sadd.s32 s1, s12  }
0x1d2: {  	[tilespmem:s16], [sflag:$0x1] =	stream.linear.gather [hbm4b:s17+s4], $0x400, $0x38;
	[tilespmem:$0x10180] =	vst v63  }
0x1d3: {  	s12 =	sadd.s32 s2, s12  }
0x1d4: {  	[tilespmem:s18], [sflag:$0x2] =	stream.linear.gather [hbm4b:s12+s4], $0x400, $0x38;
	[tilespmem:$0x10180] =	vst v63  }
0x1d5: {  	v2 =	vld [tilespmem:$0x10];
	_ =	sdelay $0x4  }
0x1d6: {  	v2 =	vsel vm10, $0xFFFFFFFF, v2  }
0x1d7: {  	v2 =	vxor.u32 $0x80000000, v2  }
0x1d8: {  	(xrf0) =	vmax.scan.msk.u32 $0xffff, v2;
	_ =	sdelay $0x5  }
0x1d9: {  	v2, _, _ =	vpop (xrf0)  }
0x1da: {  	(v2sf) =	vpush v2, $0xF;
	_ =	sdelay $0xe  }
0x1db: {  	s19 =	spop (v2sf)  }
0x1dc: {  	s12 =	sshll.u32 s19, $0xA  }
0x1dd: {  	s12 =	sand.u32 $0xFFFFE000, s12  }
0x1de: {  	s20 =	sld [smem:$0x7F0];
	s12 =	sor.u32 s5, s12  }
0x1df: {  	s12 =	sshrl.u32 s12, $0x3  }
0x1e0: {  	s22 =	sld [smem:$0x7F1];
	s21 =	sadd.s32 s1, s12  }
0x1e1: {  	[tilespmem:s20], [sflag:$0x1] =	stream.linear.gather [hbm4b:s21+s4], $0x400, $0x38;
	[tilespmem:$0x10180] =	vst v63  }
0x1e2: {  	s12 =	sadd.s32 s2, s12  }
0x1e3: {  	[tilespmem:s22], [sflag:$0x2] =	stream.linear.gather [hbm4b:s12+s4], $0x400, $0x38;
	[tilespmem:$0x10180] =	vst v63  }
0x1e4: {  	v2 =	vld [tilespmem:$0x10];
	_ =	sdelay $0x4  }
0x1e5: {  	v2 =	vsel vm11, $0xFFFFFFFF, v2  }
0x1e6: {  	v2 =	vxor.u32 $0x80000000, v2  }
0x1e7: {  	(xrf0) =	vmax.scan.msk.u32 $0xffff, v2;
	_ =	sdelay $0x5  }
0x1e8: {  	v2, _, _ =	vpop (xrf0)  }
0x1e9: {  	(v2sf) =	vpush v2, $0xF;
	_ =	sdelay $0xe  }
0x1ea: {  	s23 =	spop (v2sf)  }
0x1eb: {  	s12 =	sshll.u32 s23, $0xA  }
0x1ec: {  	s12 =	sand.u32 $0xFFFFE000, s12  }
0x1ed: {  	s24 =	sld [smem:$0x7F2];
	s12 =	sor.u32 s5, s12  }
0x1ee: {  	s12 =	sshrl.u32 s12, $0x3  }
0x1ef: {  	s26 =	sld [smem:$0x7F3];
	s25 =	sadd.s32 s1, s12  }
0x1f0: {  	[tilespmem:s24], [sflag:$0x1] =	stream.linear.gather [hbm4b:s25+s4], $0x400, $0x38;
	[tilespmem:$0x10180] =	vst v63  }
0x1f1: {  	s12 =	sadd.s32 s2, s12  }
0x1f2: {  	[tilespmem:s26], [sflag:$0x2] =	stream.linear.gather [hbm4b:s12+s4], $0x400, $0x38;
	[tilespmem:$0x10180] =	vst v63  }
0x1f3: {  	v2 =	vld [tilespmem:$0x10];
	_ =	sdelay $0x4  }
0x1f4: {  	v2 =	vsel vm12, $0xFFFFFFFF, v2  }
0x1f5: {  	v2 =	vxor.u32 $0x80000000, v2  }
0x1f6: {  	(xrf0) =	vmax.scan.msk.u32 $0xffff, v2;
	_ =	sdelay $0x5  }
0x1f7: {  	v2, _, _ =	vpop (xrf0)  }
0x1f8: {  	(v2sf) =	vpush v2, $0xF;
	_ =	sdelay $0xe  }
0x1f9: {  	s28 =	spop (v2sf)  }
0x1fa: {  	s12 =	sshll.u32 s28, $0xA  }
0x1fb: {  	s12 =	sand.u32 $0xFFFFE000, s12  }
0x1fc: {  	s29 =	sld [smem:$0x7F4];
	s12 =	sor.u32 s5, s12  }
0x1fd: {  	s12 =	sshrl.u32 s12, $0x3  }
0x1fe: {  	s31 =	sld [smem:$0x7F5];
	s30 =	sadd.s32 s1, s12  }
0x1ff: {  	[tilespmem:s29], [sflag:$0x1] =	stream.linear.gather [hbm4b:s30+s4], $0x400, $0x38;
	[tilespmem:$0x10180] =	vst v63  }
0x200: {  	s12 =	sadd.s32 s2, s12  }
0x201: {  	[tilespmem:s31], [sflag:$0x2] =	stream.linear.gather [hbm4b:s12+s4], $0x400, $0x38;
	[tilespmem:$0x10180] =	vst v63  }
0x202: {  	v2 =	vld [tilespmem:$0x10];
	_ =	sdelay $0x4  }
0x203: {  	v2 =	vsel vm13, $0xFFFFFFFF, v2  }
0x204: {  	v2 =	vxor.u32 $0x80000000, v2  }
0x205: {  	(xrf0) =	vmax.scan.msk.u32 $0xffff, v2;
	_ =	sdelay $0x5  }
0x206: {  	v2, _, _ =	vpop (xrf0)  }
0x207: {  	(v2sf) =	vpush v2, $0xF;
	_ =	sdelay $0xe  }
0x208: {  	s15 =	spop (v2sf)  }
0x209: {  	s12 =	sshll.u32 s15, $0xA  }
0x20a: {  	s12 =	sand.u32 $0xFFFFE000, s12  }
0x20b: {  	s16 =	sld [smem:$0x7F6];
	s12 =	sor.u32 s5, s12  }
0x20c: {  	s12 =	sshrl.u32 s12, $0x3  }
0x20d: {  	s18 =	sld [smem:$0x7F7];
	s17 =	sadd.s32 s1, s12  }
0x20e: {  	[tilespmem:s16], [sflag:$0x1] =	stream.linear.gather [hbm4b:s17+s4], $0x400, $0x38;
	[tilespmem:$0x10180] =	vst v63  }
0x20f: {  	s12 =	sadd.s32 s2, s12  }
0x210: {  	[tilespmem:s18], [sflag:$0x2] =	stream.linear.gather [hbm4b:s12+s4], $0x400, $0x38;
	[tilespmem:$0x10180] =	vst v63  }
0x211: {  	v2 =	vld [tilespmem:$0x10];
	_ =	sdelay $0x4  }
0x212: {  	v2 =	vsel vm14, $0xFFFFFFFF, v2  }
0x213: {  	v2 =	vxor.u32 $0x80000000, v2  }
0x214: {  	(xrf0) =	vmax.scan.msk.u32 $0xffff, v2;
	_ =	sdelay $0x5  }
0x215: {  	v2, _, _ =	vpop (xrf0)  }
0x216: {  	(v2sf) =	vpush v2, $0xF;
	_ =	sdelay $0xe  }
0x217: {  	s19 =	spop (v2sf)  }
0x218: {  	s12 =	sshll.u32 s19, $0xA  }
0x219: {  	s12 =	sand.u32 $0xFFFFE000, s12  }
0x21a: {  	s20 =	sld [smem:$0x7F8];
	s12 =	sor.u32 s5, s12  }
0x21b: {  	s12 =	sshrl.u32 s12, $0x3  }
0x21c: {  	s22 =	sld [smem:$0x7F9];
	s21 =	sadd.s32 s1, s12  }
0x21d: {  	[tilespmem:s20], [sflag:$0x1] =	stream.linear.gather [hbm4b:s21+s4], $0x400, $0x38;
	[tilespmem:$0x10180] =	vst v63  }
0x21e: {  	s12 =	sadd.s32 s2, s12  }
0x21f: {  	[tilespmem:s22], [sflag:$0x2] =	stream.linear.gather [hbm4b:s12+s4], $0x400, $0x38;
	[tilespmem:$0x10180] =	vst v63  }
0x220: {  	v2 =	vld [tilespmem:$0x10];
	_ =	sdelay $0x4  }
0x221: {  	v2 =	vsel vm15, $0xFFFFFFFF, v2  }
0x222: {  	v2 =	vxor.u32 $0x80000000, v2  }
0x223: {  	(xrf0) =	vmax.scan.msk.u32 $0xffff, v2;
	_ =	sdelay $0x5  }
0x224: {  	v2, _, _ =	vpop (xrf0)  }
0x225: {  	(v2sf) =	vpush v2, $0xF;
	_ =	sdelay $0xe  }
0x226: {  	s23 =	spop (v2sf)  }
0x227: {  	s12 =	sshll.u32 s23, $0xA  }
0x228: {  	s12 =	sand.u32 $0xFFFFE000, s12  }
0x229: {  	s24 =	sld [smem:$0x7FA];
	s12 =	sor.u32 s5, s12  }
0x22a: {  	s12 =	sshrl.u32 s12, $0x3  }
0x22b: {  	s26 =	sld [smem:$0x7FB];
	s25 =	sadd.s32 s1, s12  }
0x22c: {  	[tilespmem:s24], [sflag:$0x1] =	stream.linear.gather [hbm4b:s25+s4], $0x400, $0x38;
	[tilespmem:$0x10180] =	vst v63  }
0x22d: {  	s12 =	sadd.s32 s2, s12  }
0x22e: {  	[tilespmem:s26], [sflag:$0x2] =	stream.linear.gather [hbm4b:s12+s4], $0x400, $0x38;
	[tilespmem:$0x10180] =	vst v63  }
0x22f: {  	_ =	swait.ge [sflag:s10], $0x400  }
0x230: {  	[sflag:s10] =	ssyncset.done $0x0  }
0x231: {  	[sflag:s10] =	ssyncadd.s32 $0xFFFFFC00  }
0x232: {  	_ =	swait.ge [sflag:s11], $0x400  }
0x233: {  	[sflag:s11] =	ssyncset.done $0x0  }
0x234: {  	[sflag:s11] =	ssyncadd.s32 $0xFFFFFC00  }
0x235: {  	_ =	swait.ge [sflag:s10], $0x400  }
0x236: {  	[sflag:s10] =	ssyncset.done $0x0  }
0x237: {  	[sflag:s10] =	ssyncadd.s32 $0xFFFFFC00  }
0x238: {  	_ =	swait.ge [sflag:s11], $0x400  }
0x239: {  	[sflag:s11] =	ssyncset.done $0x0  }
0x23a: {  	[sflag:s11] =	ssyncadd.s32 $0xFFFFFC00  }
0x23b: {  	_ =	swait.ge [sflag:s10], $0x400  }
0x23c: {  	[sflag:s10] =	ssyncset.done $0x0  }
0x23d: {  	[sflag:s10] =	ssyncadd.s32 $0xFFFFFC00  }
0x23e: {  	_ =	swait.ge [sflag:s11], $0x400  }
0x23f: {  	[sflag:s11] =	ssyncset.done $0x0  }
0x240: {  	[sflag:s11] =	ssyncadd.s32 $0xFFFFFC00  }
0x241: {  	_ =	swait.ge [sflag:s10], $0x400  }
0x242: {  	[sflag:s10] =	ssyncset.done $0x0  }
0x243: {  	[sflag:s10] =	ssyncadd.s32 $0xFFFFFC00  }
0x244: {  	_ =	swait.ge [sflag:s11], $0x400  }
0x245: {  	[sflag:s11] =	ssyncset.done $0x0  }
0x246: {  	[sflag:s11] =	ssyncadd.s32 $0xFFFFFC00  }
0x247: {  	_ =	swait.ge [sflag:s10], $0x400  }
0x248: {  	[sflag:s10] =	ssyncset.done $0x0  }
0x249: {  	[sflag:s10] =	ssyncadd.s32 $0xFFFFFC00  }
0x24a: {  	_ =	swait.ge [sflag:s11], $0x400  }
0x24b: {  	[sflag:s11] =	ssyncset.done $0x0  }
0x24c: {  	[sflag:s11] =	ssyncadd.s32 $0xFFFFFC00  }
0x24d: {  	_ =	swait.ge [sflag:s10], $0x400  }
0x24e: {  	[sflag:s10] =	ssyncset.done $0x0  }
0x24f: {  	[sflag:s10] =	ssyncadd.s32 $0xFFFFFC00  }
0x250: {  	_ =	swait.ge [sflag:s11], $0x400  }
0x251: {  	[sflag:s11] =	ssyncset.done $0x0  }
0x252: {  	[sflag:s11] =	ssyncadd.s32 $0xFFFFFC00  }
0x253: {  	_ =	swait.ge [sflag:s10], $0x400  }
0x254: {  	[sflag:s10] =	ssyncset.done $0x0  }
0x255: {  	[sflag:s10] =	ssyncadd.s32 $0xFFFFFC00  }
0x256: {  	_ =	swait.ge [sflag:s11], $0x400  }
0x257: {  	[sflag:s11] =	ssyncset.done $0x0  }
0x258: {  	[sflag:s11] =	ssyncadd.s32 $0xFFFFFC00  }
0x259: {  	_ =	swait.ge [sflag:s10], $0x400  }
0x25a: {  	[sflag:s10] =	ssyncset.done $0x0  }
0x25b: {  	[sflag:s10] =	ssyncadd.s32 $0xFFFFFC00  }
0x25c: {  	_ =	swait.ge [sflag:s11], $0x400  }
0x25d: {  	[sflag:s11] =	ssyncset.done $0x0  }
0x25e: {  	[sflag:s11] =	ssyncadd.s32 $0xFFFFFC00  }
0x25f: {  	_ =	swait.ge [sflag:s10], $0x400  }
0x260: {  	[sflag:s10] =	ssyncset.done $0x0  }
0x261: {  	[sflag:s10] =	ssyncadd.s32 $0xFFFFFC00  }
0x262: {  	_ =	swait.ge [sflag:s11], $0x400  }
0x263: {  	[sflag:s11] =	ssyncset.done $0x0  }
0x264: {  	[sflag:s11] =	ssyncadd.s32 $0xFFFFFC00  }
0x265: {  	_ =	swait.ge [sflag:s10], $0x400  }
0x266: {  	[sflag:s10] =	ssyncset.done $0x0  }
0x267: {  	[sflag:s10] =	ssyncadd.s32 $0xFFFFFC00  }
0x268: {  	_ =	swait.ge [sflag:s11], $0x400  }
0x269: {  	[sflag:s11] =	ssyncset.done $0x0  }
0x26a: {  	[sflag:s11] =	ssyncadd.s32 $0xFFFFFC00  }
0x26b: {  	_ =	swait.ge [sflag:s10], $0x400  }
0x26c: {  	[sflag:s10] =	ssyncset.done $0x0  }
0x26d: {  	[sflag:s10] =	ssyncadd.s32 $0xFFFFFC00  }
0x26e: {  	_ =	swait.ge [sflag:s11], $0x400  }
0x26f: {  	[sflag:s11] =	ssyncset.done $0x0  }
0x270: {  	[sflag:s11] =	ssyncadd.s32 $0xFFFFFC00  }
0x271: {  	_ =	swait.ge [sflag:s10], $0x400  }
0x272: {  	[sflag:s10] =	ssyncset.done $0x0  }
0x273: {  	[sflag:s10] =	ssyncadd.s32 $0xFFFFFC00  }
0x274: {  	_ =	swait.ge [sflag:s11], $0x400  }
0x275: {  	[sflag:s11] =	ssyncset.done $0x0  }
0x276: {  	[sflag:s11] =	ssyncadd.s32 $0xFFFFFC00  }
0x277: {  	_ =	swait.ge [sflag:s10], $0x400  }
0x278: {  	[sflag:s10] =	ssyncset.done $0x0  }
0x279: {  	[sflag:s10] =	ssyncadd.s32 $0xFFFFFC00  }
0x27a: {  	_ =	swait.ge [sflag:s11], $0x400  }
0x27b: {  	[sflag:s11] =	ssyncset.done $0x0  }
0x27c: {  	[sflag:s11] =	ssyncadd.s32 $0xFFFFFC00  }
0x27d: {  	_ =	swait.ge [sflag:s10], $0x400  }
0x27e: {  	[sflag:s10] =	ssyncset.done $0x0  }
0x27f: {  	[sflag:s10] =	ssyncadd.s32 $0xFFFFFC00  }
0x280: {  	_ =	swait.ge [sflag:s11], $0x400  }
0x281: {  	[sflag:s11] =	ssyncset.done $0x0  }
0x282: {  	[sflag:s11] =	ssyncadd.s32 $0xFFFFFC00  }
0x283: {  	_ =	swait.ge [sflag:s10], $0x400  }
0x284: {  	[sflag:s10] =	ssyncset.done $0x0  }
0x285: {  	[sflag:s10] =	ssyncadd.s32 $0xFFFFFC00  }
0x286: {  	_ =	swait.ge [sflag:s11], $0x400  }
0x287: {  	[sflag:s11] =	ssyncset.done $0x0  }
0x288: {  	[sflag:s11] =	ssyncadd.s32 $0xFFFFFC00  }
0x289: {  	_ =	swait.ge [sflag:s10], $0x400  }
0x28a: {  	[sflag:s10] =	ssyncset.done $0x0  }
0x28b: {  	[sflag:s10] =	ssyncadd.s32 $0xFFFFFC00  }
0x28c: {  	_ =	swait.ge [sflag:s11], $0x400  }
0x28d: {  	[sflag:s11] =	ssyncset.done $0x0  }
0x28e: {  	[sflag:s11] =	ssyncadd.s32 $0xFFFFFC00  }
0x28f: {  	_ =	swait.ge [sflag:s10], $0x400  }
0x290: {  	[sflag:s10] =	ssyncset.done $0x0  }
0x291: {  	[sflag:s10] =	ssyncadd.s32 $0xFFFFFC00  }
0x292: {  	_ =	swait.ge [sflag:s11], $0x400  }
0x293: {  	[sflag:s11] =	ssyncset.done $0x0  }
0x294: {  	[sflag:s11] =	ssyncadd.s32 $0xFFFFFC00  }
0x295: {  	_ =	swait.ge [sflag:s10], $0x400  }
0x296: {  	[sflag:s10] =	ssyncset.done $0x0  }
0x297: {  	[sflag:s10] =	ssyncadd.s32 $0xFFFFFC00  }
0x298: {  	_ =	swait.ge [sflag:s11], $0x400  }
0x299: {  	[sflag:s11] =	ssyncset.done $0x0  }
0x29a: {  	[sflag:s11] =	ssyncadd.s32 $0xFFFFFC00  }
0x29b: {  	_ =	swait.ge [sflag:s10], $0x400  }
0x29c: {  	[sflag:s10] =	ssyncset.done $0x0  }
0x29d: {  	[sflag:s10] =	ssyncadd.s32 $0xFFFFFC00  }
0x29e: {  	_ =	swait.ge [sflag:s11], $0x400  }
0x29f: {  	[sflag:s11] =	ssyncset.done $0x0  }
0x2a0: {  	[sflag:s11] =	ssyncadd.s32 $0xFFFFFC00  }
0x2a1: {  	_ =	swait.ge [sflag:s10], $0x400  }
0x2a2: {  	[sflag:s10] =	ssyncset.done $0x0  }
0x2a3: {  	[sflag:s10] =	ssyncadd.s32 $0xFFFFFC00  }
0x2a4: {  	_ =	swait.ge [sflag:s11], $0x400  }
0x2a5: {  	[sflag:s11] =	ssyncset.done $0x0  }
0x2a6: {  	[sflag:s11] =	ssyncadd.s32 $0xFFFFFC00  }
0x2a7: {  	_ =	swait.ge [sflag:s10], $0x400  }
0x2a8: {  	[sflag:s10] =	ssyncset.done $0x0  }
0x2a9: {  	[sflag:s10] =	ssyncadd.s32 $0xFFFFFC00  }
0x2aa: {  	_ =	swait.ge [sflag:s11], $0x400  }
0x2ab: {  	[sflag:s11] =	ssyncset.done $0x0  }
0x2ac: {  	[sflag:s11] =	ssyncadd.s32 $0xFFFFFC00  }
0x2ad: {  	_ =	swait.ge [sflag:s10], $0x400  }
0x2ae: {  	[sflag:s10] =	ssyncset.done $0x0  }
0x2af: {  	[sflag:s10] =	ssyncadd.s32 $0xFFFFFC00  }
0x2b0: {  	_ =	swait.ge [sflag:s11], $0x400  }
0x2b1: {  	[sflag:s11] =	ssyncset.done $0x0  }
0x2b2: {  	[sflag:s11] =	ssyncadd.s32 $0xFFFFFC00  }
0x2b3: {  	_ =	swait.ge [sflag:s10], $0x400  }
0x2b4: {  	[sflag:s10] =	ssyncset.done $0x0  }
0x2b5: {  	[sflag:s10] =	ssyncadd.s32 $0xFFFFFC00  }
0x2b6: {  	_ =	swait.ge [sflag:s11], $0x400  }
0x2b7: {  	[sflag:s11] =	ssyncset.done $0x0  }
0x2b8: {  	[sflag:s11] =	ssyncadd.s32 $0xFFFFFC00  }
0x2b9: {  	_ =	swait.ge [sflag:s10], $0x400  }
0x2ba: {  	[sflag:s10] =	ssyncset.done $0x0  }
0x2bb: {  	[sflag:s10] =	ssyncadd.s32 $0xFFFFFC00  }
0x2bc: {  	_ =	swait.ge [sflag:s11], $0x400  }
0x2bd: {  	[sflag:s11] =	ssyncset.done $0x0  }
0x2be: {  	[sflag:s11] =	ssyncadd.s32 $0xFFFFFC00  }
0x2bf: {  	_ =	swait.ge [sflag:s10], $0x400  }
0x2c0: {  	[sflag:s10] =	ssyncset.done $0x0  }
0x2c1: {  	[sflag:s10] =	ssyncadd.s32 $0xFFFFFC00  }
0x2c2: {  	_ =	swait.ge [sflag:s11], $0x400  }
0x2c3: {  	[sflag:s11] =	ssyncset.done $0x0  }
0x2c4: {  	[sflag:s11] =	ssyncadd.s32 $0xFFFFFC00  }
0x2c5: {  	_ =	swait.ge [sflag:s10], $0x400  }
0x2c6: {  	[sflag:s10] =	ssyncset.done $0x0  }
0x2c7: {  	[sflag:s10] =	ssyncadd.s32 $0xFFFFFC00  }
0x2c8: {  	_ =	swait.ge [sflag:s11], $0x400  }
0x2c9: {  	[sflag:s11] =	ssyncset.done $0x0  }
0x2ca: {  	[sflag:s11] =	ssyncadd.s32 $0xFFFFFC00  }
0x2cb: {  	_ =	swait.ge [sflag:s10], $0x400  }
0x2cc: {  	[sflag:s10] =	ssyncset.done $0x0  }
0x2cd: {  	[sflag:s10] =	ssyncadd.s32 $0xFFFFFC00  }
0x2ce: {  	_ =	swait.ge [sflag:s11], $0x400  }
0x2cf: {  	[sflag:s11] =	ssyncset.done $0x0  }
0x2d0: {  	[sflag:s11] =	ssyncadd.s32 $0xFFFFFC00  }
0x2d1: {  	_ =	swait.ge [sflag:s10], $0x400  }
0x2d2: {  	[sflag:s10] =	ssyncset.done $0x0  }
0x2d3: {  	[sflag:s10] =	ssyncadd.s32 $0xFFFFFC00  }
0x2d4: {  	_ =	swait.ge [sflag:s11], $0x400  }
0x2d5: {  	[sflag:s11] =	ssyncset.done $0x0  }
0x2d6: {  	[sflag:s11] =	ssyncadd.s32 $0xFFFFFC00  }
0x2d7: {  	_ =	swait.ge [sflag:s10], $0x400  }
0x2d8: {  	[sflag:s10] =	ssyncset.done $0x0  }
0x2d9: {  	[sflag:s10] =	ssyncadd.s32 $0xFFFFFC00  }
0x2da: {  	_ =	swait.ge [sflag:s11], $0x400  }
0x2db: {  	[sflag:s11] =	ssyncset.done $0x0  }
0x2dc: {  	[sflag:s11] =	ssyncadd.s32 $0xFFFFFC00  }
0x2dd: {  	_ =	swait.ge [sflag:s10], $0x400  }
0x2de: {  	[sflag:s10] =	ssyncset.done $0x0  }
0x2df: {  	[sflag:s10] =	ssyncadd.s32 $0xFFFFFC00  }
0x2e0: {  	_ =	swait.ge [sflag:s11], $0x400  }
0x2e1: {  	[sflag:s11] =	ssyncset.done $0x0  }
0x2e2: {  	[sflag:s11] =	ssyncadd.s32 $0xFFFFFC00  }
0x2e3: {  	_ =	swait.ge [sflag:s10], $0x400  }
0x2e4: {  	[sflag:s10] =	ssyncset.done $0x0  }
0x2e5: {  	[sflag:s10] =	ssyncadd.s32 $0xFFFFFC00  }
0x2e6: {  	_ =	swait.ge [sflag:s11], $0x400  }
0x2e7: {  	[sflag:s11] =	ssyncset.done $0x0  }
0x2e8: {  	[sflag:s11] =	ssyncadd.s32 $0xFFFFFC00  }
0x2e9: {  	_ =	swait.ge [sflag:s10], $0x400  }
0x2ea: {  	[sflag:s10] =	ssyncset.done $0x0  }
0x2eb: {  	[sflag:s10] =	ssyncadd.s32 $0xFFFFFC00  }
0x2ec: {  	_ =	swait.ge [sflag:s11], $0x400  }
0x2ed: {  	[sflag:s11] =	ssyncset.done $0x0  }
0x2ee: {  	[sflag:s11] =	ssyncadd.s32 $0xFFFFFC00  }
0x2ef: {  	v2 =	vld [tilespmem:$0x0];
	_ =	sdelay $0x4  }
0x2f0: {  	v2 =	vshll.u32 v2, $0x7  }
0x2f1: {  	v2 =	vand.u32 $0x380, v2  }
0x2f2: {  	v2 =	vor.u32 v2, v0;
	_ =	sdelay $0x3  }
0x2f3: {  	v4 =	vld [tilespmem:$0x10]  }
0x2f4: {  	v3 =	vld.idx.msk [tilespmem:v2+s8+$0x0], $0xffff;
	_ =	sdelay $0x4  }
0x2f5: {  	[tilespmem:$0x10080] =	vst v3;
	v3 =	vshll.u32 v4, $0x7  }
0x2f6: {  	v2 =	vld.idx.msk [tilespmem:v2+s9+$0x0], $0xffff;
	v3 =	vand.u32 $0x380, v3  }
0x2f7: {  	v3 =	vor.u32 v3, v1;
	_ =	sdelay $0x3  }
0x2f8: {  	[tilespmem:$0x10100] =	vst v2  }
0x2f9: {  	v2 =	vld.idx.msk [tilespmem:v3+s8+$0x0], $0xffff;
	_ =	sdelay $0x4  }
0x2fa: {  	[tilespmem:$0x10090] =	vst v2  }
0x2fb: {  	v2 =	vld.idx.msk [tilespmem:v3+s9+$0x0], $0xffff;
	_ =	sdelay $0x2  }
0x2fc: {  	s29 =	sld [smem:$0x7FC];
	_ =	sdelay $0x1  }
0x2fd: {  	s28 =	rddreg [dreg:$0x6];
	[tilespmem:$0x10110] =	vst v2  }
0x2fe: {  	[hbm4b:s28+s4] =	stream.linear.scatter [tilespmem:s29], [sflag:$0x3], $0x20, $0x38;
	[tilespmem:$0x10180] =	vst v63  }
0x2ff: {  	_ =	swait.ge [sflag:s7], $0x20  }
0x300: {  	s31 =	sld [smem:$0x7FD]  }
0x301: {  	p0 =	sne.s32 s6, $0x1;
	[sflag:s7] =	ssyncset.done $0x0  }
.Ltmp0:
0x302: {  	s30 =	rddreg [dreg:$0x7];
	[sflag:s7] =	ssyncadd.s32 $0xFFFFFFE0;
	(pc) =	sbr.rel @p0 .LBB2_1-.Ltmp0, $4  }
0x303: {  	[hbm4b:s30+s4] =	stream.linear.scatter [tilespmem:s31], [sflag:$0x3], $0x20, $0x38;
	[tilespmem:$0x10180] =	vst v63  }
0x304: {  	_ =	swait.ge [sflag:s7], $0x20  }
0x305: {  	[sflag:s7] =	ssyncset.done $0x0  }
0x306: {  	s6 =	sadd.s32 $0xFFFFFFFF, s6;
	[sflag:s7] =	ssyncadd.s32 $0xFFFFFFE0  }
0x307: {  	_ =	sfence.sel $0x180000  }
0x308: {  	[bflag:$0x0] =	sbarrier.arrive $0xFFFF  }
0x309: {  	p0 =	sne.s32 s0, $0x0;
	_ =	strace $0x90000047  }
0x30a: {  	s0 =	sadd.s32 @!p0 $0x100000, s3;
	[bflag:$0x2] =	sbarrier.arrive $0xFFFF  }
0x30b: {  	[sflag:s0] =	ssyncadd.tile.s32 @!p0 $0x1;
	_ =	shalt  }
.Lfunc_end2:
_tile_overlayer_lowered:
.L_overlay_start_2:
0x30c: {  	(tag) =	ssettag $0x2  }
0x30d: {  	s0 =	rddreg [dreg:$0x0];
	s2 =	stileid.u32  }
0x30e: {  	s1 =	rddreg [dreg:$0x1];
	p0 =	sne.s32 s2, $0x0  }
0x30f: {  	s3 =	rddreg [dreg:$0x2];
	[bflag:$0x3] =	sbarrier.arrive $0xFFFF;
	s2 =	simm.s32 @!p0 $0x1C03  }
0x310: {  	[timem:s3], [sflag:s2] =	dma.local @!p0 [hbm:s0], s1  }
0x311: {  	s0 =	simm.s32 @!p0 $0x3  }
0x312: {  	_ =	swait.ge @!p0 [sflag:s0], s1  }
0x313: {  	s1 =	ssub.s32 @!p0 $0x0, s1;
	[sflag:s0] =	ssyncset.done @!p0 $0x0  }
0x314: {  	[sflag:s0] =	ssyncadd.s32 @!p0 s1  }
0x315: {  	[bflag:$0x3] =	sbarrier.arrive $0xFFFF  }
0x316: {  	_ =	shalt  }

</sc_bundles>
